<compile_context>
chip_gen: v7x
topology: tpu7x:2x2x1
jax: 0.10.2.dev20260603
libtpu: 0.0.44.dev20260713+nightly
codegen_flags: <defaults>
</compile_context>

<pallas_src>
import jax
import jax.numpy as jnp
from jax import lax
from jax.experimental import pallas as pl
from jax.experimental.pallas import tpu as pltpu
from jax.experimental.pallas import tpu_sc as plsc

_B, _L, _D = 16384, 50, 64
_NC, _NS = 2, 16
_NW = _NC * _NS
_SPW = _B // _NW
_C = 8
_ROWS = _C * _L
_NCHUNK = _SPW // _C


def _sc_body(idx_hbm, wts_hbm, table_hbm, out_hbm, idx_v0, idx_v1, wts_v0,
             wts_v1, rows_v0, rows_v1, out_v0, out_v1, sem0, sem1):
    cid = lax.axis_index("c")
    sid = lax.axis_index("s")
    wid = sid * _NC + cid
    base = wid * _SPW

    def start(j, idx_v, wts_v, rows_v, sem):
        b0 = base + j * _C
        pltpu.sync_copy(idx_hbm.at[pl.ds(b0, _C)], idx_v)
        pltpu.sync_copy(wts_hbm.at[pl.ds(b0, _C)], wts_v)
        for s in range(_C):
            pltpu.async_copy(table_hbm.at[idx_v.at[s]],
                             rows_v.at[pl.ds(s * _L, _L)], sem)

    def wait(idx_v, rows_v, sem):
        for s in range(_C):
            pltpu.make_async_copy(table_hbm.at[idx_v.at[s]],
                                  rows_v.at[pl.ds(s * _L, _L)], sem).wait()

    def compute(j, wts_v, rows_v, out_v):
        b0 = base + j * _C

        def sample_body(s, _):
            wv = [wts_v[s, pl.ds(0, 16)], wts_v[s, pl.ds(16, 16)],
                  wts_v[s, pl.ds(32, 16)], wts_v[s, pl.ds(34, 16)]]
            lane = [(l // 16, l % 16) for l in range(48)] + [(3, 14), (3, 15)]
            acc = [jnp.zeros((16,), jnp.float32) for _ in range(4)]
            ws = jnp.zeros((16,), jnp.float32)
            p0 = s * _L
            for l in range(_L):
                v, ln = lane[l]
                wb = jnp.full((16,), wv[v][ln], jnp.float32)
                ws = ws + wb
                p = p0 + l
                acc[0] = acc[0] + rows_v[p, pl.ds(0, 16)] * wb
                acc[1] = acc[1] + rows_v[p, pl.ds(16, 16)] * wb
                acc[2] = acc[2] + rows_v[p, pl.ds(32, 16)] * wb
                acc[3] = acc[3] + rows_v[p, pl.ds(48, 16)] * wb
            inv = 1.0 / ws
            out_v[s, pl.ds(0, 16)] = acc[0] * inv
            out_v[s, pl.ds(16, 16)] = acc[1] * inv
            out_v[s, pl.ds(32, 16)] = acc[2] * inv
            out_v[s, pl.ds(48, 16)] = acc[3] * inv
            return 0

        lax.fori_loop(0, _C, sample_body, 0)
        pltpu.sync_copy(out_v, out_hbm.at[pl.ds(b0, _C)])

    start(0, idx_v0, wts_v0, rows_v0, sem0)

    def pair_body(p, _):
        j0 = 2 * p
        start(j0 + 1, idx_v1, wts_v1, rows_v1, sem1)
        wait(idx_v0, rows_v0, sem0)
        compute(j0, wts_v0, rows_v0, out_v0)
        jn = jnp.minimum(j0 + 2, _NCHUNK - 1)
        start(jn, idx_v0, wts_v0, rows_v0, sem0)
        wait(idx_v1, rows_v1, sem1)
        compute(j0 + 1, wts_v1, rows_v1, out_v1)
        return 0

    lax.fori_loop(0, _NCHUNK // 2, pair_body, 0)
    wait(idx_v0, rows_v0, sem0)


@jax.jit
def _run(idx, wts, table):
    mesh = plsc.VectorSubcoreMesh(core_axis_name="c", subcore_axis_name="s")
    k = pl.kernel(
        _sc_body,
        mesh=mesh,
        compiler_params=pltpu.CompilerParams(use_tc_tiling_on_sc=False),
        out_type=jax.ShapeDtypeStruct((_B, _D), jnp.float32),
        scratch_types=[
            pltpu.VMEM((_C, _L), jnp.int32),
            pltpu.VMEM((_C, _L), jnp.int32),
            pltpu.VMEM((_C, _L), jnp.float32),
            pltpu.VMEM((_C, _L), jnp.float32),
            pltpu.VMEM((_ROWS, _D), jnp.float32),
            pltpu.VMEM((_ROWS, _D), jnp.float32),
            pltpu.VMEM((_C, _D), jnp.float32),
            pltpu.VMEM((_C, _D), jnp.float32),
            pltpu.SemaphoreType.DMA,
            pltpu.SemaphoreType.DMA,
        ],
    )
    return k(idx, wts, table)


def kernel(lookup_tensor, weights_tensor, weight):
    return _run(lookup_tensor, weights_tensor, weight)

# --- scband reference (transcript-rebuilt; emitter-appended) ---
"""Pipeline reference for scband-embedding-dictionary-44899588112452 (READ-ONLY COPY).

The authoritative reference and input builder live on the scoring server;
editing this copy changes nothing except your own understanding.
"""

import jax, jax.numpy as jnp
import numpy as np

B, L, V, D = 16384, 50, 1000000, 64

def setup_inputs(seed: int = 0) -> dict:
    key = jax.random.key(seed)
    k1, k2, k3 = jax.random.split(key, 3)
    lookup_tensor = jax.random.randint(k1, (B, L), 0, V).astype(jnp.int32)
    weights_tensor = jax.random.uniform(k2, (B, L), dtype=jnp.float32)
    # EmbeddingBag weight: (dict_size + 1, embed_dim), xavier_uniform init, row 0 (padding_idx) zeroed
    bound = float(np.sqrt(6.0 / ((V + 1) + D)))
    weight = jax.random.uniform(k3, (V + 1, D), minval=-bound, maxval=bound, dtype=jnp.float32)
    weight = weight.at[0].set(0.0)
    return {"lookup_tensor": lookup_tensor, "weights_tensor": weights_tensor, "weight": weight}

def reference(lookup_tensor, weights_tensor, weight):
    # EmbeddingBag(mode='sum', per_sample_weights=weights_tensor)
    emb = jnp.take(weight, lookup_tensor, axis=0)          # [B, L, D] gather
    output = jnp.sum(emb * weights_tensor[..., None], axis=1)  # weighted sum -> [B, D]
    # mode == 'mean' and weights provided: divide by weight sums
    output = output / jnp.sum(weights_tensor, axis=1).reshape(-1, 1)
    return output

if __name__ == "__main__":
    import jax
    _d = setup_inputs()
    print(jax.jit(kernel)(*tuple(_d.values())))

</pallas_src>

<mosaic_0001>
#map = affine_map<(d0, d1) -> (0, 0)>
module attributes {stable_mosaic.version = 14 : i64} {
  func.func @_sc_body(%arg0: i32, %arg1: i32, %arg2: memref<16384x50xi32, #tpu.memory_space<hbm>>, %arg3: memref<16384x50xf32, #tpu.memory_space<hbm>>, %arg4: memref<1000001x64xf32, #tpu.memory_space<hbm>>, %arg5: memref<16384x64xf32, #tpu.memory_space<hbm>>, %arg6: memref<8x50xi32, #tpu.memory_space<vmem>>, %arg7: memref<8x50xi32, #tpu.memory_space<vmem>>, %arg8: memref<8x50xf32, #tpu.memory_space<vmem>>, %arg9: memref<8x50xf32, #tpu.memory_space<vmem>>, %arg10: memref<400x64xf32, #tpu.memory_space<vmem>>, %arg11: memref<400x64xf32, #tpu.memory_space<vmem>>, %arg12: memref<8x64xf32, #tpu.memory_space<vmem>>, %arg13: memref<8x64xf32, #tpu.memory_space<vmem>>, %arg14: memref<!tpu.dma_semaphore, #tpu.memory_space<semaphore_mem>>, %arg15: memref<!tpu.dma_semaphore, #tpu.memory_space<semaphore_mem>>) attributes {dimension_semantics = [#tpu.dimension_semantics<core_parallel>, #tpu.dimension_semantics<subcore_parallel>], iteration_bounds = array<i64: 2, 16>, scalar_prefetch = 0 : i64, scratch_operands = 10 : i64, tpu.core_type = #tpu.core_type<sc_vector_subcore>, window_params = [{transform_indices = #map}, {transform_indices = #map}, {transform_indices = #map}, {transform_indices = #map}]} {
    %mul3A = arith.constant 2 : i32
    %mul3A_0 = arith.muli %arg1, %mul3A : i32
    %add3A = arith.addi %mul3A_0, %arg0 : i32
    %mul3A_1 = arith.constant 512 : i32
    %mul3A_2 = arith.muli %add3A, %mul3A_1 : i32
    %add3A_3 = arith.constant 0 : i32
    %add3A_4 = arith.addi %mul3A_2, %add3A_3 : i32
    "tpu.region"() ({
      %run_scoped3A = tpu.sem_alloc : memref<!tpu.dma_semaphore, #tpu.memory_space<semaphore_mem>>
      %dma_start3A_169 = arith.constant 0 : i32
      %dma_start3A_170 = tpu.memref_slice %arg2[%add3A_4, %dma_start3A_169] : memref<16384x50xi32, #tpu.memory_space<hbm>> -> memref<8x50xi32, #tpu.memory_space<hbm>>
      %dma_start3A_171 = arith.constant 0 : i32
      %dma_start3A_172 = tpu.memref_slice %arg2[%add3A_4, %dma_start3A_171] : memref<16384x50xi32, #tpu.memory_space<hbm>> -> memref<8x50xi32, #tpu.memory_space<hbm>>
      tpu.enqueue_dma source(%dma_start3A_172 : memref<8x50xi32, #tpu.memory_space<hbm>>) target(%arg6 : memref<8x50xi32, #tpu.memory_space<vmem>>) target_semaphore(%run_scoped3A : memref<!tpu.dma_semaphore, #tpu.memory_space<semaphore_mem>>)
      %dma_wait3A_173 = arith.constant 0 : i32
      %dma_wait3A_174 = tpu.memref_slice %arg2[%add3A_4, %dma_wait3A_173] : memref<16384x50xi32, #tpu.memory_space<hbm>> -> memref<8x50xi32, #tpu.memory_space<hbm>>
      %dma_wait3A_175 = arith.constant 0 : i32
      %dma_wait3A_176 = tpu.memref_slice %arg2[%add3A_4, %dma_wait3A_175] : memref<16384x50xi32, #tpu.memory_space<hbm>> -> memref<8x50xi32, #tpu.memory_space<hbm>>
      tpu.wait_dma2 semaphore(%run_scoped3A : memref<!tpu.dma_semaphore, #tpu.memory_space<semaphore_mem>>) src(%dma_wait3A_176 : memref<8x50xi32, #tpu.memory_space<hbm>>) dst(%arg6 : memref<8x50xi32, #tpu.memory_space<vmem>>)
      tpu.yield
    }) : () -> ()
    "tpu.region"() ({
      %run_scoped3A = tpu.sem_alloc : memref<!tpu.dma_semaphore, #tpu.memory_space<semaphore_mem>>
      %dma_start3A_169 = arith.constant 0 : i32
      %dma_start3A_170 = tpu.memref_slice %arg3[%add3A_4, %dma_start3A_169] : memref<16384x50xf32, #tpu.memory_space<hbm>> -> memref<8x50xf32, #tpu.memory_space<hbm>>
      %dma_start3A_171 = arith.constant 0 : i32
      %dma_start3A_172 = tpu.memref_slice %arg3[%add3A_4, %dma_start3A_171] : memref<16384x50xf32, #tpu.memory_space<hbm>> -> memref<8x50xf32, #tpu.memory_space<hbm>>
      tpu.enqueue_dma source(%dma_start3A_172 : memref<8x50xf32, #tpu.memory_space<hbm>>) target(%arg8 : memref<8x50xf32, #tpu.memory_space<vmem>>) target_semaphore(%run_scoped3A : memref<!tpu.dma_semaphore, #tpu.memory_space<semaphore_mem>>)
      %dma_wait3A_173 = arith.constant 0 : i32
      %dma_wait3A_174 = tpu.memref_slice %arg3[%add3A_4, %dma_wait3A_173] : memref<16384x50xf32, #tpu.memory_space<hbm>> -> memref<8x50xf32, #tpu.memory_space<hbm>>
      %dma_wait3A_175 = arith.constant 0 : i32
      %dma_wait3A_176 = tpu.memref_slice %arg3[%add3A_4, %dma_wait3A_175] : memref<16384x50xf32, #tpu.memory_space<hbm>> -> memref<8x50xf32, #tpu.memory_space<hbm>>
      tpu.wait_dma2 semaphore(%run_scoped3A : memref<!tpu.dma_semaphore, #tpu.memory_space<semaphore_mem>>) src(%dma_wait3A_176 : memref<8x50xf32, #tpu.memory_space<hbm>>) dst(%arg8 : memref<8x50xf32, #tpu.memory_space<vmem>>)
      tpu.yield
    }) : () -> ()
    %dma_start3A = arith.constant 0 : i32
    %dma_start3A_5 = arith.constant 0 : i32
    %dma_start3A_6 = arith.constant 0 : i32
    %dma_start3A_7 = tpu.memref_slice %arg10[%dma_start3A_5, %dma_start3A_6] : memref<400x64xf32, #tpu.memory_space<vmem>> -> memref<50x64xf32, #tpu.memory_space<vmem>>
    %dma_start3A_8 = arith.constant 0 : i32
    %dma_start3A_9 = tpu.memref_slice %arg6[%dma_start3A, %dma_start3A_8] : memref<8x50xi32, #tpu.memory_space<vmem>> -> memref<1x50xi32, #tpu.memory_space<vmem>>
    %dma_start3A_10 = tpu.memref_squeeze %dma_start3A_9 : memref<1x50xi32, #tpu.memory_space<vmem>> -> memref<50xi32, #tpu.memory_space<vmem>>
    %dma_start3A_11 = arith.constant 0 : i32
    %dma_start3A_12 = arith.constant 0 : i32
    %dma_start3A_13 = tpu.memref_slice %arg4[%dma_start3A_11, %dma_start3A_12] : memref<1000001x64xf32, #tpu.memory_space<hbm>> -> memref<1000001x64xf32, #tpu.memory_space<hbm>>
    tpu.enqueue_indirect_dma source(%dma_start3A_13 : memref<1000001x64xf32, #tpu.memory_space<hbm>>) target(%dma_start3A_7 : memref<50x64xf32, #tpu.memory_space<vmem>>) offsets(%dma_start3A_10 : memref<50xi32, #tpu.memory_space<vmem>>) semaphore(%arg14 : memref<!tpu.dma_semaphore, #tpu.memory_space<semaphore_mem>>)
    %dma_start3A_14 = arith.constant 1 : i32
    %dma_start3A_15 = arith.constant 50 : i32
    %dma_start3A_16 = arith.constant 0 : i32
    %dma_start3A_17 = tpu.memref_slice %arg10[%dma_start3A_15, %dma_start3A_16] : memref<400x64xf32, #tpu.memory_space<vmem>> -> memref<50x64xf32, #tpu.memory_space<vmem>>
    %dma_start3A_18 = arith.constant 0 : i32
    %dma_start3A_19 = tpu.memref_slice %arg6[%dma_start3A_14, %dma_start3A_18] : memref<8x50xi32, #tpu.memory_space<vmem>> -> memref<1x50xi32, #tpu.memory_space<vmem>>
    %dma_start3A_20 = tpu.memref_squeeze %dma_start3A_19 : memref<1x50xi32, #tpu.memory_space<vmem>> -> memref<50xi32, #tpu.memory_space<vmem>>
    %dma_start3A_21 = arith.constant 0 : i32
    %dma_start3A_22 = arith.constant 0 : i32
    %dma_start3A_23 = tpu.memref_slice %arg4[%dma_start3A_21, %dma_start3A_22] : memref<1000001x64xf32, #tpu.memory_space<hbm>> -> memref<1000001x64xf32, #tpu.memory_space<hbm>>
    tpu.enqueue_indirect_dma source(%dma_start3A_23 : memref<1000001x64xf32, #tpu.memory_space<hbm>>) target(%dma_start3A_17 : memref<50x64xf32, #tpu.memory_space<vmem>>) offsets(%dma_start3A_20 : memref<50xi32, #tpu.memory_space<vmem>>) semaphore(%arg14 : memref<!tpu.dma_semaphore, #tpu.memory_space<semaphore_mem>>)
    %dma_start3A_24 = arith.constant 2 : i32
    %dma_start3A_25 = arith.constant 100 : i32
    %dma_start3A_26 = arith.constant 0 : i32
    %dma_start3A_27 = tpu.memref_slice %arg10[%dma_start3A_25, %dma_start3A_26] : memref<400x64xf32, #tpu.memory_space<vmem>> -> memref<50x64xf32, #tpu.memory_space<vmem>>
    %dma_start3A_28 = arith.constant 0 : i32
    %dma_start3A_29 = tpu.memref_slice %arg6[%dma_start3A_24, %dma_start3A_28] : memref<8x50xi32, #tpu.memory_space<vmem>> -> memref<1x50xi32, #tpu.memory_space<vmem>>
    %dma_start3A_30 = tpu.memref_squeeze %dma_start3A_29 : memref<1x50xi32, #tpu.memory_space<vmem>> -> memref<50xi32, #tpu.memory_space<vmem>>
    %dma_start3A_31 = arith.constant 0 : i32
    %dma_start3A_32 = arith.constant 0 : i32
    %dma_start3A_33 = tpu.memref_slice %arg4[%dma_start3A_31, %dma_start3A_32] : memref<1000001x64xf32, #tpu.memory_space<hbm>> -> memref<1000001x64xf32, #tpu.memory_space<hbm>>
    tpu.enqueue_indirect_dma source(%dma_start3A_33 : memref<1000001x64xf32, #tpu.memory_space<hbm>>) target(%dma_start3A_27 : memref<50x64xf32, #tpu.memory_space<vmem>>) offsets(%dma_start3A_30 : memref<50xi32, #tpu.memory_space<vmem>>) semaphore(%arg14 : memref<!tpu.dma_semaphore, #tpu.memory_space<semaphore_mem>>)
    %dma_start3A_34 = arith.constant 3 : i32
    %dma_start3A_35 = arith.constant 150 : i32
    %dma_start3A_36 = arith.constant 0 : i32
    %dma_start3A_37 = tpu.memref_slice %arg10[%dma_start3A_35, %dma_start3A_36] : memref<400x64xf32, #tpu.memory_space<vmem>> -> memref<50x64xf32, #tpu.memory_space<vmem>>
    %dma_start3A_38 = arith.constant 0 : i32
    %dma_start3A_39 = tpu.memref_slice %arg6[%dma_start3A_34, %dma_start3A_38] : memref<8x50xi32, #tpu.memory_space<vmem>> -> memref<1x50xi32, #tpu.memory_space<vmem>>
    %dma_start3A_40 = tpu.memref_squeeze %dma_start3A_39 : memref<1x50xi32, #tpu.memory_space<vmem>> -> memref<50xi32, #tpu.memory_space<vmem>>
    %dma_start3A_41 = arith.constant 0 : i32
    %dma_start3A_42 = arith.constant 0 : i32
    %dma_start3A_43 = tpu.memref_slice %arg4[%dma_start3A_41, %dma_start3A_42] : memref<1000001x64xf32, #tpu.memory_space<hbm>> -> memref<1000001x64xf32, #tpu.memory_space<hbm>>
    tpu.enqueue_indirect_dma source(%dma_start3A_43 : memref<1000001x64xf32, #tpu.memory_space<hbm>>) target(%dma_start3A_37 : memref<50x64xf32, #tpu.memory_space<vmem>>) offsets(%dma_start3A_40 : memref<50xi32, #tpu.memory_space<vmem>>) semaphore(%arg14 : memref<!tpu.dma_semaphore, #tpu.memory_space<semaphore_mem>>)
    %dma_start3A_44 = arith.constant 4 : i32
    %dma_start3A_45 = arith.constant 200 : i32
    %dma_start3A_46 = arith.constant 0 : i32
    %dma_start3A_47 = tpu.memref_slice %arg10[%dma_start3A_45, %dma_start3A_46] : memref<400x64xf32, #tpu.memory_space<vmem>> -> memref<50x64xf32, #tpu.memory_space<vmem>>
    %dma_start3A_48 = arith.constant 0 : i32
    %dma_start3A_49 = tpu.memref_slice %arg6[%dma_start3A_44, %dma_start3A_48] : memref<8x50xi32, #tpu.memory_space<vmem>> -> memref<1x50xi32, #tpu.memory_space<vmem>>
    %dma_start3A_50 = tpu.memref_squeeze %dma_start3A_49 : memref<1x50xi32, #tpu.memory_space<vmem>> -> memref<50xi32, #tpu.memory_space<vmem>>
    %dma_start3A_51 = arith.constant 0 : i32
    %dma_start3A_52 = arith.constant 0 : i32
    %dma_start3A_53 = tpu.memref_slice %arg4[%dma_start3A_51, %dma_start3A_52] : memref<1000001x64xf32, #tpu.memory_space<hbm>> -> memref<1000001x64xf32, #tpu.memory_space<hbm>>
    tpu.enqueue_indirect_dma source(%dma_start3A_53 : memref<1000001x64xf32, #tpu.memory_space<hbm>>) target(%dma_start3A_47 : memref<50x64xf32, #tpu.memory_space<vmem>>) offsets(%dma_start3A_50 : memref<50xi32, #tpu.memory_space<vmem>>) semaphore(%arg14 : memref<!tpu.dma_semaphore, #tpu.memory_space<semaphore_mem>>)
    %dma_start3A_54 = arith.constant 5 : i32
    %dma_start3A_55 = arith.constant 250 : i32
    %dma_start3A_56 = arith.constant 0 : i32
    %dma_start3A_57 = tpu.memref_slice %arg10[%dma_start3A_55, %dma_start3A_56] : memref<400x64xf32, #tpu.memory_space<vmem>> -> memref<50x64xf32, #tpu.memory_space<vmem>>
    %dma_start3A_58 = arith.constant 0 : i32
    %dma_start3A_59 = tpu.memref_slice %arg6[%dma_start3A_54, %dma_start3A_58] : memref<8x50xi32, #tpu.memory_space<vmem>> -> memref<1x50xi32, #tpu.memory_space<vmem>>
    %dma_start3A_60 = tpu.memref_squeeze %dma_start3A_59 : memref<1x50xi32, #tpu.memory_space<vmem>> -> memref<50xi32, #tpu.memory_space<vmem>>
    %dma_start3A_61 = arith.constant 0 : i32
    %dma_start3A_62 = arith.constant 0 : i32
    %dma_start3A_63 = tpu.memref_slice %arg4[%dma_start3A_61, %dma_start3A_62] : memref<1000001x64xf32, #tpu.memory_space<hbm>> -> memref<1000001x64xf32, #tpu.memory_space<hbm>>
    tpu.enqueue_indirect_dma source(%dma_start3A_63 : memref<1000001x64xf32, #tpu.memory_space<hbm>>) target(%dma_start3A_57 : memref<50x64xf32, #tpu.memory_space<vmem>>) offsets(%dma_start3A_60 : memref<50xi32, #tpu.memory_space<vmem>>) semaphore(%arg14 : memref<!tpu.dma_semaphore, #tpu.memory_space<semaphore_mem>>)
    %dma_start3A_64 = arith.constant 6 : i32
    %dma_start3A_65 = arith.constant 300 : i32
    %dma_start3A_66 = arith.constant 0 : i32
    %dma_start3A_67 = tpu.memref_slice %arg10[%dma_start3A_65, %dma_start3A_66] : memref<400x64xf32, #tpu.memory_space<vmem>> -> memref<50x64xf32, #tpu.memory_space<vmem>>
    %dma_start3A_68 = arith.constant 0 : i32
    %dma_start3A_69 = tpu.memref_slice %arg6[%dma_start3A_64, %dma_start3A_68] : memref<8x50xi32, #tpu.memory_space<vmem>> -> memref<1x50xi32, #tpu.memory_space<vmem>>
    %dma_start3A_70 = tpu.memref_squeeze %dma_start3A_69 : memref<1x50xi32, #tpu.memory_space<vmem>> -> memref<50xi32, #tpu.memory_space<vmem>>
    %dma_start3A_71 = arith.constant 0 : i32
    %dma_start3A_72 = arith.constant 0 : i32
    %dma_start3A_73 = tpu.memref_slice %arg4[%dma_start3A_71, %dma_start3A_72] : memref<1000001x64xf32, #tpu.memory_space<hbm>> -> memref<1000001x64xf32, #tpu.memory_space<hbm>>
    tpu.enqueue_indirect_dma source(%dma_start3A_73 : memref<1000001x64xf32, #tpu.memory_space<hbm>>) target(%dma_start3A_67 : memref<50x64xf32, #tpu.memory_space<vmem>>) offsets(%dma_start3A_70 : memref<50xi32, #tpu.memory_space<vmem>>) semaphore(%arg14 : memref<!tpu.dma_semaphore, #tpu.memory_space<semaphore_mem>>)
    %dma_start3A_74 = arith.constant 7 : i32
    %dma_start3A_75 = arith.constant 350 : i32
    %dma_start3A_76 = arith.constant 0 : i32
    %dma_start3A_77 = tpu.memref_slice %arg10[%dma_start3A_75, %dma_start3A_76] : memref<400x64xf32, #tpu.memory_space<vmem>> -> memref<50x64xf32, #tpu.memory_space<vmem>>
    %dma_start3A_78 = arith.constant 0 : i32
    %dma_start3A_79 = tpu.memref_slice %arg6[%dma_start3A_74, %dma_start3A_78] : memref<8x50xi32, #tpu.memory_space<vmem>> -> memref<1x50xi32, #tpu.memory_space<vmem>>
    %dma_start3A_80 = tpu.memref_squeeze %dma_start3A_79 : memref<1x50xi32, #tpu.memory_space<vmem>> -> memref<50xi32, #tpu.memory_space<vmem>>
    %dma_start3A_81 = arith.constant 0 : i32
    %dma_start3A_82 = arith.constant 0 : i32
    %dma_start3A_83 = tpu.memref_slice %arg4[%dma_start3A_81, %dma_start3A_82] : memref<1000001x64xf32, #tpu.memory_space<hbm>> -> memref<1000001x64xf32, #tpu.memory_space<hbm>>
    tpu.enqueue_indirect_dma source(%dma_start3A_83 : memref<1000001x64xf32, #tpu.memory_space<hbm>>) target(%dma_start3A_77 : memref<50x64xf32, #tpu.memory_space<vmem>>) offsets(%dma_start3A_80 : memref<50xi32, #tpu.memory_space<vmem>>) semaphore(%arg14 : memref<!tpu.dma_semaphore, #tpu.memory_space<semaphore_mem>>)
    %scan3A = arith.constant 0 : i32
    %scan3A_84 = arith.constant 0 : i32
    %scan3A_85 = arith.constant 32 : i32
    %scan3A_86 = arith.addi %scan3A_84, %scan3A_85 : i32
    %scan3A_87 = arith.constant 1 : i32
    %scan3A_88 = scf.for %scan3A_169 = %scan3A_84 to %scan3A_86 step %scan3A_87 iter_args(%scan3A_170 = %scan3A) -> (i32)  : i32 {
      %mul3A_171 = arith.constant 2 : i32
      %mul3A_172 = arith.muli %mul3A_171, %scan3A_169 : i32
      %add3A_173 = arith.constant 1 : i32
      %add3A_174 = arith.addi %mul3A_172, %add3A_173 : i32
      %mul3A_175 = arith.constant 8 : i32
      %mul3A_176 = arith.muli %add3A_174, %mul3A_175 : i32
      %add3A_177 = arith.addi %mul3A_2, %mul3A_176 : i32
      "tpu.region"() ({
        %run_scoped3A = tpu.sem_alloc : memref<!tpu.dma_semaphore, #tpu.memory_space<semaphore_mem>>
        %dma_start3A_527 = arith.constant 0 : i32
        %dma_start3A_528 = tpu.memref_slice %arg2[%add3A_177, %dma_start3A_527] : memref<16384x50xi32, #tpu.memory_space<hbm>> -> memref<8x50xi32, #tpu.memory_space<hbm>>
        %dma_start3A_529 = arith.constant 0 : i32
        %dma_start3A_530 = tpu.memref_slice %arg2[%add3A_177, %dma_start3A_529] : memref<16384x50xi32, #tpu.memory_space<hbm>> -> memref<8x50xi32, #tpu.memory_space<hbm>>
        tpu.enqueue_dma source(%dma_start3A_530 : memref<8x50xi32, #tpu.memory_space<hbm>>) target(%arg7 : memref<8x50xi32, #tpu.memory_space<vmem>>) target_semaphore(%run_scoped3A : memref<!tpu.dma_semaphore, #tpu.memory_space<semaphore_mem>>)
        %dma_wait3A_531 = arith.constant 0 : i32
        %dma_wait3A_532 = tpu.memref_slice %arg2[%add3A_177, %dma_wait3A_531] : memref<16384x50xi32, #tpu.memory_space<hbm>> -> memref<8x50xi32, #tpu.memory_space<hbm>>
        %dma_wait3A_533 = arith.constant 0 : i32
        %dma_wait3A_534 = tpu.memref_slice %arg2[%add3A_177, %dma_wait3A_533] : memref<16384x50xi32, #tpu.memory_space<hbm>> -> memref<8x50xi32, #tpu.memory_space<hbm>>
        tpu.wait_dma2 semaphore(%run_scoped3A : memref<!tpu.dma_semaphore, #tpu.memory_space<semaphore_mem>>) src(%dma_wait3A_534 : memref<8x50xi32, #tpu.memory_space<hbm>>) dst(%arg7 : memref<8x50xi32, #tpu.memory_space<vmem>>)
        tpu.yield
      }) : () -> ()
      "tpu.region"() ({
        %run_scoped3A = tpu.sem_alloc : memref<!tpu.dma_semaphore, #tpu.memory_space<semaphore_mem>>
        %dma_start3A_527 = arith.constant 0 : i32
        %dma_start3A_528 = tpu.memref_slice %arg3[%add3A_177, %dma_start3A_527] : memref<16384x50xf32, #tpu.memory_space<hbm>> -> memref<8x50xf32, #tpu.memory_space<hbm>>
        %dma_start3A_529 = arith.constant 0 : i32
        %dma_start3A_530 = tpu.memref_slice %arg3[%add3A_177, %dma_start3A_529] : memref<16384x50xf32, #tpu.memory_space<hbm>> -> memref<8x50xf32, #tpu.memory_space<hbm>>
        tpu.enqueue_dma source(%dma_start3A_530 : memref<8x50xf32, #tpu.memory_space<hbm>>) target(%arg9 : memref<8x50xf32, #tpu.memory_space<vmem>>) target_semaphore(%run_scoped3A : memref<!tpu.dma_semaphore, #tpu.memory_space<semaphore_mem>>)
        %dma_wait3A_531 = arith.constant 0 : i32
        %dma_wait3A_532 = tpu.memref_slice %arg3[%add3A_177, %dma_wait3A_531] : memref<16384x50xf32, #tpu.memory_space<hbm>> -> memref<8x50xf32, #tpu.memory_space<hbm>>
        %dma_wait3A_533 = arith.constant 0 : i32
        %dma_wait3A_534 = tpu.memref_slice %arg3[%add3A_177, %dma_wait3A_533] : memref<16384x50xf32, #tpu.memory_space<hbm>> -> memref<8x50xf32, #tpu.memory_space<hbm>>
        tpu.wait_dma2 semaphore(%run_scoped3A : memref<!tpu.dma_semaphore, #tpu.memory_space<semaphore_mem>>) src(%dma_wait3A_534 : memref<8x50xf32, #tpu.memory_space<hbm>>) dst(%arg9 : memref<8x50xf32, #tpu.memory_space<vmem>>)
        tpu.yield
      }) : () -> ()
      %dma_start3A_178 = arith.constant 0 : i32
      %dma_start3A_179 = arith.constant 0 : i32
      %dma_start3A_180 = arith.constant 0 : i32
      %dma_start3A_181 = tpu.memref_slice %arg11[%dma_start3A_179, %dma_start3A_180] : memref<400x64xf32, #tpu.memory_space<vmem>> -> memref<50x64xf32, #tpu.memory_space<vmem>>
      %dma_start3A_182 = arith.constant 0 : i32
      %dma_start3A_183 = tpu.memref_slice %arg7[%dma_start3A_178, %dma_start3A_182] : memref<8x50xi32, #tpu.memory_space<vmem>> -> memref<1x50xi32, #tpu.memory_space<vmem>>
      %dma_start3A_184 = tpu.memref_squeeze %dma_start3A_183 : memref<1x50xi32, #tpu.memory_space<vmem>> -> memref<50xi32, #tpu.memory_space<vmem>>
      %dma_start3A_185 = arith.constant 0 : i32
      %dma_start3A_186 = arith.constant 0 : i32
      %dma_start3A_187 = tpu.memref_slice %arg4[%dma_start3A_185, %dma_start3A_186] : memref<1000001x64xf32, #tpu.memory_space<hbm>> -> memref<1000001x64xf32, #tpu.memory_space<hbm>>
      tpu.enqueue_indirect_dma source(%dma_start3A_187 : memref<1000001x64xf32, #tpu.memory_space<hbm>>) target(%dma_start3A_181 : memref<50x64xf32, #tpu.memory_space<vmem>>) offsets(%dma_start3A_184 : memref<50xi32, #tpu.memory_space<vmem>>) semaphore(%arg15 : memref<!tpu.dma_semaphore, #tpu.memory_space<semaphore_mem>>)
      %dma_start3A_188 = arith.constant 1 : i32
      %dma_start3A_189 = arith.constant 50 : i32
      %dma_start3A_190 = arith.constant 0 : i32
      %dma_start3A_191 = tpu.memref_slice %arg11[%dma_start3A_189, %dma_start3A_190] : memref<400x64xf32, #tpu.memory_space<vmem>> -> memref<50x64xf32, #tpu.memory_space<vmem>>
      %dma_start3A_192 = arith.constant 0 : i32
      %dma_start3A_193 = tpu.memref_slice %arg7[%dma_start3A_188, %dma_start3A_192] : memref<8x50xi32, #tpu.memory_space<vmem>> -> memref<1x50xi32, #tpu.memory_space<vmem>>
      %dma_start3A_194 = tpu.memref_squeeze %dma_start3A_193 : memref<1x50xi32, #tpu.memory_space<vmem>> -> memref<50xi32, #tpu.memory_space<vmem>>
      %dma_start3A_195 = arith.constant 0 : i32
      %dma_start3A_196 = arith.constant 0 : i32
      %dma_start3A_197 = tpu.memref_slice %arg4[%dma_start3A_195, %dma_start3A_196] : memref<1000001x64xf32, #tpu.memory_space<hbm>> -> memref<1000001x64xf32, #tpu.memory_space<hbm>>
      tpu.enqueue_indirect_dma source(%dma_start3A_197 : memref<1000001x64xf32, #tpu.memory_space<hbm>>) target(%dma_start3A_191 : memref<50x64xf32, #tpu.memory_space<vmem>>) offsets(%dma_start3A_194 : memref<50xi32, #tpu.memory_space<vmem>>) semaphore(%arg15 : memref<!tpu.dma_semaphore, #tpu.memory_space<semaphore_mem>>)
      %dma_start3A_198 = arith.constant 2 : i32
      %dma_start3A_199 = arith.constant 100 : i32
      %dma_start3A_200 = arith.constant 0 : i32
      %dma_start3A_201 = tpu.memref_slice %arg11[%dma_start3A_199, %dma_start3A_200] : memref<400x64xf32, #tpu.memory_space<vmem>> -> memref<50x64xf32, #tpu.memory_space<vmem>>
      %dma_start3A_202 = arith.constant 0 : i32
      %dma_start3A_203 = tpu.memref_slice %arg7[%dma_start3A_198, %dma_start3A_202] : memref<8x50xi32, #tpu.memory_space<vmem>> -> memref<1x50xi32, #tpu.memory_space<vmem>>
      %dma_start3A_204 = tpu.memref_squeeze %dma_start3A_203 : memref<1x50xi32, #tpu.memory_space<vmem>> -> memref<50xi32, #tpu.memory_space<vmem>>
      %dma_start3A_205 = arith.constant 0 : i32
      %dma_start3A_206 = arith.constant 0 : i32
      %dma_start3A_207 = tpu.memref_slice %arg4[%dma_start3A_205, %dma_start3A_206] : memref<1000001x64xf32, #tpu.memory_space<hbm>> -> memref<1000001x64xf32, #tpu.memory_space<hbm>>
      tpu.enqueue_indirect_dma source(%dma_start3A_207 : memref<1000001x64xf32, #tpu.memory_space<hbm>>) target(%dma_start3A_201 : memref<50x64xf32, #tpu.memory_space<vmem>>) offsets(%dma_start3A_204 : memref<50xi32, #tpu.memory_space<vmem>>) semaphore(%arg15 : memref<!tpu.dma_semaphore, #tpu.memory_space<semaphore_mem>>)
      %dma_start3A_208 = arith.constant 3 : i32
      %dma_start3A_209 = arith.constant 150 : i32
      %dma_start3A_210 = arith.constant 0 : i32
      %dma_start3A_211 = tpu.memref_slice %arg11[%dma_start3A_209, %dma_start3A_210] : memref<400x64xf32, #tpu.memory_space<vmem>> -> memref<50x64xf32, #tpu.memory_space<vmem>>
      %dma_start3A_212 = arith.constant 0 : i32
      %dma_start3A_213 = tpu.memref_slice %arg7[%dma_start3A_208, %dma_start3A_212] : memref<8x50xi32, #tpu.memory_space<vmem>> -> memref<1x50xi32, #tpu.memory_space<vmem>>
      %dma_start3A_214 = tpu.memref_squeeze %dma_start3A_213 : memref<1x50xi32, #tpu.memory_space<vmem>> -> memref<50xi32, #tpu.memory_space<vmem>>
      %dma_start3A_215 = arith.constant 0 : i32
      %dma_start3A_216 = arith.constant 0 : i32
      %dma_start3A_217 = tpu.memref_slice %arg4[%dma_start3A_215, %dma_start3A_216] : memref<1000001x64xf32, #tpu.memory_space<hbm>> -> memref<1000001x64xf32, #tpu.memory_space<hbm>>
      tpu.enqueue_indirect_dma source(%dma_start3A_217 : memref<1000001x64xf32, #tpu.memory_space<hbm>>) target(%dma_start3A_211 : memref<50x64xf32, #tpu.memory_space<vmem>>) offsets(%dma_start3A_214 : memref<50xi32, #tpu.memory_space<vmem>>) semaphore(%arg15 : memref<!tpu.dma_semaphore, #tpu.memory_space<semaphore_mem>>)
      %dma_start3A_218 = arith.constant 4 : i32
      %dma_start3A_219 = arith.constant 200 : i32
      %dma_start3A_220 = arith.constant 0 : i32
      %dma_start3A_221 = tpu.memref_slice %arg11[%dma_start3A_219, %dma_start3A_220] : memref<400x64xf32, #tpu.memory_space<vmem>> -> memref<50x64xf32, #tpu.memory_space<vmem>>
      %dma_start3A_222 = arith.constant 0 : i32
      %dma_start3A_223 = tpu.memref_slice %arg7[%dma_start3A_218, %dma_start3A_222] : memref<8x50xi32, #tpu.memory_space<vmem>> -> memref<1x50xi32, #tpu.memory_space<vmem>>
      %dma_start3A_224 = tpu.memref_squeeze %dma_start3A_223 : memref<1x50xi32, #tpu.memory_space<vmem>> -> memref<50xi32, #tpu.memory_space<vmem>>
      %dma_start3A_225 = arith.constant 0 : i32
      %dma_start3A_226 = arith.constant 0 : i32
      %dma_start3A_227 = tpu.memref_slice %arg4[%dma_start3A_225, %dma_start3A_226] : memref<1000001x64xf32, #tpu.memory_space<hbm>> -> memref<1000001x64xf32, #tpu.memory_space<hbm>>
      tpu.enqueue_indirect_dma source(%dma_start3A_227 : memref<1000001x64xf32, #tpu.memory_space<hbm>>) target(%dma_start3A_221 : memref<50x64xf32, #tpu.memory_space<vmem>>) offsets(%dma_start3A_224 : memref<50xi32, #tpu.memory_space<vmem>>) semaphore(%arg15 : memref<!tpu.dma_semaphore, #tpu.memory_space<semaphore_mem>>)
      %dma_start3A_228 = arith.constant 5 : i32
      %dma_start3A_229 = arith.constant 250 : i32
      %dma_start3A_230 = arith.constant 0 : i32
      %dma_start3A_231 = tpu.memref_slice %arg11[%dma_start3A_229, %dma_start3A_230] : memref<400x64xf32, #tpu.memory_space<vmem>> -> memref<50x64xf32, #tpu.memory_space<vmem>>
      %dma_start3A_232 = arith.constant 0 : i32
      %dma_start3A_233 = tpu.memref_slice %arg7[%dma_start3A_228, %dma_start3A_232] : memref<8x50xi32, #tpu.memory_space<vmem>> -> memref<1x50xi32, #tpu.memory_space<vmem>>
      %dma_start3A_234 = tpu.memref_squeeze %dma_start3A_233 : memref<1x50xi32, #tpu.memory_space<vmem>> -> memref<50xi32, #tpu.memory_space<vmem>>
      %dma_start3A_235 = arith.constant 0 : i32
      %dma_start3A_236 = arith.constant 0 : i32
      %dma_start3A_237 = tpu.memref_slice %arg4[%dma_start3A_235, %dma_start3A_236] : memref<1000001x64xf32, #tpu.memory_space<hbm>> -> memref<1000001x64xf32, #tpu.memory_space<hbm>>
      tpu.enqueue_indirect_dma source(%dma_start3A_237 : memref<1000001x64xf32, #tpu.memory_space<hbm>>) target(%dma_start3A_231 : memref<50x64xf32, #tpu.memory_space<vmem>>) offsets(%dma_start3A_234 : memref<50xi32, #tpu.memory_space<vmem>>) semaphore(%arg15 : memref<!tpu.dma_semaphore, #tpu.memory_space<semaphore_mem>>)
      %dma_start3A_238 = arith.constant 6 : i32
      %dma_start3A_239 = arith.constant 300 : i32
      %dma_start3A_240 = arith.constant 0 : i32
      %dma_start3A_241 = tpu.memref_slice %arg11[%dma_start3A_239, %dma_start3A_240] : memref<400x64xf32, #tpu.memory_space<vmem>> -> memref<50x64xf32, #tpu.memory_space<vmem>>
      %dma_start3A_242 = arith.constant 0 : i32
      %dma_start3A_243 = tpu.memref_slice %arg7[%dma_start3A_238, %dma_start3A_242] : memref<8x50xi32, #tpu.memory_space<vmem>> -> memref<1x50xi32, #tpu.memory_space<vmem>>
      %dma_start3A_244 = tpu.memref_squeeze %dma_start3A_243 : memref<1x50xi32, #tpu.memory_space<vmem>> -> memref<50xi32, #tpu.memory_space<vmem>>
      %dma_start3A_245 = arith.constant 0 : i32
      %dma_start3A_246 = arith.constant 0 : i32
      %dma_start3A_247 = tpu.memref_slice %arg4[%dma_start3A_245, %dma_start3A_246] : memref<1000001x64xf32, #tpu.memory_space<hbm>> -> memref<1000001x64xf32, #tpu.memory_space<hbm>>
      tpu.enqueue_indirect_dma source(%dma_start3A_247 : memref<1000001x64xf32, #tpu.memory_space<hbm>>) target(%dma_start3A_241 : memref<50x64xf32, #tpu.memory_space<vmem>>) offsets(%dma_start3A_244 : memref<50xi32, #tpu.memory_space<vmem>>) semaphore(%arg15 : memref<!tpu.dma_semaphore, #tpu.memory_space<semaphore_mem>>)
      %dma_start3A_248 = arith.constant 7 : i32
      %dma_start3A_249 = arith.constant 350 : i32
      %dma_start3A_250 = arith.constant 0 : i32
      %dma_start3A_251 = tpu.memref_slice %arg11[%dma_start3A_249, %dma_start3A_250] : memref<400x64xf32, #tpu.memory_space<vmem>> -> memref<50x64xf32, #tpu.memory_space<vmem>>
      %dma_start3A_252 = arith.constant 0 : i32
      %dma_start3A_253 = tpu.memref_slice %arg7[%dma_start3A_248, %dma_start3A_252] : memref<8x50xi32, #tpu.memory_space<vmem>> -> memref<1x50xi32, #tpu.memory_space<vmem>>
      %dma_start3A_254 = tpu.memref_squeeze %dma_start3A_253 : memref<1x50xi32, #tpu.memory_space<vmem>> -> memref<50xi32, #tpu.memory_space<vmem>>
      %dma_start3A_255 = arith.constant 0 : i32
      %dma_start3A_256 = arith.constant 0 : i32
      %dma_start3A_257 = tpu.memref_slice %arg4[%dma_start3A_255, %dma_start3A_256] : memref<1000001x64xf32, #tpu.memory_space<hbm>> -> memref<1000001x64xf32, #tpu.memory_space<hbm>>
      tpu.enqueue_indirect_dma source(%dma_start3A_257 : memref<1000001x64xf32, #tpu.memory_space<hbm>>) target(%dma_start3A_251 : memref<50x64xf32, #tpu.memory_space<vmem>>) offsets(%dma_start3A_254 : memref<50xi32, #tpu.memory_space<vmem>>) semaphore(%arg15 : memref<!tpu.dma_semaphore, #tpu.memory_space<semaphore_mem>>)
      %dma_wait3A_258 = arith.constant 0 : i32
      %dma_wait3A_259 = arith.constant 0 : i32
      %dma_wait3A_260 = arith.constant 0 : i32
      %dma_wait3A_261 = tpu.memref_slice %arg10[%dma_wait3A_259, %dma_wait3A_260] : memref<400x64xf32, #tpu.memory_space<vmem>> -> memref<50x64xf32, #tpu.memory_space<vmem>>
      %dma_wait3A_262 = arith.constant 0 : i32
      %dma_wait3A_263 = tpu.memref_slice %arg6[%dma_wait3A_258, %dma_wait3A_262] : memref<8x50xi32, #tpu.memory_space<vmem>> -> memref<1x50xi32, #tpu.memory_space<vmem>>
      %dma_wait3A_264 = tpu.memref_squeeze %dma_wait3A_263 : memref<1x50xi32, #tpu.memory_space<vmem>> -> memref<50xi32, #tpu.memory_space<vmem>>
      %dma_wait3A_265 = arith.constant 0 : i32
      %dma_wait3A_266 = arith.constant 0 : i32
      %dma_wait3A_267 = tpu.memref_slice %arg4[%dma_wait3A_265, %dma_wait3A_266] : memref<1000001x64xf32, #tpu.memory_space<hbm>> -> memref<1000001x64xf32, #tpu.memory_space<hbm>>
      tpu.wait_indirect_dma semaphore(%arg14 : memref<!tpu.dma_semaphore, #tpu.memory_space<semaphore_mem>>) src(%dma_wait3A_267 : memref<1000001x64xf32, #tpu.memory_space<hbm>>) dst(%dma_wait3A_261 : memref<50x64xf32, #tpu.memory_space<vmem>>)
      %dma_wait3A_268 = arith.constant 1 : i32
      %dma_wait3A_269 = arith.constant 50 : i32
      %dma_wait3A_270 = arith.constant 0 : i32
      %dma_wait3A_271 = tpu.memref_slice %arg10[%dma_wait3A_269, %dma_wait3A_270] : memref<400x64xf32, #tpu.memory_space<vmem>> -> memref<50x64xf32, #tpu.memory_space<vmem>>
      %dma_wait3A_272 = arith.constant 0 : i32
      %dma_wait3A_273 = tpu.memref_slice %arg6[%dma_wait3A_268, %dma_wait3A_272] : memref<8x50xi32, #tpu.memory_space<vmem>> -> memref<1x50xi32, #tpu.memory_space<vmem>>
      %dma_wait3A_274 = tpu.memref_squeeze %dma_wait3A_273 : memref<1x50xi32, #tpu.memory_space<vmem>> -> memref<50xi32, #tpu.memory_space<vmem>>
      %dma_wait3A_275 = arith.constant 0 : i32
      %dma_wait3A_276 = arith.constant 0 : i32
      %dma_wait3A_277 = tpu.memref_slice %arg4[%dma_wait3A_275, %dma_wait3A_276] : memref<1000001x64xf32, #tpu.memory_space<hbm>> -> memref<1000001x64xf32, #tpu.memory_space<hbm>>
      tpu.wait_indirect_dma semaphore(%arg14 : memref<!tpu.dma_semaphore, #tpu.memory_space<semaphore_mem>>) src(%dma_wait3A_277 : memref<1000001x64xf32, #tpu.memory_space<hbm>>) dst(%dma_wait3A_271 : memref<50x64xf32, #tpu.memory_space<vmem>>)
      %dma_wait3A_278 = arith.constant 2 : i32
      %dma_wait3A_279 = arith.constant 100 : i32
      %dma_wait3A_280 = arith.constant 0 : i32
      %dma_wait3A_281 = tpu.memref_slice %arg10[%dma_wait3A_279, %dma_wait3A_280] : memref<400x64xf32, #tpu.memory_space<vmem>> -> memref<50x64xf32, #tpu.memory_space<vmem>>
      %dma_wait3A_282 = arith.constant 0 : i32
      %dma_wait3A_283 = tpu.memref_slice %arg6[%dma_wait3A_278, %dma_wait3A_282] : memref<8x50xi32, #tpu.memory_space<vmem>> -> memref<1x50xi32, #tpu.memory_space<vmem>>
      %dma_wait3A_284 = tpu.memref_squeeze %dma_wait3A_283 : memref<1x50xi32, #tpu.memory_space<vmem>> -> memref<50xi32, #tpu.memory_space<vmem>>
      %dma_wait3A_285 = arith.constant 0 : i32
      %dma_wait3A_286 = arith.constant 0 : i32
      %dma_wait3A_287 = tpu.memref_slice %arg4[%dma_wait3A_285, %dma_wait3A_286] : memref<1000001x64xf32, #tpu.memory_space<hbm>> -> memref<1000001x64xf32, #tpu.memory_space<hbm>>
      tpu.wait_indirect_dma semaphore(%arg14 : memref<!tpu.dma_semaphore, #tpu.memory_space<semaphore_mem>>) src(%dma_wait3A_287 : memref<1000001x64xf32, #tpu.memory_space<hbm>>) dst(%dma_wait3A_281 : memref<50x64xf32, #tpu.memory_space<vmem>>)
      %dma_wait3A_288 = arith.constant 3 : i32
      %dma_wait3A_289 = arith.constant 150 : i32
      %dma_wait3A_290 = arith.constant 0 : i32
      %dma_wait3A_291 = tpu.memref_slice %arg10[%dma_wait3A_289, %dma_wait3A_290] : memref<400x64xf32, #tpu.memory_space<vmem>> -> memref<50x64xf32, #tpu.memory_space<vmem>>
      %dma_wait3A_292 = arith.constant 0 : i32
      %dma_wait3A_293 = tpu.memref_slice %arg6[%dma_wait3A_288, %dma_wait3A_292] : memref<8x50xi32, #tpu.memory_space<vmem>> -> memref<1x50xi32, #tpu.memory_space<vmem>>
      %dma_wait3A_294 = tpu.memref_squeeze %dma_wait3A_293 : memref<1x50xi32, #tpu.memory_space<vmem>> -> memref<50xi32, #tpu.memory_space<vmem>>
      %dma_wait3A_295 = arith.constant 0 : i32
      %dma_wait3A_296 = arith.constant 0 : i32
      %dma_wait3A_297 = tpu.memref_slice %arg4[%dma_wait3A_295, %dma_wait3A_296] : memref<1000001x64xf32, #tpu.memory_space<hbm>> -> memref<1000001x64xf32, #tpu.memory_space<hbm>>
      tpu.wait_indirect_dma semaphore(%arg14 : memref<!tpu.dma_semaphore, #tpu.memory_space<semaphore_mem>>) src(%dma_wait3A_297 : memref<1000001x64xf32, #tpu.memory_space<hbm>>) dst(%dma_wait3A_291 : memref<50x64xf32, #tpu.memory_space<vmem>>)
      %dma_wait3A_298 = arith.constant 4 : i32
      %dma_wait3A_299 = arith.constant 200 : i32
      %dma_wait3A_300 = arith.constant 0 : i32
      %dma_wait3A_301 = tpu.memref_slice %arg10[%dma_wait3A_299, %dma_wait3A_300] : memref<400x64xf32, #tpu.memory_space<vmem>> -> memref<50x64xf32, #tpu.memory_space<vmem>>
      %dma_wait3A_302 = arith.constant 0 : i32
      %dma_wait3A_303 = tpu.memref_slice %arg6[%dma_wait3A_298, %dma_wait3A_302] : memref<8x50xi32, #tpu.memory_space<vmem>> -> memref<1x50xi32, #tpu.memory_space<vmem>>
      %dma_wait3A_304 = tpu.memref_squeeze %dma_wait3A_303 : memref<1x50xi32, #tpu.memory_space<vmem>> -> memref<50xi32, #tpu.memory_space<vmem>>
      %dma_wait3A_305 = arith.constant 0 : i32
      %dma_wait3A_306 = arith.constant 0 : i32
      %dma_wait3A_307 = tpu.memref_slice %arg4[%dma_wait3A_305, %dma_wait3A_306] : memref<1000001x64xf32, #tpu.memory_space<hbm>> -> memref<1000001x64xf32, #tpu.memory_space<hbm>>
      tpu.wait_indirect_dma semaphore(%arg14 : memref<!tpu.dma_semaphore, #tpu.memory_space<semaphore_mem>>) src(%dma_wait3A_307 : memref<1000001x64xf32, #tpu.memory_space<hbm>>) dst(%dma_wait3A_301 : memref<50x64xf32, #tpu.memory_space<vmem>>)
      %dma_wait3A_308 = arith.constant 5 : i32
      %dma_wait3A_309 = arith.constant 250 : i32
      %dma_wait3A_310 = arith.constant 0 : i32
      %dma_wait3A_311 = tpu.memref_slice %arg10[%dma_wait3A_309, %dma_wait3A_310] : memref<400x64xf32, #tpu.memory_space<vmem>> -> memref<50x64xf32, #tpu.memory_space<vmem>>
      %dma_wait3A_312 = arith.constant 0 : i32
      %dma_wait3A_313 = tpu.memref_slice %arg6[%dma_wait3A_308, %dma_wait3A_312] : memref<8x50xi32, #tpu.memory_space<vmem>> -> memref<1x50xi32, #tpu.memory_space<vmem>>
      %dma_wait3A_314 = tpu.memref_squeeze %dma_wait3A_313 : memref<1x50xi32, #tpu.memory_space<vmem>> -> memref<50xi32, #tpu.memory_space<vmem>>
      %dma_wait3A_315 = arith.constant 0 : i32
      %dma_wait3A_316 = arith.constant 0 : i32
      %dma_wait3A_317 = tpu.memref_slice %arg4[%dma_wait3A_315, %dma_wait3A_316] : memref<1000001x64xf32, #tpu.memory_space<hbm>> -> memref<1000001x64xf32, #tpu.memory_space<hbm>>
      tpu.wait_indirect_dma semaphore(%arg14 : memref<!tpu.dma_semaphore, #tpu.memory_space<semaphore_mem>>) src(%dma_wait3A_317 : memref<1000001x64xf32, #tpu.memory_space<hbm>>) dst(%dma_wait3A_311 : memref<50x64xf32, #tpu.memory_space<vmem>>)
      %dma_wait3A_318 = arith.constant 6 : i32
      %dma_wait3A_319 = arith.constant 300 : i32
      %dma_wait3A_320 = arith.constant 0 : i32
      %dma_wait3A_321 = tpu.memref_slice %arg10[%dma_wait3A_319, %dma_wait3A_320] : memref<400x64xf32, #tpu.memory_space<vmem>> -> memref<50x64xf32, #tpu.memory_space<vmem>>
      %dma_wait3A_322 = arith.constant 0 : i32
      %dma_wait3A_323 = tpu.memref_slice %arg6[%dma_wait3A_318, %dma_wait3A_322] : memref<8x50xi32, #tpu.memory_space<vmem>> -> memref<1x50xi32, #tpu.memory_space<vmem>>
      %dma_wait3A_324 = tpu.memref_squeeze %dma_wait3A_323 : memref<1x50xi32, #tpu.memory_space<vmem>> -> memref<50xi32, #tpu.memory_space<vmem>>
      %dma_wait3A_325 = arith.constant 0 : i32
      %dma_wait3A_326 = arith.constant 0 : i32
      %dma_wait3A_327 = tpu.memref_slice %arg4[%dma_wait3A_325, %dma_wait3A_326] : memref<1000001x64xf32, #tpu.memory_space<hbm>> -> memref<1000001x64xf32, #tpu.memory_space<hbm>>
      tpu.wait_indirect_dma semaphore(%arg14 : memref<!tpu.dma_semaphore, #tpu.memory_space<semaphore_mem>>) src(%dma_wait3A_327 : memref<1000001x64xf32, #tpu.memory_space<hbm>>) dst(%dma_wait3A_321 : memref<50x64xf32, #tpu.memory_space<vmem>>)
      %dma_wait3A_328 = arith.constant 7 : i32
      %dma_wait3A_329 = arith.constant 350 : i32
      %dma_wait3A_330 = arith.constant 0 : i32
      %dma_wait3A_331 = tpu.memref_slice %arg10[%dma_wait3A_329, %dma_wait3A_330] : memref<400x64xf32, #tpu.memory_space<vmem>> -> memref<50x64xf32, #tpu.memory_space<vmem>>
      %dma_wait3A_332 = arith.constant 0 : i32
      %dma_wait3A_333 = tpu.memref_slice %arg6[%dma_wait3A_328, %dma_wait3A_332] : memref<8x50xi32, #tpu.memory_space<vmem>> -> memref<1x50xi32, #tpu.memory_space<vmem>>
      %dma_wait3A_334 = tpu.memref_squeeze %dma_wait3A_333 : memref<1x50xi32, #tpu.memory_space<vmem>> -> memref<50xi32, #tpu.memory_space<vmem>>
      %dma_wait3A_335 = arith.constant 0 : i32
      %dma_wait3A_336 = arith.constant 0 : i32
      %dma_wait3A_337 = tpu.memref_slice %arg4[%dma_wait3A_335, %dma_wait3A_336] : memref<1000001x64xf32, #tpu.memory_space<hbm>> -> memref<1000001x64xf32, #tpu.memory_space<hbm>>
      tpu.wait_indirect_dma semaphore(%arg14 : memref<!tpu.dma_semaphore, #tpu.memory_space<semaphore_mem>>) src(%dma_wait3A_337 : memref<1000001x64xf32, #tpu.memory_space<hbm>>) dst(%dma_wait3A_331 : memref<50x64xf32, #tpu.memory_space<vmem>>)
      %mul3A_338 = arith.constant 8 : i32
      %mul3A_339 = arith.muli %mul3A_172, %mul3A_338 : i32
      %add3A_340 = arith.addi %mul3A_2, %mul3A_339 : i32
      %scan3A_341 = arith.constant 0 : i32
      %scan3A_342 = arith.constant 0 : i32
      %scan3A_343 = arith.constant 8 : i32
      %scan3A_344 = arith.addi %scan3A_342, %scan3A_343 : i32
      %scan3A_345 = arith.constant 1 : i32
      %scan3A_346 = scf.for %scan3A_527 = %scan3A_342 to %scan3A_344 step %scan3A_345 iter_args(%scan3A_528 = %scan3A_341) -> (i32)  : i32 {
        %get3A = arith.index_cast %scan3A_527 : i32 to index
        %get3A_529 = arith.constant 0 : index
        %get3A_530 = tpu.vector_load %arg8[%get3A, %get3A_529] {strides = array<i32>} : memref<8x50xf32, #tpu.memory_space<vmem>>, vector<1x16xf32>,
        %get3A_531 = vector.shape_cast %get3A_530 : vector<1x16xf32> to vector<16xf32>
        %get3A_532 = arith.index_cast %scan3A_527 : i32 to index
        %get3A_533 = arith.constant 16 : index
        %get3A_534 = tpu.vector_load %arg8[%get3A_532, %get3A_533] {strides = array<i32>} : memref<8x50xf32, #tpu.memory_space<vmem>>, vector<1x16xf32>,
        %get3A_535 = vector.shape_cast %get3A_534 : vector<1x16xf32> to vector<16xf32>
        %get3A_536 = arith.index_cast %scan3A_527 : i32 to index
        %get3A_537 = arith.constant 32 : index
        %get3A_538 = tpu.vector_load %arg8[%get3A_536, %get3A_537] {strides = array<i32>} : memref<8x50xf32, #tpu.memory_space<vmem>>, vector<1x16xf32>,
        %get3A_539 = vector.shape_cast %get3A_538 : vector<1x16xf32> to vector<16xf32>
        %get3A_540 = arith.index_cast %scan3A_527 : i32 to index
        %get3A_541 = arith.constant 34 : index
        %get3A_542 = tpu.vector_load %arg8[%get3A_540, %get3A_541] {strides = array<i32>} : memref<8x50xf32, #tpu.memory_space<vmem>>, vector<1x16xf32>,
        %get3A_543 = vector.shape_cast %get3A_542 : vector<1x16xf32> to vector<16xf32>
        %broadcast_in_dim3A = arith.constant 0.000000e+00 : f32
        %broadcast_in_dim3A_544 = vector.broadcast %broadcast_in_dim3A : f32 to vector<16xf32>
        %broadcast_in_dim3A_545 = arith.constant 0.000000e+00 : f32
        %broadcast_in_dim3A_546 = vector.broadcast %broadcast_in_dim3A_545 : f32 to vector<16xf32>
        %broadcast_in_dim3A_547 = arith.constant 0.000000e+00 : f32
        %broadcast_in_dim3A_548 = vector.broadcast %broadcast_in_dim3A_547 : f32 to vector<16xf32>
        %broadcast_in_dim3A_549 = arith.constant 0.000000e+00 : f32
        %broadcast_in_dim3A_550 = vector.broadcast %broadcast_in_dim3A_549 : f32 to vector<16xf32>
        %broadcast_in_dim3A_551 = arith.constant 0.000000e+00 : f32
        %broadcast_in_dim3A_552 = vector.broadcast %broadcast_in_dim3A_551 : f32 to vector<16xf32>
        %mul3A_553 = arith.constant 50 : i32
        %mul3A_554 = arith.muli %scan3A_527, %mul3A_553 : i32
        %slice3A = vector.extract_strided_slice %get3A_531 {offsets = [0], sizes = [1], strides = [1]} : vector<16xf32> to vector<1xf32>
        %squeeze3A = vector.extract %slice3A[0] : f32 from vector<1xf32>
        %broadcast_in_dim3A_555 = vector.broadcast %squeeze3A : f32 to vector<16xf32>
        %add3A_556 = arith.addf %broadcast_in_dim3A_552, %broadcast_in_dim3A_555 : vector<16xf32>
        %add3A_557 = arith.constant 0 : i32
        %add3A_558 = arith.addi %mul3A_554, %add3A_557 : i32
        %get3A_559 = arith.index_cast %add3A_558 : i32 to index
        %get3A_560 = arith.constant 0 : index
        %get3A_561 = tpu.vector_load %arg10[%get3A_559, %get3A_560] {strides = array<i32>} : memref<400x64xf32, #tpu.memory_space<vmem>>, vector<1x16xf32>,
        %get3A_562 = vector.shape_cast %get3A_561 : vector<1x16xf32> to vector<16xf32>
        %mul3A_563 = arith.mulf %get3A_562, %broadcast_in_dim3A_555 : vector<16xf32>
        %add3A_564 = arith.addf %broadcast_in_dim3A_544, %mul3A_563 : vector<16xf32>
        %get3A_565 = arith.index_cast %add3A_558 : i32 to index
        %get3A_566 = arith.constant 16 : index
        %get3A_567 = tpu.vector_load %arg10[%get3A_565, %get3A_566] {strides = array<i32>} : memref<400x64xf32, #tpu.memory_space<vmem>>, vector<1x16xf32>,
        %get3A_568 = vector.shape_cast %get3A_567 : vector<1x16xf32> to vector<16xf32>
        %mul3A_569 = arith.mulf %get3A_568, %broadcast_in_dim3A_555 : vector<16xf32>
        %add3A_570 = arith.addf %broadcast_in_dim3A_546, %mul3A_569 : vector<16xf32>
        %get3A_571 = arith.index_cast %add3A_558 : i32 to index
        %get3A_572 = arith.constant 32 : index
        %get3A_573 = tpu.vector_load %arg10[%get3A_571, %get3A_572] {strides = array<i32>} : memref<400x64xf32, #tpu.memory_space<vmem>>, vector<1x16xf32>,
        %get3A_574 = vector.shape_cast %get3A_573 : vector<1x16xf32> to vector<16xf32>
        %mul3A_575 = arith.mulf %get3A_574, %broadcast_in_dim3A_555 : vector<16xf32>
        %add3A_576 = arith.addf %broadcast_in_dim3A_548, %mul3A_575 : vector<16xf32>
        %get3A_577 = arith.index_cast %add3A_558 : i32 to index
        %get3A_578 = arith.constant 48 : index
        %get3A_579 = tpu.vector_load %arg10[%get3A_577, %get3A_578] {strides = array<i32>} : memref<400x64xf32, #tpu.memory_space<vmem>>, vector<1x16xf32>,
        %get3A_580 = vector.shape_cast %get3A_579 : vector<1x16xf32> to vector<16xf32>
        %mul3A_581 = arith.mulf %get3A_580, %broadcast_in_dim3A_555 : vector<16xf32>
        %add3A_582 = arith.addf %broadcast_in_dim3A_550, %mul3A_581 : vector<16xf32>
        %slice3A_583 = vector.extract_strided_slice %get3A_531 {offsets = [1], sizes = [1], strides = [1]} : vector<16xf32> to vector<1xf32>
        %squeeze3A_584 = vector.extract %slice3A_583[0] : f32 from vector<1xf32>
        %broadcast_in_dim3A_585 = vector.broadcast %squeeze3A_584 : f32 to vector<16xf32>
        %add3A_586 = arith.addf %add3A_556, %broadcast_in_dim3A_585 : vector<16xf32>
        %add3A_587 = arith.constant 1 : i32
        %add3A_588 = arith.addi %mul3A_554, %add3A_587 : i32
        %get3A_589 = arith.index_cast %add3A_588 : i32 to index
        %get3A_590 = arith.constant 0 : index
        %get3A_591 = tpu.vector_load %arg10[%get3A_589, %get3A_590] {strides = array<i32>} : memref<400x64xf32, #tpu.memory_space<vmem>>, vector<1x16xf32>,
        %get3A_592 = vector.shape_cast %get3A_591 : vector<1x16xf32> to vector<16xf32>
        %mul3A_593 = arith.mulf %get3A_592, %broadcast_in_dim3A_585 : vector<16xf32>
        %add3A_594 = arith.addf %add3A_564, %mul3A_593 : vector<16xf32>
        %get3A_595 = arith.index_cast %add3A_588 : i32 to index
        %get3A_596 = arith.constant 16 : index
        %get3A_597 = tpu.vector_load %arg10[%get3A_595, %get3A_596] {strides = array<i32>} : memref<400x64xf32, #tpu.memory_space<vmem>>, vector<1x16xf32>,
        %get3A_598 = vector.shape_cast %get3A_597 : vector<1x16xf32> to vector<16xf32>
        %mul3A_599 = arith.mulf %get3A_598, %broadcast_in_dim3A_585 : vector<16xf32>
        %add3A_600 = arith.addf %add3A_570, %mul3A_599 : vector<16xf32>
        %get3A_601 = arith.index_cast %add3A_588 : i32 to index
        %get3A_602 = arith.constant 32 : index
        %get3A_603 = tpu.vector_load %arg10[%get3A_601, %get3A_602] {strides = array<i32>} : memref<400x64xf32, #tpu.memory_space<vmem>>, vector<1x16xf32>,
        %get3A_604 = vector.shape_cast %get3A_603 : vector<1x16xf32> to vector<16xf32>
        %mul3A_605 = arith.mulf %get3A_604, %broadcast_in_dim3A_585 : vector<16xf32>
        %add3A_606 = arith.addf %add3A_576, %mul3A_605 : vector<16xf32>
        %get3A_607 = arith.index_cast %add3A_588 : i32 to index
        %get3A_608 = arith.constant 48 : index
        %get3A_609 = tpu.vector_load %arg10[%get3A_607, %get3A_608] {strides = array<i32>} : memref<400x64xf32, #tpu.memory_space<vmem>>, vector<1x16xf32>,
        %get3A_610 = vector.shape_cast %get3A_609 : vector<1x16xf32> to vector<16xf32>
        %mul3A_611 = arith.mulf %get3A_610, %broadcast_in_dim3A_585 : vector<16xf32>
        %add3A_612 = arith.addf %add3A_582, %mul3A_611 : vector<16xf32>
        %slice3A_613 = vector.extract_strided_slice %get3A_531 {offsets = [2], sizes = [1], strides = [1]} : vector<16xf32> to vector<1xf32>
        %squeeze3A_614 = vector.extract %slice3A_613[0] : f32 from vector<1xf32>
        %broadcast_in_dim3A_615 = vector.broadcast %squeeze3A_614 : f32 to vector<16xf32>
        %add3A_616 = arith.addf %add3A_586, %broadcast_in_dim3A_615 : vector<16xf32>
        %add3A_617 = arith.constant 2 : i32
        %add3A_618 = arith.addi %mul3A_554, %add3A_617 : i32
        %get3A_619 = arith.index_cast %add3A_618 : i32 to index
        %get3A_620 = arith.constant 0 : index
        %get3A_621 = tpu.vector_load %arg10[%get3A_619, %get3A_620] {strides = array<i32>} : memref<400x64xf32, #tpu.memory_space<vmem>>, vector<1x16xf32>,
        %get3A_622 = vector.shape_cast %get3A_621 : vector<1x16xf32> to vector<16xf32>
        %mul3A_623 = arith.mulf %get3A_622, %broadcast_in_dim3A_615 : vector<16xf32>
        %add3A_624 = arith.addf %add3A_594, %mul3A_623 : vector<16xf32>
        %get3A_625 = arith.index_cast %add3A_618 : i32 to index
        %get3A_626 = arith.constant 16 : index
        %get3A_627 = tpu.vector_load %arg10[%get3A_625, %get3A_626] {strides = array<i32>} : memref<400x64xf32, #tpu.memory_space<vmem>>, vector<1x16xf32>,
        %get3A_628 = vector.shape_cast %get3A_627 : vector<1x16xf32> to vector<16xf32>
        %mul3A_629 = arith.mulf %get3A_628, %broadcast_in_dim3A_615 : vector<16xf32>
        %add3A_630 = arith.addf %add3A_600, %mul3A_629 : vector<16xf32>
        %get3A_631 = arith.index_cast %add3A_618 : i32 to index
        %get3A_632 = arith.constant 32 : index
        %get3A_633 = tpu.vector_load %arg10[%get3A_631, %get3A_632] {strides = array<i32>} : memref<400x64xf32, #tpu.memory_space<vmem>>, vector<1x16xf32>,
        %get3A_634 = vector.shape_cast %get3A_633 : vector<1x16xf32> to vector<16xf32>
        %mul3A_635 = arith.mulf %get3A_634, %broadcast_in_dim3A_615 : vector<16xf32>
        %add3A_636 = arith.addf %add3A_606, %mul3A_635 : vector<16xf32>
        %get3A_637 = arith.index_cast %add3A_618 : i32 to index
        %get3A_638 = arith.constant 48 : index
        %get3A_639 = tpu.vector_load %arg10[%get3A_637, %get3A_638] {strides = array<i32>} : memref<400x64xf32, #tpu.memory_space<vmem>>, vector<1x16xf32>,
        %get3A_640 = vector.shape_cast %get3A_639 : vector<1x16xf32> to vector<16xf32>
        %mul3A_641 = arith.mulf %get3A_640, %broadcast_in_dim3A_615 : vector<16xf32>
        %add3A_642 = arith.addf %add3A_612, %mul3A_641 : vector<16xf32>
        %slice3A_643 = vector.extract_strided_slice %get3A_531 {offsets = [3], sizes = [1], strides = [1]} : vector<16xf32> to vector<1xf32>
        %squeeze3A_644 = vector.extract %slice3A_643[0] : f32 from vector<1xf32>
        %broadcast_in_dim3A_645 = vector.broadcast %squeeze3A_644 : f32 to vector<16xf32>
        %add3A_646 = arith.addf %add3A_616, %broadcast_in_dim3A_645 : vector<16xf32>
        %add3A_647 = arith.constant 3 : i32
        %add3A_648 = arith.addi %mul3A_554, %add3A_647 : i32
        %get3A_649 = arith.index_cast %add3A_648 : i32 to index
        %get3A_650 = arith.constant 0 : index
        %get3A_651 = tpu.vector_load %arg10[%get3A_649, %get3A_650] {strides = array<i32>} : memref<400x64xf32, #tpu.memory_space<vmem>>, vector<1x16xf32>,
        %get3A_652 = vector.shape_cast %get3A_651 : vector<1x16xf32> to vector<16xf32>
        %mul3A_653 = arith.mulf %get3A_652, %broadcast_in_dim3A_645 : vector<16xf32>
        %add3A_654 = arith.addf %add3A_624, %mul3A_653 : vector<16xf32>
        %get3A_655 = arith.index_cast %add3A_648 : i32 to index
        %get3A_656 = arith.constant 16 : index
        %get3A_657 = tpu.vector_load %arg10[%get3A_655, %get3A_656] {strides = array<i32>} : memref<400x64xf32, #tpu.memory_space<vmem>>, vector<1x16xf32>,
        %get3A_658 = vector.shape_cast %get3A_657 : vector<1x16xf32> to vector<16xf32>
        %mul3A_659 = arith.mulf %get3A_658, %broadcast_in_dim3A_645 : vector<16xf32>
        %add3A_660 = arith.addf %add3A_630, %mul3A_659 : vector<16xf32>
        %get3A_661 = arith.index_cast %add3A_648 : i32 to index
        %get3A_662 = arith.constant 32 : index
        %get3A_663 = tpu.vector_load %arg10[%get3A_661, %get3A_662] {strides = array<i32>} : memref<400x64xf32, #tpu.memory_space<vmem>>, vector<1x16xf32>,
        %get3A_664 = vector.shape_cast %get3A_663 : vector<1x16xf32> to vector<16xf32>
        %mul3A_665 = arith.mulf %get3A_664, %broadcast_in_dim3A_645 : vector<16xf32>
        %add3A_666 = arith.addf %add3A_636, %mul3A_665 : vector<16xf32>
        %get3A_667 = arith.index_cast %add3A_648 : i32 to index
        %get3A_668 = arith.constant 48 : index
        %get3A_669 = tpu.vector_load %arg10[%get3A_667, %get3A_668] {strides = array<i32>} : memref<400x64xf32, #tpu.memory_space<vmem>>, vector<1x16xf32>,
        %get3A_670 = vector.shape_cast %get3A_669 : vector<1x16xf32> to vector<16xf32>
        %mul3A_671 = arith.mulf %get3A_670, %broadcast_in_dim3A_645 : vector<16xf32>
        %add3A_672 = arith.addf %add3A_642, %mul3A_671 : vector<16xf32>
        %slice3A_673 = vector.extract_strided_slice %get3A_531 {offsets = [4], sizes = [1], strides = [1]} : vector<16xf32> to vector<1xf32>
        %squeeze3A_674 = vector.extract %slice3A_673[0] : f32 from vector<1xf32>
        %broadcast_in_dim3A_675 = vector.broadcast %squeeze3A_674 : f32 to vector<16xf32>
        %add3A_676 = arith.addf %add3A_646, %broadcast_in_dim3A_675 : vector<16xf32>
        %add3A_677 = arith.constant 4 : i32
        %add3A_678 = arith.addi %mul3A_554, %add3A_677 : i32
        %get3A_679 = arith.index_cast %add3A_678 : i32 to index
        %get3A_680 = arith.constant 0 : index
        %get3A_681 = tpu.vector_load %arg10[%get3A_679, %get3A_680] {strides = array<i32>} : memref<400x64xf32, #tpu.memory_space<vmem>>, vector<1x16xf32>,
        %get3A_682 = vector.shape_cast %get3A_681 : vector<1x16xf32> to vector<16xf32>
        %mul3A_683 = arith.mulf %get3A_682, %broadcast_in_dim3A_675 : vector<16xf32>
        %add3A_684 = arith.addf %add3A_654, %mul3A_683 : vector<16xf32>
        %get3A_685 = arith.index_cast %add3A_678 : i32 to index
        %get3A_686 = arith.constant 16 : index
        %get3A_687 = tpu.vector_load %arg10[%get3A_685, %get3A_686] {strides = array<i32>} : memref<400x64xf32, #tpu.memory_space<vmem>>, vector<1x16xf32>,
        %get3A_688 = vector.shape_cast %get3A_687 : vector<1x16xf32> to vector<16xf32>
        %mul3A_689 = arith.mulf %get3A_688, %broadcast_in_dim3A_675 : vector<16xf32>
        %add3A_690 = arith.addf %add3A_660, %mul3A_689 : vector<16xf32>
        %get3A_691 = arith.index_cast %add3A_678 : i32 to index
        %get3A_692 = arith.constant 32 : index
        %get3A_693 = tpu.vector_load %arg10[%get3A_691, %get3A_692] {strides = array<i32>} : memref<400x64xf32, #tpu.memory_space<vmem>>, vector<1x16xf32>,
        %get3A_694 = vector.shape_cast %get3A_693 : vector<1x16xf32> to vector<16xf32>
        %mul3A_695 = arith.mulf %get3A_694, %broadcast_in_dim3A_675 : vector<16xf32>
        %add3A_696 = arith.addf %add3A_666, %mul3A_695 : vector<16xf32>
        %get3A_697 = arith.index_cast %add3A_678 : i32 to index
        %get3A_698 = arith.constant 48 : index
        %get3A_699 = tpu.vector_load %arg10[%get3A_697, %get3A_698] {strides = array<i32>} : memref<400x64xf32, #tpu.memory_space<vmem>>, vector<1x16xf32>,
        %get3A_700 = vector.shape_cast %get3A_699 : vector<1x16xf32> to vector<16xf32>
        %mul3A_701 = arith.mulf %get3A_700, %broadcast_in_dim3A_675 : vector<16xf32>
        %add3A_702 = arith.addf %add3A_672, %mul3A_701 : vector<16xf32>
        %slice3A_703 = vector.extract_strided_slice %get3A_531 {offsets = [5], sizes = [1], strides = [1]} : vector<16xf32> to vector<1xf32>
        %squeeze3A_704 = vector.extract %slice3A_703[0] : f32 from vector<1xf32>
        %broadcast_in_dim3A_705 = vector.broadcast %squeeze3A_704 : f32 to vector<16xf32>
        %add3A_706 = arith.addf %add3A_676, %broadcast_in_dim3A_705 : vector<16xf32>
        %add3A_707 = arith.constant 5 : i32
        %add3A_708 = arith.addi %mul3A_554, %add3A_707 : i32
        %get3A_709 = arith.index_cast %add3A_708 : i32 to index
        %get3A_710 = arith.constant 0 : index
        %get3A_711 = tpu.vector_load %arg10[%get3A_709, %get3A_710] {strides = array<i32>} : memref<400x64xf32, #tpu.memory_space<vmem>>, vector<1x16xf32>,
        %get3A_712 = vector.shape_cast %get3A_711 : vector<1x16xf32> to vector<16xf32>
        %mul3A_713 = arith.mulf %get3A_712, %broadcast_in_dim3A_705 : vector<16xf32>
        %add3A_714 = arith.addf %add3A_684, %mul3A_713 : vector<16xf32>
        %get3A_715 = arith.index_cast %add3A_708 : i32 to index
        %get3A_716 = arith.constant 16 : index
        %get3A_717 = tpu.vector_load %arg10[%get3A_715, %get3A_716] {strides = array<i32>} : memref<400x64xf32, #tpu.memory_space<vmem>>, vector<1x16xf32>,
        %get3A_718 = vector.shape_cast %get3A_717 : vector<1x16xf32> to vector<16xf32>
        %mul3A_719 = arith.mulf %get3A_718, %broadcast_in_dim3A_705 : vector<16xf32>
        %add3A_720 = arith.addf %add3A_690, %mul3A_719 : vector<16xf32>
        %get3A_721 = arith.index_cast %add3A_708 : i32 to index
        %get3A_722 = arith.constant 32 : index
        %get3A_723 = tpu.vector_load %arg10[%get3A_721, %get3A_722] {strides = array<i32>} : memref<400x64xf32, #tpu.memory_space<vmem>>, vector<1x16xf32>,
        %get3A_724 = vector.shape_cast %get3A_723 : vector<1x16xf32> to vector<16xf32>
        %mul3A_725 = arith.mulf %get3A_724, %broadcast_in_dim3A_705 : vector<16xf32>
        %add3A_726 = arith.addf %add3A_696, %mul3A_725 : vector<16xf32>
        %get3A_727 = arith.index_cast %add3A_708 : i32 to index
        %get3A_728 = arith.constant 48 : index
        %get3A_729 = tpu.vector_load %arg10[%get3A_727, %get3A_728] {strides = array<i32>} : memref<400x64xf32, #tpu.memory_space<vmem>>, vector<1x16xf32>,
        %get3A_730 = vector.shape_cast %get3A_729 : vector<1x16xf32> to vector<16xf32>
        %mul3A_731 = arith.mulf %get3A_730, %broadcast_in_dim3A_705 : vector<16xf32>
        %add3A_732 = arith.addf %add3A_702, %mul3A_731 : vector<16xf32>
        %slice3A_733 = vector.extract_strided_slice %get3A_531 {offsets = [6], sizes = [1], strides = [1]} : vector<16xf32> to vector<1xf32>
        %squeeze3A_734 = vector.extract %slice3A_733[0] : f32 from vector<1xf32>
        %broadcast_in_dim3A_735 = vector.broadcast %squeeze3A_734 : f32 to vector<16xf32>
        %add3A_736 = arith.addf %add3A_706, %broadcast_in_dim3A_735 : vector<16xf32>
        %add3A_737 = arith.constant 6 : i32
        %add3A_738 = arith.addi %mul3A_554, %add3A_737 : i32
        %get3A_739 = arith.index_cast %add3A_738 : i32 to index
        %get3A_740 = arith.constant 0 : index
        %get3A_741 = tpu.vector_load %arg10[%get3A_739, %get3A_740] {strides = array<i32>} : memref<400x64xf32, #tpu.memory_space<vmem>>, vector<1x16xf32>,
        %get3A_742 = vector.shape_cast %get3A_741 : vector<1x16xf32> to vector<16xf32>
        %mul3A_743 = arith.mulf %get3A_742, %broadcast_in_dim3A_735 : vector<16xf32>
        %add3A_744 = arith.addf %add3A_714, %mul3A_743 : vector<16xf32>
        %get3A_745 = arith.index_cast %add3A_738 : i32 to index
        %get3A_746 = arith.constant 16 : index
        %get3A_747 = tpu.vector_load %arg10[%get3A_745, %get3A_746] {strides = array<i32>} : memref<400x64xf32, #tpu.memory_space<vmem>>, vector<1x16xf32>,
        %get3A_748 = vector.shape_cast %get3A_747 : vector<1x16xf32> to vector<16xf32>
        %mul3A_749 = arith.mulf %get3A_748, %broadcast_in_dim3A_735 : vector<16xf32>
        %add3A_750 = arith.addf %add3A_720, %mul3A_749 : vector<16xf32>
        %get3A_751 = arith.index_cast %add3A_738 : i32 to index
        %get3A_752 = arith.constant 32 : index
        %get3A_753 = tpu.vector_load %arg10[%get3A_751, %get3A_752] {strides = array<i32>} : memref<400x64xf32, #tpu.memory_space<vmem>>, vector<1x16xf32>,
        %get3A_754 = vector.shape_cast %get3A_753 : vector<1x16xf32> to vector<16xf32>
        %mul3A_755 = arith.mulf %get3A_754, %broadcast_in_dim3A_735 : vector<16xf32>
        %add3A_756 = arith.addf %add3A_726, %mul3A_755 : vector<16xf32>
        %get3A_757 = arith.index_cast %add3A_738 : i32 to index
        %get3A_758 = arith.constant 48 : index
        %get3A_759 = tpu.vector_load %arg10[%get3A_757, %get3A_758] {strides = array<i32>} : memref<400x64xf32, #tpu.memory_space<vmem>>, vector<1x16xf32>,
        %get3A_760 = vector.shape_cast %get3A_759 : vector<1x16xf32> to vector<16xf32>
        %mul3A_761 = arith.mulf %get3A_760, %broadcast_in_dim3A_735 : vector<16xf32>
        %add3A_762 = arith.addf %add3A_732, %mul3A_761 : vector<16xf32>
        %slice3A_763 = vector.extract_strided_slice %get3A_531 {offsets = [7], sizes = [1], strides = [1]} : vector<16xf32> to vector<1xf32>
        %squeeze3A_764 = vector.extract %slice3A_763[0] : f32 from vector<1xf32>
        %broadcast_in_dim3A_765 = vector.broadcast %squeeze3A_764 : f32 to vector<16xf32>
        %add3A_766 = arith.addf %add3A_736, %broadcast_in_dim3A_765 : vector<16xf32>
        %add3A_767 = arith.constant 7 : i32
        %add3A_768 = arith.addi %mul3A_554, %add3A_767 : i32
        %get3A_769 = arith.index_cast %add3A_768 : i32 to index
        %get3A_770 = arith.constant 0 : index
        %get3A_771 = tpu.vector_load %arg10[%get3A_769, %get3A_770] {strides = array<i32>} : memref<400x64xf32, #tpu.memory_space<vmem>>, vector<1x16xf32>,
        %get3A_772 = vector.shape_cast %get3A_771 : vector<1x16xf32> to vector<16xf32>
        %mul3A_773 = arith.mulf %get3A_772, %broadcast_in_dim3A_765 : vector<16xf32>
        %add3A_774 = arith.addf %add3A_744, %mul3A_773 : vector<16xf32>
        %get3A_775 = arith.index_cast %add3A_768 : i32 to index
        %get3A_776 = arith.constant 16 : index
        %get3A_777 = tpu.vector_load %arg10[%get3A_775, %get3A_776] {strides = array<i32>} : memref<400x64xf32, #tpu.memory_space<vmem>>, vector<1x16xf32>,
        %get3A_778 = vector.shape_cast %get3A_777 : vector<1x16xf32> to vector<16xf32>
        %mul3A_779 = arith.mulf %get3A_778, %broadcast_in_dim3A_765 : vector<16xf32>
        %add3A_780 = arith.addf %add3A_750, %mul3A_779 : vector<16xf32>
        %get3A_781 = arith.index_cast %add3A_768 : i32 to index
        %get3A_782 = arith.constant 32 : index
        %get3A_783 = tpu.vector_load %arg10[%get3A_781, %get3A_782] {strides = array<i32>} : memref<400x64xf32, #tpu.memory_space<vmem>>, vector<1x16xf32>,
        %get3A_784 = vector.shape_cast %get3A_783 : vector<1x16xf32> to vector<16xf32>
        %mul3A_785 = arith.mulf %get3A_784, %broadcast_in_dim3A_765 : vector<16xf32>
        %add3A_786 = arith.addf %add3A_756, %mul3A_785 : vector<16xf32>
        %get3A_787 = arith.index_cast %add3A_768 : i32 to index
        %get3A_788 = arith.constant 48 : index
        %get3A_789 = tpu.vector_load %arg10[%get3A_787, %get3A_788] {strides = array<i32>} : memref<400x64xf32, #tpu.memory_space<vmem>>, vector<1x16xf32>,
        %get3A_790 = vector.shape_cast %get3A_789 : vector<1x16xf32> to vector<16xf32>
        %mul3A_791 = arith.mulf %get3A_790, %broadcast_in_dim3A_765 : vector<16xf32>
        %add3A_792 = arith.addf %add3A_762, %mul3A_791 : vector<16xf32>
        %slice3A_793 = vector.extract_strided_slice %get3A_531 {offsets = [8], sizes = [1], strides = [1]} : vector<16xf32> to vector<1xf32>
        %squeeze3A_794 = vector.extract %slice3A_793[0] : f32 from vector<1xf32>
        %broadcast_in_dim3A_795 = vector.broadcast %squeeze3A_794 : f32 to vector<16xf32>
        %add3A_796 = arith.addf %add3A_766, %broadcast_in_dim3A_795 : vector<16xf32>
        %add3A_797 = arith.constant 8 : i32
        %add3A_798 = arith.addi %mul3A_554, %add3A_797 : i32
        %get3A_799 = arith.index_cast %add3A_798 : i32 to index
        %get3A_800 = arith.constant 0 : index
        %get3A_801 = tpu.vector_load %arg10[%get3A_799, %get3A_800] {strides = array<i32>} : memref<400x64xf32, #tpu.memory_space<vmem>>, vector<1x16xf32>,
        %get3A_802 = vector.shape_cast %get3A_801 : vector<1x16xf32> to vector<16xf32>
        %mul3A_803 = arith.mulf %get3A_802, %broadcast_in_dim3A_795 : vector<16xf32>
        %add3A_804 = arith.addf %add3A_774, %mul3A_803 : vector<16xf32>
        %get3A_805 = arith.index_cast %add3A_798 : i32 to index
        %get3A_806 = arith.constant 16 : index
        %get3A_807 = tpu.vector_load %arg10[%get3A_805, %get3A_806] {strides = array<i32>} : memref<400x64xf32, #tpu.memory_space<vmem>>, vector<1x16xf32>,
        %get3A_808 = vector.shape_cast %get3A_807 : vector<1x16xf32> to vector<16xf32>
        %mul3A_809 = arith.mulf %get3A_808, %broadcast_in_dim3A_795 : vector<16xf32>
        %add3A_810 = arith.addf %add3A_780, %mul3A_809 : vector<16xf32>
        %get3A_811 = arith.index_cast %add3A_798 : i32 to index
        %get3A_812 = arith.constant 32 : index
        %get3A_813 = tpu.vector_load %arg10[%get3A_811, %get3A_812] {strides = array<i32>} : memref<400x64xf32, #tpu.memory_space<vmem>>, vector<1x16xf32>,
        %get3A_814 = vector.shape_cast %get3A_813 : vector<1x16xf32> to vector<16xf32>
        %mul3A_815 = arith.mulf %get3A_814, %broadcast_in_dim3A_795 : vector<16xf32>
        %add3A_816 = arith.addf %add3A_786, %mul3A_815 : vector<16xf32>
        %get3A_817 = arith.index_cast %add3A_798 : i32 to index
        %get3A_818 = arith.constant 48 : index
        %get3A_819 = tpu.vector_load %arg10[%get3A_817, %get3A_818] {strides = array<i32>} : memref<400x64xf32, #tpu.memory_space<vmem>>, vector<1x16xf32>,
        %get3A_820 = vector.shape_cast %get3A_819 : vector<1x16xf32> to vector<16xf32>
        %mul3A_821 = arith.mulf %get3A_820, %broadcast_in_dim3A_795 : vector<16xf32>
        %add3A_822 = arith.addf %add3A_792, %mul3A_821 : vector<16xf32>
        %slice3A_823 = vector.extract_strided_slice %get3A_531 {offsets = [9], sizes = [1], strides = [1]} : vector<16xf32> to vector<1xf32>
        %squeeze3A_824 = vector.extract %slice3A_823[0] : f32 from vector<1xf32>
        %broadcast_in_dim3A_825 = vector.broadcast %squeeze3A_824 : f32 to vector<16xf32>
        %add3A_826 = arith.addf %add3A_796, %broadcast_in_dim3A_825 : vector<16xf32>
        %add3A_827 = arith.constant 9 : i32
        %add3A_828 = arith.addi %mul3A_554, %add3A_827 : i32
        %get3A_829 = arith.index_cast %add3A_828 : i32 to index
        %get3A_830 = arith.constant 0 : index
        %get3A_831 = tpu.vector_load %arg10[%get3A_829, %get3A_830] {strides = array<i32>} : memref<400x64xf32, #tpu.memory_space<vmem>>, vector<1x16xf32>,
        %get3A_832 = vector.shape_cast %get3A_831 : vector<1x16xf32> to vector<16xf32>
        %mul3A_833 = arith.mulf %get3A_832, %broadcast_in_dim3A_825 : vector<16xf32>
        %add3A_834 = arith.addf %add3A_804, %mul3A_833 : vector<16xf32>
        %get3A_835 = arith.index_cast %add3A_828 : i32 to index
        %get3A_836 = arith.constant 16 : index
        %get3A_837 = tpu.vector_load %arg10[%get3A_835, %get3A_836] {strides = array<i32>} : memref<400x64xf32, #tpu.memory_space<vmem>>, vector<1x16xf32>,
        %get3A_838 = vector.shape_cast %get3A_837 : vector<1x16xf32> to vector<16xf32>
        %mul3A_839 = arith.mulf %get3A_838, %broadcast_in_dim3A_825 : vector<16xf32>
        %add3A_840 = arith.addf %add3A_810, %mul3A_839 : vector<16xf32>
        %get3A_841 = arith.index_cast %add3A_828 : i32 to index
        %get3A_842 = arith.constant 32 : index
        %get3A_843 = tpu.vector_load %arg10[%get3A_841, %get3A_842] {strides = array<i32>} : memref<400x64xf32, #tpu.memory_space<vmem>>, vector<1x16xf32>,
        %get3A_844 = vector.shape_cast %get3A_843 : vector<1x16xf32> to vector<16xf32>
        %mul3A_845 = arith.mulf %get3A_844, %broadcast_in_dim3A_825 : vector<16xf32>
        %add3A_846 = arith.addf %add3A_816, %mul3A_845 : vector<16xf32>
        %get3A_847 = arith.index_cast %add3A_828 : i32 to index
        %get3A_848 = arith.constant 48 : index
        %get3A_849 = tpu.vector_load %arg10[%get3A_847, %get3A_848] {strides = array<i32>} : memref<400x64xf32, #tpu.memory_space<vmem>>, vector<1x16xf32>,
        %get3A_850 = vector.shape_cast %get3A_849 : vector<1x16xf32> to vector<16xf32>
        %mul3A_851 = arith.mulf %get3A_850, %broadcast_in_dim3A_825 : vector<16xf32>
        %add3A_852 = arith.addf %add3A_822, %mul3A_851 : vector<16xf32>
        %slice3A_853 = vector.extract_strided_slice %get3A_531 {offsets = [10], sizes = [1], strides = [1]} : vector<16xf32> to vector<1xf32>
        %squeeze3A_854 = vector.extract %slice3A_853[0] : f32 from vector<1xf32>
        %broadcast_in_dim3A_855 = vector.broadcast %squeeze3A_854 : f32 to vector<16xf32>
        %add3A_856 = arith.addf %add3A_826, %broadcast_in_dim3A_855 : vector<16xf32>
        %add3A_857 = arith.constant 10 : i32
        %add3A_858 = arith.addi %mul3A_554, %add3A_857 : i32
        %get3A_859 = arith.index_cast %add3A_858 : i32 to index
        %get3A_860 = arith.constant 0 : index
        %get3A_861 = tpu.vector_load %arg10[%get3A_859, %get3A_860] {strides = array<i32>} : memref<400x64xf32, #tpu.memory_space<vmem>>, vector<1x16xf32>,
        %get3A_862 = vector.shape_cast %get3A_861 : vector<1x16xf32> to vector<16xf32>
        %mul3A_863 = arith.mulf %get3A_862, %broadcast_in_dim3A_855 : vector<16xf32>
        %add3A_864 = arith.addf %add3A_834, %mul3A_863 : vector<16xf32>
        %get3A_865 = arith.index_cast %add3A_858 : i32 to index
        %get3A_866 = arith.constant 16 : index
        %get3A_867 = tpu.vector_load %arg10[%get3A_865, %get3A_866] {strides = array<i32>} : memref<400x64xf32, #tpu.memory_space<vmem>>, vector<1x16xf32>,
        %get3A_868 = vector.shape_cast %get3A_867 : vector<1x16xf32> to vector<16xf32>
        %mul3A_869 = arith.mulf %get3A_868, %broadcast_in_dim3A_855 : vector<16xf32>
        %add3A_870 = arith.addf %add3A_840, %mul3A_869 : vector<16xf32>
        %get3A_871 = arith.index_cast %add3A_858 : i32 to index
        %get3A_872 = arith.constant 32 : index
        %get3A_873 = tpu.vector_load %arg10[%get3A_871, %get3A_872] {strides = array<i32>} : memref<400x64xf32, #tpu.memory_space<vmem>>, vector<1x16xf32>,
        %get3A_874 = vector.shape_cast %get3A_873 : vector<1x16xf32> to vector<16xf32>
        %mul3A_875 = arith.mulf %get3A_874, %broadcast_in_dim3A_855 : vector<16xf32>
        %add3A_876 = arith.addf %add3A_846, %mul3A_875 : vector<16xf32>
        %get3A_877 = arith.index_cast %add3A_858 : i32 to index
        %get3A_878 = arith.constant 48 : index
        %get3A_879 = tpu.vector_load %arg10[%get3A_877, %get3A_878] {strides = array<i32>} : memref<400x64xf32, #tpu.memory_space<vmem>>, vector<1x16xf32>,
        %get3A_880 = vector.shape_cast %get3A_879 : vector<1x16xf32> to vector<16xf32>
        %mul3A_881 = arith.mulf %get3A_880, %broadcast_in_dim3A_855 : vector<16xf32>
        %add3A_882 = arith.addf %add3A_852, %mul3A_881 : vector<16xf32>
        %slice3A_883 = vector.extract_strided_slice %get3A_531 {offsets = [11], sizes = [1], strides = [1]} : vector<16xf32> to vector<1xf32>
        %squeeze3A_884 = vector.extract %slice3A_883[0] : f32 from vector<1xf32>
        %broadcast_in_dim3A_885 = vector.broadcast %squeeze3A_884 : f32 to vector<16xf32>
        %add3A_886 = arith.addf %add3A_856, %broadcast_in_dim3A_885 : vector<16xf32>
        %add3A_887 = arith.constant 11 : i32
        %add3A_888 = arith.addi %mul3A_554, %add3A_887 : i32
        %get3A_889 = arith.index_cast %add3A_888 : i32 to index
        %get3A_890 = arith.constant 0 : index
        %get3A_891 = tpu.vector_load %arg10[%get3A_889, %get3A_890] {strides = array<i32>} : memref<400x64xf32, #tpu.memory_space<vmem>>, vector<1x16xf32>,
        %get3A_892 = vector.shape_cast %get3A_891 : vector<1x16xf32> to vector<16xf32>
        %mul3A_893 = arith.mulf %get3A_892, %broadcast_in_dim3A_885 : vector<16xf32>
        %add3A_894 = arith.addf %add3A_864, %mul3A_893 : vector<16xf32>
        %get3A_895 = arith.index_cast %add3A_888 : i32 to index
        %get3A_896 = arith.constant 16 : index
        %get3A_897 = tpu.vector_load %arg10[%get3A_895, %get3A_896] {strides = array<i32>} : memref<400x64xf32, #tpu.memory_space<vmem>>, vector<1x16xf32>,
        %get3A_898 = vector.shape_cast %get3A_897 : vector<1x16xf32> to vector<16xf32>
        %mul3A_899 = arith.mulf %get3A_898, %broadcast_in_dim3A_885 : vector<16xf32>
        %add3A_900 = arith.addf %add3A_870, %mul3A_899 : vector<16xf32>
        %get3A_901 = arith.index_cast %add3A_888 : i32 to index
        %get3A_902 = arith.constant 32 : index
        %get3A_903 = tpu.vector_load %arg10[%get3A_901, %get3A_902] {strides = array<i32>} : memref<400x64xf32, #tpu.memory_space<vmem>>, vector<1x16xf32>,
        %get3A_904 = vector.shape_cast %get3A_903 : vector<1x16xf32> to vector<16xf32>
        %mul3A_905 = arith.mulf %get3A_904, %broadcast_in_dim3A_885 : vector<16xf32>
        %add3A_906 = arith.addf %add3A_876, %mul3A_905 : vector<16xf32>
        %get3A_907 = arith.index_cast %add3A_888 : i32 to index
        %get3A_908 = arith.constant 48 : index
        %get3A_909 = tpu.vector_load %arg10[%get3A_907, %get3A_908] {strides = array<i32>} : memref<400x64xf32, #tpu.memory_space<vmem>>, vector<1x16xf32>,
        %get3A_910 = vector.shape_cast %get3A_909 : vector<1x16xf32> to vector<16xf32>
        %mul3A_911 = arith.mulf %get3A_910, %broadcast_in_dim3A_885 : vector<16xf32>
        %add3A_912 = arith.addf %add3A_882, %mul3A_911 : vector<16xf32>
        %slice3A_913 = vector.extract_strided_slice %get3A_531 {offsets = [12], sizes = [1], strides = [1]} : vector<16xf32> to vector<1xf32>
        %squeeze3A_914 = vector.extract %slice3A_913[0] : f32 from vector<1xf32>
        %broadcast_in_dim3A_915 = vector.broadcast %squeeze3A_914 : f32 to vector<16xf32>
        %add3A_916 = arith.addf %add3A_886, %broadcast_in_dim3A_915 : vector<16xf32>
        %add3A_917 = arith.constant 12 : i32
        %add3A_918 = arith.addi %mul3A_554, %add3A_917 : i32
        %get3A_919 = arith.index_cast %add3A_918 : i32 to index
        %get3A_920 = arith.constant 0 : index
        %get3A_921 = tpu.vector_load %arg10[%get3A_919, %get3A_920] {strides = array<i32>} : memref<400x64xf32, #tpu.memory_space<vmem>>, vector<1x16xf32>,
        %get3A_922 = vector.shape_cast %get3A_921 : vector<1x16xf32> to vector<16xf32>
        %mul3A_923 = arith.mulf %get3A_922, %broadcast_in_dim3A_915 : vector<16xf32>
        %add3A_924 = arith.addf %add3A_894, %mul3A_923 : vector<16xf32>
        %get3A_925 = arith.index_cast %add3A_918 : i32 to index
        %get3A_926 = arith.constant 16 : index
        %get3A_927 = tpu.vector_load %arg10[%get3A_925, %get3A_926] {strides = array<i32>} : memref<400x64xf32, #tpu.memory_space<vmem>>, vector<1x16xf32>,
        %get3A_928 = vector.shape_cast %get3A_927 : vector<1x16xf32> to vector<16xf32>
        %mul3A_929 = arith.mulf %get3A_928, %broadcast_in_dim3A_915 : vector<16xf32>
        %add3A_930 = arith.addf %add3A_900, %mul3A_929 : vector<16xf32>
        %get3A_931 = arith.index_cast %add3A_918 : i32 to index
        %get3A_932 = arith.constant 32 : index
        %get3A_933 = tpu.vector_load %arg10[%get3A_931, %get3A_932] {strides = array<i32>} : memref<400x64xf32, #tpu.memory_space<vmem>>, vector<1x16xf32>,
        %get3A_934 = vector.shape_cast %get3A_933 : vector<1x16xf32> to vector<16xf32>
        %mul3A_935 = arith.mulf %get3A_934, %broadcast_in_dim3A_915 : vector<16xf32>
        %add3A_936 = arith.addf %add3A_906, %mul3A_935 : vector<16xf32>
        %get3A_937 = arith.index_cast %add3A_918 : i32 to index
        %get3A_938 = arith.constant 48 : index
        %get3A_939 = tpu.vector_load %arg10[%get3A_937, %get3A_938] {strides = array<i32>} : memref<400x64xf32, #tpu.memory_space<vmem>>, vector<1x16xf32>,
        %get3A_940 = vector.shape_cast %get3A_939 : vector<1x16xf32> to vector<16xf32>
        %mul3A_941 = arith.mulf %get3A_940, %broadcast_in_dim3A_915 : vector<16xf32>
        %add3A_942 = arith.addf %add3A_912, %mul3A_941 : vector<16xf32>
        %slice3A_943 = vector.extract_strided_slice %get3A_531 {offsets = [13], sizes = [1], strides = [1]} : vector<16xf32> to vector<1xf32>
        %squeeze3A_944 = vector.extract %slice3A_943[0] : f32 from vector<1xf32>
        %broadcast_in_dim3A_945 = vector.broadcast %squeeze3A_944 : f32 to vector<16xf32>
        %add3A_946 = arith.addf %add3A_916, %broadcast_in_dim3A_945 : vector<16xf32>
        %add3A_947 = arith.constant 13 : i32
        %add3A_948 = arith.addi %mul3A_554, %add3A_947 : i32
        %get3A_949 = arith.index_cast %add3A_948 : i32 to index
        %get3A_950 = arith.constant 0 : index
        %get3A_951 = tpu.vector_load %arg10[%get3A_949, %get3A_950] {strides = array<i32>} : memref<400x64xf32, #tpu.memory_space<vmem>>, vector<1x16xf32>,
        %get3A_952 = vector.shape_cast %get3A_951 : vector<1x16xf32> to vector<16xf32>
        %mul3A_953 = arith.mulf %get3A_952, %broadcast_in_dim3A_945 : vector<16xf32>
        %add3A_954 = arith.addf %add3A_924, %mul3A_953 : vector<16xf32>
        %get3A_955 = arith.index_cast %add3A_948 : i32 to index
        %get3A_956 = arith.constant 16 : index
        %get3A_957 = tpu.vector_load %arg10[%get3A_955, %get3A_956] {strides = array<i32>} : memref<400x64xf32, #tpu.memory_space<vmem>>, vector<1x16xf32>,
        %get3A_958 = vector.shape_cast %get3A_957 : vector<1x16xf32> to vector<16xf32>
        %mul3A_959 = arith.mulf %get3A_958, %broadcast_in_dim3A_945 : vector<16xf32>
        %add3A_960 = arith.addf %add3A_930, %mul3A_959 : vector<16xf32>
        %get3A_961 = arith.index_cast %add3A_948 : i32 to index
        %get3A_962 = arith.constant 32 : index
        %get3A_963 = tpu.vector_load %arg10[%get3A_961, %get3A_962] {strides = array<i32>} : memref<400x64xf32, #tpu.memory_space<vmem>>, vector<1x16xf32>,
        %get3A_964 = vector.shape_cast %get3A_963 : vector<1x16xf32> to vector<16xf32>
        %mul3A_965 = arith.mulf %get3A_964, %broadcast_in_dim3A_945 : vector<16xf32>
        %add3A_966 = arith.addf %add3A_936, %mul3A_965 : vector<16xf32>
        %get3A_967 = arith.index_cast %add3A_948 : i32 to index
        %get3A_968 = arith.constant 48 : index
        %get3A_969 = tpu.vector_load %arg10[%get3A_967, %get3A_968] {strides = array<i32>} : memref<400x64xf32, #tpu.memory_space<vmem>>, vector<1x16xf32>,
        %get3A_970 = vector.shape_cast %get3A_969 : vector<1x16xf32> to vector<16xf32>
        %mul3A_971 = arith.mulf %get3A_970, %broadcast_in_dim3A_945 : vector<16xf32>
        %add3A_972 = arith.addf %add3A_942, %mul3A_971 : vector<16xf32>
        %slice3A_973 = vector.extract_strided_slice %get3A_531 {offsets = [14], sizes = [1], strides = [1]} : vector<16xf32> to vector<1xf32>
        %squeeze3A_974 = vector.extract %slice3A_973[0] : f32 from vector<1xf32>
        %broadcast_in_dim3A_975 = vector.broadcast %squeeze3A_974 : f32 to vector<16xf32>
        %add3A_976 = arith.addf %add3A_946, %broadcast_in_dim3A_975 : vector<16xf32>
        %add3A_977 = arith.constant 14 : i32
        %add3A_978 = arith.addi %mul3A_554, %add3A_977 : i32
        %get3A_979 = arith.index_cast %add3A_978 : i32 to index
        %get3A_980 = arith.constant 0 : index
        %get3A_981 = tpu.vector_load %arg10[%get3A_979, %get3A_980] {strides = array<i32>} : memref<400x64xf32, #tpu.memory_space<vmem>>, vector<1x16xf32>,
        %get3A_982 = vector.shape_cast %get3A_981 : vector<1x16xf32> to vector<16xf32>
        %mul3A_983 = arith.mulf %get3A_982, %broadcast_in_dim3A_975 : vector<16xf32>
        %add3A_984 = arith.addf %add3A_954, %mul3A_983 : vector<16xf32>
        %get3A_985 = arith.index_cast %add3A_978 : i32 to index
        %get3A_986 = arith.constant 16 : index
        %get3A_987 = tpu.vector_load %arg10[%get3A_985, %get3A_986] {strides = array<i32>} : memref<400x64xf32, #tpu.memory_space<vmem>>, vector<1x16xf32>,
        %get3A_988 = vector.shape_cast %get3A_987 : vector<1x16xf32> to vector<16xf32>
        %mul3A_989 = arith.mulf %get3A_988, %broadcast_in_dim3A_975 : vector<16xf32>
        %add3A_990 = arith.addf %add3A_960, %mul3A_989 : vector<16xf32>
        %get3A_991 = arith.index_cast %add3A_978 : i32 to index
        %get3A_992 = arith.constant 32 : index
        %get3A_993 = tpu.vector_load %arg10[%get3A_991, %get3A_992] {strides = array<i32>} : memref<400x64xf32, #tpu.memory_space<vmem>>, vector<1x16xf32>,
        %get3A_994 = vector.shape_cast %get3A_993 : vector<1x16xf32> to vector<16xf32>
        %mul3A_995 = arith.mulf %get3A_994, %broadcast_in_dim3A_975 : vector<16xf32>
        %add3A_996 = arith.addf %add3A_966, %mul3A_995 : vector<16xf32>
        %get3A_997 = arith.index_cast %add3A_978 : i32 to index
        %get3A_998 = arith.constant 48 : index
        %get3A_999 = tpu.vector_load %arg10[%get3A_997, %get3A_998] {strides = array<i32>} : memref<400x64xf32, #tpu.memory_space<vmem>>, vector<1x16xf32>,
        %get3A_1000 = vector.shape_cast %get3A_999 : vector<1x16xf32> to vector<16xf32>
        %mul3A_1001 = arith.mulf %get3A_1000, %broadcast_in_dim3A_975 : vector<16xf32>
        %add3A_1002 = arith.addf %add3A_972, %mul3A_1001 : vector<16xf32>
        %slice3A_1003 = vector.extract_strided_slice %get3A_531 {offsets = [15], sizes = [1], strides = [1]} : vector<16xf32> to vector<1xf32>
        %squeeze3A_1004 = vector.extract %slice3A_1003[0] : f32 from vector<1xf32>
        %broadcast_in_dim3A_1005 = vector.broadcast %squeeze3A_1004 : f32 to vector<16xf32>
        %add3A_1006 = arith.addf %add3A_976, %broadcast_in_dim3A_1005 : vector<16xf32>
        %add3A_1007 = arith.constant 15 : i32
        %add3A_1008 = arith.addi %mul3A_554, %add3A_1007 : i32
        %get3A_1009 = arith.index_cast %add3A_1008 : i32 to index
        %get3A_1010 = arith.constant 0 : index
        %get3A_1011 = tpu.vector_load %arg10[%get3A_1009, %get3A_1010] {strides = array<i32>} : memref<400x64xf32, #tpu.memory_space<vmem>>, vector<1x16xf32>,
        %get3A_1012 = vector.shape_cast %get3A_1011 : vector<1x16xf32> to vector<16xf32>
        %mul3A_1013 = arith.mulf %get3A_1012, %broadcast_in_dim3A_1005 : vector<16xf32>
        %add3A_1014 = arith.addf %add3A_984, %mul3A_1013 : vector<16xf32>
        %get3A_1015 = arith.index_cast %add3A_1008 : i32 to index
        %get3A_1016 = arith.constant 16 : index
        %get3A_1017 = tpu.vector_load %arg10[%get3A_1015, %get3A_1016] {strides = array<i32>} : memref<400x64xf32, #tpu.memory_space<vmem>>, vector<1x16xf32>,
        %get3A_1018 = vector.shape_cast %get3A_1017 : vector<1x16xf32> to vector<16xf32>
        %mul3A_1019 = arith.mulf %get3A_1018, %broadcast_in_dim3A_1005 : vector<16xf32>
        %add3A_1020 = arith.addf %add3A_990, %mul3A_1019 : vector<16xf32>
        %get3A_1021 = arith.index_cast %add3A_1008 : i32 to index
        %get3A_1022 = arith.constant 32 : index
        %get3A_1023 = tpu.vector_load %arg10[%get3A_1021, %get3A_1022] {strides = array<i32>} : memref<400x64xf32, #tpu.memory_space<vmem>>, vector<1x16xf32>,
        %get3A_1024 = vector.shape_cast %get3A_1023 : vector<1x16xf32> to vector<16xf32>
        %mul3A_1025 = arith.mulf %get3A_1024, %broadcast_in_dim3A_1005 : vector<16xf32>
        %add3A_1026 = arith.addf %add3A_996, %mul3A_1025 : vector<16xf32>
        %get3A_1027 = arith.index_cast %add3A_1008 : i32 to index
        %get3A_1028 = arith.constant 48 : index
        %get3A_1029 = tpu.vector_load %arg10[%get3A_1027, %get3A_1028] {strides = array<i32>} : memref<400x64xf32, #tpu.memory_space<vmem>>, vector<1x16xf32>,
        %get3A_1030 = vector.shape_cast %get3A_1029 : vector<1x16xf32> to vector<16xf32>
        %mul3A_1031 = arith.mulf %get3A_1030, %broadcast_in_dim3A_1005 : vector<16xf32>
        %add3A_1032 = arith.addf %add3A_1002, %mul3A_1031 : vector<16xf32>
        %slice3A_1033 = vector.extract_strided_slice %get3A_535 {offsets = [0], sizes = [1], strides = [1]} : vector<16xf32> to vector<1xf32>
        %squeeze3A_1034 = vector.extract %slice3A_1033[0] : f32 from vector<1xf32>
        %broadcast_in_dim3A_1035 = vector.broadcast %squeeze3A_1034 : f32 to vector<16xf32>
        %add3A_1036 = arith.addf %add3A_1006, %broadcast_in_dim3A_1035 : vector<16xf32>
        %add3A_1037 = arith.constant 16 : i32
        %add3A_1038 = arith.addi %mul3A_554, %add3A_1037 : i32
        %get3A_1039 = arith.index_cast %add3A_1038 : i32 to index
        %get3A_1040 = arith.constant 0 : index
        %get3A_1041 = tpu.vector_load %arg10[%get3A_1039, %get3A_1040] {strides = array<i32>} : memref<400x64xf32, #tpu.memory_space<vmem>>, vector<1x16xf32>,
        %get3A_1042 = vector.shape_cast %get3A_1041 : vector<1x16xf32> to vector<16xf32>
        %mul3A_1043 = arith.mulf %get3A_1042, %broadcast_in_dim3A_1035 : vector<16xf32>
        %add3A_1044 = arith.addf %add3A_1014, %mul3A_1043 : vector<16xf32>
        %get3A_1045 = arith.index_cast %add3A_1038 : i32 to index
        %get3A_1046 = arith.constant 16 : index
        %get3A_1047 = tpu.vector_load %arg10[%get3A_1045, %get3A_1046] {strides = array<i32>} : memref<400x64xf32, #tpu.memory_space<vmem>>, vector<1x16xf32>,
        %get3A_1048 = vector.shape_cast %get3A_1047 : vector<1x16xf32> to vector<16xf32>
        %mul3A_1049 = arith.mulf %get3A_1048, %broadcast_in_dim3A_1035 : vector<16xf32>
        %add3A_1050 = arith.addf %add3A_1020, %mul3A_1049 : vector<16xf32>
        %get3A_1051 = arith.index_cast %add3A_1038 : i32 to index
        %get3A_1052 = arith.constant 32 : index
        %get3A_1053 = tpu.vector_load %arg10[%get3A_1051, %get3A_1052] {strides = array<i32>} : memref<400x64xf32, #tpu.memory_space<vmem>>, vector<1x16xf32>,
        %get3A_1054 = vector.shape_cast %get3A_1053 : vector<1x16xf32> to vector<16xf32>
        %mul3A_1055 = arith.mulf %get3A_1054, %broadcast_in_dim3A_1035 : vector<16xf32>
        %add3A_1056 = arith.addf %add3A_1026, %mul3A_1055 : vector<16xf32>
        %get3A_1057 = arith.index_cast %add3A_1038 : i32 to index
        %get3A_1058 = arith.constant 48 : index
        %get3A_1059 = tpu.vector_load %arg10[%get3A_1057, %get3A_1058] {strides = array<i32>} : memref<400x64xf32, #tpu.memory_space<vmem>>, vector<1x16xf32>,
        %get3A_1060 = vector.shape_cast %get3A_1059 : vector<1x16xf32> to vector<16xf32>
        %mul3A_1061 = arith.mulf %get3A_1060, %broadcast_in_dim3A_1035 : vector<16xf32>
        %add3A_1062 = arith.addf %add3A_1032, %mul3A_1061 : vector<16xf32>
        %slice3A_1063 = vector.extract_strided_slice %get3A_535 {offsets = [1], sizes = [1], strides = [1]} : vector<16xf32> to vector<1xf32>
        %squeeze3A_1064 = vector.extract %slice3A_1063[0] : f32 from vector<1xf32>
        %broadcast_in_dim3A_1065 = vector.broadcast %squeeze3A_1064 : f32 to vector<16xf32>
        %add3A_1066 = arith.addf %add3A_1036, %broadcast_in_dim3A_1065 : vector<16xf32>
        %add3A_1067 = arith.constant 17 : i32
        %add3A_1068 = arith.addi %mul3A_554, %add3A_1067 : i32
        %get3A_1069 = arith.index_cast %add3A_1068 : i32 to index
        %get3A_1070 = arith.constant 0 : index
        %get3A_1071 = tpu.vector_load %arg10[%get3A_1069, %get3A_1070] {strides = array<i32>} : memref<400x64xf32, #tpu.memory_space<vmem>>, vector<1x16xf32>,
        %get3A_1072 = vector.shape_cast %get3A_1071 : vector<1x16xf32> to vector<16xf32>
        %mul3A_1073 = arith.mulf %get3A_1072, %broadcast_in_dim3A_1065 : vector<16xf32>
        %add3A_1074 = arith.addf %add3A_1044, %mul3A_1073 : vector<16xf32>
        %get3A_1075 = arith.index_cast %add3A_1068 : i32 to index
        %get3A_1076 = arith.constant 16 : index
        %get3A_1077 = tpu.vector_load %arg10[%get3A_1075, %get3A_1076] {strides = array<i32>} : memref<400x64xf32, #tpu.memory_space<vmem>>, vector<1x16xf32>,
        %get3A_1078 = vector.shape_cast %get3A_1077 : vector<1x16xf32> to vector<16xf32>
        %mul3A_1079 = arith.mulf %get3A_1078, %broadcast_in_dim3A_1065 : vector<16xf32>
        %add3A_1080 = arith.addf %add3A_1050, %mul3A_1079 : vector<16xf32>
        %get3A_1081 = arith.index_cast %add3A_1068 : i32 to index
        %get3A_1082 = arith.constant 32 : index
        %get3A_1083 = tpu.vector_load %arg10[%get3A_1081, %get3A_1082] {strides = array<i32>} : memref<400x64xf32, #tpu.memory_space<vmem>>, vector<1x16xf32>,
        %get3A_1084 = vector.shape_cast %get3A_1083 : vector<1x16xf32> to vector<16xf32>
        %mul3A_1085 = arith.mulf %get3A_1084, %broadcast_in_dim3A_1065 : vector<16xf32>
        %add3A_1086 = arith.addf %add3A_1056, %mul3A_1085 : vector<16xf32>
        %get3A_1087 = arith.index_cast %add3A_1068 : i32 to index
        %get3A_1088 = arith.constant 48 : index
        %get3A_1089 = tpu.vector_load %arg10[%get3A_1087, %get3A_1088] {strides = array<i32>} : memref<400x64xf32, #tpu.memory_space<vmem>>, vector<1x16xf32>,
        %get3A_1090 = vector.shape_cast %get3A_1089 : vector<1x16xf32> to vector<16xf32>
        %mul3A_1091 = arith.mulf %get3A_1090, %broadcast_in_dim3A_1065 : vector<16xf32>
        %add3A_1092 = arith.addf %add3A_1062, %mul3A_1091 : vector<16xf32>
        %slice3A_1093 = vector.extract_strided_slice %get3A_535 {offsets = [2], sizes = [1], strides = [1]} : vector<16xf32> to vector<1xf32>
        %squeeze3A_1094 = vector.extract %slice3A_1093[0] : f32 from vector<1xf32>
        %broadcast_in_dim3A_1095 = vector.broadcast %squeeze3A_1094 : f32 to vector<16xf32>
        %add3A_1096 = arith.addf %add3A_1066, %broadcast_in_dim3A_1095 : vector<16xf32>
        %add3A_1097 = arith.constant 18 : i32
        %add3A_1098 = arith.addi %mul3A_554, %add3A_1097 : i32
        %get3A_1099 = arith.index_cast %add3A_1098 : i32 to index
        %get3A_1100 = arith.constant 0 : index
        %get3A_1101 = tpu.vector_load %arg10[%get3A_1099, %get3A_1100] {strides = array<i32>} : memref<400x64xf32, #tpu.memory_space<vmem>>, vector<1x16xf32>,
        %get3A_1102 = vector.shape_cast %get3A_1101 : vector<1x16xf32> to vector<16xf32>
        %mul3A_1103 = arith.mulf %get3A_1102, %broadcast_in_dim3A_1095 : vector<16xf32>
        %add3A_1104 = arith.addf %add3A_1074, %mul3A_1103 : vector<16xf32>
        %get3A_1105 = arith.index_cast %add3A_1098 : i32 to index
        %get3A_1106 = arith.constant 16 : index
        %get3A_1107 = tpu.vector_load %arg10[%get3A_1105, %get3A_1106] {strides = array<i32>} : memref<400x64xf32, #tpu.memory_space<vmem>>, vector<1x16xf32>,
        %get3A_1108 = vector.shape_cast %get3A_1107 : vector<1x16xf32> to vector<16xf32>
        %mul3A_1109 = arith.mulf %get3A_1108, %broadcast_in_dim3A_1095 : vector<16xf32>
        %add3A_1110 = arith.addf %add3A_1080, %mul3A_1109 : vector<16xf32>
        %get3A_1111 = arith.index_cast %add3A_1098 : i32 to index
        %get3A_1112 = arith.constant 32 : index
        %get3A_1113 = tpu.vector_load %arg10[%get3A_1111, %get3A_1112] {strides = array<i32>} : memref<400x64xf32, #tpu.memory_space<vmem>>, vector<1x16xf32>,
        %get3A_1114 = vector.shape_cast %get3A_1113 : vector<1x16xf32> to vector<16xf32>
        %mul3A_1115 = arith.mulf %get3A_1114, %broadcast_in_dim3A_1095 : vector<16xf32>
        %add3A_1116 = arith.addf %add3A_1086, %mul3A_1115 : vector<16xf32>
        %get3A_1117 = arith.index_cast %add3A_1098 : i32 to index
        %get3A_1118 = arith.constant 48 : index
        %get3A_1119 = tpu.vector_load %arg10[%get3A_1117, %get3A_1118] {strides = array<i32>} : memref<400x64xf32, #tpu.memory_space<vmem>>, vector<1x16xf32>,
        %get3A_1120 = vector.shape_cast %get3A_1119 : vector<1x16xf32> to vector<16xf32>
        %mul3A_1121 = arith.mulf %get3A_1120, %broadcast_in_dim3A_1095 : vector<16xf32>
        %add3A_1122 = arith.addf %add3A_1092, %mul3A_1121 : vector<16xf32>
        %slice3A_1123 = vector.extract_strided_slice %get3A_535 {offsets = [3], sizes = [1], strides = [1]} : vector<16xf32> to vector<1xf32>
        %squeeze3A_1124 = vector.extract %slice3A_1123[0] : f32 from vector<1xf32>
        %broadcast_in_dim3A_1125 = vector.broadcast %squeeze3A_1124 : f32 to vector<16xf32>
        %add3A_1126 = arith.addf %add3A_1096, %broadcast_in_dim3A_1125 : vector<16xf32>
        %add3A_1127 = arith.constant 19 : i32
        %add3A_1128 = arith.addi %mul3A_554, %add3A_1127 : i32
        %get3A_1129 = arith.index_cast %add3A_1128 : i32 to index
        %get3A_1130 = arith.constant 0 : index
        %get3A_1131 = tpu.vector_load %arg10[%get3A_1129, %get3A_1130] {strides = array<i32>} : memref<400x64xf32, #tpu.memory_space<vmem>>, vector<1x16xf32>,
        %get3A_1132 = vector.shape_cast %get3A_1131 : vector<1x16xf32> to vector<16xf32>
        %mul3A_1133 = arith.mulf %get3A_1132, %broadcast_in_dim3A_1125 : vector<16xf32>
        %add3A_1134 = arith.addf %add3A_1104, %mul3A_1133 : vector<16xf32>
        %get3A_1135 = arith.index_cast %add3A_1128 : i32 to index
        %get3A_1136 = arith.constant 16 : index
        %get3A_1137 = tpu.vector_load %arg10[%get3A_1135, %get3A_1136] {strides = array<i32>} : memref<400x64xf32, #tpu.memory_space<vmem>>, vector<1x16xf32>,
        %get3A_1138 = vector.shape_cast %get3A_1137 : vector<1x16xf32> to vector<16xf32>
        %mul3A_1139 = arith.mulf %get3A_1138, %broadcast_in_dim3A_1125 : vector<16xf32>
        %add3A_1140 = arith.addf %add3A_1110, %mul3A_1139 : vector<16xf32>
        %get3A_1141 = arith.index_cast %add3A_1128 : i32 to index
        %get3A_1142 = arith.constant 32 : index
        %get3A_1143 = tpu.vector_load %arg10[%get3A_1141, %get3A_1142] {strides = array<i32>} : memref<400x64xf32, #tpu.memory_space<vmem>>, vector<1x16xf32>,
        %get3A_1144 = vector.shape_cast %get3A_1143 : vector<1x16xf32> to vector<16xf32>
        %mul3A_1145 = arith.mulf %get3A_1144, %broadcast_in_dim3A_1125 : vector<16xf32>
        %add3A_1146 = arith.addf %add3A_1116, %mul3A_1145 : vector<16xf32>
        %get3A_1147 = arith.index_cast %add3A_1128 : i32 to index
        %get3A_1148 = arith.constant 48 : index
        %get3A_1149 = tpu.vector_load %arg10[%get3A_1147, %get3A_1148] {strides = array<i32>} : memref<400x64xf32, #tpu.memory_space<vmem>>, vector<1x16xf32>,
        %get3A_1150 = vector.shape_cast %get3A_1149 : vector<1x16xf32> to vector<16xf32>
        %mul3A_1151 = arith.mulf %get3A_1150, %broadcast_in_dim3A_1125 : vector<16xf32>
        %add3A_1152 = arith.addf %add3A_1122, %mul3A_1151 : vector<16xf32>
        %slice3A_1153 = vector.extract_strided_slice %get3A_535 {offsets = [4], sizes = [1], strides = [1]} : vector<16xf32> to vector<1xf32>
        %squeeze3A_1154 = vector.extract %slice3A_1153[0] : f32 from vector<1xf32>
        %broadcast_in_dim3A_1155 = vector.broadcast %squeeze3A_1154 : f32 to vector<16xf32>
        %add3A_1156 = arith.addf %add3A_1126, %broadcast_in_dim3A_1155 : vector<16xf32>
        %add3A_1157 = arith.constant 20 : i32
        %add3A_1158 = arith.addi %mul3A_554, %add3A_1157 : i32
        %get3A_1159 = arith.index_cast %add3A_1158 : i32 to index
        %get3A_1160 = arith.constant 0 : index
        %get3A_1161 = tpu.vector_load %arg10[%get3A_1159, %get3A_1160] {strides = array<i32>} : memref<400x64xf32, #tpu.memory_space<vmem>>, vector<1x16xf32>,
        %get3A_1162 = vector.shape_cast %get3A_1161 : vector<1x16xf32> to vector<16xf32>
        %mul3A_1163 = arith.mulf %get3A_1162, %broadcast_in_dim3A_1155 : vector<16xf32>
        %add3A_1164 = arith.addf %add3A_1134, %mul3A_1163 : vector<16xf32>
        %get3A_1165 = arith.index_cast %add3A_1158 : i32 to index
        %get3A_1166 = arith.constant 16 : index
        %get3A_1167 = tpu.vector_load %arg10[%get3A_1165, %get3A_1166] {strides = array<i32>} : memref<400x64xf32, #tpu.memory_space<vmem>>, vector<1x16xf32>,
        %get3A_1168 = vector.shape_cast %get3A_1167 : vector<1x16xf32> to vector<16xf32>
        %mul3A_1169 = arith.mulf %get3A_1168, %broadcast_in_dim3A_1155 : vector<16xf32>
        %add3A_1170 = arith.addf %add3A_1140, %mul3A_1169 : vector<16xf32>
        %get3A_1171 = arith.index_cast %add3A_1158 : i32 to index
        %get3A_1172 = arith.constant 32 : index
        %get3A_1173 = tpu.vector_load %arg10[%get3A_1171, %get3A_1172] {strides = array<i32>} : memref<400x64xf32, #tpu.memory_space<vmem>>, vector<1x16xf32>,
        %get3A_1174 = vector.shape_cast %get3A_1173 : vector<1x16xf32> to vector<16xf32>
        %mul3A_1175 = arith.mulf %get3A_1174, %broadcast_in_dim3A_1155 : vector<16xf32>
        %add3A_1176 = arith.addf %add3A_1146, %mul3A_1175 : vector<16xf32>
        %get3A_1177 = arith.index_cast %add3A_1158 : i32 to index
        %get3A_1178 = arith.constant 48 : index
        %get3A_1179 = tpu.vector_load %arg10[%get3A_1177, %get3A_1178] {strides = array<i32>} : memref<400x64xf32, #tpu.memory_space<vmem>>, vector<1x16xf32>,
        %get3A_1180 = vector.shape_cast %get3A_1179 : vector<1x16xf32> to vector<16xf32>
        %mul3A_1181 = arith.mulf %get3A_1180, %broadcast_in_dim3A_1155 : vector<16xf32>
        %add3A_1182 = arith.addf %add3A_1152, %mul3A_1181 : vector<16xf32>
        %slice3A_1183 = vector.extract_strided_slice %get3A_535 {offsets = [5], sizes = [1], strides = [1]} : vector<16xf32> to vector<1xf32>
        %squeeze3A_1184 = vector.extract %slice3A_1183[0] : f32 from vector<1xf32>
        %broadcast_in_dim3A_1185 = vector.broadcast %squeeze3A_1184 : f32 to vector<16xf32>
        %add3A_1186 = arith.addf %add3A_1156, %broadcast_in_dim3A_1185 : vector<16xf32>
        %add3A_1187 = arith.constant 21 : i32
        %add3A_1188 = arith.addi %mul3A_554, %add3A_1187 : i32
        %get3A_1189 = arith.index_cast %add3A_1188 : i32 to index
        %get3A_1190 = arith.constant 0 : index
        %get3A_1191 = tpu.vector_load %arg10[%get3A_1189, %get3A_1190] {strides = array<i32>} : memref<400x64xf32, #tpu.memory_space<vmem>>, vector<1x16xf32>,
        %get3A_1192 = vector.shape_cast %get3A_1191 : vector<1x16xf32> to vector<16xf32>
        %mul3A_1193 = arith.mulf %get3A_1192, %broadcast_in_dim3A_1185 : vector<16xf32>
        %add3A_1194 = arith.addf %add3A_1164, %mul3A_1193 : vector<16xf32>
        %get3A_1195 = arith.index_cast %add3A_1188 : i32 to index
        %get3A_1196 = arith.constant 16 : index
        %get3A_1197 = tpu.vector_load %arg10[%get3A_1195, %get3A_1196] {strides = array<i32>} : memref<400x64xf32, #tpu.memory_space<vmem>>, vector<1x16xf32>,
        %get3A_1198 = vector.shape_cast %get3A_1197 : vector<1x16xf32> to vector<16xf32>
        %mul3A_1199 = arith.mulf %get3A_1198, %broadcast_in_dim3A_1185 : vector<16xf32>
        %add3A_1200 = arith.addf %add3A_1170, %mul3A_1199 : vector<16xf32>
        %get3A_1201 = arith.index_cast %add3A_1188 : i32 to index
        %get3A_1202 = arith.constant 32 : index
        %get3A_1203 = tpu.vector_load %arg10[%get3A_1201, %get3A_1202] {strides = array<i32>} : memref<400x64xf32, #tpu.memory_space<vmem>>, vector<1x16xf32>,
        %get3A_1204 = vector.shape_cast %get3A_1203 : vector<1x16xf32> to vector<16xf32>
        %mul3A_1205 = arith.mulf %get3A_1204, %broadcast_in_dim3A_1185 : vector<16xf32>
        %add3A_1206 = arith.addf %add3A_1176, %mul3A_1205 : vector<16xf32>
        %get3A_1207 = arith.index_cast %add3A_1188 : i32 to index
        %get3A_1208 = arith.constant 48 : index
        %get3A_1209 = tpu.vector_load %arg10[%get3A_1207, %get3A_1208] {strides = array<i32>} : memref<400x64xf32, #tpu.memory_space<vmem>>, vector<1x16xf32>,
        %get3A_1210 = vector.shape_cast %get3A_1209 : vector<1x16xf32> to vector<16xf32>
        %mul3A_1211 = arith.mulf %get3A_1210, %broadcast_in_dim3A_1185 : vector<16xf32>
        %add3A_1212 = arith.addf %add3A_1182, %mul3A_1211 : vector<16xf32>
        %slice3A_1213 = vector.extract_strided_slice %get3A_535 {offsets = [6], sizes = [1], strides = [1]} : vector<16xf32> to vector<1xf32>
        %squeeze3A_1214 = vector.extract %slice3A_1213[0] : f32 from vector<1xf32>
        %broadcast_in_dim3A_1215 = vector.broadcast %squeeze3A_1214 : f32 to vector<16xf32>
        %add3A_1216 = arith.addf %add3A_1186, %broadcast_in_dim3A_1215 : vector<16xf32>
        %add3A_1217 = arith.constant 22 : i32
        %add3A_1218 = arith.addi %mul3A_554, %add3A_1217 : i32
        %get3A_1219 = arith.index_cast %add3A_1218 : i32 to index
        %get3A_1220 = arith.constant 0 : index
        %get3A_1221 = tpu.vector_load %arg10[%get3A_1219, %get3A_1220] {strides = array<i32>} : memref<400x64xf32, #tpu.memory_space<vmem>>, vector<1x16xf32>,
        %get3A_1222 = vector.shape_cast %get3A_1221 : vector<1x16xf32> to vector<16xf32>
        %mul3A_1223 = arith.mulf %get3A_1222, %broadcast_in_dim3A_1215 : vector<16xf32>
        %add3A_1224 = arith.addf %add3A_1194, %mul3A_1223 : vector<16xf32>
        %get3A_1225 = arith.index_cast %add3A_1218 : i32 to index
        %get3A_1226 = arith.constant 16 : index
        %get3A_1227 = tpu.vector_load %arg10[%get3A_1225, %get3A_1226] {strides = array<i32>} : memref<400x64xf32, #tpu.memory_space<vmem>>, vector<1x16xf32>,
        %get3A_1228 = vector.shape_cast %get3A_1227 : vector<1x16xf32> to vector<16xf32>
        %mul3A_1229 = arith.mulf %get3A_1228, %broadcast_in_dim3A_1215 : vector<16xf32>
        %add3A_1230 = arith.addf %add3A_1200, %mul3A_1229 : vector<16xf32>
        %get3A_1231 = arith.index_cast %add3A_1218 : i32 to index
        %get3A_1232 = arith.constant 32 : index
        %get3A_1233 = tpu.vector_load %arg10[%get3A_1231, %get3A_1232] {strides = array<i32>} : memref<400x64xf32, #tpu.memory_space<vmem>>, vector<1x16xf32>,
        %get3A_1234 = vector.shape_cast %get3A_1233 : vector<1x16xf32> to vector<16xf32>
        %mul3A_1235 = arith.mulf %get3A_1234, %broadcast_in_dim3A_1215 : vector<16xf32>
        %add3A_1236 = arith.addf %add3A_1206, %mul3A_1235 : vector<16xf32>
        %get3A_1237 = arith.index_cast %add3A_1218 : i32 to index
        %get3A_1238 = arith.constant 48 : index
        %get3A_1239 = tpu.vector_load %arg10[%get3A_1237, %get3A_1238] {strides = array<i32>} : memref<400x64xf32, #tpu.memory_space<vmem>>, vector<1x16xf32>,
        %get3A_1240 = vector.shape_cast %get3A_1239 : vector<1x16xf32> to vector<16xf32>
        %mul3A_1241 = arith.mulf %get3A_1240, %broadcast_in_dim3A_1215 : vector<16xf32>
        %add3A_1242 = arith.addf %add3A_1212, %mul3A_1241 : vector<16xf32>
        %slice3A_1243 = vector.extract_strided_slice %get3A_535 {offsets = [7], sizes = [1], strides = [1]} : vector<16xf32> to vector<1xf32>
        %squeeze3A_1244 = vector.extract %slice3A_1243[0] : f32 from vector<1xf32>
        %broadcast_in_dim3A_1245 = vector.broadcast %squeeze3A_1244 : f32 to vector<16xf32>
        %add3A_1246 = arith.addf %add3A_1216, %broadcast_in_dim3A_1245 : vector<16xf32>
        %add3A_1247 = arith.constant 23 : i32
        %add3A_1248 = arith.addi %mul3A_554, %add3A_1247 : i32
        %get3A_1249 = arith.index_cast %add3A_1248 : i32 to index
        %get3A_1250 = arith.constant 0 : index
        %get3A_1251 = tpu.vector_load %arg10[%get3A_1249, %get3A_1250] {strides = array<i32>} : memref<400x64xf32, #tpu.memory_space<vmem>>, vector<1x16xf32>,
        %get3A_1252 = vector.shape_cast %get3A_1251 : vector<1x16xf32> to vector<16xf32>
        %mul3A_1253 = arith.mulf %get3A_1252, %broadcast_in_dim3A_1245 : vector<16xf32>
        %add3A_1254 = arith.addf %add3A_1224, %mul3A_1253 : vector<16xf32>
        %get3A_1255 = arith.index_cast %add3A_1248 : i32 to index
        %get3A_1256 = arith.constant 16 : index
        %get3A_1257 = tpu.vector_load %arg10[%get3A_1255, %get3A_1256] {strides = array<i32>} : memref<400x64xf32, #tpu.memory_space<vmem>>, vector<1x16xf32>,
        %get3A_1258 = vector.shape_cast %get3A_1257 : vector<1x16xf32> to vector<16xf32>
        %mul3A_1259 = arith.mulf %get3A_1258, %broadcast_in_dim3A_1245 : vector<16xf32>
        %add3A_1260 = arith.addf %add3A_1230, %mul3A_1259 : vector<16xf32>
        %get3A_1261 = arith.index_cast %add3A_1248 : i32 to index
        %get3A_1262 = arith.constant 32 : index
        %get3A_1263 = tpu.vector_load %arg10[%get3A_1261, %get3A_1262] {strides = array<i32>} : memref<400x64xf32, #tpu.memory_space<vmem>>, vector<1x16xf32>,
        %get3A_1264 = vector.shape_cast %get3A_1263 : vector<1x16xf32> to vector<16xf32>
        %mul3A_1265 = arith.mulf %get3A_1264, %broadcast_in_dim3A_1245 : vector<16xf32>
        %add3A_1266 = arith.addf %add3A_1236, %mul3A_1265 : vector<16xf32>
        %get3A_1267 = arith.index_cast %add3A_1248 : i32 to index
        %get3A_1268 = arith.constant 48 : index
        %get3A_1269 = tpu.vector_load %arg10[%get3A_1267, %get3A_1268] {strides = array<i32>} : memref<400x64xf32, #tpu.memory_space<vmem>>, vector<1x16xf32>,
        %get3A_1270 = vector.shape_cast %get3A_1269 : vector<1x16xf32> to vector<16xf32>
        %mul3A_1271 = arith.mulf %get3A_1270, %broadcast_in_dim3A_1245 : vector<16xf32>
        %add3A_1272 = arith.addf %add3A_1242, %mul3A_1271 : vector<16xf32>
        %slice3A_1273 = vector.extract_strided_slice %get3A_535 {offsets = [8], sizes = [1], strides = [1]} : vector<16xf32> to vector<1xf32>
        %squeeze3A_1274 = vector.extract %slice3A_1273[0] : f32 from vector<1xf32>
        %broadcast_in_dim3A_1275 = vector.broadcast %squeeze3A_1274 : f32 to vector<16xf32>
        %add3A_1276 = arith.addf %add3A_1246, %broadcast_in_dim3A_1275 : vector<16xf32>
        %add3A_1277 = arith.constant 24 : i32
        %add3A_1278 = arith.addi %mul3A_554, %add3A_1277 : i32
        %get3A_1279 = arith.index_cast %add3A_1278 : i32 to index
        %get3A_1280 = arith.constant 0 : index
        %get3A_1281 = tpu.vector_load %arg10[%get3A_1279, %get3A_1280] {strides = array<i32>} : memref<400x64xf32, #tpu.memory_space<vmem>>, vector<1x16xf32>,
        %get3A_1282 = vector.shape_cast %get3A_1281 : vector<1x16xf32> to vector<16xf32>
        %mul3A_1283 = arith.mulf %get3A_1282, %broadcast_in_dim3A_1275 : vector<16xf32>
        %add3A_1284 = arith.addf %add3A_1254, %mul3A_1283 : vector<16xf32>
        %get3A_1285 = arith.index_cast %add3A_1278 : i32 to index
        %get3A_1286 = arith.constant 16 : index
        %get3A_1287 = tpu.vector_load %arg10[%get3A_1285, %get3A_1286] {strides = array<i32>} : memref<400x64xf32, #tpu.memory_space<vmem>>, vector<1x16xf32>,
        %get3A_1288 = vector.shape_cast %get3A_1287 : vector<1x16xf32> to vector<16xf32>
        %mul3A_1289 = arith.mulf %get3A_1288, %broadcast_in_dim3A_1275 : vector<16xf32>
        %add3A_1290 = arith.addf %add3A_1260, %mul3A_1289 : vector<16xf32>
        %get3A_1291 = arith.index_cast %add3A_1278 : i32 to index
        %get3A_1292 = arith.constant 32 : index
        %get3A_1293 = tpu.vector_load %arg10[%get3A_1291, %get3A_1292] {strides = array<i32>} : memref<400x64xf32, #tpu.memory_space<vmem>>, vector<1x16xf32>,
        %get3A_1294 = vector.shape_cast %get3A_1293 : vector<1x16xf32> to vector<16xf32>
        %mul3A_1295 = arith.mulf %get3A_1294, %broadcast_in_dim3A_1275 : vector<16xf32>
        %add3A_1296 = arith.addf %add3A_1266, %mul3A_1295 : vector<16xf32>
        %get3A_1297 = arith.index_cast %add3A_1278 : i32 to index
        %get3A_1298 = arith.constant 48 : index
        %get3A_1299 = tpu.vector_load %arg10[%get3A_1297, %get3A_1298] {strides = array<i32>} : memref<400x64xf32, #tpu.memory_space<vmem>>, vector<1x16xf32>,
        %get3A_1300 = vector.shape_cast %get3A_1299 : vector<1x16xf32> to vector<16xf32>
        %mul3A_1301 = arith.mulf %get3A_1300, %broadcast_in_dim3A_1275 : vector<16xf32>
        %add3A_1302 = arith.addf %add3A_1272, %mul3A_1301 : vector<16xf32>
        %slice3A_1303 = vector.extract_strided_slice %get3A_535 {offsets = [9], sizes = [1], strides = [1]} : vector<16xf32> to vector<1xf32>
        %squeeze3A_1304 = vector.extract %slice3A_1303[0] : f32 from vector<1xf32>
        %broadcast_in_dim3A_1305 = vector.broadcast %squeeze3A_1304 : f32 to vector<16xf32>
        %add3A_1306 = arith.addf %add3A_1276, %broadcast_in_dim3A_1305 : vector<16xf32>
        %add3A_1307 = arith.constant 25 : i32
        %add3A_1308 = arith.addi %mul3A_554, %add3A_1307 : i32
        %get3A_1309 = arith.index_cast %add3A_1308 : i32 to index
        %get3A_1310 = arith.constant 0 : index
        %get3A_1311 = tpu.vector_load %arg10[%get3A_1309, %get3A_1310] {strides = array<i32>} : memref<400x64xf32, #tpu.memory_space<vmem>>, vector<1x16xf32>,
        %get3A_1312 = vector.shape_cast %get3A_1311 : vector<1x16xf32> to vector<16xf32>
        %mul3A_1313 = arith.mulf %get3A_1312, %broadcast_in_dim3A_1305 : vector<16xf32>
        %add3A_1314 = arith.addf %add3A_1284, %mul3A_1313 : vector<16xf32>
        %get3A_1315 = arith.index_cast %add3A_1308 : i32 to index
        %get3A_1316 = arith.constant 16 : index
        %get3A_1317 = tpu.vector_load %arg10[%get3A_1315, %get3A_1316] {strides = array<i32>} : memref<400x64xf32, #tpu.memory_space<vmem>>, vector<1x16xf32>,
        %get3A_1318 = vector.shape_cast %get3A_1317 : vector<1x16xf32> to vector<16xf32>
        %mul3A_1319 = arith.mulf %get3A_1318, %broadcast_in_dim3A_1305 : vector<16xf32>
        %add3A_1320 = arith.addf %add3A_1290, %mul3A_1319 : vector<16xf32>
        %get3A_1321 = arith.index_cast %add3A_1308 : i32 to index
        %get3A_1322 = arith.constant 32 : index
        %get3A_1323 = tpu.vector_load %arg10[%get3A_1321, %get3A_1322] {strides = array<i32>} : memref<400x64xf32, #tpu.memory_space<vmem>>, vector<1x16xf32>,
        %get3A_1324 = vector.shape_cast %get3A_1323 : vector<1x16xf32> to vector<16xf32>
        %mul3A_1325 = arith.mulf %get3A_1324, %broadcast_in_dim3A_1305 : vector<16xf32>
        %add3A_1326 = arith.addf %add3A_1296, %mul3A_1325 : vector<16xf32>
        %get3A_1327 = arith.index_cast %add3A_1308 : i32 to index
        %get3A_1328 = arith.constant 48 : index
        %get3A_1329 = tpu.vector_load %arg10[%get3A_1327, %get3A_1328] {strides = array<i32>} : memref<400x64xf32, #tpu.memory_space<vmem>>, vector<1x16xf32>,
        %get3A_1330 = vector.shape_cast %get3A_1329 : vector<1x16xf32> to vector<16xf32>
        %mul3A_1331 = arith.mulf %get3A_1330, %broadcast_in_dim3A_1305 : vector<16xf32>
        %add3A_1332 = arith.addf %add3A_1302, %mul3A_1331 : vector<16xf32>
        %slice3A_1333 = vector.extract_strided_slice %get3A_535 {offsets = [10], sizes = [1], strides = [1]} : vector<16xf32> to vector<1xf32>
        %squeeze3A_1334 = vector.extract %slice3A_1333[0] : f32 from vector<1xf32>
        %broadcast_in_dim3A_1335 = vector.broadcast %squeeze3A_1334 : f32 to vector<16xf32>
        %add3A_1336 = arith.addf %add3A_1306, %broadcast_in_dim3A_1335 : vector<16xf32>
        %add3A_1337 = arith.constant 26 : i32
        %add3A_1338 = arith.addi %mul3A_554, %add3A_1337 : i32
        %get3A_1339 = arith.index_cast %add3A_1338 : i32 to index
        %get3A_1340 = arith.constant 0 : index
        %get3A_1341 = tpu.vector_load %arg10[%get3A_1339, %get3A_1340] {strides = array<i32>} : memref<400x64xf32, #tpu.memory_space<vmem>>, vector<1x16xf32>,
        %get3A_1342 = vector.shape_cast %get3A_1341 : vector<1x16xf32> to vector<16xf32>
        %mul3A_1343 = arith.mulf %get3A_1342, %broadcast_in_dim3A_1335 : vector<16xf32>
        %add3A_1344 = arith.addf %add3A_1314, %mul3A_1343 : vector<16xf32>
        %get3A_1345 = arith.index_cast %add3A_1338 : i32 to index
        %get3A_1346 = arith.constant 16 : index
        %get3A_1347 = tpu.vector_load %arg10[%get3A_1345, %get3A_1346] {strides = array<i32>} : memref<400x64xf32, #tpu.memory_space<vmem>>, vector<1x16xf32>,
        %get3A_1348 = vector.shape_cast %get3A_1347 : vector<1x16xf32> to vector<16xf32>
        %mul3A_1349 = arith.mulf %get3A_1348, %broadcast_in_dim3A_1335 : vector<16xf32>
        %add3A_1350 = arith.addf %add3A_1320, %mul3A_1349 : vector<16xf32>
        %get3A_1351 = arith.index_cast %add3A_1338 : i32 to index
        %get3A_1352 = arith.constant 32 : index
        %get3A_1353 = tpu.vector_load %arg10[%get3A_1351, %get3A_1352] {strides = array<i32>} : memref<400x64xf32, #tpu.memory_space<vmem>>, vector<1x16xf32>,
        %get3A_1354 = vector.shape_cast %get3A_1353 : vector<1x16xf32> to vector<16xf32>
        %mul3A_1355 = arith.mulf %get3A_1354, %broadcast_in_dim3A_1335 : vector<16xf32>
        %add3A_1356 = arith.addf %add3A_1326, %mul3A_1355 : vector<16xf32>
        %get3A_1357 = arith.index_cast %add3A_1338 : i32 to index
        %get3A_1358 = arith.constant 48 : index
        %get3A_1359 = tpu.vector_load %arg10[%get3A_1357, %get3A_1358] {strides = array<i32>} : memref<400x64xf32, #tpu.memory_space<vmem>>, vector<1x16xf32>,
        %get3A_1360 = vector.shape_cast %get3A_1359 : vector<1x16xf32> to vector<16xf32>
        %mul3A_1361 = arith.mulf %get3A_1360, %broadcast_in_dim3A_1335 : vector<16xf32>
        %add3A_1362 = arith.addf %add3A_1332, %mul3A_1361 : vector<16xf32>
        %slice3A_1363 = vector.extract_strided_slice %get3A_535 {offsets = [11], sizes = [1], strides = [1]} : vector<16xf32> to vector<1xf32>
        %squeeze3A_1364 = vector.extract %slice3A_1363[0] : f32 from vector<1xf32>
        %broadcast_in_dim3A_1365 = vector.broadcast %squeeze3A_1364 : f32 to vector<16xf32>
        %add3A_1366 = arith.addf %add3A_1336, %broadcast_in_dim3A_1365 : vector<16xf32>
        %add3A_1367 = arith.constant 27 : i32
        %add3A_1368 = arith.addi %mul3A_554, %add3A_1367 : i32
        %get3A_1369 = arith.index_cast %add3A_1368 : i32 to index
        %get3A_1370 = arith.constant 0 : index
        %get3A_1371 = tpu.vector_load %arg10[%get3A_1369, %get3A_1370] {strides = array<i32>} : memref<400x64xf32, #tpu.memory_space<vmem>>, vector<1x16xf32>,
        %get3A_1372 = vector.shape_cast %get3A_1371 : vector<1x16xf32> to vector<16xf32>
        %mul3A_1373 = arith.mulf %get3A_1372, %broadcast_in_dim3A_1365 : vector<16xf32>
        %add3A_1374 = arith.addf %add3A_1344, %mul3A_1373 : vector<16xf32>
        %get3A_1375 = arith.index_cast %add3A_1368 : i32 to index
        %get3A_1376 = arith.constant 16 : index
        %get3A_1377 = tpu.vector_load %arg10[%get3A_1375, %get3A_1376] {strides = array<i32>} : memref<400x64xf32, #tpu.memory_space<vmem>>, vector<1x16xf32>,
        %get3A_1378 = vector.shape_cast %get3A_1377 : vector<1x16xf32> to vector<16xf32>
        %mul3A_1379 = arith.mulf %get3A_1378, %broadcast_in_dim3A_1365 : vector<16xf32>
        %add3A_1380 = arith.addf %add3A_1350, %mul3A_1379 : vector<16xf32>
        %get3A_1381 = arith.index_cast %add3A_1368 : i32 to index
        %get3A_1382 = arith.constant 32 : index
        %get3A_1383 = tpu.vector_load %arg10[%get3A_1381, %get3A_1382] {strides = array<i32>} : memref<400x64xf32, #tpu.memory_space<vmem>>, vector<1x16xf32>,
        %get3A_1384 = vector.shape_cast %get3A_1383 : vector<1x16xf32> to vector<16xf32>
        %mul3A_1385 = arith.mulf %get3A_1384, %broadcast_in_dim3A_1365 : vector<16xf32>
        %add3A_1386 = arith.addf %add3A_1356, %mul3A_1385 : vector<16xf32>
        %get3A_1387 = arith.index_cast %add3A_1368 : i32 to index
        %get3A_1388 = arith.constant 48 : index
        %get3A_1389 = tpu.vector_load %arg10[%get3A_1387, %get3A_1388] {strides = array<i32>} : memref<400x64xf32, #tpu.memory_space<vmem>>, vector<1x16xf32>,
        %get3A_1390 = vector.shape_cast %get3A_1389 : vector<1x16xf32> to vector<16xf32>
        %mul3A_1391 = arith.mulf %get3A_1390, %broadcast_in_dim3A_1365 : vector<16xf32>
        %add3A_1392 = arith.addf %add3A_1362, %mul3A_1391 : vector<16xf32>
        %slice3A_1393 = vector.extract_strided_slice %get3A_535 {offsets = [12], sizes = [1], strides = [1]} : vector<16xf32> to vector<1xf32>
        %squeeze3A_1394 = vector.extract %slice3A_1393[0] : f32 from vector<1xf32>
        %broadcast_in_dim3A_1395 = vector.broadcast %squeeze3A_1394 : f32 to vector<16xf32>
        %add3A_1396 = arith.addf %add3A_1366, %broadcast_in_dim3A_1395 : vector<16xf32>
        %add3A_1397 = arith.constant 28 : i32
        %add3A_1398 = arith.addi %mul3A_554, %add3A_1397 : i32
        %get3A_1399 = arith.index_cast %add3A_1398 : i32 to index
        %get3A_1400 = arith.constant 0 : index
        %get3A_1401 = tpu.vector_load %arg10[%get3A_1399, %get3A_1400] {strides = array<i32>} : memref<400x64xf32, #tpu.memory_space<vmem>>, vector<1x16xf32>,
        %get3A_1402 = vector.shape_cast %get3A_1401 : vector<1x16xf32> to vector<16xf32>
        %mul3A_1403 = arith.mulf %get3A_1402, %broadcast_in_dim3A_1395 : vector<16xf32>
        %add3A_1404 = arith.addf %add3A_1374, %mul3A_1403 : vector<16xf32>
        %get3A_1405 = arith.index_cast %add3A_1398 : i32 to index
        %get3A_1406 = arith.constant 16 : index
        %get3A_1407 = tpu.vector_load %arg10[%get3A_1405, %get3A_1406] {strides = array<i32>} : memref<400x64xf32, #tpu.memory_space<vmem>>, vector<1x16xf32>,
        %get3A_1408 = vector.shape_cast %get3A_1407 : vector<1x16xf32> to vector<16xf32>
        %mul3A_1409 = arith.mulf %get3A_1408, %broadcast_in_dim3A_1395 : vector<16xf32>
        %add3A_1410 = arith.addf %add3A_1380, %mul3A_1409 : vector<16xf32>
        %get3A_1411 = arith.index_cast %add3A_1398 : i32 to index
        %get3A_1412 = arith.constant 32 : index
        %get3A_1413 = tpu.vector_load %arg10[%get3A_1411, %get3A_1412] {strides = array<i32>} : memref<400x64xf32, #tpu.memory_space<vmem>>, vector<1x16xf32>,
        %get3A_1414 = vector.shape_cast %get3A_1413 : vector<1x16xf32> to vector<16xf32>
        %mul3A_1415 = arith.mulf %get3A_1414, %broadcast_in_dim3A_1395 : vector<16xf32>
        %add3A_1416 = arith.addf %add3A_1386, %mul3A_1415 : vector<16xf32>
        %get3A_1417 = arith.index_cast %add3A_1398 : i32 to index
        %get3A_1418 = arith.constant 48 : index
        %get3A_1419 = tpu.vector_load %arg10[%get3A_1417, %get3A_1418] {strides = array<i32>} : memref<400x64xf32, #tpu.memory_space<vmem>>, vector<1x16xf32>,
        %get3A_1420 = vector.shape_cast %get3A_1419 : vector<1x16xf32> to vector<16xf32>
        %mul3A_1421 = arith.mulf %get3A_1420, %broadcast_in_dim3A_1395 : vector<16xf32>
        %add3A_1422 = arith.addf %add3A_1392, %mul3A_1421 : vector<16xf32>
        %slice3A_1423 = vector.extract_strided_slice %get3A_535 {offsets = [13], sizes = [1], strides = [1]} : vector<16xf32> to vector<1xf32>
        %squeeze3A_1424 = vector.extract %slice3A_1423[0] : f32 from vector<1xf32>
        %broadcast_in_dim3A_1425 = vector.broadcast %squeeze3A_1424 : f32 to vector<16xf32>
        %add3A_1426 = arith.addf %add3A_1396, %broadcast_in_dim3A_1425 : vector<16xf32>
        %add3A_1427 = arith.constant 29 : i32
        %add3A_1428 = arith.addi %mul3A_554, %add3A_1427 : i32
        %get3A_1429 = arith.index_cast %add3A_1428 : i32 to index
        %get3A_1430 = arith.constant 0 : index
        %get3A_1431 = tpu.vector_load %arg10[%get3A_1429, %get3A_1430] {strides = array<i32>} : memref<400x64xf32, #tpu.memory_space<vmem>>, vector<1x16xf32>,
        %get3A_1432 = vector.shape_cast %get3A_1431 : vector<1x16xf32> to vector<16xf32>
        %mul3A_1433 = arith.mulf %get3A_1432, %broadcast_in_dim3A_1425 : vector<16xf32>
        %add3A_1434 = arith.addf %add3A_1404, %mul3A_1433 : vector<16xf32>
        %get3A_1435 = arith.index_cast %add3A_1428 : i32 to index
        %get3A_1436 = arith.constant 16 : index
        %get3A_1437 = tpu.vector_load %arg10[%get3A_1435, %get3A_1436] {strides = array<i32>} : memref<400x64xf32, #tpu.memory_space<vmem>>, vector<1x16xf32>,
        %get3A_1438 = vector.shape_cast %get3A_1437 : vector<1x16xf32> to vector<16xf32>
        %mul3A_1439 = arith.mulf %get3A_1438, %broadcast_in_dim3A_1425 : vector<16xf32>
        %add3A_1440 = arith.addf %add3A_1410, %mul3A_1439 : vector<16xf32>
        %get3A_1441 = arith.index_cast %add3A_1428 : i32 to index
        %get3A_1442 = arith.constant 32 : index
        %get3A_1443 = tpu.vector_load %arg10[%get3A_1441, %get3A_1442] {strides = array<i32>} : memref<400x64xf32, #tpu.memory_space<vmem>>, vector<1x16xf32>,
        %get3A_1444 = vector.shape_cast %get3A_1443 : vector<1x16xf32> to vector<16xf32>
        %mul3A_1445 = arith.mulf %get3A_1444, %broadcast_in_dim3A_1425 : vector<16xf32>
        %add3A_1446 = arith.addf %add3A_1416, %mul3A_1445 : vector<16xf32>
        %get3A_1447 = arith.index_cast %add3A_1428 : i32 to index
        %get3A_1448 = arith.constant 48 : index
        %get3A_1449 = tpu.vector_load %arg10[%get3A_1447, %get3A_1448] {strides = array<i32>} : memref<400x64xf32, #tpu.memory_space<vmem>>, vector<1x16xf32>,
        %get3A_1450 = vector.shape_cast %get3A_1449 : vector<1x16xf32> to vector<16xf32>
        %mul3A_1451 = arith.mulf %get3A_1450, %broadcast_in_dim3A_1425 : vector<16xf32>
        %add3A_1452 = arith.addf %add3A_1422, %mul3A_1451 : vector<16xf32>
        %slice3A_1453 = vector.extract_strided_slice %get3A_535 {offsets = [14], sizes = [1], strides = [1]} : vector<16xf32> to vector<1xf32>
        %squeeze3A_1454 = vector.extract %slice3A_1453[0] : f32 from vector<1xf32>
        %broadcast_in_dim3A_1455 = vector.broadcast %squeeze3A_1454 : f32 to vector<16xf32>
        %add3A_1456 = arith.addf %add3A_1426, %broadcast_in_dim3A_1455 : vector<16xf32>
        %add3A_1457 = arith.constant 30 : i32
        %add3A_1458 = arith.addi %mul3A_554, %add3A_1457 : i32
        %get3A_1459 = arith.index_cast %add3A_1458 : i32 to index
        %get3A_1460 = arith.constant 0 : index
        %get3A_1461 = tpu.vector_load %arg10[%get3A_1459, %get3A_1460] {strides = array<i32>} : memref<400x64xf32, #tpu.memory_space<vmem>>, vector<1x16xf32>,
        %get3A_1462 = vector.shape_cast %get3A_1461 : vector<1x16xf32> to vector<16xf32>
        %mul3A_1463 = arith.mulf %get3A_1462, %broadcast_in_dim3A_1455 : vector<16xf32>
        %add3A_1464 = arith.addf %add3A_1434, %mul3A_1463 : vector<16xf32>
        %get3A_1465 = arith.index_cast %add3A_1458 : i32 to index
        %get3A_1466 = arith.constant 16 : index
        %get3A_1467 = tpu.vector_load %arg10[%get3A_1465, %get3A_1466] {strides = array<i32>} : memref<400x64xf32, #tpu.memory_space<vmem>>, vector<1x16xf32>,
        %get3A_1468 = vector.shape_cast %get3A_1467 : vector<1x16xf32> to vector<16xf32>
        %mul3A_1469 = arith.mulf %get3A_1468, %broadcast_in_dim3A_1455 : vector<16xf32>
        %add3A_1470 = arith.addf %add3A_1440, %mul3A_1469 : vector<16xf32>
        %get3A_1471 = arith.index_cast %add3A_1458 : i32 to index
        %get3A_1472 = arith.constant 32 : index
        %get3A_1473 = tpu.vector_load %arg10[%get3A_1471, %get3A_1472] {strides = array<i32>} : memref<400x64xf32, #tpu.memory_space<vmem>>, vector<1x16xf32>,
        %get3A_1474 = vector.shape_cast %get3A_1473 : vector<1x16xf32> to vector<16xf32>
        %mul3A_1475 = arith.mulf %get3A_1474, %broadcast_in_dim3A_1455 : vector<16xf32>
        %add3A_1476 = arith.addf %add3A_1446, %mul3A_1475 : vector<16xf32>
        %get3A_1477 = arith.index_cast %add3A_1458 : i32 to index
        %get3A_1478 = arith.constant 48 : index
        %get3A_1479 = tpu.vector_load %arg10[%get3A_1477, %get3A_1478] {strides = array<i32>} : memref<400x64xf32, #tpu.memory_space<vmem>>, vector<1x16xf32>,
        %get3A_1480 = vector.shape_cast %get3A_1479 : vector<1x16xf32> to vector<16xf32>
        %mul3A_1481 = arith.mulf %get3A_1480, %broadcast_in_dim3A_1455 : vector<16xf32>
        %add3A_1482 = arith.addf %add3A_1452, %mul3A_1481 : vector<16xf32>
        %slice3A_1483 = vector.extract_strided_slice %get3A_535 {offsets = [15], sizes = [1], strides = [1]} : vector<16xf32> to vector<1xf32>
        %squeeze3A_1484 = vector.extract %slice3A_1483[0] : f32 from vector<1xf32>
        %broadcast_in_dim3A_1485 = vector.broadcast %squeeze3A_1484 : f32 to vector<16xf32>
        %add3A_1486 = arith.addf %add3A_1456, %broadcast_in_dim3A_1485 : vector<16xf32>
        %add3A_1487 = arith.constant 31 : i32
        %add3A_1488 = arith.addi %mul3A_554, %add3A_1487 : i32
        %get3A_1489 = arith.index_cast %add3A_1488 : i32 to index
        %get3A_1490 = arith.constant 0 : index
        %get3A_1491 = tpu.vector_load %arg10[%get3A_1489, %get3A_1490] {strides = array<i32>} : memref<400x64xf32, #tpu.memory_space<vmem>>, vector<1x16xf32>,
        %get3A_1492 = vector.shape_cast %get3A_1491 : vector<1x16xf32> to vector<16xf32>
        %mul3A_1493 = arith.mulf %get3A_1492, %broadcast_in_dim3A_1485 : vector<16xf32>
        %add3A_1494 = arith.addf %add3A_1464, %mul3A_1493 : vector<16xf32>
        %get3A_1495 = arith.index_cast %add3A_1488 : i32 to index
        %get3A_1496 = arith.constant 16 : index
        %get3A_1497 = tpu.vector_load %arg10[%get3A_1495, %get3A_1496] {strides = array<i32>} : memref<400x64xf32, #tpu.memory_space<vmem>>, vector<1x16xf32>,
        %get3A_1498 = vector.shape_cast %get3A_1497 : vector<1x16xf32> to vector<16xf32>
        %mul3A_1499 = arith.mulf %get3A_1498, %broadcast_in_dim3A_1485 : vector<16xf32>
        %add3A_1500 = arith.addf %add3A_1470, %mul3A_1499 : vector<16xf32>
        %get3A_1501 = arith.index_cast %add3A_1488 : i32 to index
        %get3A_1502 = arith.constant 32 : index
        %get3A_1503 = tpu.vector_load %arg10[%get3A_1501, %get3A_1502] {strides = array<i32>} : memref<400x64xf32, #tpu.memory_space<vmem>>, vector<1x16xf32>,
        %get3A_1504 = vector.shape_cast %get3A_1503 : vector<1x16xf32> to vector<16xf32>
        %mul3A_1505 = arith.mulf %get3A_1504, %broadcast_in_dim3A_1485 : vector<16xf32>
        %add3A_1506 = arith.addf %add3A_1476, %mul3A_1505 : vector<16xf32>
        %get3A_1507 = arith.index_cast %add3A_1488 : i32 to index
        %get3A_1508 = arith.constant 48 : index
        %get3A_1509 = tpu.vector_load %arg10[%get3A_1507, %get3A_1508] {strides = array<i32>} : memref<400x64xf32, #tpu.memory_space<vmem>>, vector<1x16xf32>,
        %get3A_1510 = vector.shape_cast %get3A_1509 : vector<1x16xf32> to vector<16xf32>
        %mul3A_1511 = arith.mulf %get3A_1510, %broadcast_in_dim3A_1485 : vector<16xf32>
        %add3A_1512 = arith.addf %add3A_1482, %mul3A_1511 : vector<16xf32>
        %slice3A_1513 = vector.extract_strided_slice %get3A_539 {offsets = [0], sizes = [1], strides = [1]} : vector<16xf32> to vector<1xf32>
        %squeeze3A_1514 = vector.extract %slice3A_1513[0] : f32 from vector<1xf32>
        %broadcast_in_dim3A_1515 = vector.broadcast %squeeze3A_1514 : f32 to vector<16xf32>
        %add3A_1516 = arith.addf %add3A_1486, %broadcast_in_dim3A_1515 : vector<16xf32>
        %add3A_1517 = arith.constant 32 : i32
        %add3A_1518 = arith.addi %mul3A_554, %add3A_1517 : i32
        %get3A_1519 = arith.index_cast %add3A_1518 : i32 to index
        %get3A_1520 = arith.constant 0 : index
        %get3A_1521 = tpu.vector_load %arg10[%get3A_1519, %get3A_1520] {strides = array<i32>} : memref<400x64xf32, #tpu.memory_space<vmem>>, vector<1x16xf32>,
        %get3A_1522 = vector.shape_cast %get3A_1521 : vector<1x16xf32> to vector<16xf32>
        %mul3A_1523 = arith.mulf %get3A_1522, %broadcast_in_dim3A_1515 : vector<16xf32>
        %add3A_1524 = arith.addf %add3A_1494, %mul3A_1523 : vector<16xf32>
        %get3A_1525 = arith.index_cast %add3A_1518 : i32 to index
        %get3A_1526 = arith.constant 16 : index
        %get3A_1527 = tpu.vector_load %arg10[%get3A_1525, %get3A_1526] {strides = array<i32>} : memref<400x64xf32, #tpu.memory_space<vmem>>, vector<1x16xf32>,
        %get3A_1528 = vector.shape_cast %get3A_1527 : vector<1x16xf32> to vector<16xf32>
        %mul3A_1529 = arith.mulf %get3A_1528, %broadcast_in_dim3A_1515 : vector<16xf32>
        %add3A_1530 = arith.addf %add3A_1500, %mul3A_1529 : vector<16xf32>
        %get3A_1531 = arith.index_cast %add3A_1518 : i32 to index
        %get3A_1532 = arith.constant 32 : index
        %get3A_1533 = tpu.vector_load %arg10[%get3A_1531, %get3A_1532] {strides = array<i32>} : memref<400x64xf32, #tpu.memory_space<vmem>>, vector<1x16xf32>,
        %get3A_1534 = vector.shape_cast %get3A_1533 : vector<1x16xf32> to vector<16xf32>
        %mul3A_1535 = arith.mulf %get3A_1534, %broadcast_in_dim3A_1515 : vector<16xf32>
        %add3A_1536 = arith.addf %add3A_1506, %mul3A_1535 : vector<16xf32>
        %get3A_1537 = arith.index_cast %add3A_1518 : i32 to index
        %get3A_1538 = arith.constant 48 : index
        %get3A_1539 = tpu.vector_load %arg10[%get3A_1537, %get3A_1538] {strides = array<i32>} : memref<400x64xf32, #tpu.memory_space<vmem>>, vector<1x16xf32>,
        %get3A_1540 = vector.shape_cast %get3A_1539 : vector<1x16xf32> to vector<16xf32>
        %mul3A_1541 = arith.mulf %get3A_1540, %broadcast_in_dim3A_1515 : vector<16xf32>
        %add3A_1542 = arith.addf %add3A_1512, %mul3A_1541 : vector<16xf32>
        %slice3A_1543 = vector.extract_strided_slice %get3A_539 {offsets = [1], sizes = [1], strides = [1]} : vector<16xf32> to vector<1xf32>
        %squeeze3A_1544 = vector.extract %slice3A_1543[0] : f32 from vector<1xf32>
        %broadcast_in_dim3A_1545 = vector.broadcast %squeeze3A_1544 : f32 to vector<16xf32>
        %add3A_1546 = arith.addf %add3A_1516, %broadcast_in_dim3A_1545 : vector<16xf32>
        %add3A_1547 = arith.constant 33 : i32
        %add3A_1548 = arith.addi %mul3A_554, %add3A_1547 : i32
        %get3A_1549 = arith.index_cast %add3A_1548 : i32 to index
        %get3A_1550 = arith.constant 0 : index
        %get3A_1551 = tpu.vector_load %arg10[%get3A_1549, %get3A_1550] {strides = array<i32>} : memref<400x64xf32, #tpu.memory_space<vmem>>, vector<1x16xf32>,
        %get3A_1552 = vector.shape_cast %get3A_1551 : vector<1x16xf32> to vector<16xf32>
        %mul3A_1553 = arith.mulf %get3A_1552, %broadcast_in_dim3A_1545 : vector<16xf32>
        %add3A_1554 = arith.addf %add3A_1524, %mul3A_1553 : vector<16xf32>
        %get3A_1555 = arith.index_cast %add3A_1548 : i32 to index
        %get3A_1556 = arith.constant 16 : index
        %get3A_1557 = tpu.vector_load %arg10[%get3A_1555, %get3A_1556] {strides = array<i32>} : memref<400x64xf32, #tpu.memory_space<vmem>>, vector<1x16xf32>,
        %get3A_1558 = vector.shape_cast %get3A_1557 : vector<1x16xf32> to vector<16xf32>
        %mul3A_1559 = arith.mulf %get3A_1558, %broadcast_in_dim3A_1545 : vector<16xf32>
        %add3A_1560 = arith.addf %add3A_1530, %mul3A_1559 : vector<16xf32>
        %get3A_1561 = arith.index_cast %add3A_1548 : i32 to index
        %get3A_1562 = arith.constant 32 : index
        %get3A_1563 = tpu.vector_load %arg10[%get3A_1561, %get3A_1562] {strides = array<i32>} : memref<400x64xf32, #tpu.memory_space<vmem>>, vector<1x16xf32>,
        %get3A_1564 = vector.shape_cast %get3A_1563 : vector<1x16xf32> to vector<16xf32>
        %mul3A_1565 = arith.mulf %get3A_1564, %broadcast_in_dim3A_1545 : vector<16xf32>
        %add3A_1566 = arith.addf %add3A_1536, %mul3A_1565 : vector<16xf32>
        %get3A_1567 = arith.index_cast %add3A_1548 : i32 to index
        %get3A_1568 = arith.constant 48 : index
        %get3A_1569 = tpu.vector_load %arg10[%get3A_1567, %get3A_1568] {strides = array<i32>} : memref<400x64xf32, #tpu.memory_space<vmem>>, vector<1x16xf32>,
        %get3A_1570 = vector.shape_cast %get3A_1569 : vector<1x16xf32> to vector<16xf32>
        %mul3A_1571 = arith.mulf %get3A_1570, %broadcast_in_dim3A_1545 : vector<16xf32>
        %add3A_1572 = arith.addf %add3A_1542, %mul3A_1571 : vector<16xf32>
        %slice3A_1573 = vector.extract_strided_slice %get3A_539 {offsets = [2], sizes = [1], strides = [1]} : vector<16xf32> to vector<1xf32>
        %squeeze3A_1574 = vector.extract %slice3A_1573[0] : f32 from vector<1xf32>
        %broadcast_in_dim3A_1575 = vector.broadcast %squeeze3A_1574 : f32 to vector<16xf32>
        %add3A_1576 = arith.addf %add3A_1546, %broadcast_in_dim3A_1575 : vector<16xf32>
        %add3A_1577 = arith.constant 34 : i32
        %add3A_1578 = arith.addi %mul3A_554, %add3A_1577 : i32
        %get3A_1579 = arith.index_cast %add3A_1578 : i32 to index
        %get3A_1580 = arith.constant 0 : index
        %get3A_1581 = tpu.vector_load %arg10[%get3A_1579, %get3A_1580] {strides = array<i32>} : memref<400x64xf32, #tpu.memory_space<vmem>>, vector<1x16xf32>,
        %get3A_1582 = vector.shape_cast %get3A_1581 : vector<1x16xf32> to vector<16xf32>
        %mul3A_1583 = arith.mulf %get3A_1582, %broadcast_in_dim3A_1575 : vector<16xf32>
        %add3A_1584 = arith.addf %add3A_1554, %mul3A_1583 : vector<16xf32>
        %get3A_1585 = arith.index_cast %add3A_1578 : i32 to index
        %get3A_1586 = arith.constant 16 : index
        %get3A_1587 = tpu.vector_load %arg10[%get3A_1585, %get3A_1586] {strides = array<i32>} : memref<400x64xf32, #tpu.memory_space<vmem>>, vector<1x16xf32>,
        %get3A_1588 = vector.shape_cast %get3A_1587 : vector<1x16xf32> to vector<16xf32>
        %mul3A_1589 = arith.mulf %get3A_1588, %broadcast_in_dim3A_1575 : vector<16xf32>
        %add3A_1590 = arith.addf %add3A_1560, %mul3A_1589 : vector<16xf32>
        %get3A_1591 = arith.index_cast %add3A_1578 : i32 to index
        %get3A_1592 = arith.constant 32 : index
        %get3A_1593 = tpu.vector_load %arg10[%get3A_1591, %get3A_1592] {strides = array<i32>} : memref<400x64xf32, #tpu.memory_space<vmem>>, vector<1x16xf32>,
        %get3A_1594 = vector.shape_cast %get3A_1593 : vector<1x16xf32> to vector<16xf32>
        %mul3A_1595 = arith.mulf %get3A_1594, %broadcast_in_dim3A_1575 : vector<16xf32>
        %add3A_1596 = arith.addf %add3A_1566, %mul3A_1595 : vector<16xf32>
        %get3A_1597 = arith.index_cast %add3A_1578 : i32 to index
        %get3A_1598 = arith.constant 48 : index
        %get3A_1599 = tpu.vector_load %arg10[%get3A_1597, %get3A_1598] {strides = array<i32>} : memref<400x64xf32, #tpu.memory_space<vmem>>, vector<1x16xf32>,
        %get3A_1600 = vector.shape_cast %get3A_1599 : vector<1x16xf32> to vector<16xf32>
        %mul3A_1601 = arith.mulf %get3A_1600, %broadcast_in_dim3A_1575 : vector<16xf32>
        %add3A_1602 = arith.addf %add3A_1572, %mul3A_1601 : vector<16xf32>
        %slice3A_1603 = vector.extract_strided_slice %get3A_539 {offsets = [3], sizes = [1], strides = [1]} : vector<16xf32> to vector<1xf32>
        %squeeze3A_1604 = vector.extract %slice3A_1603[0] : f32 from vector<1xf32>
        %broadcast_in_dim3A_1605 = vector.broadcast %squeeze3A_1604 : f32 to vector<16xf32>
        %add3A_1606 = arith.addf %add3A_1576, %broadcast_in_dim3A_1605 : vector<16xf32>
        %add3A_1607 = arith.constant 35 : i32
        %add3A_1608 = arith.addi %mul3A_554, %add3A_1607 : i32
        %get3A_1609 = arith.index_cast %add3A_1608 : i32 to index
        %get3A_1610 = arith.constant 0 : index
        %get3A_1611 = tpu.vector_load %arg10[%get3A_1609, %get3A_1610] {strides = array<i32>} : memref<400x64xf32, #tpu.memory_space<vmem>>, vector<1x16xf32>,
        %get3A_1612 = vector.shape_cast %get3A_1611 : vector<1x16xf32> to vector<16xf32>
        %mul3A_1613 = arith.mulf %get3A_1612, %broadcast_in_dim3A_1605 : vector<16xf32>
        %add3A_1614 = arith.addf %add3A_1584, %mul3A_1613 : vector<16xf32>
        %get3A_1615 = arith.index_cast %add3A_1608 : i32 to index
        %get3A_1616 = arith.constant 16 : index
        %get3A_1617 = tpu.vector_load %arg10[%get3A_1615, %get3A_1616] {strides = array<i32>} : memref<400x64xf32, #tpu.memory_space<vmem>>, vector<1x16xf32>,
        %get3A_1618 = vector.shape_cast %get3A_1617 : vector<1x16xf32> to vector<16xf32>
        %mul3A_1619 = arith.mulf %get3A_1618, %broadcast_in_dim3A_1605 : vector<16xf32>
        %add3A_1620 = arith.addf %add3A_1590, %mul3A_1619 : vector<16xf32>
        %get3A_1621 = arith.index_cast %add3A_1608 : i32 to index
        %get3A_1622 = arith.constant 32 : index
        %get3A_1623 = tpu.vector_load %arg10[%get3A_1621, %get3A_1622] {strides = array<i32>} : memref<400x64xf32, #tpu.memory_space<vmem>>, vector<1x16xf32>,
        %get3A_1624 = vector.shape_cast %get3A_1623 : vector<1x16xf32> to vector<16xf32>
        %mul3A_1625 = arith.mulf %get3A_1624, %broadcast_in_dim3A_1605 : vector<16xf32>
        %add3A_1626 = arith.addf %add3A_1596, %mul3A_1625 : vector<16xf32>
        %get3A_1627 = arith.index_cast %add3A_1608 : i32 to index
        %get3A_1628 = arith.constant 48 : index
        %get3A_1629 = tpu.vector_load %arg10[%get3A_1627, %get3A_1628] {strides = array<i32>} : memref<400x64xf32, #tpu.memory_space<vmem>>, vector<1x16xf32>,
        %get3A_1630 = vector.shape_cast %get3A_1629 : vector<1x16xf32> to vector<16xf32>
        %mul3A_1631 = arith.mulf %get3A_1630, %broadcast_in_dim3A_1605 : vector<16xf32>
        %add3A_1632 = arith.addf %add3A_1602, %mul3A_1631 : vector<16xf32>
        %slice3A_1633 = vector.extract_strided_slice %get3A_539 {offsets = [4], sizes = [1], strides = [1]} : vector<16xf32> to vector<1xf32>
        %squeeze3A_1634 = vector.extract %slice3A_1633[0] : f32 from vector<1xf32>
        %broadcast_in_dim3A_1635 = vector.broadcast %squeeze3A_1634 : f32 to vector<16xf32>
        %add3A_1636 = arith.addf %add3A_1606, %broadcast_in_dim3A_1635 : vector<16xf32>
        %add3A_1637 = arith.constant 36 : i32
        %add3A_1638 = arith.addi %mul3A_554, %add3A_1637 : i32
        %get3A_1639 = arith.index_cast %add3A_1638 : i32 to index
        %get3A_1640 = arith.constant 0 : index
        %get3A_1641 = tpu.vector_load %arg10[%get3A_1639, %get3A_1640] {strides = array<i32>} : memref<400x64xf32, #tpu.memory_space<vmem>>, vector<1x16xf32>,
        %get3A_1642 = vector.shape_cast %get3A_1641 : vector<1x16xf32> to vector<16xf32>
        %mul3A_1643 = arith.mulf %get3A_1642, %broadcast_in_dim3A_1635 : vector<16xf32>
        %add3A_1644 = arith.addf %add3A_1614, %mul3A_1643 : vector<16xf32>
        %get3A_1645 = arith.index_cast %add3A_1638 : i32 to index
        %get3A_1646 = arith.constant 16 : index
        %get3A_1647 = tpu.vector_load %arg10[%get3A_1645, %get3A_1646] {strides = array<i32>} : memref<400x64xf32, #tpu.memory_space<vmem>>, vector<1x16xf32>,
        %get3A_1648 = vector.shape_cast %get3A_1647 : vector<1x16xf32> to vector<16xf32>
        %mul3A_1649 = arith.mulf %get3A_1648, %broadcast_in_dim3A_1635 : vector<16xf32>
        %add3A_1650 = arith.addf %add3A_1620, %mul3A_1649 : vector<16xf32>
        %get3A_1651 = arith.index_cast %add3A_1638 : i32 to index
        %get3A_1652 = arith.constant 32 : index
        %get3A_1653 = tpu.vector_load %arg10[%get3A_1651, %get3A_1652] {strides = array<i32>} : memref<400x64xf32, #tpu.memory_space<vmem>>, vector<1x16xf32>,
        %get3A_1654 = vector.shape_cast %get3A_1653 : vector<1x16xf32> to vector<16xf32>
        %mul3A_1655 = arith.mulf %get3A_1654, %broadcast_in_dim3A_1635 : vector<16xf32>
        %add3A_1656 = arith.addf %add3A_1626, %mul3A_1655 : vector<16xf32>
        %get3A_1657 = arith.index_cast %add3A_1638 : i32 to index
        %get3A_1658 = arith.constant 48 : index
        %get3A_1659 = tpu.vector_load %arg10[%get3A_1657, %get3A_1658] {strides = array<i32>} : memref<400x64xf32, #tpu.memory_space<vmem>>, vector<1x16xf32>,
        %get3A_1660 = vector.shape_cast %get3A_1659 : vector<1x16xf32> to vector<16xf32>
        %mul3A_1661 = arith.mulf %get3A_1660, %broadcast_in_dim3A_1635 : vector<16xf32>
        %add3A_1662 = arith.addf %add3A_1632, %mul3A_1661 : vector<16xf32>
        %slice3A_1663 = vector.extract_strided_slice %get3A_539 {offsets = [5], sizes = [1], strides = [1]} : vector<16xf32> to vector<1xf32>
        %squeeze3A_1664 = vector.extract %slice3A_1663[0] : f32 from vector<1xf32>
        %broadcast_in_dim3A_1665 = vector.broadcast %squeeze3A_1664 : f32 to vector<16xf32>
        %add3A_1666 = arith.addf %add3A_1636, %broadcast_in_dim3A_1665 : vector<16xf32>
        %add3A_1667 = arith.constant 37 : i32
        %add3A_1668 = arith.addi %mul3A_554, %add3A_1667 : i32
        %get3A_1669 = arith.index_cast %add3A_1668 : i32 to index
        %get3A_1670 = arith.constant 0 : index
        %get3A_1671 = tpu.vector_load %arg10[%get3A_1669, %get3A_1670] {strides = array<i32>} : memref<400x64xf32, #tpu.memory_space<vmem>>, vector<1x16xf32>,
        %get3A_1672 = vector.shape_cast %get3A_1671 : vector<1x16xf32> to vector<16xf32>
        %mul3A_1673 = arith.mulf %get3A_1672, %broadcast_in_dim3A_1665 : vector<16xf32>
        %add3A_1674 = arith.addf %add3A_1644, %mul3A_1673 : vector<16xf32>
        %get3A_1675 = arith.index_cast %add3A_1668 : i32 to index
        %get3A_1676 = arith.constant 16 : index
        %get3A_1677 = tpu.vector_load %arg10[%get3A_1675, %get3A_1676] {strides = array<i32>} : memref<400x64xf32, #tpu.memory_space<vmem>>, vector<1x16xf32>,
        %get3A_1678 = vector.shape_cast %get3A_1677 : vector<1x16xf32> to vector<16xf32>
        %mul3A_1679 = arith.mulf %get3A_1678, %broadcast_in_dim3A_1665 : vector<16xf32>
        %add3A_1680 = arith.addf %add3A_1650, %mul3A_1679 : vector<16xf32>
        %get3A_1681 = arith.index_cast %add3A_1668 : i32 to index
        %get3A_1682 = arith.constant 32 : index
        %get3A_1683 = tpu.vector_load %arg10[%get3A_1681, %get3A_1682] {strides = array<i32>} : memref<400x64xf32, #tpu.memory_space<vmem>>, vector<1x16xf32>,
        %get3A_1684 = vector.shape_cast %get3A_1683 : vector<1x16xf32> to vector<16xf32>
        %mul3A_1685 = arith.mulf %get3A_1684, %broadcast_in_dim3A_1665 : vector<16xf32>
        %add3A_1686 = arith.addf %add3A_1656, %mul3A_1685 : vector<16xf32>
        %get3A_1687 = arith.index_cast %add3A_1668 : i32 to index
        %get3A_1688 = arith.constant 48 : index
        %get3A_1689 = tpu.vector_load %arg10[%get3A_1687, %get3A_1688] {strides = array<i32>} : memref<400x64xf32, #tpu.memory_space<vmem>>, vector<1x16xf32>,
        %get3A_1690 = vector.shape_cast %get3A_1689 : vector<1x16xf32> to vector<16xf32>
        %mul3A_1691 = arith.mulf %get3A_1690, %broadcast_in_dim3A_1665 : vector<16xf32>
        %add3A_1692 = arith.addf %add3A_1662, %mul3A_1691 : vector<16xf32>
        %slice3A_1693 = vector.extract_strided_slice %get3A_539 {offsets = [6], sizes = [1], strides = [1]} : vector<16xf32> to vector<1xf32>
        %squeeze3A_1694 = vector.extract %slice3A_1693[0] : f32 from vector<1xf32>
        %broadcast_in_dim3A_1695 = vector.broadcast %squeeze3A_1694 : f32 to vector<16xf32>
        %add3A_1696 = arith.addf %add3A_1666, %broadcast_in_dim3A_1695 : vector<16xf32>
        %add3A_1697 = arith.constant 38 : i32
        %add3A_1698 = arith.addi %mul3A_554, %add3A_1697 : i32
        %get3A_1699 = arith.index_cast %add3A_1698 : i32 to index
        %get3A_1700 = arith.constant 0 : index
        %get3A_1701 = tpu.vector_load %arg10[%get3A_1699, %get3A_1700] {strides = array<i32>} : memref<400x64xf32, #tpu.memory_space<vmem>>, vector<1x16xf32>,
        %get3A_1702 = vector.shape_cast %get3A_1701 : vector<1x16xf32> to vector<16xf32>
        %mul3A_1703 = arith.mulf %get3A_1702, %broadcast_in_dim3A_1695 : vector<16xf32>
        %add3A_1704 = arith.addf %add3A_1674, %mul3A_1703 : vector<16xf32>
        %get3A_1705 = arith.index_cast %add3A_1698 : i32 to index
        %get3A_1706 = arith.constant 16 : index
        %get3A_1707 = tpu.vector_load %arg10[%get3A_1705, %get3A_1706] {strides = array<i32>} : memref<400x64xf32, #tpu.memory_space<vmem>>, vector<1x16xf32>,
        %get3A_1708 = vector.shape_cast %get3A_1707 : vector<1x16xf32> to vector<16xf32>
        %mul3A_1709 = arith.mulf %get3A_1708, %broadcast_in_dim3A_1695 : vector<16xf32>
        %add3A_1710 = arith.addf %add3A_1680, %mul3A_1709 : vector<16xf32>
        %get3A_1711 = arith.index_cast %add3A_1698 : i32 to index
        %get3A_1712 = arith.constant 32 : index
        %get3A_1713 = tpu.vector_load %arg10[%get3A_1711, %get3A_1712] {strides = array<i32>} : memref<400x64xf32, #tpu.memory_space<vmem>>, vector<1x16xf32>,
        %get3A_1714 = vector.shape_cast %get3A_1713 : vector<1x16xf32> to vector<16xf32>
        %mul3A_1715 = arith.mulf %get3A_1714, %broadcast_in_dim3A_1695 : vector<16xf32>
        %add3A_1716 = arith.addf %add3A_1686, %mul3A_1715 : vector<16xf32>
        %get3A_1717 = arith.index_cast %add3A_1698 : i32 to index
        %get3A_1718 = arith.constant 48 : index
        %get3A_1719 = tpu.vector_load %arg10[%get3A_1717, %get3A_1718] {strides = array<i32>} : memref<400x64xf32, #tpu.memory_space<vmem>>, vector<1x16xf32>,
        %get3A_1720 = vector.shape_cast %get3A_1719 : vector<1x16xf32> to vector<16xf32>
        %mul3A_1721 = arith.mulf %get3A_1720, %broadcast_in_dim3A_1695 : vector<16xf32>
        %add3A_1722 = arith.addf %add3A_1692, %mul3A_1721 : vector<16xf32>
        %slice3A_1723 = vector.extract_strided_slice %get3A_539 {offsets = [7], sizes = [1], strides = [1]} : vector<16xf32> to vector<1xf32>
        %squeeze3A_1724 = vector.extract %slice3A_1723[0] : f32 from vector<1xf32>
        %broadcast_in_dim3A_1725 = vector.broadcast %squeeze3A_1724 : f32 to vector<16xf32>
        %add3A_1726 = arith.addf %add3A_1696, %broadcast_in_dim3A_1725 : vector<16xf32>
        %add3A_1727 = arith.constant 39 : i32
        %add3A_1728 = arith.addi %mul3A_554, %add3A_1727 : i32
        %get3A_1729 = arith.index_cast %add3A_1728 : i32 to index
        %get3A_1730 = arith.constant 0 : index
        %get3A_1731 = tpu.vector_load %arg10[%get3A_1729, %get3A_1730] {strides = array<i32>} : memref<400x64xf32, #tpu.memory_space<vmem>>, vector<1x16xf32>,
        %get3A_1732 = vector.shape_cast %get3A_1731 : vector<1x16xf32> to vector<16xf32>
        %mul3A_1733 = arith.mulf %get3A_1732, %broadcast_in_dim3A_1725 : vector<16xf32>
        %add3A_1734 = arith.addf %add3A_1704, %mul3A_1733 : vector<16xf32>
        %get3A_1735 = arith.index_cast %add3A_1728 : i32 to index
        %get3A_1736 = arith.constant 16 : index
        %get3A_1737 = tpu.vector_load %arg10[%get3A_1735, %get3A_1736] {strides = array<i32>} : memref<400x64xf32, #tpu.memory_space<vmem>>, vector<1x16xf32>,
        %get3A_1738 = vector.shape_cast %get3A_1737 : vector<1x16xf32> to vector<16xf32>
        %mul3A_1739 = arith.mulf %get3A_1738, %broadcast_in_dim3A_1725 : vector<16xf32>
        %add3A_1740 = arith.addf %add3A_1710, %mul3A_1739 : vector<16xf32>
        %get3A_1741 = arith.index_cast %add3A_1728 : i32 to index
        %get3A_1742 = arith.constant 32 : index
        %get3A_1743 = tpu.vector_load %arg10[%get3A_1741, %get3A_1742] {strides = array<i32>} : memref<400x64xf32, #tpu.memory_space<vmem>>, vector<1x16xf32>,
        %get3A_1744 = vector.shape_cast %get3A_1743 : vector<1x16xf32> to vector<16xf32>
        %mul3A_1745 = arith.mulf %get3A_1744, %broadcast_in_dim3A_1725 : vector<16xf32>
        %add3A_1746 = arith.addf %add3A_1716, %mul3A_1745 : vector<16xf32>
        %get3A_1747 = arith.index_cast %add3A_1728 : i32 to index
        %get3A_1748 = arith.constant 48 : index
        %get3A_1749 = tpu.vector_load %arg10[%get3A_1747, %get3A_1748] {strides = array<i32>} : memref<400x64xf32, #tpu.memory_space<vmem>>, vector<1x16xf32>,
        %get3A_1750 = vector.shape_cast %get3A_1749 : vector<1x16xf32> to vector<16xf32>
        %mul3A_1751 = arith.mulf %get3A_1750, %broadcast_in_dim3A_1725 : vector<16xf32>
        %add3A_1752 = arith.addf %add3A_1722, %mul3A_1751 : vector<16xf32>
        %slice3A_1753 = vector.extract_strided_slice %get3A_539 {offsets = [8], sizes = [1], strides = [1]} : vector<16xf32> to vector<1xf32>
        %squeeze3A_1754 = vector.extract %slice3A_1753[0] : f32 from vector<1xf32>
        %broadcast_in_dim3A_1755 = vector.broadcast %squeeze3A_1754 : f32 to vector<16xf32>
        %add3A_1756 = arith.addf %add3A_1726, %broadcast_in_dim3A_1755 : vector<16xf32>
        %add3A_1757 = arith.constant 40 : i32
        %add3A_1758 = arith.addi %mul3A_554, %add3A_1757 : i32
        %get3A_1759 = arith.index_cast %add3A_1758 : i32 to index
        %get3A_1760 = arith.constant 0 : index
        %get3A_1761 = tpu.vector_load %arg10[%get3A_1759, %get3A_1760] {strides = array<i32>} : memref<400x64xf32, #tpu.memory_space<vmem>>, vector<1x16xf32>,
        %get3A_1762 = vector.shape_cast %get3A_1761 : vector<1x16xf32> to vector<16xf32>
        %mul3A_1763 = arith.mulf %get3A_1762, %broadcast_in_dim3A_1755 : vector<16xf32>
        %add3A_1764 = arith.addf %add3A_1734, %mul3A_1763 : vector<16xf32>
        %get3A_1765 = arith.index_cast %add3A_1758 : i32 to index
        %get3A_1766 = arith.constant 16 : index
        %get3A_1767 = tpu.vector_load %arg10[%get3A_1765, %get3A_1766] {strides = array<i32>} : memref<400x64xf32, #tpu.memory_space<vmem>>, vector<1x16xf32>,
        %get3A_1768 = vector.shape_cast %get3A_1767 : vector<1x16xf32> to vector<16xf32>
        %mul3A_1769 = arith.mulf %get3A_1768, %broadcast_in_dim3A_1755 : vector<16xf32>
        %add3A_1770 = arith.addf %add3A_1740, %mul3A_1769 : vector<16xf32>
        %get3A_1771 = arith.index_cast %add3A_1758 : i32 to index
        %get3A_1772 = arith.constant 32 : index
        %get3A_1773 = tpu.vector_load %arg10[%get3A_1771, %get3A_1772] {strides = array<i32>} : memref<400x64xf32, #tpu.memory_space<vmem>>, vector<1x16xf32>,
        %get3A_1774 = vector.shape_cast %get3A_1773 : vector<1x16xf32> to vector<16xf32>
        %mul3A_1775 = arith.mulf %get3A_1774, %broadcast_in_dim3A_1755 : vector<16xf32>
        %add3A_1776 = arith.addf %add3A_1746, %mul3A_1775 : vector<16xf32>
        %get3A_1777 = arith.index_cast %add3A_1758 : i32 to index
        %get3A_1778 = arith.constant 48 : index
        %get3A_1779 = tpu.vector_load %arg10[%get3A_1777, %get3A_1778] {strides = array<i32>} : memref<400x64xf32, #tpu.memory_space<vmem>>, vector<1x16xf32>,
        %get3A_1780 = vector.shape_cast %get3A_1779 : vector<1x16xf32> to vector<16xf32>
        %mul3A_1781 = arith.mulf %get3A_1780, %broadcast_in_dim3A_1755 : vector<16xf32>
        %add3A_1782 = arith.addf %add3A_1752, %mul3A_1781 : vector<16xf32>
        %slice3A_1783 = vector.extract_strided_slice %get3A_539 {offsets = [9], sizes = [1], strides = [1]} : vector<16xf32> to vector<1xf32>
        %squeeze3A_1784 = vector.extract %slice3A_1783[0] : f32 from vector<1xf32>
        %broadcast_in_dim3A_1785 = vector.broadcast %squeeze3A_1784 : f32 to vector<16xf32>
        %add3A_1786 = arith.addf %add3A_1756, %broadcast_in_dim3A_1785 : vector<16xf32>
        %add3A_1787 = arith.constant 41 : i32
        %add3A_1788 = arith.addi %mul3A_554, %add3A_1787 : i32
        %get3A_1789 = arith.index_cast %add3A_1788 : i32 to index
        %get3A_1790 = arith.constant 0 : index
        %get3A_1791 = tpu.vector_load %arg10[%get3A_1789, %get3A_1790] {strides = array<i32>} : memref<400x64xf32, #tpu.memory_space<vmem>>, vector<1x16xf32>,
        %get3A_1792 = vector.shape_cast %get3A_1791 : vector<1x16xf32> to vector<16xf32>
        %mul3A_1793 = arith.mulf %get3A_1792, %broadcast_in_dim3A_1785 : vector<16xf32>
        %add3A_1794 = arith.addf %add3A_1764, %mul3A_1793 : vector<16xf32>
        %get3A_1795 = arith.index_cast %add3A_1788 : i32 to index
        %get3A_1796 = arith.constant 16 : index
        %get3A_1797 = tpu.vector_load %arg10[%get3A_1795, %get3A_1796] {strides = array<i32>} : memref<400x64xf32, #tpu.memory_space<vmem>>, vector<1x16xf32>,
        %get3A_1798 = vector.shape_cast %get3A_1797 : vector<1x16xf32> to vector<16xf32>
        %mul3A_1799 = arith.mulf %get3A_1798, %broadcast_in_dim3A_1785 : vector<16xf32>
        %add3A_1800 = arith.addf %add3A_1770, %mul3A_1799 : vector<16xf32>
        %get3A_1801 = arith.index_cast %add3A_1788 : i32 to index
        %get3A_1802 = arith.constant 32 : index
        %get3A_1803 = tpu.vector_load %arg10[%get3A_1801, %get3A_1802] {strides = array<i32>} : memref<400x64xf32, #tpu.memory_space<vmem>>, vector<1x16xf32>,
        %get3A_1804 = vector.shape_cast %get3A_1803 : vector<1x16xf32> to vector<16xf32>
        %mul3A_1805 = arith.mulf %get3A_1804, %broadcast_in_dim3A_1785 : vector<16xf32>
        %add3A_1806 = arith.addf %add3A_1776, %mul3A_1805 : vector<16xf32>
        %get3A_1807 = arith.index_cast %add3A_1788 : i32 to index
        %get3A_1808 = arith.constant 48 : index
        %get3A_1809 = tpu.vector_load %arg10[%get3A_1807, %get3A_1808] {strides = array<i32>} : memref<400x64xf32, #tpu.memory_space<vmem>>, vector<1x16xf32>,
        %get3A_1810 = vector.shape_cast %get3A_1809 : vector<1x16xf32> to vector<16xf32>
        %mul3A_1811 = arith.mulf %get3A_1810, %broadcast_in_dim3A_1785 : vector<16xf32>
        %add3A_1812 = arith.addf %add3A_1782, %mul3A_1811 : vector<16xf32>
        %slice3A_1813 = vector.extract_strided_slice %get3A_539 {offsets = [10], sizes = [1], strides = [1]} : vector<16xf32> to vector<1xf32>
        %squeeze3A_1814 = vector.extract %slice3A_1813[0] : f32 from vector<1xf32>
        %broadcast_in_dim3A_1815 = vector.broadcast %squeeze3A_1814 : f32 to vector<16xf32>
        %add3A_1816 = arith.addf %add3A_1786, %broadcast_in_dim3A_1815 : vector<16xf32>
        %add3A_1817 = arith.constant 42 : i32
        %add3A_1818 = arith.addi %mul3A_554, %add3A_1817 : i32
        %get3A_1819 = arith.index_cast %add3A_1818 : i32 to index
        %get3A_1820 = arith.constant 0 : index
        %get3A_1821 = tpu.vector_load %arg10[%get3A_1819, %get3A_1820] {strides = array<i32>} : memref<400x64xf32, #tpu.memory_space<vmem>>, vector<1x16xf32>,
        %get3A_1822 = vector.shape_cast %get3A_1821 : vector<1x16xf32> to vector<16xf32>
        %mul3A_1823 = arith.mulf %get3A_1822, %broadcast_in_dim3A_1815 : vector<16xf32>
        %add3A_1824 = arith.addf %add3A_1794, %mul3A_1823 : vector<16xf32>
        %get3A_1825 = arith.index_cast %add3A_1818 : i32 to index
        %get3A_1826 = arith.constant 16 : index
        %get3A_1827 = tpu.vector_load %arg10[%get3A_1825, %get3A_1826] {strides = array<i32>} : memref<400x64xf32, #tpu.memory_space<vmem>>, vector<1x16xf32>,
        %get3A_1828 = vector.shape_cast %get3A_1827 : vector<1x16xf32> to vector<16xf32>
        %mul3A_1829 = arith.mulf %get3A_1828, %broadcast_in_dim3A_1815 : vector<16xf32>
        %add3A_1830 = arith.addf %add3A_1800, %mul3A_1829 : vector<16xf32>
        %get3A_1831 = arith.index_cast %add3A_1818 : i32 to index
        %get3A_1832 = arith.constant 32 : index
        %get3A_1833 = tpu.vector_load %arg10[%get3A_1831, %get3A_1832] {strides = array<i32>} : memref<400x64xf32, #tpu.memory_space<vmem>>, vector<1x16xf32>,
        %get3A_1834 = vector.shape_cast %get3A_1833 : vector<1x16xf32> to vector<16xf32>
        %mul3A_1835 = arith.mulf %get3A_1834, %broadcast_in_dim3A_1815 : vector<16xf32>
        %add3A_1836 = arith.addf %add3A_1806, %mul3A_1835 : vector<16xf32>
        %get3A_1837 = arith.index_cast %add3A_1818 : i32 to index
        %get3A_1838 = arith.constant 48 : index
        %get3A_1839 = tpu.vector_load %arg10[%get3A_1837, %get3A_1838] {strides = array<i32>} : memref<400x64xf32, #tpu.memory_space<vmem>>, vector<1x16xf32>,
        %get3A_1840 = vector.shape_cast %get3A_1839 : vector<1x16xf32> to vector<16xf32>
        %mul3A_1841 = arith.mulf %get3A_1840, %broadcast_in_dim3A_1815 : vector<16xf32>
        %add3A_1842 = arith.addf %add3A_1812, %mul3A_1841 : vector<16xf32>
        %slice3A_1843 = vector.extract_strided_slice %get3A_539 {offsets = [11], sizes = [1], strides = [1]} : vector<16xf32> to vector<1xf32>
        %squeeze3A_1844 = vector.extract %slice3A_1843[0] : f32 from vector<1xf32>
        %broadcast_in_dim3A_1845 = vector.broadcast %squeeze3A_1844 : f32 to vector<16xf32>
        %add3A_1846 = arith.addf %add3A_1816, %broadcast_in_dim3A_1845 : vector<16xf32>
        %add3A_1847 = arith.constant 43 : i32
        %add3A_1848 = arith.addi %mul3A_554, %add3A_1847 : i32
        %get3A_1849 = arith.index_cast %add3A_1848 : i32 to index
        %get3A_1850 = arith.constant 0 : index
        %get3A_1851 = tpu.vector_load %arg10[%get3A_1849, %get3A_1850] {strides = array<i32>} : memref<400x64xf32, #tpu.memory_space<vmem>>, vector<1x16xf32>,
        %get3A_1852 = vector.shape_cast %get3A_1851 : vector<1x16xf32> to vector<16xf32>
        %mul3A_1853 = arith.mulf %get3A_1852, %broadcast_in_dim3A_1845 : vector<16xf32>
        %add3A_1854 = arith.addf %add3A_1824, %mul3A_1853 : vector<16xf32>
        %get3A_1855 = arith.index_cast %add3A_1848 : i32 to index
        %get3A_1856 = arith.constant 16 : index
        %get3A_1857 = tpu.vector_load %arg10[%get3A_1855, %get3A_1856] {strides = array<i32>} : memref<400x64xf32, #tpu.memory_space<vmem>>, vector<1x16xf32>,
        %get3A_1858 = vector.shape_cast %get3A_1857 : vector<1x16xf32> to vector<16xf32>
        %mul3A_1859 = arith.mulf %get3A_1858, %broadcast_in_dim3A_1845 : vector<16xf32>
        %add3A_1860 = arith.addf %add3A_1830, %mul3A_1859 : vector<16xf32>
        %get3A_1861 = arith.index_cast %add3A_1848 : i32 to index
        %get3A_1862 = arith.constant 32 : index
        %get3A_1863 = tpu.vector_load %arg10[%get3A_1861, %get3A_1862] {strides = array<i32>} : memref<400x64xf32, #tpu.memory_space<vmem>>, vector<1x16xf32>,
        %get3A_1864 = vector.shape_cast %get3A_1863 : vector<1x16xf32> to vector<16xf32>
        %mul3A_1865 = arith.mulf %get3A_1864, %broadcast_in_dim3A_1845 : vector<16xf32>
        %add3A_1866 = arith.addf %add3A_1836, %mul3A_1865 : vector<16xf32>
        %get3A_1867 = arith.index_cast %add3A_1848 : i32 to index
        %get3A_1868 = arith.constant 48 : index
        %get3A_1869 = tpu.vector_load %arg10[%get3A_1867, %get3A_1868] {strides = array<i32>} : memref<400x64xf32, #tpu.memory_space<vmem>>, vector<1x16xf32>,
        %get3A_1870 = vector.shape_cast %get3A_1869 : vector<1x16xf32> to vector<16xf32>
        %mul3A_1871 = arith.mulf %get3A_1870, %broadcast_in_dim3A_1845 : vector<16xf32>
        %add3A_1872 = arith.addf %add3A_1842, %mul3A_1871 : vector<16xf32>
        %slice3A_1873 = vector.extract_strided_slice %get3A_539 {offsets = [12], sizes = [1], strides = [1]} : vector<16xf32> to vector<1xf32>
        %squeeze3A_1874 = vector.extract %slice3A_1873[0] : f32 from vector<1xf32>
        %broadcast_in_dim3A_1875 = vector.broadcast %squeeze3A_1874 : f32 to vector<16xf32>
        %add3A_1876 = arith.addf %add3A_1846, %broadcast_in_dim3A_1875 : vector<16xf32>
        %add3A_1877 = arith.constant 44 : i32
        %add3A_1878 = arith.addi %mul3A_554, %add3A_1877 : i32
        %get3A_1879 = arith.index_cast %add3A_1878 : i32 to index
        %get3A_1880 = arith.constant 0 : index
        %get3A_1881 = tpu.vector_load %arg10[%get3A_1879, %get3A_1880] {strides = array<i32>} : memref<400x64xf32, #tpu.memory_space<vmem>>, vector<1x16xf32>,
        %get3A_1882 = vector.shape_cast %get3A_1881 : vector<1x16xf32> to vector<16xf32>
        %mul3A_1883 = arith.mulf %get3A_1882, %broadcast_in_dim3A_1875 : vector<16xf32>
        %add3A_1884 = arith.addf %add3A_1854, %mul3A_1883 : vector<16xf32>
        %get3A_1885 = arith.index_cast %add3A_1878 : i32 to index
        %get3A_1886 = arith.constant 16 : index
        %get3A_1887 = tpu.vector_load %arg10[%get3A_1885, %get3A_1886] {strides = array<i32>} : memref<400x64xf32, #tpu.memory_space<vmem>>, vector<1x16xf32>,
        %get3A_1888 = vector.shape_cast %get3A_1887 : vector<1x16xf32> to vector<16xf32>
        %mul3A_1889 = arith.mulf %get3A_1888, %broadcast_in_dim3A_1875 : vector<16xf32>
        %add3A_1890 = arith.addf %add3A_1860, %mul3A_1889 : vector<16xf32>
        %get3A_1891 = arith.index_cast %add3A_1878 : i32 to index
        %get3A_1892 = arith.constant 32 : index
        %get3A_1893 = tpu.vector_load %arg10[%get3A_1891, %get3A_1892] {strides = array<i32>} : memref<400x64xf32, #tpu.memory_space<vmem>>, vector<1x16xf32>,
        %get3A_1894 = vector.shape_cast %get3A_1893 : vector<1x16xf32> to vector<16xf32>
        %mul3A_1895 = arith.mulf %get3A_1894, %broadcast_in_dim3A_1875 : vector<16xf32>
        %add3A_1896 = arith.addf %add3A_1866, %mul3A_1895 : vector<16xf32>
        %get3A_1897 = arith.index_cast %add3A_1878 : i32 to index
        %get3A_1898 = arith.constant 48 : index
        %get3A_1899 = tpu.vector_load %arg10[%get3A_1897, %get3A_1898] {strides = array<i32>} : memref<400x64xf32, #tpu.memory_space<vmem>>, vector<1x16xf32>,
        %get3A_1900 = vector.shape_cast %get3A_1899 : vector<1x16xf32> to vector<16xf32>
        %mul3A_1901 = arith.mulf %get3A_1900, %broadcast_in_dim3A_1875 : vector<16xf32>
        %add3A_1902 = arith.addf %add3A_1872, %mul3A_1901 : vector<16xf32>
        %slice3A_1903 = vector.extract_strided_slice %get3A_539 {offsets = [13], sizes = [1], strides = [1]} : vector<16xf32> to vector<1xf32>
        %squeeze3A_1904 = vector.extract %slice3A_1903[0] : f32 from vector<1xf32>
        %broadcast_in_dim3A_1905 = vector.broadcast %squeeze3A_1904 : f32 to vector<16xf32>
        %add3A_1906 = arith.addf %add3A_1876, %broadcast_in_dim3A_1905 : vector<16xf32>
        %add3A_1907 = arith.constant 45 : i32
        %add3A_1908 = arith.addi %mul3A_554, %add3A_1907 : i32
        %get3A_1909 = arith.index_cast %add3A_1908 : i32 to index
        %get3A_1910 = arith.constant 0 : index
        %get3A_1911 = tpu.vector_load %arg10[%get3A_1909, %get3A_1910] {strides = array<i32>} : memref<400x64xf32, #tpu.memory_space<vmem>>, vector<1x16xf32>,
        %get3A_1912 = vector.shape_cast %get3A_1911 : vector<1x16xf32> to vector<16xf32>
        %mul3A_1913 = arith.mulf %get3A_1912, %broadcast_in_dim3A_1905 : vector<16xf32>
        %add3A_1914 = arith.addf %add3A_1884, %mul3A_1913 : vector<16xf32>
        %get3A_1915 = arith.index_cast %add3A_1908 : i32 to index
        %get3A_1916 = arith.constant 16 : index
        %get3A_1917 = tpu.vector_load %arg10[%get3A_1915, %get3A_1916] {strides = array<i32>} : memref<400x64xf32, #tpu.memory_space<vmem>>, vector<1x16xf32>,
        %get3A_1918 = vector.shape_cast %get3A_1917 : vector<1x16xf32> to vector<16xf32>
        %mul3A_1919 = arith.mulf %get3A_1918, %broadcast_in_dim3A_1905 : vector<16xf32>
        %add3A_1920 = arith.addf %add3A_1890, %mul3A_1919 : vector<16xf32>
        %get3A_1921 = arith.index_cast %add3A_1908 : i32 to index
        %get3A_1922 = arith.constant 32 : index
        %get3A_1923 = tpu.vector_load %arg10[%get3A_1921, %get3A_1922] {strides = array<i32>} : memref<400x64xf32, #tpu.memory_space<vmem>>, vector<1x16xf32>,
        %get3A_1924 = vector.shape_cast %get3A_1923 : vector<1x16xf32> to vector<16xf32>
        %mul3A_1925 = arith.mulf %get3A_1924, %broadcast_in_dim3A_1905 : vector<16xf32>
        %add3A_1926 = arith.addf %add3A_1896, %mul3A_1925 : vector<16xf32>
        %get3A_1927 = arith.index_cast %add3A_1908 : i32 to index
        %get3A_1928 = arith.constant 48 : index
        %get3A_1929 = tpu.vector_load %arg10[%get3A_1927, %get3A_1928] {strides = array<i32>} : memref<400x64xf32, #tpu.memory_space<vmem>>, vector<1x16xf32>,
        %get3A_1930 = vector.shape_cast %get3A_1929 : vector<1x16xf32> to vector<16xf32>
        %mul3A_1931 = arith.mulf %get3A_1930, %broadcast_in_dim3A_1905 : vector<16xf32>
        %add3A_1932 = arith.addf %add3A_1902, %mul3A_1931 : vector<16xf32>
        %slice3A_1933 = vector.extract_strided_slice %get3A_539 {offsets = [14], sizes = [1], strides = [1]} : vector<16xf32> to vector<1xf32>
        %squeeze3A_1934 = vector.extract %slice3A_1933[0] : f32 from vector<1xf32>
        %broadcast_in_dim3A_1935 = vector.broadcast %squeeze3A_1934 : f32 to vector<16xf32>
        %add3A_1936 = arith.addf %add3A_1906, %broadcast_in_dim3A_1935 : vector<16xf32>
        %add3A_1937 = arith.constant 46 : i32
        %add3A_1938 = arith.addi %mul3A_554, %add3A_1937 : i32
        %get3A_1939 = arith.index_cast %add3A_1938 : i32 to index
        %get3A_1940 = arith.constant 0 : index
        %get3A_1941 = tpu.vector_load %arg10[%get3A_1939, %get3A_1940] {strides = array<i32>} : memref<400x64xf32, #tpu.memory_space<vmem>>, vector<1x16xf32>,
        %get3A_1942 = vector.shape_cast %get3A_1941 : vector<1x16xf32> to vector<16xf32>
        %mul3A_1943 = arith.mulf %get3A_1942, %broadcast_in_dim3A_1935 : vector<16xf32>
        %add3A_1944 = arith.addf %add3A_1914, %mul3A_1943 : vector<16xf32>
        %get3A_1945 = arith.index_cast %add3A_1938 : i32 to index
        %get3A_1946 = arith.constant 16 : index
        %get3A_1947 = tpu.vector_load %arg10[%get3A_1945, %get3A_1946] {strides = array<i32>} : memref<400x64xf32, #tpu.memory_space<vmem>>, vector<1x16xf32>,
        %get3A_1948 = vector.shape_cast %get3A_1947 : vector<1x16xf32> to vector<16xf32>
        %mul3A_1949 = arith.mulf %get3A_1948, %broadcast_in_dim3A_1935 : vector<16xf32>
        %add3A_1950 = arith.addf %add3A_1920, %mul3A_1949 : vector<16xf32>
        %get3A_1951 = arith.index_cast %add3A_1938 : i32 to index
        %get3A_1952 = arith.constant 32 : index
        %get3A_1953 = tpu.vector_load %arg10[%get3A_1951, %get3A_1952] {strides = array<i32>} : memref<400x64xf32, #tpu.memory_space<vmem>>, vector<1x16xf32>,
        %get3A_1954 = vector.shape_cast %get3A_1953 : vector<1x16xf32> to vector<16xf32>
        %mul3A_1955 = arith.mulf %get3A_1954, %broadcast_in_dim3A_1935 : vector<16xf32>
        %add3A_1956 = arith.addf %add3A_1926, %mul3A_1955 : vector<16xf32>
        %get3A_1957 = arith.index_cast %add3A_1938 : i32 to index
        %get3A_1958 = arith.constant 48 : index
        %get3A_1959 = tpu.vector_load %arg10[%get3A_1957, %get3A_1958] {strides = array<i32>} : memref<400x64xf32, #tpu.memory_space<vmem>>, vector<1x16xf32>,
        %get3A_1960 = vector.shape_cast %get3A_1959 : vector<1x16xf32> to vector<16xf32>
        %mul3A_1961 = arith.mulf %get3A_1960, %broadcast_in_dim3A_1935 : vector<16xf32>
        %add3A_1962 = arith.addf %add3A_1932, %mul3A_1961 : vector<16xf32>
        %slice3A_1963 = vector.extract_strided_slice %get3A_539 {offsets = [15], sizes = [1], strides = [1]} : vector<16xf32> to vector<1xf32>
        %squeeze3A_1964 = vector.extract %slice3A_1963[0] : f32 from vector<1xf32>
        %broadcast_in_dim3A_1965 = vector.broadcast %squeeze3A_1964 : f32 to vector<16xf32>
        %add3A_1966 = arith.addf %add3A_1936, %broadcast_in_dim3A_1965 : vector<16xf32>
        %add3A_1967 = arith.constant 47 : i32
        %add3A_1968 = arith.addi %mul3A_554, %add3A_1967 : i32
        %get3A_1969 = arith.index_cast %add3A_1968 : i32 to index
        %get3A_1970 = arith.constant 0 : index
        %get3A_1971 = tpu.vector_load %arg10[%get3A_1969, %get3A_1970] {strides = array<i32>} : memref<400x64xf32, #tpu.memory_space<vmem>>, vector<1x16xf32>,
        %get3A_1972 = vector.shape_cast %get3A_1971 : vector<1x16xf32> to vector<16xf32>
        %mul3A_1973 = arith.mulf %get3A_1972, %broadcast_in_dim3A_1965 : vector<16xf32>
        %add3A_1974 = arith.addf %add3A_1944, %mul3A_1973 : vector<16xf32>
        %get3A_1975 = arith.index_cast %add3A_1968 : i32 to index
        %get3A_1976 = arith.constant 16 : index
        %get3A_1977 = tpu.vector_load %arg10[%get3A_1975, %get3A_1976] {strides = array<i32>} : memref<400x64xf32, #tpu.memory_space<vmem>>, vector<1x16xf32>,
        %get3A_1978 = vector.shape_cast %get3A_1977 : vector<1x16xf32> to vector<16xf32>
        %mul3A_1979 = arith.mulf %get3A_1978, %broadcast_in_dim3A_1965 : vector<16xf32>
        %add3A_1980 = arith.addf %add3A_1950, %mul3A_1979 : vector<16xf32>
        %get3A_1981 = arith.index_cast %add3A_1968 : i32 to index
        %get3A_1982 = arith.constant 32 : index
        %get3A_1983 = tpu.vector_load %arg10[%get3A_1981, %get3A_1982] {strides = array<i32>} : memref<400x64xf32, #tpu.memory_space<vmem>>, vector<1x16xf32>,
        %get3A_1984 = vector.shape_cast %get3A_1983 : vector<1x16xf32> to vector<16xf32>
        %mul3A_1985 = arith.mulf %get3A_1984, %broadcast_in_dim3A_1965 : vector<16xf32>
        %add3A_1986 = arith.addf %add3A_1956, %mul3A_1985 : vector<16xf32>
        %get3A_1987 = arith.index_cast %add3A_1968 : i32 to index
        %get3A_1988 = arith.constant 48 : index
        %get3A_1989 = tpu.vector_load %arg10[%get3A_1987, %get3A_1988] {strides = array<i32>} : memref<400x64xf32, #tpu.memory_space<vmem>>, vector<1x16xf32>,
        %get3A_1990 = vector.shape_cast %get3A_1989 : vector<1x16xf32> to vector<16xf32>
        %mul3A_1991 = arith.mulf %get3A_1990, %broadcast_in_dim3A_1965 : vector<16xf32>
        %add3A_1992 = arith.addf %add3A_1962, %mul3A_1991 : vector<16xf32>
        %slice3A_1993 = vector.extract_strided_slice %get3A_543 {offsets = [14], sizes = [1], strides = [1]} : vector<16xf32> to vector<1xf32>
        %squeeze3A_1994 = vector.extract %slice3A_1993[0] : f32 from vector<1xf32>
        %broadcast_in_dim3A_1995 = vector.broadcast %squeeze3A_1994 : f32 to vector<16xf32>
        %add3A_1996 = arith.addf %add3A_1966, %broadcast_in_dim3A_1995 : vector<16xf32>
        %add3A_1997 = arith.constant 48 : i32
        %add3A_1998 = arith.addi %mul3A_554, %add3A_1997 : i32
        %get3A_1999 = arith.index_cast %add3A_1998 : i32 to index
        %get3A_2000 = arith.constant 0 : index
        %get3A_2001 = tpu.vector_load %arg10[%get3A_1999, %get3A_2000] {strides = array<i32>} : memref<400x64xf32, #tpu.memory_space<vmem>>, vector<1x16xf32>,
        %get3A_2002 = vector.shape_cast %get3A_2001 : vector<1x16xf32> to vector<16xf32>
        %mul3A_2003 = arith.mulf %get3A_2002, %broadcast_in_dim3A_1995 : vector<16xf32>
        %add3A_2004 = arith.addf %add3A_1974, %mul3A_2003 : vector<16xf32>
        %get3A_2005 = arith.index_cast %add3A_1998 : i32 to index
        %get3A_2006 = arith.constant 16 : index
        %get3A_2007 = tpu.vector_load %arg10[%get3A_2005, %get3A_2006] {strides = array<i32>} : memref<400x64xf32, #tpu.memory_space<vmem>>, vector<1x16xf32>,
        %get3A_2008 = vector.shape_cast %get3A_2007 : vector<1x16xf32> to vector<16xf32>
        %mul3A_2009 = arith.mulf %get3A_2008, %broadcast_in_dim3A_1995 : vector<16xf32>
        %add3A_2010 = arith.addf %add3A_1980, %mul3A_2009 : vector<16xf32>
        %get3A_2011 = arith.index_cast %add3A_1998 : i32 to index
        %get3A_2012 = arith.constant 32 : index
        %get3A_2013 = tpu.vector_load %arg10[%get3A_2011, %get3A_2012] {strides = array<i32>} : memref<400x64xf32, #tpu.memory_space<vmem>>, vector<1x16xf32>,
        %get3A_2014 = vector.shape_cast %get3A_2013 : vector<1x16xf32> to vector<16xf32>
        %mul3A_2015 = arith.mulf %get3A_2014, %broadcast_in_dim3A_1995 : vector<16xf32>
        %add3A_2016 = arith.addf %add3A_1986, %mul3A_2015 : vector<16xf32>
        %get3A_2017 = arith.index_cast %add3A_1998 : i32 to index
        %get3A_2018 = arith.constant 48 : index
        %get3A_2019 = tpu.vector_load %arg10[%get3A_2017, %get3A_2018] {strides = array<i32>} : memref<400x64xf32, #tpu.memory_space<vmem>>, vector<1x16xf32>,
        %get3A_2020 = vector.shape_cast %get3A_2019 : vector<1x16xf32> to vector<16xf32>
        %mul3A_2021 = arith.mulf %get3A_2020, %broadcast_in_dim3A_1995 : vector<16xf32>
        %add3A_2022 = arith.addf %add3A_1992, %mul3A_2021 : vector<16xf32>
        %slice3A_2023 = vector.extract_strided_slice %get3A_543 {offsets = [15], sizes = [1], strides = [1]} : vector<16xf32> to vector<1xf32>
        %squeeze3A_2024 = vector.extract %slice3A_2023[0] : f32 from vector<1xf32>
        %broadcast_in_dim3A_2025 = vector.broadcast %squeeze3A_2024 : f32 to vector<16xf32>
        %add3A_2026 = arith.addf %add3A_1996, %broadcast_in_dim3A_2025 : vector<16xf32>
        %add3A_2027 = arith.constant 49 : i32
        %add3A_2028 = arith.addi %mul3A_554, %add3A_2027 : i32
        %get3A_2029 = arith.index_cast %add3A_2028 : i32 to index
        %get3A_2030 = arith.constant 0 : index
        %get3A_2031 = tpu.vector_load %arg10[%get3A_2029, %get3A_2030] {strides = array<i32>} : memref<400x64xf32, #tpu.memory_space<vmem>>, vector<1x16xf32>,
        %get3A_2032 = vector.shape_cast %get3A_2031 : vector<1x16xf32> to vector<16xf32>
        %mul3A_2033 = arith.mulf %get3A_2032, %broadcast_in_dim3A_2025 : vector<16xf32>
        %add3A_2034 = arith.addf %add3A_2004, %mul3A_2033 : vector<16xf32>
        %get3A_2035 = arith.index_cast %add3A_2028 : i32 to index
        %get3A_2036 = arith.constant 16 : index
        %get3A_2037 = tpu.vector_load %arg10[%get3A_2035, %get3A_2036] {strides = array<i32>} : memref<400x64xf32, #tpu.memory_space<vmem>>, vector<1x16xf32>,
        %get3A_2038 = vector.shape_cast %get3A_2037 : vector<1x16xf32> to vector<16xf32>
        %mul3A_2039 = arith.mulf %get3A_2038, %broadcast_in_dim3A_2025 : vector<16xf32>
        %add3A_2040 = arith.addf %add3A_2010, %mul3A_2039 : vector<16xf32>
        %get3A_2041 = arith.index_cast %add3A_2028 : i32 to index
        %get3A_2042 = arith.constant 32 : index
        %get3A_2043 = tpu.vector_load %arg10[%get3A_2041, %get3A_2042] {strides = array<i32>} : memref<400x64xf32, #tpu.memory_space<vmem>>, vector<1x16xf32>,
        %get3A_2044 = vector.shape_cast %get3A_2043 : vector<1x16xf32> to vector<16xf32>
        %mul3A_2045 = arith.mulf %get3A_2044, %broadcast_in_dim3A_2025 : vector<16xf32>
        %add3A_2046 = arith.addf %add3A_2016, %mul3A_2045 : vector<16xf32>
        %get3A_2047 = arith.index_cast %add3A_2028 : i32 to index
        %get3A_2048 = arith.constant 48 : index
        %get3A_2049 = tpu.vector_load %arg10[%get3A_2047, %get3A_2048] {strides = array<i32>} : memref<400x64xf32, #tpu.memory_space<vmem>>, vector<1x16xf32>,
        %get3A_2050 = vector.shape_cast %get3A_2049 : vector<1x16xf32> to vector<16xf32>
        %mul3A_2051 = arith.mulf %get3A_2050, %broadcast_in_dim3A_2025 : vector<16xf32>
        %add3A_2052 = arith.addf %add3A_2022, %mul3A_2051 : vector<16xf32>
        %div3A = arith.constant 1.000000e+00 : f32
        %div3A_2053 = vector.broadcast %div3A : f32 to vector<16xf32>
        %div3A_2054 = arith.divf %div3A_2053, %add3A_2026 : vector<16xf32>
        %mul3A_2055 = arith.mulf %add3A_2034, %div3A_2054 : vector<16xf32>
        %swap3A = arith.index_cast %scan3A_527 : i32 to index
        %swap3A_2056 = arith.constant 0 : index
        %swap3A_2057 = tpu.vector_load %arg12[%swap3A, %swap3A_2056] {strides = array<i32>} : memref<8x64xf32, #tpu.memory_space<vmem>>, vector<1x16xf32>,
        %swap3A_2058 = vector.shape_cast %swap3A_2057 : vector<1x16xf32> to vector<16xf32>
        %swap3A_2059 = vector.shape_cast %mul3A_2055 : vector<16xf32> to vector<1x16xf32>
        tpu.vector_store %arg12[%swap3A, %swap3A_2056], %swap3A_2059 {strides = array<i32>} : memref<8x64xf32, #tpu.memory_space<vmem>>, vector<1x16xf32>,
        %mul3A_2060 = arith.mulf %add3A_2040, %div3A_2054 : vector<16xf32>
        %swap3A_2061 = arith.index_cast %scan3A_527 : i32 to index
        %swap3A_2062 = arith.constant 16 : index
        %swap3A_2063 = tpu.vector_load %arg12[%swap3A_2061, %swap3A_2062] {strides = array<i32>} : memref<8x64xf32, #tpu.memory_space<vmem>>, vector<1x16xf32>,
        %swap3A_2064 = vector.shape_cast %swap3A_2063 : vector<1x16xf32> to vector<16xf32>
        %swap3A_2065 = vector.shape_cast %mul3A_2060 : vector<16xf32> to vector<1x16xf32>
        tpu.vector_store %arg12[%swap3A_2061, %swap3A_2062], %swap3A_2065 {strides = array<i32>} : memref<8x64xf32, #tpu.memory_space<vmem>>, vector<1x16xf32>,
        %mul3A_2066 = arith.mulf %add3A_2046, %div3A_2054 : vector<16xf32>
        %swap3A_2067 = arith.index_cast %scan3A_527 : i32 to index
        %swap3A_2068 = arith.constant 32 : index
        %swap3A_2069 = tpu.vector_load %arg12[%swap3A_2067, %swap3A_2068] {strides = array<i32>} : memref<8x64xf32, #tpu.memory_space<vmem>>, vector<1x16xf32>,
        %swap3A_2070 = vector.shape_cast %swap3A_2069 : vector<1x16xf32> to vector<16xf32>
        %swap3A_2071 = vector.shape_cast %mul3A_2066 : vector<16xf32> to vector<1x16xf32>
        tpu.vector_store %arg12[%swap3A_2067, %swap3A_2068], %swap3A_2071 {strides = array<i32>} : memref<8x64xf32, #tpu.memory_space<vmem>>, vector<1x16xf32>,
        %mul3A_2072 = arith.mulf %add3A_2052, %div3A_2054 : vector<16xf32>
        %swap3A_2073 = arith.index_cast %scan3A_527 : i32 to index
        %swap3A_2074 = arith.constant 48 : index
        %swap3A_2075 = tpu.vector_load %arg12[%swap3A_2073, %swap3A_2074] {strides = array<i32>} : memref<8x64xf32, #tpu.memory_space<vmem>>, vector<1x16xf32>,
        %swap3A_2076 = vector.shape_cast %swap3A_2075 : vector<1x16xf32> to vector<16xf32>
        %swap3A_2077 = vector.shape_cast %mul3A_2072 : vector<16xf32> to vector<1x16xf32>
        tpu.vector_store %arg12[%swap3A_2073, %swap3A_2074], %swap3A_2077 {strides = array<i32>} : memref<8x64xf32, #tpu.memory_space<vmem>>, vector<1x16xf32>,
        %scan3A_2078 = arith.constant 0 : i32
        scf.yield %scan3A_2078 : i32
      }
      %scan3A_347 = arith.constant 8 : i32
      "tpu.region"() ({
        %run_scoped3A = tpu.sem_alloc : memref<!tpu.dma_semaphore, #tpu.memory_space<semaphore_mem>>
        %dma_start3A_527 = arith.constant 0 : i32
        %dma_start3A_528 = tpu.memref_slice %arg5[%add3A_340, %dma_start3A_527] : memref<16384x64xf32, #tpu.memory_space<hbm>> -> memref<8x64xf32, #tpu.memory_space<hbm>>
        %dma_start3A_529 = arith.constant 0 : i32
        %dma_start3A_530 = tpu.memref_slice %arg5[%add3A_340, %dma_start3A_529] : memref<16384x64xf32, #tpu.memory_space<hbm>> -> memref<8x64xf32, #tpu.memory_space<hbm>>
        tpu.enqueue_dma source(%arg12 : memref<8x64xf32, #tpu.memory_space<vmem>>) target(%dma_start3A_530 : memref<8x64xf32, #tpu.memory_space<hbm>>) target_semaphore(%run_scoped3A : memref<!tpu.dma_semaphore, #tpu.memory_space<semaphore_mem>>)
        %dma_wait3A_531 = arith.constant 0 : i32
        %dma_wait3A_532 = tpu.memref_slice %arg5[%add3A_340, %dma_wait3A_531] : memref<16384x64xf32, #tpu.memory_space<hbm>> -> memref<8x64xf32, #tpu.memory_space<hbm>>
        %dma_wait3A_533 = arith.constant 0 : i32
        %dma_wait3A_534 = tpu.memref_slice %arg5[%add3A_340, %dma_wait3A_533] : memref<16384x64xf32, #tpu.memory_space<hbm>> -> memref<8x64xf32, #tpu.memory_space<hbm>>
        tpu.wait_dma2 semaphore(%run_scoped3A : memref<!tpu.dma_semaphore, #tpu.memory_space<semaphore_mem>>) src(%arg12 : memref<8x64xf32, #tpu.memory_space<vmem>>) dst(%dma_wait3A_534 : memref<8x64xf32, #tpu.memory_space<hbm>>)
        tpu.yield
      }) : () -> ()
      %add3A_348 = arith.constant 2 : i32
      %add3A_349 = arith.addi %mul3A_172, %add3A_348 : i32
      %min3A = arith.constant 63 : i32
      %min3A_350 = arith.minsi %add3A_349, %min3A : i32
      %mul3A_351 = arith.constant 8 : i32
      %mul3A_352 = arith.muli %min3A_350, %mul3A_351 : i32
      %add3A_353 = arith.addi %mul3A_2, %mul3A_352 : i32
      "tpu.region"() ({
        %run_scoped3A = tpu.sem_alloc : memref<!tpu.dma_semaphore, #tpu.memory_space<semaphore_mem>>
        %dma_start3A_527 = arith.constant 0 : i32
        %dma_start3A_528 = tpu.memref_slice %arg2[%add3A_353, %dma_start3A_527] : memref<16384x50xi32, #tpu.memory_space<hbm>> -> memref<8x50xi32, #tpu.memory_space<hbm>>
        %dma_start3A_529 = arith.constant 0 : i32
        %dma_start3A_530 = tpu.memref_slice %arg2[%add3A_353, %dma_start3A_529] : memref<16384x50xi32, #tpu.memory_space<hbm>> -> memref<8x50xi32, #tpu.memory_space<hbm>>
        tpu.enqueue_dma source(%dma_start3A_530 : memref<8x50xi32, #tpu.memory_space<hbm>>) target(%arg6 : memref<8x50xi32, #tpu.memory_space<vmem>>) target_semaphore(%run_scoped3A : memref<!tpu.dma_semaphore, #tpu.memory_space<semaphore_mem>>)
        %dma_wait3A_531 = arith.constant 0 : i32
        %dma_wait3A_532 = tpu.memref_slice %arg2[%add3A_353, %dma_wait3A_531] : memref<16384x50xi32, #tpu.memory_space<hbm>> -> memref<8x50xi32, #tpu.memory_space<hbm>>
        %dma_wait3A_533 = arith.constant 0 : i32
        %dma_wait3A_534 = tpu.memref_slice %arg2[%add3A_353, %dma_wait3A_533] : memref<16384x50xi32, #tpu.memory_space<hbm>> -> memref<8x50xi32, #tpu.memory_space<hbm>>
        tpu.wait_dma2 semaphore(%run_scoped3A : memref<!tpu.dma_semaphore, #tpu.memory_space<semaphore_mem>>) src(%dma_wait3A_534 : memref<8x50xi32, #tpu.memory_space<hbm>>) dst(%arg6 : memref<8x50xi32, #tpu.memory_space<vmem>>)
        tpu.yield
      }) : () -> ()
      "tpu.region"() ({
        %run_scoped3A = tpu.sem_alloc : memref<!tpu.dma_semaphore, #tpu.memory_space<semaphore_mem>>
        %dma_start3A_527 = arith.constant 0 : i32
        %dma_start3A_528 = tpu.memref_slice %arg3[%add3A_353, %dma_start3A_527] : memref<16384x50xf32, #tpu.memory_space<hbm>> -> memref<8x50xf32, #tpu.memory_space<hbm>>
        %dma_start3A_529 = arith.constant 0 : i32
        %dma_start3A_530 = tpu.memref_slice %arg3[%add3A_353, %dma_start3A_529] : memref<16384x50xf32, #tpu.memory_space<hbm>> -> memref<8x50xf32, #tpu.memory_space<hbm>>
        tpu.enqueue_dma source(%dma_start3A_530 : memref<8x50xf32, #tpu.memory_space<hbm>>) target(%arg8 : memref<8x50xf32, #tpu.memory_space<vmem>>) target_semaphore(%run_scoped3A : memref<!tpu.dma_semaphore, #tpu.memory_space<semaphore_mem>>)
        %dma_wait3A_531 = arith.constant 0 : i32
        %dma_wait3A_532 = tpu.memref_slice %arg3[%add3A_353, %dma_wait3A_531] : memref<16384x50xf32, #tpu.memory_space<hbm>> -> memref<8x50xf32, #tpu.memory_space<hbm>>
        %dma_wait3A_533 = arith.constant 0 : i32
        %dma_wait3A_534 = tpu.memref_slice %arg3[%add3A_353, %dma_wait3A_533] : memref<16384x50xf32, #tpu.memory_space<hbm>> -> memref<8x50xf32, #tpu.memory_space<hbm>>
        tpu.wait_dma2 semaphore(%run_scoped3A : memref<!tpu.dma_semaphore, #tpu.memory_space<semaphore_mem>>) src(%dma_wait3A_534 : memref<8x50xf32, #tpu.memory_space<hbm>>) dst(%arg8 : memref<8x50xf32, #tpu.memory_space<vmem>>)
        tpu.yield
      }) : () -> ()
      %dma_start3A_354 = arith.constant 0 : i32
      %dma_start3A_355 = arith.constant 0 : i32
      %dma_start3A_356 = arith.constant 0 : i32
      %dma_start3A_357 = tpu.memref_slice %arg10[%dma_start3A_355, %dma_start3A_356] : memref<400x64xf32, #tpu.memory_space<vmem>> -> memref<50x64xf32, #tpu.memory_space<vmem>>
      %dma_start3A_358 = arith.constant 0 : i32
      %dma_start3A_359 = tpu.memref_slice %arg6[%dma_start3A_354, %dma_start3A_358] : memref<8x50xi32, #tpu.memory_space<vmem>> -> memref<1x50xi32, #tpu.memory_space<vmem>>
      %dma_start3A_360 = tpu.memref_squeeze %dma_start3A_359 : memref<1x50xi32, #tpu.memory_space<vmem>> -> memref<50xi32, #tpu.memory_space<vmem>>
      %dma_start3A_361 = arith.constant 0 : i32
      %dma_start3A_362 = arith.constant 0 : i32
      %dma_start3A_363 = tpu.memref_slice %arg4[%dma_start3A_361, %dma_start3A_362] : memref<1000001x64xf32, #tpu.memory_space<hbm>> -> memref<1000001x64xf32, #tpu.memory_space<hbm>>
      tpu.enqueue_indirect_dma source(%dma_start3A_363 : memref<1000001x64xf32, #tpu.memory_space<hbm>>) target(%dma_start3A_357 : memref<50x64xf32, #tpu.memory_space<vmem>>) offsets(%dma_start3A_360 : memref<50xi32, #tpu.memory_space<vmem>>) semaphore(%arg14 : memref<!tpu.dma_semaphore, #tpu.memory_space<semaphore_mem>>)
      %dma_start3A_364 = arith.constant 1 : i32
      %dma_start3A_365 = arith.constant 50 : i32
      %dma_start3A_366 = arith.constant 0 : i32
      %dma_start3A_367 = tpu.memref_slice %arg10[%dma_start3A_365, %dma_start3A_366] : memref<400x64xf32, #tpu.memory_space<vmem>> -> memref<50x64xf32, #tpu.memory_space<vmem>>
      %dma_start3A_368 = arith.constant 0 : i32
      %dma_start3A_369 = tpu.memref_slice %arg6[%dma_start3A_364, %dma_start3A_368] : memref<8x50xi32, #tpu.memory_space<vmem>> -> memref<1x50xi32, #tpu.memory_space<vmem>>
      %dma_start3A_370 = tpu.memref_squeeze %dma_start3A_369 : memref<1x50xi32, #tpu.memory_space<vmem>> -> memref<50xi32, #tpu.memory_space<vmem>>
      %dma_start3A_371 = arith.constant 0 : i32
      %dma_start3A_372 = arith.constant 0 : i32
      %dma_start3A_373 = tpu.memref_slice %arg4[%dma_start3A_371, %dma_start3A_372] : memref<1000001x64xf32, #tpu.memory_space<hbm>> -> memref<1000001x64xf32, #tpu.memory_space<hbm>>
      tpu.enqueue_indirect_dma source(%dma_start3A_373 : memref<1000001x64xf32, #tpu.memory_space<hbm>>) target(%dma_start3A_367 : memref<50x64xf32, #tpu.memory_space<vmem>>) offsets(%dma_start3A_370 : memref<50xi32, #tpu.memory_space<vmem>>) semaphore(%arg14 : memref<!tpu.dma_semaphore, #tpu.memory_space<semaphore_mem>>)
      %dma_start3A_374 = arith.constant 2 : i32
      %dma_start3A_375 = arith.constant 100 : i32
      %dma_start3A_376 = arith.constant 0 : i32
      %dma_start3A_377 = tpu.memref_slice %arg10[%dma_start3A_375, %dma_start3A_376] : memref<400x64xf32, #tpu.memory_space<vmem>> -> memref<50x64xf32, #tpu.memory_space<vmem>>
      %dma_start3A_378 = arith.constant 0 : i32
      %dma_start3A_379 = tpu.memref_slice %arg6[%dma_start3A_374, %dma_start3A_378] : memref<8x50xi32, #tpu.memory_space<vmem>> -> memref<1x50xi32, #tpu.memory_space<vmem>>
      %dma_start3A_380 = tpu.memref_squeeze %dma_start3A_379 : memref<1x50xi32, #tpu.memory_space<vmem>> -> memref<50xi32, #tpu.memory_space<vmem>>
      %dma_start3A_381 = arith.constant 0 : i32
      %dma_start3A_382 = arith.constant 0 : i32
      %dma_start3A_383 = tpu.memref_slice %arg4[%dma_start3A_381, %dma_start3A_382] : memref<1000001x64xf32, #tpu.memory_space<hbm>> -> memref<1000001x64xf32, #tpu.memory_space<hbm>>
      tpu.enqueue_indirect_dma source(%dma_start3A_383 : memref<1000001x64xf32, #tpu.memory_space<hbm>>) target(%dma_start3A_377 : memref<50x64xf32, #tpu.memory_space<vmem>>) offsets(%dma_start3A_380 : memref<50xi32, #tpu.memory_space<vmem>>) semaphore(%arg14 : memref<!tpu.dma_semaphore, #tpu.memory_space<semaphore_mem>>)
      %dma_start3A_384 = arith.constant 3 : i32
      %dma_start3A_385 = arith.constant 150 : i32
      %dma_start3A_386 = arith.constant 0 : i32
      %dma_start3A_387 = tpu.memref_slice %arg10[%dma_start3A_385, %dma_start3A_386] : memref<400x64xf32, #tpu.memory_space<vmem>> -> memref<50x64xf32, #tpu.memory_space<vmem>>
      %dma_start3A_388 = arith.constant 0 : i32
      %dma_start3A_389 = tpu.memref_slice %arg6[%dma_start3A_384, %dma_start3A_388] : memref<8x50xi32, #tpu.memory_space<vmem>> -> memref<1x50xi32, #tpu.memory_space<vmem>>
      %dma_start3A_390 = tpu.memref_squeeze %dma_start3A_389 : memref<1x50xi32, #tpu.memory_space<vmem>> -> memref<50xi32, #tpu.memory_space<vmem>>
      %dma_start3A_391 = arith.constant 0 : i32
      %dma_start3A_392 = arith.constant 0 : i32
      %dma_start3A_393 = tpu.memref_slice %arg4[%dma_start3A_391, %dma_start3A_392] : memref<1000001x64xf32, #tpu.memory_space<hbm>> -> memref<1000001x64xf32, #tpu.memory_space<hbm>>
      tpu.enqueue_indirect_dma source(%dma_start3A_393 : memref<1000001x64xf32, #tpu.memory_space<hbm>>) target(%dma_start3A_387 : memref<50x64xf32, #tpu.memory_space<vmem>>) offsets(%dma_start3A_390 : memref<50xi32, #tpu.memory_space<vmem>>) semaphore(%arg14 : memref<!tpu.dma_semaphore, #tpu.memory_space<semaphore_mem>>)
      %dma_start3A_394 = arith.constant 4 : i32
      %dma_start3A_395 = arith.constant 200 : i32
      %dma_start3A_396 = arith.constant 0 : i32
      %dma_start3A_397 = tpu.memref_slice %arg10[%dma_start3A_395, %dma_start3A_396] : memref<400x64xf32, #tpu.memory_space<vmem>> -> memref<50x64xf32, #tpu.memory_space<vmem>>
      %dma_start3A_398 = arith.constant 0 : i32
      %dma_start3A_399 = tpu.memref_slice %arg6[%dma_start3A_394, %dma_start3A_398] : memref<8x50xi32, #tpu.memory_space<vmem>> -> memref<1x50xi32, #tpu.memory_space<vmem>>
      %dma_start3A_400 = tpu.memref_squeeze %dma_start3A_399 : memref<1x50xi32, #tpu.memory_space<vmem>> -> memref<50xi32, #tpu.memory_space<vmem>>
      %dma_start3A_401 = arith.constant 0 : i32
      %dma_start3A_402 = arith.constant 0 : i32
      %dma_start3A_403 = tpu.memref_slice %arg4[%dma_start3A_401, %dma_start3A_402] : memref<1000001x64xf32, #tpu.memory_space<hbm>> -> memref<1000001x64xf32, #tpu.memory_space<hbm>>
      tpu.enqueue_indirect_dma source(%dma_start3A_403 : memref<1000001x64xf32, #tpu.memory_space<hbm>>) target(%dma_start3A_397 : memref<50x64xf32, #tpu.memory_space<vmem>>) offsets(%dma_start3A_400 : memref<50xi32, #tpu.memory_space<vmem>>) semaphore(%arg14 : memref<!tpu.dma_semaphore, #tpu.memory_space<semaphore_mem>>)
      %dma_start3A_404 = arith.constant 5 : i32
      %dma_start3A_405 = arith.constant 250 : i32
      %dma_start3A_406 = arith.constant 0 : i32
      %dma_start3A_407 = tpu.memref_slice %arg10[%dma_start3A_405, %dma_start3A_406] : memref<400x64xf32, #tpu.memory_space<vmem>> -> memref<50x64xf32, #tpu.memory_space<vmem>>
      %dma_start3A_408 = arith.constant 0 : i32
      %dma_start3A_409 = tpu.memref_slice %arg6[%dma_start3A_404, %dma_start3A_408] : memref<8x50xi32, #tpu.memory_space<vmem>> -> memref<1x50xi32, #tpu.memory_space<vmem>>
      %dma_start3A_410 = tpu.memref_squeeze %dma_start3A_409 : memref<1x50xi32, #tpu.memory_space<vmem>> -> memref<50xi32, #tpu.memory_space<vmem>>
      %dma_start3A_411 = arith.constant 0 : i32
      %dma_start3A_412 = arith.constant 0 : i32
      %dma_start3A_413 = tpu.memref_slice %arg4[%dma_start3A_411, %dma_start3A_412] : memref<1000001x64xf32, #tpu.memory_space<hbm>> -> memref<1000001x64xf32, #tpu.memory_space<hbm>>
      tpu.enqueue_indirect_dma source(%dma_start3A_413 : memref<1000001x64xf32, #tpu.memory_space<hbm>>) target(%dma_start3A_407 : memref<50x64xf32, #tpu.memory_space<vmem>>) offsets(%dma_start3A_410 : memref<50xi32, #tpu.memory_space<vmem>>) semaphore(%arg14 : memref<!tpu.dma_semaphore, #tpu.memory_space<semaphore_mem>>)
      %dma_start3A_414 = arith.constant 6 : i32
      %dma_start3A_415 = arith.constant 300 : i32
      %dma_start3A_416 = arith.constant 0 : i32
      %dma_start3A_417 = tpu.memref_slice %arg10[%dma_start3A_415, %dma_start3A_416] : memref<400x64xf32, #tpu.memory_space<vmem>> -> memref<50x64xf32, #tpu.memory_space<vmem>>
      %dma_start3A_418 = arith.constant 0 : i32
      %dma_start3A_419 = tpu.memref_slice %arg6[%dma_start3A_414, %dma_start3A_418] : memref<8x50xi32, #tpu.memory_space<vmem>> -> memref<1x50xi32, #tpu.memory_space<vmem>>
      %dma_start3A_420 = tpu.memref_squeeze %dma_start3A_419 : memref<1x50xi32, #tpu.memory_space<vmem>> -> memref<50xi32, #tpu.memory_space<vmem>>
      %dma_start3A_421 = arith.constant 0 : i32
      %dma_start3A_422 = arith.constant 0 : i32
      %dma_start3A_423 = tpu.memref_slice %arg4[%dma_start3A_421, %dma_start3A_422] : memref<1000001x64xf32, #tpu.memory_space<hbm>> -> memref<1000001x64xf32, #tpu.memory_space<hbm>>
      tpu.enqueue_indirect_dma source(%dma_start3A_423 : memref<1000001x64xf32, #tpu.memory_space<hbm>>) target(%dma_start3A_417 : memref<50x64xf32, #tpu.memory_space<vmem>>) offsets(%dma_start3A_420 : memref<50xi32, #tpu.memory_space<vmem>>) semaphore(%arg14 : memref<!tpu.dma_semaphore, #tpu.memory_space<semaphore_mem>>)
      %dma_start3A_424 = arith.constant 7 : i32
      %dma_start3A_425 = arith.constant 350 : i32
      %dma_start3A_426 = arith.constant 0 : i32
      %dma_start3A_427 = tpu.memref_slice %arg10[%dma_start3A_425, %dma_start3A_426] : memref<400x64xf32, #tpu.memory_space<vmem>> -> memref<50x64xf32, #tpu.memory_space<vmem>>
      %dma_start3A_428 = arith.constant 0 : i32
      %dma_start3A_429 = tpu.memref_slice %arg6[%dma_start3A_424, %dma_start3A_428] : memref<8x50xi32, #tpu.memory_space<vmem>> -> memref<1x50xi32, #tpu.memory_space<vmem>>
      %dma_start3A_430 = tpu.memref_squeeze %dma_start3A_429 : memref<1x50xi32, #tpu.memory_space<vmem>> -> memref<50xi32, #tpu.memory_space<vmem>>
      %dma_start3A_431 = arith.constant 0 : i32
      %dma_start3A_432 = arith.constant 0 : i32
      %dma_start3A_433 = tpu.memref_slice %arg4[%dma_start3A_431, %dma_start3A_432] : memref<1000001x64xf32, #tpu.memory_space<hbm>> -> memref<1000001x64xf32, #tpu.memory_space<hbm>>
      tpu.enqueue_indirect_dma source(%dma_start3A_433 : memref<1000001x64xf32, #tpu.memory_space<hbm>>) target(%dma_start3A_427 : memref<50x64xf32, #tpu.memory_space<vmem>>) offsets(%dma_start3A_430 : memref<50xi32, #tpu.memory_space<vmem>>) semaphore(%arg14 : memref<!tpu.dma_semaphore, #tpu.memory_space<semaphore_mem>>)
      %dma_wait3A_434 = arith.constant 0 : i32
      %dma_wait3A_435 = arith.constant 0 : i32
      %dma_wait3A_436 = arith.constant 0 : i32
      %dma_wait3A_437 = tpu.memref_slice %arg11[%dma_wait3A_435, %dma_wait3A_436] : memref<400x64xf32, #tpu.memory_space<vmem>> -> memref<50x64xf32, #tpu.memory_space<vmem>>
      %dma_wait3A_438 = arith.constant 0 : i32
      %dma_wait3A_439 = tpu.memref_slice %arg7[%dma_wait3A_434, %dma_wait3A_438] : memref<8x50xi32, #tpu.memory_space<vmem>> -> memref<1x50xi32, #tpu.memory_space<vmem>>
      %dma_wait3A_440 = tpu.memref_squeeze %dma_wait3A_439 : memref<1x50xi32, #tpu.memory_space<vmem>> -> memref<50xi32, #tpu.memory_space<vmem>>
      %dma_wait3A_441 = arith.constant 0 : i32
      %dma_wait3A_442 = arith.constant 0 : i32
      %dma_wait3A_443 = tpu.memref_slice %arg4[%dma_wait3A_441, %dma_wait3A_442] : memref<1000001x64xf32, #tpu.memory_space<hbm>> -> memref<1000001x64xf32, #tpu.memory_space<hbm>>
      tpu.wait_indirect_dma semaphore(%arg15 : memref<!tpu.dma_semaphore, #tpu.memory_space<semaphore_mem>>) src(%dma_wait3A_443 : memref<1000001x64xf32, #tpu.memory_space<hbm>>) dst(%dma_wait3A_437 : memref<50x64xf32, #tpu.memory_space<vmem>>)
      %dma_wait3A_444 = arith.constant 1 : i32
      %dma_wait3A_445 = arith.constant 50 : i32
      %dma_wait3A_446 = arith.constant 0 : i32
      %dma_wait3A_447 = tpu.memref_slice %arg11[%dma_wait3A_445, %dma_wait3A_446] : memref<400x64xf32, #tpu.memory_space<vmem>> -> memref<50x64xf32, #tpu.memory_space<vmem>>
      %dma_wait3A_448 = arith.constant 0 : i32
      %dma_wait3A_449 = tpu.memref_slice %arg7[%dma_wait3A_444, %dma_wait3A_448] : memref<8x50xi32, #tpu.memory_space<vmem>> -> memref<1x50xi32, #tpu.memory_space<vmem>>
      %dma_wait3A_450 = tpu.memref_squeeze %dma_wait3A_449 : memref<1x50xi32, #tpu.memory_space<vmem>> -> memref<50xi32, #tpu.memory_space<vmem>>
      %dma_wait3A_451 = arith.constant 0 : i32
      %dma_wait3A_452 = arith.constant 0 : i32
      %dma_wait3A_453 = tpu.memref_slice %arg4[%dma_wait3A_451, %dma_wait3A_452] : memref<1000001x64xf32, #tpu.memory_space<hbm>> -> memref<1000001x64xf32, #tpu.memory_space<hbm>>
      tpu.wait_indirect_dma semaphore(%arg15 : memref<!tpu.dma_semaphore, #tpu.memory_space<semaphore_mem>>) src(%dma_wait3A_453 : memref<1000001x64xf32, #tpu.memory_space<hbm>>) dst(%dma_wait3A_447 : memref<50x64xf32, #tpu.memory_space<vmem>>)
      %dma_wait3A_454 = arith.constant 2 : i32
      %dma_wait3A_455 = arith.constant 100 : i32
      %dma_wait3A_456 = arith.constant 0 : i32
      %dma_wait3A_457 = tpu.memref_slice %arg11[%dma_wait3A_455, %dma_wait3A_456] : memref<400x64xf32, #tpu.memory_space<vmem>> -> memref<50x64xf32, #tpu.memory_space<vmem>>
      %dma_wait3A_458 = arith.constant 0 : i32
      %dma_wait3A_459 = tpu.memref_slice %arg7[%dma_wait3A_454, %dma_wait3A_458] : memref<8x50xi32, #tpu.memory_space<vmem>> -> memref<1x50xi32, #tpu.memory_space<vmem>>
      %dma_wait3A_460 = tpu.memref_squeeze %dma_wait3A_459 : memref<1x50xi32, #tpu.memory_space<vmem>> -> memref<50xi32, #tpu.memory_space<vmem>>
      %dma_wait3A_461 = arith.constant 0 : i32
      %dma_wait3A_462 = arith.constant 0 : i32
      %dma_wait3A_463 = tpu.memref_slice %arg4[%dma_wait3A_461, %dma_wait3A_462] : memref<1000001x64xf32, #tpu.memory_space<hbm>> -> memref<1000001x64xf32, #tpu.memory_space<hbm>>
      tpu.wait_indirect_dma semaphore(%arg15 : memref<!tpu.dma_semaphore, #tpu.memory_space<semaphore_mem>>) src(%dma_wait3A_463 : memref<1000001x64xf32, #tpu.memory_space<hbm>>) dst(%dma_wait3A_457 : memref<50x64xf32, #tpu.memory_space<vmem>>)
      %dma_wait3A_464 = arith.constant 3 : i32
      %dma_wait3A_465 = arith.constant 150 : i32
      %dma_wait3A_466 = arith.constant 0 : i32
      %dma_wait3A_467 = tpu.memref_slice %arg11[%dma_wait3A_465, %dma_wait3A_466] : memref<400x64xf32, #tpu.memory_space<vmem>> -> memref<50x64xf32, #tpu.memory_space<vmem>>
      %dma_wait3A_468 = arith.constant 0 : i32
      %dma_wait3A_469 = tpu.memref_slice %arg7[%dma_wait3A_464, %dma_wait3A_468] : memref<8x50xi32, #tpu.memory_space<vmem>> -> memref<1x50xi32, #tpu.memory_space<vmem>>
      %dma_wait3A_470 = tpu.memref_squeeze %dma_wait3A_469 : memref<1x50xi32, #tpu.memory_space<vmem>> -> memref<50xi32, #tpu.memory_space<vmem>>
      %dma_wait3A_471 = arith.constant 0 : i32
      %dma_wait3A_472 = arith.constant 0 : i32
      %dma_wait3A_473 = tpu.memref_slice %arg4[%dma_wait3A_471, %dma_wait3A_472] : memref<1000001x64xf32, #tpu.memory_space<hbm>> -> memref<1000001x64xf32, #tpu.memory_space<hbm>>
      tpu.wait_indirect_dma semaphore(%arg15 : memref<!tpu.dma_semaphore, #tpu.memory_space<semaphore_mem>>) src(%dma_wait3A_473 : memref<1000001x64xf32, #tpu.memory_space<hbm>>) dst(%dma_wait3A_467 : memref<50x64xf32, #tpu.memory_space<vmem>>)
      %dma_wait3A_474 = arith.constant 4 : i32
      %dma_wait3A_475 = arith.constant 200 : i32
      %dma_wait3A_476 = arith.constant 0 : i32
      %dma_wait3A_477 = tpu.memref_slice %arg11[%dma_wait3A_475, %dma_wait3A_476] : memref<400x64xf32, #tpu.memory_space<vmem>> -> memref<50x64xf32, #tpu.memory_space<vmem>>
      %dma_wait3A_478 = arith.constant 0 : i32
      %dma_wait3A_479 = tpu.memref_slice %arg7[%dma_wait3A_474, %dma_wait3A_478] : memref<8x50xi32, #tpu.memory_space<vmem>> -> memref<1x50xi32, #tpu.memory_space<vmem>>
      %dma_wait3A_480 = tpu.memref_squeeze %dma_wait3A_479 : memref<1x50xi32, #tpu.memory_space<vmem>> -> memref<50xi32, #tpu.memory_space<vmem>>
      %dma_wait3A_481 = arith.constant 0 : i32
      %dma_wait3A_482 = arith.constant 0 : i32
      %dma_wait3A_483 = tpu.memref_slice %arg4[%dma_wait3A_481, %dma_wait3A_482] : memref<1000001x64xf32, #tpu.memory_space<hbm>> -> memref<1000001x64xf32, #tpu.memory_space<hbm>>
      tpu.wait_indirect_dma semaphore(%arg15 : memref<!tpu.dma_semaphore, #tpu.memory_space<semaphore_mem>>) src(%dma_wait3A_483 : memref<1000001x64xf32, #tpu.memory_space<hbm>>) dst(%dma_wait3A_477 : memref<50x64xf32, #tpu.memory_space<vmem>>)
      %dma_wait3A_484 = arith.constant 5 : i32
      %dma_wait3A_485 = arith.constant 250 : i32
      %dma_wait3A_486 = arith.constant 0 : i32
      %dma_wait3A_487 = tpu.memref_slice %arg11[%dma_wait3A_485, %dma_wait3A_486] : memref<400x64xf32, #tpu.memory_space<vmem>> -> memref<50x64xf32, #tpu.memory_space<vmem>>
      %dma_wait3A_488 = arith.constant 0 : i32
      %dma_wait3A_489 = tpu.memref_slice %arg7[%dma_wait3A_484, %dma_wait3A_488] : memref<8x50xi32, #tpu.memory_space<vmem>> -> memref<1x50xi32, #tpu.memory_space<vmem>>
      %dma_wait3A_490 = tpu.memref_squeeze %dma_wait3A_489 : memref<1x50xi32, #tpu.memory_space<vmem>> -> memref<50xi32, #tpu.memory_space<vmem>>
      %dma_wait3A_491 = arith.constant 0 : i32
      %dma_wait3A_492 = arith.constant 0 : i32
      %dma_wait3A_493 = tpu.memref_slice %arg4[%dma_wait3A_491, %dma_wait3A_492] : memref<1000001x64xf32, #tpu.memory_space<hbm>> -> memref<1000001x64xf32, #tpu.memory_space<hbm>>
      tpu.wait_indirect_dma semaphore(%arg15 : memref<!tpu.dma_semaphore, #tpu.memory_space<semaphore_mem>>) src(%dma_wait3A_493 : memref<1000001x64xf32, #tpu.memory_space<hbm>>) dst(%dma_wait3A_487 : memref<50x64xf32, #tpu.memory_space<vmem>>)
      %dma_wait3A_494 = arith.constant 6 : i32
      %dma_wait3A_495 = arith.constant 300 : i32
      %dma_wait3A_496 = arith.constant 0 : i32
      %dma_wait3A_497 = tpu.memref_slice %arg11[%dma_wait3A_495, %dma_wait3A_496] : memref<400x64xf32, #tpu.memory_space<vmem>> -> memref<50x64xf32, #tpu.memory_space<vmem>>
      %dma_wait3A_498 = arith.constant 0 : i32
      %dma_wait3A_499 = tpu.memref_slice %arg7[%dma_wait3A_494, %dma_wait3A_498] : memref<8x50xi32, #tpu.memory_space<vmem>> -> memref<1x50xi32, #tpu.memory_space<vmem>>
      %dma_wait3A_500 = tpu.memref_squeeze %dma_wait3A_499 : memref<1x50xi32, #tpu.memory_space<vmem>> -> memref<50xi32, #tpu.memory_space<vmem>>
      %dma_wait3A_501 = arith.constant 0 : i32
      %dma_wait3A_502 = arith.constant 0 : i32
      %dma_wait3A_503 = tpu.memref_slice %arg4[%dma_wait3A_501, %dma_wait3A_502] : memref<1000001x64xf32, #tpu.memory_space<hbm>> -> memref<1000001x64xf32, #tpu.memory_space<hbm>>
      tpu.wait_indirect_dma semaphore(%arg15 : memref<!tpu.dma_semaphore, #tpu.memory_space<semaphore_mem>>) src(%dma_wait3A_503 : memref<1000001x64xf32, #tpu.memory_space<hbm>>) dst(%dma_wait3A_497 : memref<50x64xf32, #tpu.memory_space<vmem>>)
      %dma_wait3A_504 = arith.constant 7 : i32
      %dma_wait3A_505 = arith.constant 350 : i32
      %dma_wait3A_506 = arith.constant 0 : i32
      %dma_wait3A_507 = tpu.memref_slice %arg11[%dma_wait3A_505, %dma_wait3A_506] : memref<400x64xf32, #tpu.memory_space<vmem>> -> memref<50x64xf32, #tpu.memory_space<vmem>>
      %dma_wait3A_508 = arith.constant 0 : i32
      %dma_wait3A_509 = tpu.memref_slice %arg7[%dma_wait3A_504, %dma_wait3A_508] : memref<8x50xi32, #tpu.memory_space<vmem>> -> memref<1x50xi32, #tpu.memory_space<vmem>>
      %dma_wait3A_510 = tpu.memref_squeeze %dma_wait3A_509 : memref<1x50xi32, #tpu.memory_space<vmem>> -> memref<50xi32, #tpu.memory_space<vmem>>
      %dma_wait3A_511 = arith.constant 0 : i32
      %dma_wait3A_512 = arith.constant 0 : i32
      %dma_wait3A_513 = tpu.memref_slice %arg4[%dma_wait3A_511, %dma_wait3A_512] : memref<1000001x64xf32, #tpu.memory_space<hbm>> -> memref<1000001x64xf32, #tpu.memory_space<hbm>>
      tpu.wait_indirect_dma semaphore(%arg15 : memref<!tpu.dma_semaphore, #tpu.memory_space<semaphore_mem>>) src(%dma_wait3A_513 : memref<1000001x64xf32, #tpu.memory_space<hbm>>) dst(%dma_wait3A_507 : memref<50x64xf32, #tpu.memory_space<vmem>>)
      %add3A_514 = arith.constant 1 : i32
      %add3A_515 = arith.addi %mul3A_172, %add3A_514 : i32
      %mul3A_516 = arith.constant 8 : i32
      %mul3A_517 = arith.muli %add3A_515, %mul3A_516 : i32
      %add3A_518 = arith.addi %mul3A_2, %mul3A_517 : i32
      %scan3A_519 = arith.constant 0 : i32
      %scan3A_520 = arith.constant 0 : i32
      %scan3A_521 = arith.constant 8 : i32
      %scan3A_522 = arith.addi %scan3A_520, %scan3A_521 : i32
      %scan3A_523 = arith.constant 1 : i32
      %scan3A_524 = scf.for %scan3A_527 = %scan3A_520 to %scan3A_522 step %scan3A_523 iter_args(%scan3A_528 = %scan3A_519) -> (i32)  : i32 {
        %get3A = arith.index_cast %scan3A_527 : i32 to index
        %get3A_529 = arith.constant 0 : index
        %get3A_530 = tpu.vector_load %arg9[%get3A, %get3A_529] {strides = array<i32>} : memref<8x50xf32, #tpu.memory_space<vmem>>, vector<1x16xf32>,
        %get3A_531 = vector.shape_cast %get3A_530 : vector<1x16xf32> to vector<16xf32>
        %get3A_532 = arith.index_cast %scan3A_527 : i32 to index
        %get3A_533 = arith.constant 16 : index
        %get3A_534 = tpu.vector_load %arg9[%get3A_532, %get3A_533] {strides = array<i32>} : memref<8x50xf32, #tpu.memory_space<vmem>>, vector<1x16xf32>,
        %get3A_535 = vector.shape_cast %get3A_534 : vector<1x16xf32> to vector<16xf32>
        %get3A_536 = arith.index_cast %scan3A_527 : i32 to index
        %get3A_537 = arith.constant 32 : index
        %get3A_538 = tpu.vector_load %arg9[%get3A_536, %get3A_537] {strides = array<i32>} : memref<8x50xf32, #tpu.memory_space<vmem>>, vector<1x16xf32>,
        %get3A_539 = vector.shape_cast %get3A_538 : vector<1x16xf32> to vector<16xf32>
        %get3A_540 = arith.index_cast %scan3A_527 : i32 to index
        %get3A_541 = arith.constant 34 : index
        %get3A_542 = tpu.vector_load %arg9[%get3A_540, %get3A_541] {strides = array<i32>} : memref<8x50xf32, #tpu.memory_space<vmem>>, vector<1x16xf32>,
        %get3A_543 = vector.shape_cast %get3A_542 : vector<1x16xf32> to vector<16xf32>
        %broadcast_in_dim3A = arith.constant 0.000000e+00 : f32
        %broadcast_in_dim3A_544 = vector.broadcast %broadcast_in_dim3A : f32 to vector<16xf32>
        %broadcast_in_dim3A_545 = arith.constant 0.000000e+00 : f32
        %broadcast_in_dim3A_546 = vector.broadcast %broadcast_in_dim3A_545 : f32 to vector<16xf32>
        %broadcast_in_dim3A_547 = arith.constant 0.000000e+00 : f32
        %broadcast_in_dim3A_548 = vector.broadcast %broadcast_in_dim3A_547 : f32 to vector<16xf32>
        %broadcast_in_dim3A_549 = arith.constant 0.000000e+00 : f32
        %broadcast_in_dim3A_550 = vector.broadcast %broadcast_in_dim3A_549 : f32 to vector<16xf32>
        %broadcast_in_dim3A_551 = arith.constant 0.000000e+00 : f32
        %broadcast_in_dim3A_552 = vector.broadcast %broadcast_in_dim3A_551 : f32 to vector<16xf32>
        %mul3A_553 = arith.constant 50 : i32
        %mul3A_554 = arith.muli %scan3A_527, %mul3A_553 : i32
        %slice3A = vector.extract_strided_slice %get3A_531 {offsets = [0], sizes = [1], strides = [1]} : vector<16xf32> to vector<1xf32>
        %squeeze3A = vector.extract %slice3A[0] : f32 from vector<1xf32>
        %broadcast_in_dim3A_555 = vector.broadcast %squeeze3A : f32 to vector<16xf32>
        %add3A_556 = arith.addf %broadcast_in_dim3A_552, %broadcast_in_dim3A_555 : vector<16xf32>
        %add3A_557 = arith.constant 0 : i32
        %add3A_558 = arith.addi %mul3A_554, %add3A_557 : i32
        %get3A_559 = arith.index_cast %add3A_558 : i32 to index
        %get3A_560 = arith.constant 0 : index
        %get3A_561 = tpu.vector_load %arg11[%get3A_559, %get3A_560] {strides = array<i32>} : memref<400x64xf32, #tpu.memory_space<vmem>>, vector<1x16xf32>,
        %get3A_562 = vector.shape_cast %get3A_561 : vector<1x16xf32> to vector<16xf32>
        %mul3A_563 = arith.mulf %get3A_562, %broadcast_in_dim3A_555 : vector<16xf32>
        %add3A_564 = arith.addf %broadcast_in_dim3A_544, %mul3A_563 : vector<16xf32>
        %get3A_565 = arith.index_cast %add3A_558 : i32 to index
        %get3A_566 = arith.constant 16 : index
        %get3A_567 = tpu.vector_load %arg11[%get3A_565, %get3A_566] {strides = array<i32>} : memref<400x64xf32, #tpu.memory_space<vmem>>, vector<1x16xf32>,
        %get3A_568 = vector.shape_cast %get3A_567 : vector<1x16xf32> to vector<16xf32>
        %mul3A_569 = arith.mulf %get3A_568, %broadcast_in_dim3A_555 : vector<16xf32>
        %add3A_570 = arith.addf %broadcast_in_dim3A_546, %mul3A_569 : vector<16xf32>
        %get3A_571 = arith.index_cast %add3A_558 : i32 to index
        %get3A_572 = arith.constant 32 : index
        %get3A_573 = tpu.vector_load %arg11[%get3A_571, %get3A_572] {strides = array<i32>} : memref<400x64xf32, #tpu.memory_space<vmem>>, vector<1x16xf32>,
        %get3A_574 = vector.shape_cast %get3A_573 : vector<1x16xf32> to vector<16xf32>
        %mul3A_575 = arith.mulf %get3A_574, %broadcast_in_dim3A_555 : vector<16xf32>
        %add3A_576 = arith.addf %broadcast_in_dim3A_548, %mul3A_575 : vector<16xf32>
        %get3A_577 = arith.index_cast %add3A_558 : i32 to index
        %get3A_578 = arith.constant 48 : index
        %get3A_579 = tpu.vector_load %arg11[%get3A_577, %get3A_578] {strides = array<i32>} : memref<400x64xf32, #tpu.memory_space<vmem>>, vector<1x16xf32>,
        %get3A_580 = vector.shape_cast %get3A_579 : vector<1x16xf32> to vector<16xf32>
        %mul3A_581 = arith.mulf %get3A_580, %broadcast_in_dim3A_555 : vector<16xf32>
        %add3A_582 = arith.addf %broadcast_in_dim3A_550, %mul3A_581 : vector<16xf32>
        %slice3A_583 = vector.extract_strided_slice %get3A_531 {offsets = [1], sizes = [1], strides = [1]} : vector<16xf32> to vector<1xf32>
        %squeeze3A_584 = vector.extract %slice3A_583[0] : f32 from vector<1xf32>
        %broadcast_in_dim3A_585 = vector.broadcast %squeeze3A_584 : f32 to vector<16xf32>
        %add3A_586 = arith.addf %add3A_556, %broadcast_in_dim3A_585 : vector<16xf32>
        %add3A_587 = arith.constant 1 : i32
        %add3A_588 = arith.addi %mul3A_554, %add3A_587 : i32
        %get3A_589 = arith.index_cast %add3A_588 : i32 to index
        %get3A_590 = arith.constant 0 : index
        %get3A_591 = tpu.vector_load %arg11[%get3A_589, %get3A_590] {strides = array<i32>} : memref<400x64xf32, #tpu.memory_space<vmem>>, vector<1x16xf32>,
        %get3A_592 = vector.shape_cast %get3A_591 : vector<1x16xf32> to vector<16xf32>
        %mul3A_593 = arith.mulf %get3A_592, %broadcast_in_dim3A_585 : vector<16xf32>
        %add3A_594 = arith.addf %add3A_564, %mul3A_593 : vector<16xf32>
        %get3A_595 = arith.index_cast %add3A_588 : i32 to index
        %get3A_596 = arith.constant 16 : index
        %get3A_597 = tpu.vector_load %arg11[%get3A_595, %get3A_596] {strides = array<i32>} : memref<400x64xf32, #tpu.memory_space<vmem>>, vector<1x16xf32>,
        %get3A_598 = vector.shape_cast %get3A_597 : vector<1x16xf32> to vector<16xf32>
        %mul3A_599 = arith.mulf %get3A_598, %broadcast_in_dim3A_585 : vector<16xf32>
        %add3A_600 = arith.addf %add3A_570, %mul3A_599 : vector<16xf32>
        %get3A_601 = arith.index_cast %add3A_588 : i32 to index
        %get3A_602 = arith.constant 32 : index
        %get3A_603 = tpu.vector_load %arg11[%get3A_601, %get3A_602] {strides = array<i32>} : memref<400x64xf32, #tpu.memory_space<vmem>>, vector<1x16xf32>,
        %get3A_604 = vector.shape_cast %get3A_603 : vector<1x16xf32> to vector<16xf32>
        %mul3A_605 = arith.mulf %get3A_604, %broadcast_in_dim3A_585 : vector<16xf32>
        %add3A_606 = arith.addf %add3A_576, %mul3A_605 : vector<16xf32>
        %get3A_607 = arith.index_cast %add3A_588 : i32 to index
        %get3A_608 = arith.constant 48 : index
        %get3A_609 = tpu.vector_load %arg11[%get3A_607, %get3A_608] {strides = array<i32>} : memref<400x64xf32, #tpu.memory_space<vmem>>, vector<1x16xf32>,
        %get3A_610 = vector.shape_cast %get3A_609 : vector<1x16xf32> to vector<16xf32>
        %mul3A_611 = arith.mulf %get3A_610, %broadcast_in_dim3A_585 : vector<16xf32>
        %add3A_612 = arith.addf %add3A_582, %mul3A_611 : vector<16xf32>
        %slice3A_613 = vector.extract_strided_slice %get3A_531 {offsets = [2], sizes = [1], strides = [1]} : vector<16xf32> to vector<1xf32>
        %squeeze3A_614 = vector.extract %slice3A_613[0] : f32 from vector<1xf32>
        %broadcast_in_dim3A_615 = vector.broadcast %squeeze3A_614 : f32 to vector<16xf32>
        %add3A_616 = arith.addf %add3A_586, %broadcast_in_dim3A_615 : vector<16xf32>
        %add3A_617 = arith.constant 2 : i32
        %add3A_618 = arith.addi %mul3A_554, %add3A_617 : i32
        %get3A_619 = arith.index_cast %add3A_618 : i32 to index
        %get3A_620 = arith.constant 0 : index
        %get3A_621 = tpu.vector_load %arg11[%get3A_619, %get3A_620] {strides = array<i32>} : memref<400x64xf32, #tpu.memory_space<vmem>>, vector<1x16xf32>,
        %get3A_622 = vector.shape_cast %get3A_621 : vector<1x16xf32> to vector<16xf32>
        %mul3A_623 = arith.mulf %get3A_622, %broadcast_in_dim3A_615 : vector<16xf32>
        %add3A_624 = arith.addf %add3A_594, %mul3A_623 : vector<16xf32>
        %get3A_625 = arith.index_cast %add3A_618 : i32 to index
        %get3A_626 = arith.constant 16 : index
        %get3A_627 = tpu.vector_load %arg11[%get3A_625, %get3A_626] {strides = array<i32>} : memref<400x64xf32, #tpu.memory_space<vmem>>, vector<1x16xf32>,
        %get3A_628 = vector.shape_cast %get3A_627 : vector<1x16xf32> to vector<16xf32>
        %mul3A_629 = arith.mulf %get3A_628, %broadcast_in_dim3A_615 : vector<16xf32>
        %add3A_630 = arith.addf %add3A_600, %mul3A_629 : vector<16xf32>
        %get3A_631 = arith.index_cast %add3A_618 : i32 to index
        %get3A_632 = arith.constant 32 : index
        %get3A_633 = tpu.vector_load %arg11[%get3A_631, %get3A_632] {strides = array<i32>} : memref<400x64xf32, #tpu.memory_space<vmem>>, vector<1x16xf32>,
        %get3A_634 = vector.shape_cast %get3A_633 : vector<1x16xf32> to vector<16xf32>
        %mul3A_635 = arith.mulf %get3A_634, %broadcast_in_dim3A_615 : vector<16xf32>
        %add3A_636 = arith.addf %add3A_606, %mul3A_635 : vector<16xf32>
        %get3A_637 = arith.index_cast %add3A_618 : i32 to index
        %get3A_638 = arith.constant 48 : index
        %get3A_639 = tpu.vector_load %arg11[%get3A_637, %get3A_638] {strides = array<i32>} : memref<400x64xf32, #tpu.memory_space<vmem>>, vector<1x16xf32>,
        %get3A_640 = vector.shape_cast %get3A_639 : vector<1x16xf32> to vector<16xf32>
        %mul3A_641 = arith.mulf %get3A_640, %broadcast_in_dim3A_615 : vector<16xf32>
        %add3A_642 = arith.addf %add3A_612, %mul3A_641 : vector<16xf32>
        %slice3A_643 = vector.extract_strided_slice %get3A_531 {offsets = [3], sizes = [1], strides = [1]} : vector<16xf32> to vector<1xf32>
        %squeeze3A_644 = vector.extract %slice3A_643[0] : f32 from vector<1xf32>
        %broadcast_in_dim3A_645 = vector.broadcast %squeeze3A_644 : f32 to vector<16xf32>
        %add3A_646 = arith.addf %add3A_616, %broadcast_in_dim3A_645 : vector<16xf32>
        %add3A_647 = arith.constant 3 : i32
        %add3A_648 = arith.addi %mul3A_554, %add3A_647 : i32
        %get3A_649 = arith.index_cast %add3A_648 : i32 to index
        %get3A_650 = arith.constant 0 : index
        %get3A_651 = tpu.vector_load %arg11[%get3A_649, %get3A_650] {strides = array<i32>} : memref<400x64xf32, #tpu.memory_space<vmem>>, vector<1x16xf32>,
        %get3A_652 = vector.shape_cast %get3A_651 : vector<1x16xf32> to vector<16xf32>
        %mul3A_653 = arith.mulf %get3A_652, %broadcast_in_dim3A_645 : vector<16xf32>
        %add3A_654 = arith.addf %add3A_624, %mul3A_653 : vector<16xf32>
        %get3A_655 = arith.index_cast %add3A_648 : i32 to index
        %get3A_656 = arith.constant 16 : index
        %get3A_657 = tpu.vector_load %arg11[%get3A_655, %get3A_656] {strides = array<i32>} : memref<400x64xf32, #tpu.memory_space<vmem>>, vector<1x16xf32>,
        %get3A_658 = vector.shape_cast %get3A_657 : vector<1x16xf32> to vector<16xf32>
        %mul3A_659 = arith.mulf %get3A_658, %broadcast_in_dim3A_645 : vector<16xf32>
        %add3A_660 = arith.addf %add3A_630, %mul3A_659 : vector<16xf32>
        %get3A_661 = arith.index_cast %add3A_648 : i32 to index
        %get3A_662 = arith.constant 32 : index
        %get3A_663 = tpu.vector_load %arg11[%get3A_661, %get3A_662] {strides = array<i32>} : memref<400x64xf32, #tpu.memory_space<vmem>>, vector<1x16xf32>,
        %get3A_664 = vector.shape_cast %get3A_663 : vector<1x16xf32> to vector<16xf32>
        %mul3A_665 = arith.mulf %get3A_664, %broadcast_in_dim3A_645 : vector<16xf32>
        %add3A_666 = arith.addf %add3A_636, %mul3A_665 : vector<16xf32>
        %get3A_667 = arith.index_cast %add3A_648 : i32 to index
        %get3A_668 = arith.constant 48 : index
        %get3A_669 = tpu.vector_load %arg11[%get3A_667, %get3A_668] {strides = array<i32>} : memref<400x64xf32, #tpu.memory_space<vmem>>, vector<1x16xf32>,
        %get3A_670 = vector.shape_cast %get3A_669 : vector<1x16xf32> to vector<16xf32>
        %mul3A_671 = arith.mulf %get3A_670, %broadcast_in_dim3A_645 : vector<16xf32>
        %add3A_672 = arith.addf %add3A_642, %mul3A_671 : vector<16xf32>
        %slice3A_673 = vector.extract_strided_slice %get3A_531 {offsets = [4], sizes = [1], strides = [1]} : vector<16xf32> to vector<1xf32>
        %squeeze3A_674 = vector.extract %slice3A_673[0] : f32 from vector<1xf32>
        %broadcast_in_dim3A_675 = vector.broadcast %squeeze3A_674 : f32 to vector<16xf32>
        %add3A_676 = arith.addf %add3A_646, %broadcast_in_dim3A_675 : vector<16xf32>
        %add3A_677 = arith.constant 4 : i32
        %add3A_678 = arith.addi %mul3A_554, %add3A_677 : i32
        %get3A_679 = arith.index_cast %add3A_678 : i32 to index
        %get3A_680 = arith.constant 0 : index
        %get3A_681 = tpu.vector_load %arg11[%get3A_679, %get3A_680] {strides = array<i32>} : memref<400x64xf32, #tpu.memory_space<vmem>>, vector<1x16xf32>,
        %get3A_682 = vector.shape_cast %get3A_681 : vector<1x16xf32> to vector<16xf32>
        %mul3A_683 = arith.mulf %get3A_682, %broadcast_in_dim3A_675 : vector<16xf32>
        %add3A_684 = arith.addf %add3A_654, %mul3A_683 : vector<16xf32>
        %get3A_685 = arith.index_cast %add3A_678 : i32 to index
        %get3A_686 = arith.constant 16 : index
        %get3A_687 = tpu.vector_load %arg11[%get3A_685, %get3A_686] {strides = array<i32>} : memref<400x64xf32, #tpu.memory_space<vmem>>, vector<1x16xf32>,
        %get3A_688 = vector.shape_cast %get3A_687 : vector<1x16xf32> to vector<16xf32>
        %mul3A_689 = arith.mulf %get3A_688, %broadcast_in_dim3A_675 : vector<16xf32>
        %add3A_690 = arith.addf %add3A_660, %mul3A_689 : vector<16xf32>
        %get3A_691 = arith.index_cast %add3A_678 : i32 to index
        %get3A_692 = arith.constant 32 : index
        %get3A_693 = tpu.vector_load %arg11[%get3A_691, %get3A_692] {strides = array<i32>} : memref<400x64xf32, #tpu.memory_space<vmem>>, vector<1x16xf32>,
        %get3A_694 = vector.shape_cast %get3A_693 : vector<1x16xf32> to vector<16xf32>
        %mul3A_695 = arith.mulf %get3A_694, %broadcast_in_dim3A_675 : vector<16xf32>
        %add3A_696 = arith.addf %add3A_666, %mul3A_695 : vector<16xf32>
        %get3A_697 = arith.index_cast %add3A_678 : i32 to index
        %get3A_698 = arith.constant 48 : index
        %get3A_699 = tpu.vector_load %arg11[%get3A_697, %get3A_698] {strides = array<i32>} : memref<400x64xf32, #tpu.memory_space<vmem>>, vector<1x16xf32>,
        %get3A_700 = vector.shape_cast %get3A_699 : vector<1x16xf32> to vector<16xf32>
        %mul3A_701 = arith.mulf %get3A_700, %broadcast_in_dim3A_675 : vector<16xf32>
        %add3A_702 = arith.addf %add3A_672, %mul3A_701 : vector<16xf32>
        %slice3A_703 = vector.extract_strided_slice %get3A_531 {offsets = [5], sizes = [1], strides = [1]} : vector<16xf32> to vector<1xf32>
        %squeeze3A_704 = vector.extract %slice3A_703[0] : f32 from vector<1xf32>
        %broadcast_in_dim3A_705 = vector.broadcast %squeeze3A_704 : f32 to vector<16xf32>
        %add3A_706 = arith.addf %add3A_676, %broadcast_in_dim3A_705 : vector<16xf32>
        %add3A_707 = arith.constant 5 : i32
        %add3A_708 = arith.addi %mul3A_554, %add3A_707 : i32
        %get3A_709 = arith.index_cast %add3A_708 : i32 to index
        %get3A_710 = arith.constant 0 : index
        %get3A_711 = tpu.vector_load %arg11[%get3A_709, %get3A_710] {strides = array<i32>} : memref<400x64xf32, #tpu.memory_space<vmem>>, vector<1x16xf32>,
        %get3A_712 = vector.shape_cast %get3A_711 : vector<1x16xf32> to vector<16xf32>
        %mul3A_713 = arith.mulf %get3A_712, %broadcast_in_dim3A_705 : vector<16xf32>
        %add3A_714 = arith.addf %add3A_684, %mul3A_713 : vector<16xf32>
        %get3A_715 = arith.index_cast %add3A_708 : i32 to index
        %get3A_716 = arith.constant 16 : index
        %get3A_717 = tpu.vector_load %arg11[%get3A_715, %get3A_716] {strides = array<i32>} : memref<400x64xf32, #tpu.memory_space<vmem>>, vector<1x16xf32>,
        %get3A_718 = vector.shape_cast %get3A_717 : vector<1x16xf32> to vector<16xf32>
        %mul3A_719 = arith.mulf %get3A_718, %broadcast_in_dim3A_705 : vector<16xf32>
        %add3A_720 = arith.addf %add3A_690, %mul3A_719 : vector<16xf32>
        %get3A_721 = arith.index_cast %add3A_708 : i32 to index
        %get3A_722 = arith.constant 32 : index
        %get3A_723 = tpu.vector_load %arg11[%get3A_721, %get3A_722] {strides = array<i32>} : memref<400x64xf32, #tpu.memory_space<vmem>>, vector<1x16xf32>,
        %get3A_724 = vector.shape_cast %get3A_723 : vector<1x16xf32> to vector<16xf32>
        %mul3A_725 = arith.mulf %get3A_724, %broadcast_in_dim3A_705 : vector<16xf32>
        %add3A_726 = arith.addf %add3A_696, %mul3A_725 : vector<16xf32>
        %get3A_727 = arith.index_cast %add3A_708 : i32 to index
        %get3A_728 = arith.constant 48 : index
        %get3A_729 = tpu.vector_load %arg11[%get3A_727, %get3A_728] {strides = array<i32>} : memref<400x64xf32, #tpu.memory_space<vmem>>, vector<1x16xf32>,
        %get3A_730 = vector.shape_cast %get3A_729 : vector<1x16xf32> to vector<16xf32>
        %mul3A_731 = arith.mulf %get3A_730, %broadcast_in_dim3A_705 : vector<16xf32>
        %add3A_732 = arith.addf %add3A_702, %mul3A_731 : vector<16xf32>
        %slice3A_733 = vector.extract_strided_slice %get3A_531 {offsets = [6], sizes = [1], strides = [1]} : vector<16xf32> to vector<1xf32>
        %squeeze3A_734 = vector.extract %slice3A_733[0] : f32 from vector<1xf32>
        %broadcast_in_dim3A_735 = vector.broadcast %squeeze3A_734 : f32 to vector<16xf32>
        %add3A_736 = arith.addf %add3A_706, %broadcast_in_dim3A_735 : vector<16xf32>
        %add3A_737 = arith.constant 6 : i32
        %add3A_738 = arith.addi %mul3A_554, %add3A_737 : i32
        %get3A_739 = arith.index_cast %add3A_738 : i32 to index
        %get3A_740 = arith.constant 0 : index
        %get3A_741 = tpu.vector_load %arg11[%get3A_739, %get3A_740] {strides = array<i32>} : memref<400x64xf32, #tpu.memory_space<vmem>>, vector<1x16xf32>,
        %get3A_742 = vector.shape_cast %get3A_741 : vector<1x16xf32> to vector<16xf32>
        %mul3A_743 = arith.mulf %get3A_742, %broadcast_in_dim3A_735 : vector<16xf32>
        %add3A_744 = arith.addf %add3A_714, %mul3A_743 : vector<16xf32>
        %get3A_745 = arith.index_cast %add3A_738 : i32 to index
        %get3A_746 = arith.constant 16 : index
        %get3A_747 = tpu.vector_load %arg11[%get3A_745, %get3A_746] {strides = array<i32>} : memref<400x64xf32, #tpu.memory_space<vmem>>, vector<1x16xf32>,
        %get3A_748 = vector.shape_cast %get3A_747 : vector<1x16xf32> to vector<16xf32>
        %mul3A_749 = arith.mulf %get3A_748, %broadcast_in_dim3A_735 : vector<16xf32>
        %add3A_750 = arith.addf %add3A_720, %mul3A_749 : vector<16xf32>
        %get3A_751 = arith.index_cast %add3A_738 : i32 to index
        %get3A_752 = arith.constant 32 : index
        %get3A_753 = tpu.vector_load %arg11[%get3A_751, %get3A_752] {strides = array<i32>} : memref<400x64xf32, #tpu.memory_space<vmem>>, vector<1x16xf32>,
        %get3A_754 = vector.shape_cast %get3A_753 : vector<1x16xf32> to vector<16xf32>
        %mul3A_755 = arith.mulf %get3A_754, %broadcast_in_dim3A_735 : vector<16xf32>
        %add3A_756 = arith.addf %add3A_726, %mul3A_755 : vector<16xf32>
        %get3A_757 = arith.index_cast %add3A_738 : i32 to index
        %get3A_758 = arith.constant 48 : index
        %get3A_759 = tpu.vector_load %arg11[%get3A_757, %get3A_758] {strides = array<i32>} : memref<400x64xf32, #tpu.memory_space<vmem>>, vector<1x16xf32>,
        %get3A_760 = vector.shape_cast %get3A_759 : vector<1x16xf32> to vector<16xf32>
        %mul3A_761 = arith.mulf %get3A_760, %broadcast_in_dim3A_735 : vector<16xf32>
        %add3A_762 = arith.addf %add3A_732, %mul3A_761 : vector<16xf32>
        %slice3A_763 = vector.extract_strided_slice %get3A_531 {offsets = [7], sizes = [1], strides = [1]} : vector<16xf32> to vector<1xf32>
        %squeeze3A_764 = vector.extract %slice3A_763[0] : f32 from vector<1xf32>
        %broadcast_in_dim3A_765 = vector.broadcast %squeeze3A_764 : f32 to vector<16xf32>
        %add3A_766 = arith.addf %add3A_736, %broadcast_in_dim3A_765 : vector<16xf32>
        %add3A_767 = arith.constant 7 : i32
        %add3A_768 = arith.addi %mul3A_554, %add3A_767 : i32
        %get3A_769 = arith.index_cast %add3A_768 : i32 to index
        %get3A_770 = arith.constant 0 : index
        %get3A_771 = tpu.vector_load %arg11[%get3A_769, %get3A_770] {strides = array<i32>} : memref<400x64xf32, #tpu.memory_space<vmem>>, vector<1x16xf32>,
        %get3A_772 = vector.shape_cast %get3A_771 : vector<1x16xf32> to vector<16xf32>
        %mul3A_773 = arith.mulf %get3A_772, %broadcast_in_dim3A_765 : vector<16xf32>
        %add3A_774 = arith.addf %add3A_744, %mul3A_773 : vector<16xf32>
        %get3A_775 = arith.index_cast %add3A_768 : i32 to index
        %get3A_776 = arith.constant 16 : index
        %get3A_777 = tpu.vector_load %arg11[%get3A_775, %get3A_776] {strides = array<i32>} : memref<400x64xf32, #tpu.memory_space<vmem>>, vector<1x16xf32>,
        %get3A_778 = vector.shape_cast %get3A_777 : vector<1x16xf32> to vector<16xf32>
        %mul3A_779 = arith.mulf %get3A_778, %broadcast_in_dim3A_765 : vector<16xf32>
        %add3A_780 = arith.addf %add3A_750, %mul3A_779 : vector<16xf32>
        %get3A_781 = arith.index_cast %add3A_768 : i32 to index
        %get3A_782 = arith.constant 32 : index
        %get3A_783 = tpu.vector_load %arg11[%get3A_781, %get3A_782] {strides = array<i32>} : memref<400x64xf32, #tpu.memory_space<vmem>>, vector<1x16xf32>,
        %get3A_784 = vector.shape_cast %get3A_783 : vector<1x16xf32> to vector<16xf32>
        %mul3A_785 = arith.mulf %get3A_784, %broadcast_in_dim3A_765 : vector<16xf32>
        %add3A_786 = arith.addf %add3A_756, %mul3A_785 : vector<16xf32>
        %get3A_787 = arith.index_cast %add3A_768 : i32 to index
        %get3A_788 = arith.constant 48 : index
        %get3A_789 = tpu.vector_load %arg11[%get3A_787, %get3A_788] {strides = array<i32>} : memref<400x64xf32, #tpu.memory_space<vmem>>, vector<1x16xf32>,
        %get3A_790 = vector.shape_cast %get3A_789 : vector<1x16xf32> to vector<16xf32>
        %mul3A_791 = arith.mulf %get3A_790, %broadcast_in_dim3A_765 : vector<16xf32>
        %add3A_792 = arith.addf %add3A_762, %mul3A_791 : vector<16xf32>
        %slice3A_793 = vector.extract_strided_slice %get3A_531 {offsets = [8], sizes = [1], strides = [1]} : vector<16xf32> to vector<1xf32>
        %squeeze3A_794 = vector.extract %slice3A_793[0] : f32 from vector<1xf32>
        %broadcast_in_dim3A_795 = vector.broadcast %squeeze3A_794 : f32 to vector<16xf32>
        %add3A_796 = arith.addf %add3A_766, %broadcast_in_dim3A_795 : vector<16xf32>
        %add3A_797 = arith.constant 8 : i32
        %add3A_798 = arith.addi %mul3A_554, %add3A_797 : i32
        %get3A_799 = arith.index_cast %add3A_798 : i32 to index
        %get3A_800 = arith.constant 0 : index
        %get3A_801 = tpu.vector_load %arg11[%get3A_799, %get3A_800] {strides = array<i32>} : memref<400x64xf32, #tpu.memory_space<vmem>>, vector<1x16xf32>,
        %get3A_802 = vector.shape_cast %get3A_801 : vector<1x16xf32> to vector<16xf32>
        %mul3A_803 = arith.mulf %get3A_802, %broadcast_in_dim3A_795 : vector<16xf32>
        %add3A_804 = arith.addf %add3A_774, %mul3A_803 : vector<16xf32>
        %get3A_805 = arith.index_cast %add3A_798 : i32 to index
        %get3A_806 = arith.constant 16 : index
        %get3A_807 = tpu.vector_load %arg11[%get3A_805, %get3A_806] {strides = array<i32>} : memref<400x64xf32, #tpu.memory_space<vmem>>, vector<1x16xf32>,
        %get3A_808 = vector.shape_cast %get3A_807 : vector<1x16xf32> to vector<16xf32>
        %mul3A_809 = arith.mulf %get3A_808, %broadcast_in_dim3A_795 : vector<16xf32>
        %add3A_810 = arith.addf %add3A_780, %mul3A_809 : vector<16xf32>
        %get3A_811 = arith.index_cast %add3A_798 : i32 to index
        %get3A_812 = arith.constant 32 : index
        %get3A_813 = tpu.vector_load %arg11[%get3A_811, %get3A_812] {strides = array<i32>} : memref<400x64xf32, #tpu.memory_space<vmem>>, vector<1x16xf32>,
        %get3A_814 = vector.shape_cast %get3A_813 : vector<1x16xf32> to vector<16xf32>
        %mul3A_815 = arith.mulf %get3A_814, %broadcast_in_dim3A_795 : vector<16xf32>
        %add3A_816 = arith.addf %add3A_786, %mul3A_815 : vector<16xf32>
        %get3A_817 = arith.index_cast %add3A_798 : i32 to index
        %get3A_818 = arith.constant 48 : index
        %get3A_819 = tpu.vector_load %arg11[%get3A_817, %get3A_818] {strides = array<i32>} : memref<400x64xf32, #tpu.memory_space<vmem>>, vector<1x16xf32>,
        %get3A_820 = vector.shape_cast %get3A_819 : vector<1x16xf32> to vector<16xf32>
        %mul3A_821 = arith.mulf %get3A_820, %broadcast_in_dim3A_795 : vector<16xf32>
        %add3A_822 = arith.addf %add3A_792, %mul3A_821 : vector<16xf32>
        %slice3A_823 = vector.extract_strided_slice %get3A_531 {offsets = [9], sizes = [1], strides = [1]} : vector<16xf32> to vector<1xf32>
        %squeeze3A_824 = vector.extract %slice3A_823[0] : f32 from vector<1xf32>
        %broadcast_in_dim3A_825 = vector.broadcast %squeeze3A_824 : f32 to vector<16xf32>
        %add3A_826 = arith.addf %add3A_796, %broadcast_in_dim3A_825 : vector<16xf32>
        %add3A_827 = arith.constant 9 : i32
        %add3A_828 = arith.addi %mul3A_554, %add3A_827 : i32
        %get3A_829 = arith.index_cast %add3A_828 : i32 to index
        %get3A_830 = arith.constant 0 : index
        %get3A_831 = tpu.vector_load %arg11[%get3A_829, %get3A_830] {strides = array<i32>} : memref<400x64xf32, #tpu.memory_space<vmem>>, vector<1x16xf32>,
        %get3A_832 = vector.shape_cast %get3A_831 : vector<1x16xf32> to vector<16xf32>
        %mul3A_833 = arith.mulf %get3A_832, %broadcast_in_dim3A_825 : vector<16xf32>
        %add3A_834 = arith.addf %add3A_804, %mul3A_833 : vector<16xf32>
        %get3A_835 = arith.index_cast %add3A_828 : i32 to index
        %get3A_836 = arith.constant 16 : index
        %get3A_837 = tpu.vector_load %arg11[%get3A_835, %get3A_836] {strides = array<i32>} : memref<400x64xf32, #tpu.memory_space<vmem>>, vector<1x16xf32>,
        %get3A_838 = vector.shape_cast %get3A_837 : vector<1x16xf32> to vector<16xf32>
        %mul3A_839 = arith.mulf %get3A_838, %broadcast_in_dim3A_825 : vector<16xf32>
        %add3A_840 = arith.addf %add3A_810, %mul3A_839 : vector<16xf32>
        %get3A_841 = arith.index_cast %add3A_828 : i32 to index
        %get3A_842 = arith.constant 32 : index
        %get3A_843 = tpu.vector_load %arg11[%get3A_841, %get3A_842] {strides = array<i32>} : memref<400x64xf32, #tpu.memory_space<vmem>>, vector<1x16xf32>,
        %get3A_844 = vector.shape_cast %get3A_843 : vector<1x16xf32> to vector<16xf32>
        %mul3A_845 = arith.mulf %get3A_844, %broadcast_in_dim3A_825 : vector<16xf32>
        %add3A_846 = arith.addf %add3A_816, %mul3A_845 : vector<16xf32>
        %get3A_847 = arith.index_cast %add3A_828 : i32 to index
        %get3A_848 = arith.constant 48 : index
        %get3A_849 = tpu.vector_load %arg11[%get3A_847, %get3A_848] {strides = array<i32>} : memref<400x64xf32, #tpu.memory_space<vmem>>, vector<1x16xf32>,
        %get3A_850 = vector.shape_cast %get3A_849 : vector<1x16xf32> to vector<16xf32>
        %mul3A_851 = arith.mulf %get3A_850, %broadcast_in_dim3A_825 : vector<16xf32>
        %add3A_852 = arith.addf %add3A_822, %mul3A_851 : vector<16xf32>
        %slice3A_853 = vector.extract_strided_slice %get3A_531 {offsets = [10], sizes = [1], strides = [1]} : vector<16xf32> to vector<1xf32>
        %squeeze3A_854 = vector.extract %slice3A_853[0] : f32 from vector<1xf32>
        %broadcast_in_dim3A_855 = vector.broadcast %squeeze3A_854 : f32 to vector<16xf32>
        %add3A_856 = arith.addf %add3A_826, %broadcast_in_dim3A_855 : vector<16xf32>
        %add3A_857 = arith.constant 10 : i32
        %add3A_858 = arith.addi %mul3A_554, %add3A_857 : i32
        %get3A_859 = arith.index_cast %add3A_858 : i32 to index
        %get3A_860 = arith.constant 0 : index
        %get3A_861 = tpu.vector_load %arg11[%get3A_859, %get3A_860] {strides = array<i32>} : memref<400x64xf32, #tpu.memory_space<vmem>>, vector<1x16xf32>,
        %get3A_862 = vector.shape_cast %get3A_861 : vector<1x16xf32> to vector<16xf32>
        %mul3A_863 = arith.mulf %get3A_862, %broadcast_in_dim3A_855 : vector<16xf32>
        %add3A_864 = arith.addf %add3A_834, %mul3A_863 : vector<16xf32>
        %get3A_865 = arith.index_cast %add3A_858 : i32 to index
        %get3A_866 = arith.constant 16 : index
        %get3A_867 = tpu.vector_load %arg11[%get3A_865, %get3A_866] {strides = array<i32>} : memref<400x64xf32, #tpu.memory_space<vmem>>, vector<1x16xf32>,
        %get3A_868 = vector.shape_cast %get3A_867 : vector<1x16xf32> to vector<16xf32>
        %mul3A_869 = arith.mulf %get3A_868, %broadcast_in_dim3A_855 : vector<16xf32>
        %add3A_870 = arith.addf %add3A_840, %mul3A_869 : vector<16xf32>
        %get3A_871 = arith.index_cast %add3A_858 : i32 to index
        %get3A_872 = arith.constant 32 : index
        %get3A_873 = tpu.vector_load %arg11[%get3A_871, %get3A_872] {strides = array<i32>} : memref<400x64xf32, #tpu.memory_space<vmem>>, vector<1x16xf32>,
        %get3A_874 = vector.shape_cast %get3A_873 : vector<1x16xf32> to vector<16xf32>
        %mul3A_875 = arith.mulf %get3A_874, %broadcast_in_dim3A_855 : vector<16xf32>
        %add3A_876 = arith.addf %add3A_846, %mul3A_875 : vector<16xf32>
        %get3A_877 = arith.index_cast %add3A_858 : i32 to index
        %get3A_878 = arith.constant 48 : index
        %get3A_879 = tpu.vector_load %arg11[%get3A_877, %get3A_878] {strides = array<i32>} : memref<400x64xf32, #tpu.memory_space<vmem>>, vector<1x16xf32>,
        %get3A_880 = vector.shape_cast %get3A_879 : vector<1x16xf32> to vector<16xf32>
        %mul3A_881 = arith.mulf %get3A_880, %broadcast_in_dim3A_855 : vector<16xf32>
        %add3A_882 = arith.addf %add3A_852, %mul3A_881 : vector<16xf32>
        %slice3A_883 = vector.extract_strided_slice %get3A_531 {offsets = [11], sizes = [1], strides = [1]} : vector<16xf32> to vector<1xf32>
        %squeeze3A_884 = vector.extract %slice3A_883[0] : f32 from vector<1xf32>
        %broadcast_in_dim3A_885 = vector.broadcast %squeeze3A_884 : f32 to vector<16xf32>
        %add3A_886 = arith.addf %add3A_856, %broadcast_in_dim3A_885 : vector<16xf32>
        %add3A_887 = arith.constant 11 : i32
        %add3A_888 = arith.addi %mul3A_554, %add3A_887 : i32
        %get3A_889 = arith.index_cast %add3A_888 : i32 to index
        %get3A_890 = arith.constant 0 : index
        %get3A_891 = tpu.vector_load %arg11[%get3A_889, %get3A_890] {strides = array<i32>} : memref<400x64xf32, #tpu.memory_space<vmem>>, vector<1x16xf32>,
        %get3A_892 = vector.shape_cast %get3A_891 : vector<1x16xf32> to vector<16xf32>
        %mul3A_893 = arith.mulf %get3A_892, %broadcast_in_dim3A_885 : vector<16xf32>
        %add3A_894 = arith.addf %add3A_864, %mul3A_893 : vector<16xf32>
        %get3A_895 = arith.index_cast %add3A_888 : i32 to index
        %get3A_896 = arith.constant 16 : index
        %get3A_897 = tpu.vector_load %arg11[%get3A_895, %get3A_896] {strides = array<i32>} : memref<400x64xf32, #tpu.memory_space<vmem>>, vector<1x16xf32>,
        %get3A_898 = vector.shape_cast %get3A_897 : vector<1x16xf32> to vector<16xf32>
        %mul3A_899 = arith.mulf %get3A_898, %broadcast_in_dim3A_885 : vector<16xf32>
        %add3A_900 = arith.addf %add3A_870, %mul3A_899 : vector<16xf32>
        %get3A_901 = arith.index_cast %add3A_888 : i32 to index
        %get3A_902 = arith.constant 32 : index
        %get3A_903 = tpu.vector_load %arg11[%get3A_901, %get3A_902] {strides = array<i32>} : memref<400x64xf32, #tpu.memory_space<vmem>>, vector<1x16xf32>,
        %get3A_904 = vector.shape_cast %get3A_903 : vector<1x16xf32> to vector<16xf32>
        %mul3A_905 = arith.mulf %get3A_904, %broadcast_in_dim3A_885 : vector<16xf32>
        %add3A_906 = arith.addf %add3A_876, %mul3A_905 : vector<16xf32>
        %get3A_907 = arith.index_cast %add3A_888 : i32 to index
        %get3A_908 = arith.constant 48 : index
        %get3A_909 = tpu.vector_load %arg11[%get3A_907, %get3A_908] {strides = array<i32>} : memref<400x64xf32, #tpu.memory_space<vmem>>, vector<1x16xf32>,
        %get3A_910 = vector.shape_cast %get3A_909 : vector<1x16xf32> to vector<16xf32>
        %mul3A_911 = arith.mulf %get3A_910, %broadcast_in_dim3A_885 : vector<16xf32>
        %add3A_912 = arith.addf %add3A_882, %mul3A_911 : vector<16xf32>
        %slice3A_913 = vector.extract_strided_slice %get3A_531 {offsets = [12], sizes = [1], strides = [1]} : vector<16xf32> to vector<1xf32>
        %squeeze3A_914 = vector.extract %slice3A_913[0] : f32 from vector<1xf32>
        %broadcast_in_dim3A_915 = vector.broadcast %squeeze3A_914 : f32 to vector<16xf32>
        %add3A_916 = arith.addf %add3A_886, %broadcast_in_dim3A_915 : vector<16xf32>
        %add3A_917 = arith.constant 12 : i32
        %add3A_918 = arith.addi %mul3A_554, %add3A_917 : i32
        %get3A_919 = arith.index_cast %add3A_918 : i32 to index
        %get3A_920 = arith.constant 0 : index
        %get3A_921 = tpu.vector_load %arg11[%get3A_919, %get3A_920] {strides = array<i32>} : memref<400x64xf32, #tpu.memory_space<vmem>>, vector<1x16xf32>,
        %get3A_922 = vector.shape_cast %get3A_921 : vector<1x16xf32> to vector<16xf32>
        %mul3A_923 = arith.mulf %get3A_922, %broadcast_in_dim3A_915 : vector<16xf32>
        %add3A_924 = arith.addf %add3A_894, %mul3A_923 : vector<16xf32>
        %get3A_925 = arith.index_cast %add3A_918 : i32 to index
        %get3A_926 = arith.constant 16 : index
        %get3A_927 = tpu.vector_load %arg11[%get3A_925, %get3A_926] {strides = array<i32>} : memref<400x64xf32, #tpu.memory_space<vmem>>, vector<1x16xf32>,
        %get3A_928 = vector.shape_cast %get3A_927 : vector<1x16xf32> to vector<16xf32>
        %mul3A_929 = arith.mulf %get3A_928, %broadcast_in_dim3A_915 : vector<16xf32>
        %add3A_930 = arith.addf %add3A_900, %mul3A_929 : vector<16xf32>
        %get3A_931 = arith.index_cast %add3A_918 : i32 to index
        %get3A_932 = arith.constant 32 : index
        %get3A_933 = tpu.vector_load %arg11[%get3A_931, %get3A_932] {strides = array<i32>} : memref<400x64xf32, #tpu.memory_space<vmem>>, vector<1x16xf32>,
        %get3A_934 = vector.shape_cast %get3A_933 : vector<1x16xf32> to vector<16xf32>
        %mul3A_935 = arith.mulf %get3A_934, %broadcast_in_dim3A_915 : vector<16xf32>
        %add3A_936 = arith.addf %add3A_906, %mul3A_935 : vector<16xf32>
        %get3A_937 = arith.index_cast %add3A_918 : i32 to index
        %get3A_938 = arith.constant 48 : index
        %get3A_939 = tpu.vector_load %arg11[%get3A_937, %get3A_938] {strides = array<i32>} : memref<400x64xf32, #tpu.memory_space<vmem>>, vector<1x16xf32>,
        %get3A_940 = vector.shape_cast %get3A_939 : vector<1x16xf32> to vector<16xf32>
        %mul3A_941 = arith.mulf %get3A_940, %broadcast_in_dim3A_915 : vector<16xf32>
        %add3A_942 = arith.addf %add3A_912, %mul3A_941 : vector<16xf32>
        %slice3A_943 = vector.extract_strided_slice %get3A_531 {offsets = [13], sizes = [1], strides = [1]} : vector<16xf32> to vector<1xf32>
        %squeeze3A_944 = vector.extract %slice3A_943[0] : f32 from vector<1xf32>
        %broadcast_in_dim3A_945 = vector.broadcast %squeeze3A_944 : f32 to vector<16xf32>
        %add3A_946 = arith.addf %add3A_916, %broadcast_in_dim3A_945 : vector<16xf32>
        %add3A_947 = arith.constant 13 : i32
        %add3A_948 = arith.addi %mul3A_554, %add3A_947 : i32
        %get3A_949 = arith.index_cast %add3A_948 : i32 to index
        %get3A_950 = arith.constant 0 : index
        %get3A_951 = tpu.vector_load %arg11[%get3A_949, %get3A_950] {strides = array<i32>} : memref<400x64xf32, #tpu.memory_space<vmem>>, vector<1x16xf32>,
        %get3A_952 = vector.shape_cast %get3A_951 : vector<1x16xf32> to vector<16xf32>
        %mul3A_953 = arith.mulf %get3A_952, %broadcast_in_dim3A_945 : vector<16xf32>
        %add3A_954 = arith.addf %add3A_924, %mul3A_953 : vector<16xf32>
        %get3A_955 = arith.index_cast %add3A_948 : i32 to index
        %get3A_956 = arith.constant 16 : index
        %get3A_957 = tpu.vector_load %arg11[%get3A_955, %get3A_956] {strides = array<i32>} : memref<400x64xf32, #tpu.memory_space<vmem>>, vector<1x16xf32>,
        %get3A_958 = vector.shape_cast %get3A_957 : vector<1x16xf32> to vector<16xf32>
        %mul3A_959 = arith.mulf %get3A_958, %broadcast_in_dim3A_945 : vector<16xf32>
        %add3A_960 = arith.addf %add3A_930, %mul3A_959 : vector<16xf32>
        %get3A_961 = arith.index_cast %add3A_948 : i32 to index
        %get3A_962 = arith.constant 32 : index
        %get3A_963 = tpu.vector_load %arg11[%get3A_961, %get3A_962] {strides = array<i32>} : memref<400x64xf32, #tpu.memory_space<vmem>>, vector<1x16xf32>,
        %get3A_964 = vector.shape_cast %get3A_963 : vector<1x16xf32> to vector<16xf32>
        %mul3A_965 = arith.mulf %get3A_964, %broadcast_in_dim3A_945 : vector<16xf32>
        %add3A_966 = arith.addf %add3A_936, %mul3A_965 : vector<16xf32>
        %get3A_967 = arith.index_cast %add3A_948 : i32 to index
        %get3A_968 = arith.constant 48 : index
        %get3A_969 = tpu.vector_load %arg11[%get3A_967, %get3A_968] {strides = array<i32>} : memref<400x64xf32, #tpu.memory_space<vmem>>, vector<1x16xf32>,
        %get3A_970 = vector.shape_cast %get3A_969 : vector<1x16xf32> to vector<16xf32>
        %mul3A_971 = arith.mulf %get3A_970, %broadcast_in_dim3A_945 : vector<16xf32>
        %add3A_972 = arith.addf %add3A_942, %mul3A_971 : vector<16xf32>
        %slice3A_973 = vector.extract_strided_slice %get3A_531 {offsets = [14], sizes = [1], strides = [1]} : vector<16xf32> to vector<1xf32>
        %squeeze3A_974 = vector.extract %slice3A_973[0] : f32 from vector<1xf32>
        %broadcast_in_dim3A_975 = vector.broadcast %squeeze3A_974 : f32 to vector<16xf32>
        %add3A_976 = arith.addf %add3A_946, %broadcast_in_dim3A_975 : vector<16xf32>
        %add3A_977 = arith.constant 14 : i32
        %add3A_978 = arith.addi %mul3A_554, %add3A_977 : i32
        %get3A_979 = arith.index_cast %add3A_978 : i32 to index
        %get3A_980 = arith.constant 0 : index
        %get3A_981 = tpu.vector_load %arg11[%get3A_979, %get3A_980] {strides = array<i32>} : memref<400x64xf32, #tpu.memory_space<vmem>>, vector<1x16xf32>,
        %get3A_982 = vector.shape_cast %get3A_981 : vector<1x16xf32> to vector<16xf32>
        %mul3A_983 = arith.mulf %get3A_982, %broadcast_in_dim3A_975 : vector<16xf32>
        %add3A_984 = arith.addf %add3A_954, %mul3A_983 : vector<16xf32>
        %get3A_985 = arith.index_cast %add3A_978 : i32 to index
        %get3A_986 = arith.constant 16 : index
        %get3A_987 = tpu.vector_load %arg11[%get3A_985, %get3A_986] {strides = array<i32>} : memref<400x64xf32, #tpu.memory_space<vmem>>, vector<1x16xf32>,
        %get3A_988 = vector.shape_cast %get3A_987 : vector<1x16xf32> to vector<16xf32>
        %mul3A_989 = arith.mulf %get3A_988, %broadcast_in_dim3A_975 : vector<16xf32>
        %add3A_990 = arith.addf %add3A_960, %mul3A_989 : vector<16xf32>
        %get3A_991 = arith.index_cast %add3A_978 : i32 to index
        %get3A_992 = arith.constant 32 : index
        %get3A_993 = tpu.vector_load %arg11[%get3A_991, %get3A_992] {strides = array<i32>} : memref<400x64xf32, #tpu.memory_space<vmem>>, vector<1x16xf32>,
        %get3A_994 = vector.shape_cast %get3A_993 : vector<1x16xf32> to vector<16xf32>
        %mul3A_995 = arith.mulf %get3A_994, %broadcast_in_dim3A_975 : vector<16xf32>
        %add3A_996 = arith.addf %add3A_966, %mul3A_995 : vector<16xf32>
        %get3A_997 = arith.index_cast %add3A_978 : i32 to index
        %get3A_998 = arith.constant 48 : index
        %get3A_999 = tpu.vector_load %arg11[%get3A_997, %get3A_998] {strides = array<i32>} : memref<400x64xf32, #tpu.memory_space<vmem>>, vector<1x16xf32>,
        %get3A_1000 = vector.shape_cast %get3A_999 : vector<1x16xf32> to vector<16xf32>
        %mul3A_1001 = arith.mulf %get3A_1000, %broadcast_in_dim3A_975 : vector<16xf32>
        %add3A_1002 = arith.addf %add3A_972, %mul3A_1001 : vector<16xf32>
        %slice3A_1003 = vector.extract_strided_slice %get3A_531 {offsets = [15], sizes = [1], strides = [1]} : vector<16xf32> to vector<1xf32>
        %squeeze3A_1004 = vector.extract %slice3A_1003[0] : f32 from vector<1xf32>
        %broadcast_in_dim3A_1005 = vector.broadcast %squeeze3A_1004 : f32 to vector<16xf32>
        %add3A_1006 = arith.addf %add3A_976, %broadcast_in_dim3A_1005 : vector<16xf32>
        %add3A_1007 = arith.constant 15 : i32
        %add3A_1008 = arith.addi %mul3A_554, %add3A_1007 : i32
        %get3A_1009 = arith.index_cast %add3A_1008 : i32 to index
        %get3A_1010 = arith.constant 0 : index
        %get3A_1011 = tpu.vector_load %arg11[%get3A_1009, %get3A_1010] {strides = array<i32>} : memref<400x64xf32, #tpu.memory_space<vmem>>, vector<1x16xf32>,
        %get3A_1012 = vector.shape_cast %get3A_1011 : vector<1x16xf32> to vector<16xf32>
        %mul3A_1013 = arith.mulf %get3A_1012, %broadcast_in_dim3A_1005 : vector<16xf32>
        %add3A_1014 = arith.addf %add3A_984, %mul3A_1013 : vector<16xf32>
        %get3A_1015 = arith.index_cast %add3A_1008 : i32 to index
        %get3A_1016 = arith.constant 16 : index
        %get3A_1017 = tpu.vector_load %arg11[%get3A_1015, %get3A_1016] {strides = array<i32>} : memref<400x64xf32, #tpu.memory_space<vmem>>, vector<1x16xf32>,
        %get3A_1018 = vector.shape_cast %get3A_1017 : vector<1x16xf32> to vector<16xf32>
        %mul3A_1019 = arith.mulf %get3A_1018, %broadcast_in_dim3A_1005 : vector<16xf32>
        %add3A_1020 = arith.addf %add3A_990, %mul3A_1019 : vector<16xf32>
        %get3A_1021 = arith.index_cast %add3A_1008 : i32 to index
        %get3A_1022 = arith.constant 32 : index
        %get3A_1023 = tpu.vector_load %arg11[%get3A_1021, %get3A_1022] {strides = array<i32>} : memref<400x64xf32, #tpu.memory_space<vmem>>, vector<1x16xf32>,
        %get3A_1024 = vector.shape_cast %get3A_1023 : vector<1x16xf32> to vector<16xf32>
        %mul3A_1025 = arith.mulf %get3A_1024, %broadcast_in_dim3A_1005 : vector<16xf32>
        %add3A_1026 = arith.addf %add3A_996, %mul3A_1025 : vector<16xf32>
        %get3A_1027 = arith.index_cast %add3A_1008 : i32 to index
        %get3A_1028 = arith.constant 48 : index
        %get3A_1029 = tpu.vector_load %arg11[%get3A_1027, %get3A_1028] {strides = array<i32>} : memref<400x64xf32, #tpu.memory_space<vmem>>, vector<1x16xf32>,
        %get3A_1030 = vector.shape_cast %get3A_1029 : vector<1x16xf32> to vector<16xf32>
        %mul3A_1031 = arith.mulf %get3A_1030, %broadcast_in_dim3A_1005 : vector<16xf32>
        %add3A_1032 = arith.addf %add3A_1002, %mul3A_1031 : vector<16xf32>
        %slice3A_1033 = vector.extract_strided_slice %get3A_535 {offsets = [0], sizes = [1], strides = [1]} : vector<16xf32> to vector<1xf32>
        %squeeze3A_1034 = vector.extract %slice3A_1033[0] : f32 from vector<1xf32>
        %broadcast_in_dim3A_1035 = vector.broadcast %squeeze3A_1034 : f32 to vector<16xf32>
        %add3A_1036 = arith.addf %add3A_1006, %broadcast_in_dim3A_1035 : vector<16xf32>
        %add3A_1037 = arith.constant 16 : i32
        %add3A_1038 = arith.addi %mul3A_554, %add3A_1037 : i32
        %get3A_1039 = arith.index_cast %add3A_1038 : i32 to index
        %get3A_1040 = arith.constant 0 : index
        %get3A_1041 = tpu.vector_load %arg11[%get3A_1039, %get3A_1040] {strides = array<i32>} : memref<400x64xf32, #tpu.memory_space<vmem>>, vector<1x16xf32>,
        %get3A_1042 = vector.shape_cast %get3A_1041 : vector<1x16xf32> to vector<16xf32>
        %mul3A_1043 = arith.mulf %get3A_1042, %broadcast_in_dim3A_1035 : vector<16xf32>
        %add3A_1044 = arith.addf %add3A_1014, %mul3A_1043 : vector<16xf32>
        %get3A_1045 = arith.index_cast %add3A_1038 : i32 to index
        %get3A_1046 = arith.constant 16 : index
        %get3A_1047 = tpu.vector_load %arg11[%get3A_1045, %get3A_1046] {strides = array<i32>} : memref<400x64xf32, #tpu.memory_space<vmem>>, vector<1x16xf32>,
        %get3A_1048 = vector.shape_cast %get3A_1047 : vector<1x16xf32> to vector<16xf32>
        %mul3A_1049 = arith.mulf %get3A_1048, %broadcast_in_dim3A_1035 : vector<16xf32>
        %add3A_1050 = arith.addf %add3A_1020, %mul3A_1049 : vector<16xf32>
        %get3A_1051 = arith.index_cast %add3A_1038 : i32 to index
        %get3A_1052 = arith.constant 32 : index
        %get3A_1053 = tpu.vector_load %arg11[%get3A_1051, %get3A_1052] {strides = array<i32>} : memref<400x64xf32, #tpu.memory_space<vmem>>, vector<1x16xf32>,
        %get3A_1054 = vector.shape_cast %get3A_1053 : vector<1x16xf32> to vector<16xf32>
        %mul3A_1055 = arith.mulf %get3A_1054, %broadcast_in_dim3A_1035 : vector<16xf32>
        %add3A_1056 = arith.addf %add3A_1026, %mul3A_1055 : vector<16xf32>
        %get3A_1057 = arith.index_cast %add3A_1038 : i32 to index
        %get3A_1058 = arith.constant 48 : index
        %get3A_1059 = tpu.vector_load %arg11[%get3A_1057, %get3A_1058] {strides = array<i32>} : memref<400x64xf32, #tpu.memory_space<vmem>>, vector<1x16xf32>,
        %get3A_1060 = vector.shape_cast %get3A_1059 : vector<1x16xf32> to vector<16xf32>
        %mul3A_1061 = arith.mulf %get3A_1060, %broadcast_in_dim3A_1035 : vector<16xf32>
        %add3A_1062 = arith.addf %add3A_1032, %mul3A_1061 : vector<16xf32>
        %slice3A_1063 = vector.extract_strided_slice %get3A_535 {offsets = [1], sizes = [1], strides = [1]} : vector<16xf32> to vector<1xf32>
        %squeeze3A_1064 = vector.extract %slice3A_1063[0] : f32 from vector<1xf32>
        %broadcast_in_dim3A_1065 = vector.broadcast %squeeze3A_1064 : f32 to vector<16xf32>
        %add3A_1066 = arith.addf %add3A_1036, %broadcast_in_dim3A_1065 : vector<16xf32>
        %add3A_1067 = arith.constant 17 : i32
        %add3A_1068 = arith.addi %mul3A_554, %add3A_1067 : i32
        %get3A_1069 = arith.index_cast %add3A_1068 : i32 to index
        %get3A_1070 = arith.constant 0 : index
        %get3A_1071 = tpu.vector_load %arg11[%get3A_1069, %get3A_1070] {strides = array<i32>} : memref<400x64xf32, #tpu.memory_space<vmem>>, vector<1x16xf32>,
        %get3A_1072 = vector.shape_cast %get3A_1071 : vector<1x16xf32> to vector<16xf32>
        %mul3A_1073 = arith.mulf %get3A_1072, %broadcast_in_dim3A_1065 : vector<16xf32>
        %add3A_1074 = arith.addf %add3A_1044, %mul3A_1073 : vector<16xf32>
        %get3A_1075 = arith.index_cast %add3A_1068 : i32 to index
        %get3A_1076 = arith.constant 16 : index
        %get3A_1077 = tpu.vector_load %arg11[%get3A_1075, %get3A_1076] {strides = array<i32>} : memref<400x64xf32, #tpu.memory_space<vmem>>, vector<1x16xf32>,
        %get3A_1078 = vector.shape_cast %get3A_1077 : vector<1x16xf32> to vector<16xf32>
        %mul3A_1079 = arith.mulf %get3A_1078, %broadcast_in_dim3A_1065 : vector<16xf32>
        %add3A_1080 = arith.addf %add3A_1050, %mul3A_1079 : vector<16xf32>
        %get3A_1081 = arith.index_cast %add3A_1068 : i32 to index
        %get3A_1082 = arith.constant 32 : index
        %get3A_1083 = tpu.vector_load %arg11[%get3A_1081, %get3A_1082] {strides = array<i32>} : memref<400x64xf32, #tpu.memory_space<vmem>>, vector<1x16xf32>,
        %get3A_1084 = vector.shape_cast %get3A_1083 : vector<1x16xf32> to vector<16xf32>
        %mul3A_1085 = arith.mulf %get3A_1084, %broadcast_in_dim3A_1065 : vector<16xf32>
        %add3A_1086 = arith.addf %add3A_1056, %mul3A_1085 : vector<16xf32>
        %get3A_1087 = arith.index_cast %add3A_1068 : i32 to index
        %get3A_1088 = arith.constant 48 : index
        %get3A_1089 = tpu.vector_load %arg11[%get3A_1087, %get3A_1088] {strides = array<i32>} : memref<400x64xf32, #tpu.memory_space<vmem>>, vector<1x16xf32>,
        %get3A_1090 = vector.shape_cast %get3A_1089 : vector<1x16xf32> to vector<16xf32>
        %mul3A_1091 = arith.mulf %get3A_1090, %broadcast_in_dim3A_1065 : vector<16xf32>
        %add3A_1092 = arith.addf %add3A_1062, %mul3A_1091 : vector<16xf32>
        %slice3A_1093 = vector.extract_strided_slice %get3A_535 {offsets = [2], sizes = [1], strides = [1]} : vector<16xf32> to vector<1xf32>
        %squeeze3A_1094 = vector.extract %slice3A_1093[0] : f32 from vector<1xf32>
        %broadcast_in_dim3A_1095 = vector.broadcast %squeeze3A_1094 : f32 to vector<16xf32>
        %add3A_1096 = arith.addf %add3A_1066, %broadcast_in_dim3A_1095 : vector<16xf32>
        %add3A_1097 = arith.constant 18 : i32
        %add3A_1098 = arith.addi %mul3A_554, %add3A_1097 : i32
        %get3A_1099 = arith.index_cast %add3A_1098 : i32 to index
        %get3A_1100 = arith.constant 0 : index
        %get3A_1101 = tpu.vector_load %arg11[%get3A_1099, %get3A_1100] {strides = array<i32>} : memref<400x64xf32, #tpu.memory_space<vmem>>, vector<1x16xf32>,
        %get3A_1102 = vector.shape_cast %get3A_1101 : vector<1x16xf32> to vector<16xf32>
        %mul3A_1103 = arith.mulf %get3A_1102, %broadcast_in_dim3A_1095 : vector<16xf32>
        %add3A_1104 = arith.addf %add3A_1074, %mul3A_1103 : vector<16xf32>
        %get3A_1105 = arith.index_cast %add3A_1098 : i32 to index
        %get3A_1106 = arith.constant 16 : index
        %get3A_1107 = tpu.vector_load %arg11[%get3A_1105, %get3A_1106] {strides = array<i32>} : memref<400x64xf32, #tpu.memory_space<vmem>>, vector<1x16xf32>,
        %get3A_1108 = vector.shape_cast %get3A_1107 : vector<1x16xf32> to vector<16xf32>
        %mul3A_1109 = arith.mulf %get3A_1108, %broadcast_in_dim3A_1095 : vector<16xf32>
        %add3A_1110 = arith.addf %add3A_1080, %mul3A_1109 : vector<16xf32>
        %get3A_1111 = arith.index_cast %add3A_1098 : i32 to index
        %get3A_1112 = arith.constant 32 : index
        %get3A_1113 = tpu.vector_load %arg11[%get3A_1111, %get3A_1112] {strides = array<i32>} : memref<400x64xf32, #tpu.memory_space<vmem>>, vector<1x16xf32>,
        %get3A_1114 = vector.shape_cast %get3A_1113 : vector<1x16xf32> to vector<16xf32>
        %mul3A_1115 = arith.mulf %get3A_1114, %broadcast_in_dim3A_1095 : vector<16xf32>
        %add3A_1116 = arith.addf %add3A_1086, %mul3A_1115 : vector<16xf32>
        %get3A_1117 = arith.index_cast %add3A_1098 : i32 to index
        %get3A_1118 = arith.constant 48 : index
        %get3A_1119 = tpu.vector_load %arg11[%get3A_1117, %get3A_1118] {strides = array<i32>} : memref<400x64xf32, #tpu.memory_space<vmem>>, vector<1x16xf32>,
        %get3A_1120 = vector.shape_cast %get3A_1119 : vector<1x16xf32> to vector<16xf32>
        %mul3A_1121 = arith.mulf %get3A_1120, %broadcast_in_dim3A_1095 : vector<16xf32>
        %add3A_1122 = arith.addf %add3A_1092, %mul3A_1121 : vector<16xf32>
        %slice3A_1123 = vector.extract_strided_slice %get3A_535 {offsets = [3], sizes = [1], strides = [1]} : vector<16xf32> to vector<1xf32>
        %squeeze3A_1124 = vector.extract %slice3A_1123[0] : f32 from vector<1xf32>
        %broadcast_in_dim3A_1125 = vector.broadcast %squeeze3A_1124 : f32 to vector<16xf32>
        %add3A_1126 = arith.addf %add3A_1096, %broadcast_in_dim3A_1125 : vector<16xf32>
        %add3A_1127 = arith.constant 19 : i32
        %add3A_1128 = arith.addi %mul3A_554, %add3A_1127 : i32
        %get3A_1129 = arith.index_cast %add3A_1128 : i32 to index
        %get3A_1130 = arith.constant 0 : index
        %get3A_1131 = tpu.vector_load %arg11[%get3A_1129, %get3A_1130] {strides = array<i32>} : memref<400x64xf32, #tpu.memory_space<vmem>>, vector<1x16xf32>,
        %get3A_1132 = vector.shape_cast %get3A_1131 : vector<1x16xf32> to vector<16xf32>
        %mul3A_1133 = arith.mulf %get3A_1132, %broadcast_in_dim3A_1125 : vector<16xf32>
        %add3A_1134 = arith.addf %add3A_1104, %mul3A_1133 : vector<16xf32>
        %get3A_1135 = arith.index_cast %add3A_1128 : i32 to index
        %get3A_1136 = arith.constant 16 : index
        %get3A_1137 = tpu.vector_load %arg11[%get3A_1135, %get3A_1136] {strides = array<i32>} : memref<400x64xf32, #tpu.memory_space<vmem>>, vector<1x16xf32>,
        %get3A_1138 = vector.shape_cast %get3A_1137 : vector<1x16xf32> to vector<16xf32>
        %mul3A_1139 = arith.mulf %get3A_1138, %broadcast_in_dim3A_1125 : vector<16xf32>
        %add3A_1140 = arith.addf %add3A_1110, %mul3A_1139 : vector<16xf32>
        %get3A_1141 = arith.index_cast %add3A_1128 : i32 to index
        %get3A_1142 = arith.constant 32 : index
        %get3A_1143 = tpu.vector_load %arg11[%get3A_1141, %get3A_1142] {strides = array<i32>} : memref<400x64xf32, #tpu.memory_space<vmem>>, vector<1x16xf32>,
        %get3A_1144 = vector.shape_cast %get3A_1143 : vector<1x16xf32> to vector<16xf32>
        %mul3A_1145 = arith.mulf %get3A_1144, %broadcast_in_dim3A_1125 : vector<16xf32>
        %add3A_1146 = arith.addf %add3A_1116, %mul3A_1145 : vector<16xf32>
        %get3A_1147 = arith.index_cast %add3A_1128 : i32 to index
        %get3A_1148 = arith.constant 48 : index
        %get3A_1149 = tpu.vector_load %arg11[%get3A_1147, %get3A_1148] {strides = array<i32>} : memref<400x64xf32, #tpu.memory_space<vmem>>, vector<1x16xf32>,
        %get3A_1150 = vector.shape_cast %get3A_1149 : vector<1x16xf32> to vector<16xf32>
        %mul3A_1151 = arith.mulf %get3A_1150, %broadcast_in_dim3A_1125 : vector<16xf32>
        %add3A_1152 = arith.addf %add3A_1122, %mul3A_1151 : vector<16xf32>
        %slice3A_1153 = vector.extract_strided_slice %get3A_535 {offsets = [4], sizes = [1], strides = [1]} : vector<16xf32> to vector<1xf32>
        %squeeze3A_1154 = vector.extract %slice3A_1153[0] : f32 from vector<1xf32>
        %broadcast_in_dim3A_1155 = vector.broadcast %squeeze3A_1154 : f32 to vector<16xf32>
        %add3A_1156 = arith.addf %add3A_1126, %broadcast_in_dim3A_1155 : vector<16xf32>
        %add3A_1157 = arith.constant 20 : i32
        %add3A_1158 = arith.addi %mul3A_554, %add3A_1157 : i32
        %get3A_1159 = arith.index_cast %add3A_1158 : i32 to index
        %get3A_1160 = arith.constant 0 : index
        %get3A_1161 = tpu.vector_load %arg11[%get3A_1159, %get3A_1160] {strides = array<i32>} : memref<400x64xf32, #tpu.memory_space<vmem>>, vector<1x16xf32>,
        %get3A_1162 = vector.shape_cast %get3A_1161 : vector<1x16xf32> to vector<16xf32>
        %mul3A_1163 = arith.mulf %get3A_1162, %broadcast_in_dim3A_1155 : vector<16xf32>
        %add3A_1164 = arith.addf %add3A_1134, %mul3A_1163 : vector<16xf32>
        %get3A_1165 = arith.index_cast %add3A_1158 : i32 to index
        %get3A_1166 = arith.constant 16 : index
        %get3A_1167 = tpu.vector_load %arg11[%get3A_1165, %get3A_1166] {strides = array<i32>} : memref<400x64xf32, #tpu.memory_space<vmem>>, vector<1x16xf32>,
        %get3A_1168 = vector.shape_cast %get3A_1167 : vector<1x16xf32> to vector<16xf32>
        %mul3A_1169 = arith.mulf %get3A_1168, %broadcast_in_dim3A_1155 : vector<16xf32>
        %add3A_1170 = arith.addf %add3A_1140, %mul3A_1169 : vector<16xf32>
        %get3A_1171 = arith.index_cast %add3A_1158 : i32 to index
        %get3A_1172 = arith.constant 32 : index
        %get3A_1173 = tpu.vector_load %arg11[%get3A_1171, %get3A_1172] {strides = array<i32>} : memref<400x64xf32, #tpu.memory_space<vmem>>, vector<1x16xf32>,
        %get3A_1174 = vector.shape_cast %get3A_1173 : vector<1x16xf32> to vector<16xf32>
        %mul3A_1175 = arith.mulf %get3A_1174, %broadcast_in_dim3A_1155 : vector<16xf32>
        %add3A_1176 = arith.addf %add3A_1146, %mul3A_1175 : vector<16xf32>
        %get3A_1177 = arith.index_cast %add3A_1158 : i32 to index
        %get3A_1178 = arith.constant 48 : index
        %get3A_1179 = tpu.vector_load %arg11[%get3A_1177, %get3A_1178] {strides = array<i32>} : memref<400x64xf32, #tpu.memory_space<vmem>>, vector<1x16xf32>,
        %get3A_1180 = vector.shape_cast %get3A_1179 : vector<1x16xf32> to vector<16xf32>
        %mul3A_1181 = arith.mulf %get3A_1180, %broadcast_in_dim3A_1155 : vector<16xf32>
        %add3A_1182 = arith.addf %add3A_1152, %mul3A_1181 : vector<16xf32>
        %slice3A_1183 = vector.extract_strided_slice %get3A_535 {offsets = [5], sizes = [1], strides = [1]} : vector<16xf32> to vector<1xf32>
        %squeeze3A_1184 = vector.extract %slice3A_1183[0] : f32 from vector<1xf32>
        %broadcast_in_dim3A_1185 = vector.broadcast %squeeze3A_1184 : f32 to vector<16xf32>
        %add3A_1186 = arith.addf %add3A_1156, %broadcast_in_dim3A_1185 : vector<16xf32>
        %add3A_1187 = arith.constant 21 : i32
        %add3A_1188 = arith.addi %mul3A_554, %add3A_1187 : i32
        %get3A_1189 = arith.index_cast %add3A_1188 : i32 to index
        %get3A_1190 = arith.constant 0 : index
        %get3A_1191 = tpu.vector_load %arg11[%get3A_1189, %get3A_1190] {strides = array<i32>} : memref<400x64xf32, #tpu.memory_space<vmem>>, vector<1x16xf32>,
        %get3A_1192 = vector.shape_cast %get3A_1191 : vector<1x16xf32> to vector<16xf32>
        %mul3A_1193 = arith.mulf %get3A_1192, %broadcast_in_dim3A_1185 : vector<16xf32>
        %add3A_1194 = arith.addf %add3A_1164, %mul3A_1193 : vector<16xf32>
        %get3A_1195 = arith.index_cast %add3A_1188 : i32 to index
        %get3A_1196 = arith.constant 16 : index
        %get3A_1197 = tpu.vector_load %arg11[%get3A_1195, %get3A_1196] {strides = array<i32>} : memref<400x64xf32, #tpu.memory_space<vmem>>, vector<1x16xf32>,
        %get3A_1198 = vector.shape_cast %get3A_1197 : vector<1x16xf32> to vector<16xf32>
        %mul3A_1199 = arith.mulf %get3A_1198, %broadcast_in_dim3A_1185 : vector<16xf32>
        %add3A_1200 = arith.addf %add3A_1170, %mul3A_1199 : vector<16xf32>
        %get3A_1201 = arith.index_cast %add3A_1188 : i32 to index
        %get3A_1202 = arith.constant 32 : index
        %get3A_1203 = tpu.vector_load %arg11[%get3A_1201, %get3A_1202] {strides = array<i32>} : memref<400x64xf32, #tpu.memory_space<vmem>>, vector<1x16xf32>,
        %get3A_1204 = vector.shape_cast %get3A_1203 : vector<1x16xf32> to vector<16xf32>
        %mul3A_1205 = arith.mulf %get3A_1204, %broadcast_in_dim3A_1185 : vector<16xf32>
        %add3A_1206 = arith.addf %add3A_1176, %mul3A_1205 : vector<16xf32>
        %get3A_1207 = arith.index_cast %add3A_1188 : i32 to index
        %get3A_1208 = arith.constant 48 : index
        %get3A_1209 = tpu.vector_load %arg11[%get3A_1207, %get3A_1208] {strides = array<i32>} : memref<400x64xf32, #tpu.memory_space<vmem>>, vector<1x16xf32>,
        %get3A_1210 = vector.shape_cast %get3A_1209 : vector<1x16xf32> to vector<16xf32>
        %mul3A_1211 = arith.mulf %get3A_1210, %broadcast_in_dim3A_1185 : vector<16xf32>
        %add3A_1212 = arith.addf %add3A_1182, %mul3A_1211 : vector<16xf32>
        %slice3A_1213 = vector.extract_strided_slice %get3A_535 {offsets = [6], sizes = [1], strides = [1]} : vector<16xf32> to vector<1xf32>
        %squeeze3A_1214 = vector.extract %slice3A_1213[0] : f32 from vector<1xf32>
        %broadcast_in_dim3A_1215 = vector.broadcast %squeeze3A_1214 : f32 to vector<16xf32>
        %add3A_1216 = arith.addf %add3A_1186, %broadcast_in_dim3A_1215 : vector<16xf32>
        %add3A_1217 = arith.constant 22 : i32
        %add3A_1218 = arith.addi %mul3A_554, %add3A_1217 : i32
        %get3A_1219 = arith.index_cast %add3A_1218 : i32 to index
        %get3A_1220 = arith.constant 0 : index
        %get3A_1221 = tpu.vector_load %arg11[%get3A_1219, %get3A_1220] {strides = array<i32>} : memref<400x64xf32, #tpu.memory_space<vmem>>, vector<1x16xf32>,
        %get3A_1222 = vector.shape_cast %get3A_1221 : vector<1x16xf32> to vector<16xf32>
        %mul3A_1223 = arith.mulf %get3A_1222, %broadcast_in_dim3A_1215 : vector<16xf32>
        %add3A_1224 = arith.addf %add3A_1194, %mul3A_1223 : vector<16xf32>
        %get3A_1225 = arith.index_cast %add3A_1218 : i32 to index
        %get3A_1226 = arith.constant 16 : index
        %get3A_1227 = tpu.vector_load %arg11[%get3A_1225, %get3A_1226] {strides = array<i32>} : memref<400x64xf32, #tpu.memory_space<vmem>>, vector<1x16xf32>,
        %get3A_1228 = vector.shape_cast %get3A_1227 : vector<1x16xf32> to vector<16xf32>
        %mul3A_1229 = arith.mulf %get3A_1228, %broadcast_in_dim3A_1215 : vector<16xf32>
        %add3A_1230 = arith.addf %add3A_1200, %mul3A_1229 : vector<16xf32>
        %get3A_1231 = arith.index_cast %add3A_1218 : i32 to index
        %get3A_1232 = arith.constant 32 : index
        %get3A_1233 = tpu.vector_load %arg11[%get3A_1231, %get3A_1232] {strides = array<i32>} : memref<400x64xf32, #tpu.memory_space<vmem>>, vector<1x16xf32>,
        %get3A_1234 = vector.shape_cast %get3A_1233 : vector<1x16xf32> to vector<16xf32>
        %mul3A_1235 = arith.mulf %get3A_1234, %broadcast_in_dim3A_1215 : vector<16xf32>
        %add3A_1236 = arith.addf %add3A_1206, %mul3A_1235 : vector<16xf32>
        %get3A_1237 = arith.index_cast %add3A_1218 : i32 to index
        %get3A_1238 = arith.constant 48 : index
        %get3A_1239 = tpu.vector_load %arg11[%get3A_1237, %get3A_1238] {strides = array<i32>} : memref<400x64xf32, #tpu.memory_space<vmem>>, vector<1x16xf32>,
        %get3A_1240 = vector.shape_cast %get3A_1239 : vector<1x16xf32> to vector<16xf32>
        %mul3A_1241 = arith.mulf %get3A_1240, %broadcast_in_dim3A_1215 : vector<16xf32>
        %add3A_1242 = arith.addf %add3A_1212, %mul3A_1241 : vector<16xf32>
        %slice3A_1243 = vector.extract_strided_slice %get3A_535 {offsets = [7], sizes = [1], strides = [1]} : vector<16xf32> to vector<1xf32>
        %squeeze3A_1244 = vector.extract %slice3A_1243[0] : f32 from vector<1xf32>
        %broadcast_in_dim3A_1245 = vector.broadcast %squeeze3A_1244 : f32 to vector<16xf32>
        %add3A_1246 = arith.addf %add3A_1216, %broadcast_in_dim3A_1245 : vector<16xf32>
        %add3A_1247 = arith.constant 23 : i32
        %add3A_1248 = arith.addi %mul3A_554, %add3A_1247 : i32
        %get3A_1249 = arith.index_cast %add3A_1248 : i32 to index
        %get3A_1250 = arith.constant 0 : index
        %get3A_1251 = tpu.vector_load %arg11[%get3A_1249, %get3A_1250] {strides = array<i32>} : memref<400x64xf32, #tpu.memory_space<vmem>>, vector<1x16xf32>,
        %get3A_1252 = vector.shape_cast %get3A_1251 : vector<1x16xf32> to vector<16xf32>
        %mul3A_1253 = arith.mulf %get3A_1252, %broadcast_in_dim3A_1245 : vector<16xf32>
        %add3A_1254 = arith.addf %add3A_1224, %mul3A_1253 : vector<16xf32>
        %get3A_1255 = arith.index_cast %add3A_1248 : i32 to index
        %get3A_1256 = arith.constant 16 : index
        %get3A_1257 = tpu.vector_load %arg11[%get3A_1255, %get3A_1256] {strides = array<i32>} : memref<400x64xf32, #tpu.memory_space<vmem>>, vector<1x16xf32>,
        %get3A_1258 = vector.shape_cast %get3A_1257 : vector<1x16xf32> to vector<16xf32>
        %mul3A_1259 = arith.mulf %get3A_1258, %broadcast_in_dim3A_1245 : vector<16xf32>
        %add3A_1260 = arith.addf %add3A_1230, %mul3A_1259 : vector<16xf32>
        %get3A_1261 = arith.index_cast %add3A_1248 : i32 to index
        %get3A_1262 = arith.constant 32 : index
        %get3A_1263 = tpu.vector_load %arg11[%get3A_1261, %get3A_1262] {strides = array<i32>} : memref<400x64xf32, #tpu.memory_space<vmem>>, vector<1x16xf32>,
        %get3A_1264 = vector.shape_cast %get3A_1263 : vector<1x16xf32> to vector<16xf32>
        %mul3A_1265 = arith.mulf %get3A_1264, %broadcast_in_dim3A_1245 : vector<16xf32>
        %add3A_1266 = arith.addf %add3A_1236, %mul3A_1265 : vector<16xf32>
        %get3A_1267 = arith.index_cast %add3A_1248 : i32 to index
        %get3A_1268 = arith.constant 48 : index
        %get3A_1269 = tpu.vector_load %arg11[%get3A_1267, %get3A_1268] {strides = array<i32>} : memref<400x64xf32, #tpu.memory_space<vmem>>, vector<1x16xf32>,
        %get3A_1270 = vector.shape_cast %get3A_1269 : vector<1x16xf32> to vector<16xf32>
        %mul3A_1271 = arith.mulf %get3A_1270, %broadcast_in_dim3A_1245 : vector<16xf32>
        %add3A_1272 = arith.addf %add3A_1242, %mul3A_1271 : vector<16xf32>
        %slice3A_1273 = vector.extract_strided_slice %get3A_535 {offsets = [8], sizes = [1], strides = [1]} : vector<16xf32> to vector<1xf32>
        %squeeze3A_1274 = vector.extract %slice3A_1273[0] : f32 from vector<1xf32>
        %broadcast_in_dim3A_1275 = vector.broadcast %squeeze3A_1274 : f32 to vector<16xf32>
        %add3A_1276 = arith.addf %add3A_1246, %broadcast_in_dim3A_1275 : vector<16xf32>
        %add3A_1277 = arith.constant 24 : i32
        %add3A_1278 = arith.addi %mul3A_554, %add3A_1277 : i32
        %get3A_1279 = arith.index_cast %add3A_1278 : i32 to index
        %get3A_1280 = arith.constant 0 : index
        %get3A_1281 = tpu.vector_load %arg11[%get3A_1279, %get3A_1280] {strides = array<i32>} : memref<400x64xf32, #tpu.memory_space<vmem>>, vector<1x16xf32>,
        %get3A_1282 = vector.shape_cast %get3A_1281 : vector<1x16xf32> to vector<16xf32>
        %mul3A_1283 = arith.mulf %get3A_1282, %broadcast_in_dim3A_1275 : vector<16xf32>
        %add3A_1284 = arith.addf %add3A_1254, %mul3A_1283 : vector<16xf32>
        %get3A_1285 = arith.index_cast %add3A_1278 : i32 to index
        %get3A_1286 = arith.constant 16 : index
        %get3A_1287 = tpu.vector_load %arg11[%get3A_1285, %get3A_1286] {strides = array<i32>} : memref<400x64xf32, #tpu.memory_space<vmem>>, vector<1x16xf32>,
        %get3A_1288 = vector.shape_cast %get3A_1287 : vector<1x16xf32> to vector<16xf32>
        %mul3A_1289 = arith.mulf %get3A_1288, %broadcast_in_dim3A_1275 : vector<16xf32>
        %add3A_1290 = arith.addf %add3A_1260, %mul3A_1289 : vector<16xf32>
        %get3A_1291 = arith.index_cast %add3A_1278 : i32 to index
        %get3A_1292 = arith.constant 32 : index
        %get3A_1293 = tpu.vector_load %arg11[%get3A_1291, %get3A_1292] {strides = array<i32>} : memref<400x64xf32, #tpu.memory_space<vmem>>, vector<1x16xf32>,
        %get3A_1294 = vector.shape_cast %get3A_1293 : vector<1x16xf32> to vector<16xf32>
        %mul3A_1295 = arith.mulf %get3A_1294, %broadcast_in_dim3A_1275 : vector<16xf32>
        %add3A_1296 = arith.addf %add3A_1266, %mul3A_1295 : vector<16xf32>
        %get3A_1297 = arith.index_cast %add3A_1278 : i32 to index
        %get3A_1298 = arith.constant 48 : index
        %get3A_1299 = tpu.vector_load %arg11[%get3A_1297, %get3A_1298] {strides = array<i32>} : memref<400x64xf32, #tpu.memory_space<vmem>>, vector<1x16xf32>,
        %get3A_1300 = vector.shape_cast %get3A_1299 : vector<1x16xf32> to vector<16xf32>
        %mul3A_1301 = arith.mulf %get3A_1300, %broadcast_in_dim3A_1275 : vector<16xf32>
        %add3A_1302 = arith.addf %add3A_1272, %mul3A_1301 : vector<16xf32>
        %slice3A_1303 = vector.extract_strided_slice %get3A_535 {offsets = [9], sizes = [1], strides = [1]} : vector<16xf32> to vector<1xf32>
        %squeeze3A_1304 = vector.extract %slice3A_1303[0] : f32 from vector<1xf32>
        %broadcast_in_dim3A_1305 = vector.broadcast %squeeze3A_1304 : f32 to vector<16xf32>
        %add3A_1306 = arith.addf %add3A_1276, %broadcast_in_dim3A_1305 : vector<16xf32>
        %add3A_1307 = arith.constant 25 : i32
        %add3A_1308 = arith.addi %mul3A_554, %add3A_1307 : i32
        %get3A_1309 = arith.index_cast %add3A_1308 : i32 to index
        %get3A_1310 = arith.constant 0 : index
        %get3A_1311 = tpu.vector_load %arg11[%get3A_1309, %get3A_1310] {strides = array<i32>} : memref<400x64xf32, #tpu.memory_space<vmem>>, vector<1x16xf32>,
        %get3A_1312 = vector.shape_cast %get3A_1311 : vector<1x16xf32> to vector<16xf32>
        %mul3A_1313 = arith.mulf %get3A_1312, %broadcast_in_dim3A_1305 : vector<16xf32>
        %add3A_1314 = arith.addf %add3A_1284, %mul3A_1313 : vector<16xf32>
        %get3A_1315 = arith.index_cast %add3A_1308 : i32 to index
        %get3A_1316 = arith.constant 16 : index
        %get3A_1317 = tpu.vector_load %arg11[%get3A_1315, %get3A_1316] {strides = array<i32>} : memref<400x64xf32, #tpu.memory_space<vmem>>, vector<1x16xf32>,
        %get3A_1318 = vector.shape_cast %get3A_1317 : vector<1x16xf32> to vector<16xf32>
        %mul3A_1319 = arith.mulf %get3A_1318, %broadcast_in_dim3A_1305 : vector<16xf32>
        %add3A_1320 = arith.addf %add3A_1290, %mul3A_1319 : vector<16xf32>
        %get3A_1321 = arith.index_cast %add3A_1308 : i32 to index
        %get3A_1322 = arith.constant 32 : index
        %get3A_1323 = tpu.vector_load %arg11[%get3A_1321, %get3A_1322] {strides = array<i32>} : memref<400x64xf32, #tpu.memory_space<vmem>>, vector<1x16xf32>,
        %get3A_1324 = vector.shape_cast %get3A_1323 : vector<1x16xf32> to vector<16xf32>
        %mul3A_1325 = arith.mulf %get3A_1324, %broadcast_in_dim3A_1305 : vector<16xf32>
        %add3A_1326 = arith.addf %add3A_1296, %mul3A_1325 : vector<16xf32>
        %get3A_1327 = arith.index_cast %add3A_1308 : i32 to index
        %get3A_1328 = arith.constant 48 : index
        %get3A_1329 = tpu.vector_load %arg11[%get3A_1327, %get3A_1328] {strides = array<i32>} : memref<400x64xf32, #tpu.memory_space<vmem>>, vector<1x16xf32>,
        %get3A_1330 = vector.shape_cast %get3A_1329 : vector<1x16xf32> to vector<16xf32>
        %mul3A_1331 = arith.mulf %get3A_1330, %broadcast_in_dim3A_1305 : vector<16xf32>
        %add3A_1332 = arith.addf %add3A_1302, %mul3A_1331 : vector<16xf32>
        %slice3A_1333 = vector.extract_strided_slice %get3A_535 {offsets = [10], sizes = [1], strides = [1]} : vector<16xf32> to vector<1xf32>
        %squeeze3A_1334 = vector.extract %slice3A_1333[0] : f32 from vector<1xf32>
        %broadcast_in_dim3A_1335 = vector.broadcast %squeeze3A_1334 : f32 to vector<16xf32>
        %add3A_1336 = arith.addf %add3A_1306, %broadcast_in_dim3A_1335 : vector<16xf32>
        %add3A_1337 = arith.constant 26 : i32
        %add3A_1338 = arith.addi %mul3A_554, %add3A_1337 : i32
        %get3A_1339 = arith.index_cast %add3A_1338 : i32 to index
        %get3A_1340 = arith.constant 0 : index
        %get3A_1341 = tpu.vector_load %arg11[%get3A_1339, %get3A_1340] {strides = array<i32>} : memref<400x64xf32, #tpu.memory_space<vmem>>, vector<1x16xf32>,
        %get3A_1342 = vector.shape_cast %get3A_1341 : vector<1x16xf32> to vector<16xf32>
        %mul3A_1343 = arith.mulf %get3A_1342, %broadcast_in_dim3A_1335 : vector<16xf32>
        %add3A_1344 = arith.addf %add3A_1314, %mul3A_1343 : vector<16xf32>
        %get3A_1345 = arith.index_cast %add3A_1338 : i32 to index
        %get3A_1346 = arith.constant 16 : index
        %get3A_1347 = tpu.vector_load %arg11[%get3A_1345, %get3A_1346] {strides = array<i32>} : memref<400x64xf32, #tpu.memory_space<vmem>>, vector<1x16xf32>,
        %get3A_1348 = vector.shape_cast %get3A_1347 : vector<1x16xf32> to vector<16xf32>
        %mul3A_1349 = arith.mulf %get3A_1348, %broadcast_in_dim3A_1335 : vector<16xf32>
        %add3A_1350 = arith.addf %add3A_1320, %mul3A_1349 : vector<16xf32>
        %get3A_1351 = arith.index_cast %add3A_1338 : i32 to index
        %get3A_1352 = arith.constant 32 : index
        %get3A_1353 = tpu.vector_load %arg11[%get3A_1351, %get3A_1352] {strides = array<i32>} : memref<400x64xf32, #tpu.memory_space<vmem>>, vector<1x16xf32>,
        %get3A_1354 = vector.shape_cast %get3A_1353 : vector<1x16xf32> to vector<16xf32>
        %mul3A_1355 = arith.mulf %get3A_1354, %broadcast_in_dim3A_1335 : vector<16xf32>
        %add3A_1356 = arith.addf %add3A_1326, %mul3A_1355 : vector<16xf32>
        %get3A_1357 = arith.index_cast %add3A_1338 : i32 to index
        %get3A_1358 = arith.constant 48 : index
        %get3A_1359 = tpu.vector_load %arg11[%get3A_1357, %get3A_1358] {strides = array<i32>} : memref<400x64xf32, #tpu.memory_space<vmem>>, vector<1x16xf32>,
        %get3A_1360 = vector.shape_cast %get3A_1359 : vector<1x16xf32> to vector<16xf32>
        %mul3A_1361 = arith.mulf %get3A_1360, %broadcast_in_dim3A_1335 : vector<16xf32>
        %add3A_1362 = arith.addf %add3A_1332, %mul3A_1361 : vector<16xf32>
        %slice3A_1363 = vector.extract_strided_slice %get3A_535 {offsets = [11], sizes = [1], strides = [1]} : vector<16xf32> to vector<1xf32>
        %squeeze3A_1364 = vector.extract %slice3A_1363[0] : f32 from vector<1xf32>
        %broadcast_in_dim3A_1365 = vector.broadcast %squeeze3A_1364 : f32 to vector<16xf32>
        %add3A_1366 = arith.addf %add3A_1336, %broadcast_in_dim3A_1365 : vector<16xf32>
        %add3A_1367 = arith.constant 27 : i32
        %add3A_1368 = arith.addi %mul3A_554, %add3A_1367 : i32
        %get3A_1369 = arith.index_cast %add3A_1368 : i32 to index
        %get3A_1370 = arith.constant 0 : index
        %get3A_1371 = tpu.vector_load %arg11[%get3A_1369, %get3A_1370] {strides = array<i32>} : memref<400x64xf32, #tpu.memory_space<vmem>>, vector<1x16xf32>,
        %get3A_1372 = vector.shape_cast %get3A_1371 : vector<1x16xf32> to vector<16xf32>
        %mul3A_1373 = arith.mulf %get3A_1372, %broadcast_in_dim3A_1365 : vector<16xf32>
        %add3A_1374 = arith.addf %add3A_1344, %mul3A_1373 : vector<16xf32>
        %get3A_1375 = arith.index_cast %add3A_1368 : i32 to index
        %get3A_1376 = arith.constant 16 : index
        %get3A_1377 = tpu.vector_load %arg11[%get3A_1375, %get3A_1376] {strides = array<i32>} : memref<400x64xf32, #tpu.memory_space<vmem>>, vector<1x16xf32>,
        %get3A_1378 = vector.shape_cast %get3A_1377 : vector<1x16xf32> to vector<16xf32>
        %mul3A_1379 = arith.mulf %get3A_1378, %broadcast_in_dim3A_1365 : vector<16xf32>
        %add3A_1380 = arith.addf %add3A_1350, %mul3A_1379 : vector<16xf32>
        %get3A_1381 = arith.index_cast %add3A_1368 : i32 to index
        %get3A_1382 = arith.constant 32 : index
        %get3A_1383 = tpu.vector_load %arg11[%get3A_1381, %get3A_1382] {strides = array<i32>} : memref<400x64xf32, #tpu.memory_space<vmem>>, vector<1x16xf32>,
        %get3A_1384 = vector.shape_cast %get3A_1383 : vector<1x16xf32> to vector<16xf32>
        %mul3A_1385 = arith.mulf %get3A_1384, %broadcast_in_dim3A_1365 : vector<16xf32>
        %add3A_1386 = arith.addf %add3A_1356, %mul3A_1385 : vector<16xf32>
        %get3A_1387 = arith.index_cast %add3A_1368 : i32 to index
        %get3A_1388 = arith.constant 48 : index
        %get3A_1389 = tpu.vector_load %arg11[%get3A_1387, %get3A_1388] {strides = array<i32>} : memref<400x64xf32, #tpu.memory_space<vmem>>, vector<1x16xf32>,
        %get3A_1390 = vector.shape_cast %get3A_1389 : vector<1x16xf32> to vector<16xf32>
        %mul3A_1391 = arith.mulf %get3A_1390, %broadcast_in_dim3A_1365 : vector<16xf32>
        %add3A_1392 = arith.addf %add3A_1362, %mul3A_1391 : vector<16xf32>
        %slice3A_1393 = vector.extract_strided_slice %get3A_535 {offsets = [12], sizes = [1], strides = [1]} : vector<16xf32> to vector<1xf32>
        %squeeze3A_1394 = vector.extract %slice3A_1393[0] : f32 from vector<1xf32>
        %broadcast_in_dim3A_1395 = vector.broadcast %squeeze3A_1394 : f32 to vector<16xf32>
        %add3A_1396 = arith.addf %add3A_1366, %broadcast_in_dim3A_1395 : vector<16xf32>
        %add3A_1397 = arith.constant 28 : i32
        %add3A_1398 = arith.addi %mul3A_554, %add3A_1397 : i32
        %get3A_1399 = arith.index_cast %add3A_1398 : i32 to index
        %get3A_1400 = arith.constant 0 : index
        %get3A_1401 = tpu.vector_load %arg11[%get3A_1399, %get3A_1400] {strides = array<i32>} : memref<400x64xf32, #tpu.memory_space<vmem>>, vector<1x16xf32>,
        %get3A_1402 = vector.shape_cast %get3A_1401 : vector<1x16xf32> to vector<16xf32>
        %mul3A_1403 = arith.mulf %get3A_1402, %broadcast_in_dim3A_1395 : vector<16xf32>
        %add3A_1404 = arith.addf %add3A_1374, %mul3A_1403 : vector<16xf32>
        %get3A_1405 = arith.index_cast %add3A_1398 : i32 to index
        %get3A_1406 = arith.constant 16 : index
        %get3A_1407 = tpu.vector_load %arg11[%get3A_1405, %get3A_1406] {strides = array<i32>} : memref<400x64xf32, #tpu.memory_space<vmem>>, vector<1x16xf32>,
        %get3A_1408 = vector.shape_cast %get3A_1407 : vector<1x16xf32> to vector<16xf32>
        %mul3A_1409 = arith.mulf %get3A_1408, %broadcast_in_dim3A_1395 : vector<16xf32>
        %add3A_1410 = arith.addf %add3A_1380, %mul3A_1409 : vector<16xf32>
        %get3A_1411 = arith.index_cast %add3A_1398 : i32 to index
        %get3A_1412 = arith.constant 32 : index
        %get3A_1413 = tpu.vector_load %arg11[%get3A_1411, %get3A_1412] {strides = array<i32>} : memref<400x64xf32, #tpu.memory_space<vmem>>, vector<1x16xf32>,
        %get3A_1414 = vector.shape_cast %get3A_1413 : vector<1x16xf32> to vector<16xf32>
        %mul3A_1415 = arith.mulf %get3A_1414, %broadcast_in_dim3A_1395 : vector<16xf32>
        %add3A_1416 = arith.addf %add3A_1386, %mul3A_1415 : vector<16xf32>
        %get3A_1417 = arith.index_cast %add3A_1398 : i32 to index
        %get3A_1418 = arith.constant 48 : index
        %get3A_1419 = tpu.vector_load %arg11[%get3A_1417, %get3A_1418] {strides = array<i32>} : memref<400x64xf32, #tpu.memory_space<vmem>>, vector<1x16xf32>,
        %get3A_1420 = vector.shape_cast %get3A_1419 : vector<1x16xf32> to vector<16xf32>
        %mul3A_1421 = arith.mulf %get3A_1420, %broadcast_in_dim3A_1395 : vector<16xf32>
        %add3A_1422 = arith.addf %add3A_1392, %mul3A_1421 : vector<16xf32>
        %slice3A_1423 = vector.extract_strided_slice %get3A_535 {offsets = [13], sizes = [1], strides = [1]} : vector<16xf32> to vector<1xf32>
        %squeeze3A_1424 = vector.extract %slice3A_1423[0] : f32 from vector<1xf32>
        %broadcast_in_dim3A_1425 = vector.broadcast %squeeze3A_1424 : f32 to vector<16xf32>
        %add3A_1426 = arith.addf %add3A_1396, %broadcast_in_dim3A_1425 : vector<16xf32>
        %add3A_1427 = arith.constant 29 : i32
        %add3A_1428 = arith.addi %mul3A_554, %add3A_1427 : i32
        %get3A_1429 = arith.index_cast %add3A_1428 : i32 to index
        %get3A_1430 = arith.constant 0 : index
        %get3A_1431 = tpu.vector_load %arg11[%get3A_1429, %get3A_1430] {strides = array<i32>} : memref<400x64xf32, #tpu.memory_space<vmem>>, vector<1x16xf32>,
        %get3A_1432 = vector.shape_cast %get3A_1431 : vector<1x16xf32> to vector<16xf32>
        %mul3A_1433 = arith.mulf %get3A_1432, %broadcast_in_dim3A_1425 : vector<16xf32>
        %add3A_1434 = arith.addf %add3A_1404, %mul3A_1433 : vector<16xf32>
        %get3A_1435 = arith.index_cast %add3A_1428 : i32 to index
        %get3A_1436 = arith.constant 16 : index
        %get3A_1437 = tpu.vector_load %arg11[%get3A_1435, %get3A_1436] {strides = array<i32>} : memref<400x64xf32, #tpu.memory_space<vmem>>, vector<1x16xf32>,
        %get3A_1438 = vector.shape_cast %get3A_1437 : vector<1x16xf32> to vector<16xf32>
        %mul3A_1439 = arith.mulf %get3A_1438, %broadcast_in_dim3A_1425 : vector<16xf32>
        %add3A_1440 = arith.addf %add3A_1410, %mul3A_1439 : vector<16xf32>
        %get3A_1441 = arith.index_cast %add3A_1428 : i32 to index
        %get3A_1442 = arith.constant 32 : index
        %get3A_1443 = tpu.vector_load %arg11[%get3A_1441, %get3A_1442] {strides = array<i32>} : memref<400x64xf32, #tpu.memory_space<vmem>>, vector<1x16xf32>,
        %get3A_1444 = vector.shape_cast %get3A_1443 : vector<1x16xf32> to vector<16xf32>
        %mul3A_1445 = arith.mulf %get3A_1444, %broadcast_in_dim3A_1425 : vector<16xf32>
        %add3A_1446 = arith.addf %add3A_1416, %mul3A_1445 : vector<16xf32>
        %get3A_1447 = arith.index_cast %add3A_1428 : i32 to index
        %get3A_1448 = arith.constant 48 : index
        %get3A_1449 = tpu.vector_load %arg11[%get3A_1447, %get3A_1448] {strides = array<i32>} : memref<400x64xf32, #tpu.memory_space<vmem>>, vector<1x16xf32>,
        %get3A_1450 = vector.shape_cast %get3A_1449 : vector<1x16xf32> to vector<16xf32>
        %mul3A_1451 = arith.mulf %get3A_1450, %broadcast_in_dim3A_1425 : vector<16xf32>
        %add3A_1452 = arith.addf %add3A_1422, %mul3A_1451 : vector<16xf32>
        %slice3A_1453 = vector.extract_strided_slice %get3A_535 {offsets = [14], sizes = [1], strides = [1]} : vector<16xf32> to vector<1xf32>
        %squeeze3A_1454 = vector.extract %slice3A_1453[0] : f32 from vector<1xf32>
        %broadcast_in_dim3A_1455 = vector.broadcast %squeeze3A_1454 : f32 to vector<16xf32>
        %add3A_1456 = arith.addf %add3A_1426, %broadcast_in_dim3A_1455 : vector<16xf32>
        %add3A_1457 = arith.constant 30 : i32
        %add3A_1458 = arith.addi %mul3A_554, %add3A_1457 : i32
        %get3A_1459 = arith.index_cast %add3A_1458 : i32 to index
        %get3A_1460 = arith.constant 0 : index
        %get3A_1461 = tpu.vector_load %arg11[%get3A_1459, %get3A_1460] {strides = array<i32>} : memref<400x64xf32, #tpu.memory_space<vmem>>, vector<1x16xf32>,
        %get3A_1462 = vector.shape_cast %get3A_1461 : vector<1x16xf32> to vector<16xf32>
        %mul3A_1463 = arith.mulf %get3A_1462, %broadcast_in_dim3A_1455 : vector<16xf32>
        %add3A_1464 = arith.addf %add3A_1434, %mul3A_1463 : vector<16xf32>
        %get3A_1465 = arith.index_cast %add3A_1458 : i32 to index
        %get3A_1466 = arith.constant 16 : index
        %get3A_1467 = tpu.vector_load %arg11[%get3A_1465, %get3A_1466] {strides = array<i32>} : memref<400x64xf32, #tpu.memory_space<vmem>>, vector<1x16xf32>,
        %get3A_1468 = vector.shape_cast %get3A_1467 : vector<1x16xf32> to vector<16xf32>
        %mul3A_1469 = arith.mulf %get3A_1468, %broadcast_in_dim3A_1455 : vector<16xf32>
        %add3A_1470 = arith.addf %add3A_1440, %mul3A_1469 : vector<16xf32>
        %get3A_1471 = arith.index_cast %add3A_1458 : i32 to index
        %get3A_1472 = arith.constant 32 : index
        %get3A_1473 = tpu.vector_load %arg11[%get3A_1471, %get3A_1472] {strides = array<i32>} : memref<400x64xf32, #tpu.memory_space<vmem>>, vector<1x16xf32>,
        %get3A_1474 = vector.shape_cast %get3A_1473 : vector<1x16xf32> to vector<16xf32>
        %mul3A_1475 = arith.mulf %get3A_1474, %broadcast_in_dim3A_1455 : vector<16xf32>
        %add3A_1476 = arith.addf %add3A_1446, %mul3A_1475 : vector<16xf32>
        %get3A_1477 = arith.index_cast %add3A_1458 : i32 to index
        %get3A_1478 = arith.constant 48 : index
        %get3A_1479 = tpu.vector_load %arg11[%get3A_1477, %get3A_1478] {strides = array<i32>} : memref<400x64xf32, #tpu.memory_space<vmem>>, vector<1x16xf32>,
        %get3A_1480 = vector.shape_cast %get3A_1479 : vector<1x16xf32> to vector<16xf32>
        %mul3A_1481 = arith.mulf %get3A_1480, %broadcast_in_dim3A_1455 : vector<16xf32>
        %add3A_1482 = arith.addf %add3A_1452, %mul3A_1481 : vector<16xf32>
        %slice3A_1483 = vector.extract_strided_slice %get3A_535 {offsets = [15], sizes = [1], strides = [1]} : vector<16xf32> to vector<1xf32>
        %squeeze3A_1484 = vector.extract %slice3A_1483[0] : f32 from vector<1xf32>
        %broadcast_in_dim3A_1485 = vector.broadcast %squeeze3A_1484 : f32 to vector<16xf32>
        %add3A_1486 = arith.addf %add3A_1456, %broadcast_in_dim3A_1485 : vector<16xf32>
        %add3A_1487 = arith.constant 31 : i32
        %add3A_1488 = arith.addi %mul3A_554, %add3A_1487 : i32
        %get3A_1489 = arith.index_cast %add3A_1488 : i32 to index
        %get3A_1490 = arith.constant 0 : index
        %get3A_1491 = tpu.vector_load %arg11[%get3A_1489, %get3A_1490] {strides = array<i32>} : memref<400x64xf32, #tpu.memory_space<vmem>>, vector<1x16xf32>,
        %get3A_1492 = vector.shape_cast %get3A_1491 : vector<1x16xf32> to vector<16xf32>
        %mul3A_1493 = arith.mulf %get3A_1492, %broadcast_in_dim3A_1485 : vector<16xf32>
        %add3A_1494 = arith.addf %add3A_1464, %mul3A_1493 : vector<16xf32>
        %get3A_1495 = arith.index_cast %add3A_1488 : i32 to index
        %get3A_1496 = arith.constant 16 : index
        %get3A_1497 = tpu.vector_load %arg11[%get3A_1495, %get3A_1496] {strides = array<i32>} : memref<400x64xf32, #tpu.memory_space<vmem>>, vector<1x16xf32>,
        %get3A_1498 = vector.shape_cast %get3A_1497 : vector<1x16xf32> to vector<16xf32>
        %mul3A_1499 = arith.mulf %get3A_1498, %broadcast_in_dim3A_1485 : vector<16xf32>
        %add3A_1500 = arith.addf %add3A_1470, %mul3A_1499 : vector<16xf32>
        %get3A_1501 = arith.index_cast %add3A_1488 : i32 to index
        %get3A_1502 = arith.constant 32 : index
        %get3A_1503 = tpu.vector_load %arg11[%get3A_1501, %get3A_1502] {strides = array<i32>} : memref<400x64xf32, #tpu.memory_space<vmem>>, vector<1x16xf32>,
        %get3A_1504 = vector.shape_cast %get3A_1503 : vector<1x16xf32> to vector<16xf32>
        %mul3A_1505 = arith.mulf %get3A_1504, %broadcast_in_dim3A_1485 : vector<16xf32>
        %add3A_1506 = arith.addf %add3A_1476, %mul3A_1505 : vector<16xf32>
        %get3A_1507 = arith.index_cast %add3A_1488 : i32 to index
        %get3A_1508 = arith.constant 48 : index
        %get3A_1509 = tpu.vector_load %arg11[%get3A_1507, %get3A_1508] {strides = array<i32>} : memref<400x64xf32, #tpu.memory_space<vmem>>, vector<1x16xf32>,
        %get3A_1510 = vector.shape_cast %get3A_1509 : vector<1x16xf32> to vector<16xf32>
        %mul3A_1511 = arith.mulf %get3A_1510, %broadcast_in_dim3A_1485 : vector<16xf32>
        %add3A_1512 = arith.addf %add3A_1482, %mul3A_1511 : vector<16xf32>
        %slice3A_1513 = vector.extract_strided_slice %get3A_539 {offsets = [0], sizes = [1], strides = [1]} : vector<16xf32> to vector<1xf32>
        %squeeze3A_1514 = vector.extract %slice3A_1513[0] : f32 from vector<1xf32>
        %broadcast_in_dim3A_1515 = vector.broadcast %squeeze3A_1514 : f32 to vector<16xf32>
        %add3A_1516 = arith.addf %add3A_1486, %broadcast_in_dim3A_1515 : vector<16xf32>
        %add3A_1517 = arith.constant 32 : i32
        %add3A_1518 = arith.addi %mul3A_554, %add3A_1517 : i32
        %get3A_1519 = arith.index_cast %add3A_1518 : i32 to index
        %get3A_1520 = arith.constant 0 : index
        %get3A_1521 = tpu.vector_load %arg11[%get3A_1519, %get3A_1520] {strides = array<i32>} : memref<400x64xf32, #tpu.memory_space<vmem>>, vector<1x16xf32>,
        %get3A_1522 = vector.shape_cast %get3A_1521 : vector<1x16xf32> to vector<16xf32>
        %mul3A_1523 = arith.mulf %get3A_1522, %broadcast_in_dim3A_1515 : vector<16xf32>
        %add3A_1524 = arith.addf %add3A_1494, %mul3A_1523 : vector<16xf32>
        %get3A_1525 = arith.index_cast %add3A_1518 : i32 to index
        %get3A_1526 = arith.constant 16 : index
        %get3A_1527 = tpu.vector_load %arg11[%get3A_1525, %get3A_1526] {strides = array<i32>} : memref<400x64xf32, #tpu.memory_space<vmem>>, vector<1x16xf32>,
        %get3A_1528 = vector.shape_cast %get3A_1527 : vector<1x16xf32> to vector<16xf32>
        %mul3A_1529 = arith.mulf %get3A_1528, %broadcast_in_dim3A_1515 : vector<16xf32>
        %add3A_1530 = arith.addf %add3A_1500, %mul3A_1529 : vector<16xf32>
        %get3A_1531 = arith.index_cast %add3A_1518 : i32 to index
        %get3A_1532 = arith.constant 32 : index
        %get3A_1533 = tpu.vector_load %arg11[%get3A_1531, %get3A_1532] {strides = array<i32>} : memref<400x64xf32, #tpu.memory_space<vmem>>, vector<1x16xf32>,
        %get3A_1534 = vector.shape_cast %get3A_1533 : vector<1x16xf32> to vector<16xf32>
        %mul3A_1535 = arith.mulf %get3A_1534, %broadcast_in_dim3A_1515 : vector<16xf32>
        %add3A_1536 = arith.addf %add3A_1506, %mul3A_1535 : vector<16xf32>
        %get3A_1537 = arith.index_cast %add3A_1518 : i32 to index
        %get3A_1538 = arith.constant 48 : index
        %get3A_1539 = tpu.vector_load %arg11[%get3A_1537, %get3A_1538] {strides = array<i32>} : memref<400x64xf32, #tpu.memory_space<vmem>>, vector<1x16xf32>,
        %get3A_1540 = vector.shape_cast %get3A_1539 : vector<1x16xf32> to vector<16xf32>
        %mul3A_1541 = arith.mulf %get3A_1540, %broadcast_in_dim3A_1515 : vector<16xf32>
        %add3A_1542 = arith.addf %add3A_1512, %mul3A_1541 : vector<16xf32>
        %slice3A_1543 = vector.extract_strided_slice %get3A_539 {offsets = [1], sizes = [1], strides = [1]} : vector<16xf32> to vector<1xf32>
        %squeeze3A_1544 = vector.extract %slice3A_1543[0] : f32 from vector<1xf32>
        %broadcast_in_dim3A_1545 = vector.broadcast %squeeze3A_1544 : f32 to vector<16xf32>
        %add3A_1546 = arith.addf %add3A_1516, %broadcast_in_dim3A_1545 : vector<16xf32>
        %add3A_1547 = arith.constant 33 : i32
        %add3A_1548 = arith.addi %mul3A_554, %add3A_1547 : i32
        %get3A_1549 = arith.index_cast %add3A_1548 : i32 to index
        %get3A_1550 = arith.constant 0 : index
        %get3A_1551 = tpu.vector_load %arg11[%get3A_1549, %get3A_1550] {strides = array<i32>} : memref<400x64xf32, #tpu.memory_space<vmem>>, vector<1x16xf32>,
        %get3A_1552 = vector.shape_cast %get3A_1551 : vector<1x16xf32> to vector<16xf32>
        %mul3A_1553 = arith.mulf %get3A_1552, %broadcast_in_dim3A_1545 : vector<16xf32>
        %add3A_1554 = arith.addf %add3A_1524, %mul3A_1553 : vector<16xf32>
        %get3A_1555 = arith.index_cast %add3A_1548 : i32 to index
        %get3A_1556 = arith.constant 16 : index
        %get3A_1557 = tpu.vector_load %arg11[%get3A_1555, %get3A_1556] {strides = array<i32>} : memref<400x64xf32, #tpu.memory_space<vmem>>, vector<1x16xf32>,
        %get3A_1558 = vector.shape_cast %get3A_1557 : vector<1x16xf32> to vector<16xf32>
        %mul3A_1559 = arith.mulf %get3A_1558, %broadcast_in_dim3A_1545 : vector<16xf32>
        %add3A_1560 = arith.addf %add3A_1530, %mul3A_1559 : vector<16xf32>
        %get3A_1561 = arith.index_cast %add3A_1548 : i32 to index
        %get3A_1562 = arith.constant 32 : index
        %get3A_1563 = tpu.vector_load %arg11[%get3A_1561, %get3A_1562] {strides = array<i32>} : memref<400x64xf32, #tpu.memory_space<vmem>>, vector<1x16xf32>,
        %get3A_1564 = vector.shape_cast %get3A_1563 : vector<1x16xf32> to vector<16xf32>
        %mul3A_1565 = arith.mulf %get3A_1564, %broadcast_in_dim3A_1545 : vector<16xf32>
        %add3A_1566 = arith.addf %add3A_1536, %mul3A_1565 : vector<16xf32>
        %get3A_1567 = arith.index_cast %add3A_1548 : i32 to index
        %get3A_1568 = arith.constant 48 : index
        %get3A_1569 = tpu.vector_load %arg11[%get3A_1567, %get3A_1568] {strides = array<i32>} : memref<400x64xf32, #tpu.memory_space<vmem>>, vector<1x16xf32>,
        %get3A_1570 = vector.shape_cast %get3A_1569 : vector<1x16xf32> to vector<16xf32>
        %mul3A_1571 = arith.mulf %get3A_1570, %broadcast_in_dim3A_1545 : vector<16xf32>
        %add3A_1572 = arith.addf %add3A_1542, %mul3A_1571 : vector<16xf32>
        %slice3A_1573 = vector.extract_strided_slice %get3A_539 {offsets = [2], sizes = [1], strides = [1]} : vector<16xf32> to vector<1xf32>
        %squeeze3A_1574 = vector.extract %slice3A_1573[0] : f32 from vector<1xf32>
        %broadcast_in_dim3A_1575 = vector.broadcast %squeeze3A_1574 : f32 to vector<16xf32>
        %add3A_1576 = arith.addf %add3A_1546, %broadcast_in_dim3A_1575 : vector<16xf32>
        %add3A_1577 = arith.constant 34 : i32
        %add3A_1578 = arith.addi %mul3A_554, %add3A_1577 : i32
        %get3A_1579 = arith.index_cast %add3A_1578 : i32 to index
        %get3A_1580 = arith.constant 0 : index
        %get3A_1581 = tpu.vector_load %arg11[%get3A_1579, %get3A_1580] {strides = array<i32>} : memref<400x64xf32, #tpu.memory_space<vmem>>, vector<1x16xf32>,
        %get3A_1582 = vector.shape_cast %get3A_1581 : vector<1x16xf32> to vector<16xf32>
        %mul3A_1583 = arith.mulf %get3A_1582, %broadcast_in_dim3A_1575 : vector<16xf32>
        %add3A_1584 = arith.addf %add3A_1554, %mul3A_1583 : vector<16xf32>
        %get3A_1585 = arith.index_cast %add3A_1578 : i32 to index
        %get3A_1586 = arith.constant 16 : index
        %get3A_1587 = tpu.vector_load %arg11[%get3A_1585, %get3A_1586] {strides = array<i32>} : memref<400x64xf32, #tpu.memory_space<vmem>>, vector<1x16xf32>,
        %get3A_1588 = vector.shape_cast %get3A_1587 : vector<1x16xf32> to vector<16xf32>
        %mul3A_1589 = arith.mulf %get3A_1588, %broadcast_in_dim3A_1575 : vector<16xf32>
        %add3A_1590 = arith.addf %add3A_1560, %mul3A_1589 : vector<16xf32>
        %get3A_1591 = arith.index_cast %add3A_1578 : i32 to index
        %get3A_1592 = arith.constant 32 : index
        %get3A_1593 = tpu.vector_load %arg11[%get3A_1591, %get3A_1592] {strides = array<i32>} : memref<400x64xf32, #tpu.memory_space<vmem>>, vector<1x16xf32>,
        %get3A_1594 = vector.shape_cast %get3A_1593 : vector<1x16xf32> to vector<16xf32>
        %mul3A_1595 = arith.mulf %get3A_1594, %broadcast_in_dim3A_1575 : vector<16xf32>
        %add3A_1596 = arith.addf %add3A_1566, %mul3A_1595 : vector<16xf32>
        %get3A_1597 = arith.index_cast %add3A_1578 : i32 to index
        %get3A_1598 = arith.constant 48 : index
        %get3A_1599 = tpu.vector_load %arg11[%get3A_1597, %get3A_1598] {strides = array<i32>} : memref<400x64xf32, #tpu.memory_space<vmem>>, vector<1x16xf32>,
        %get3A_1600 = vector.shape_cast %get3A_1599 : vector<1x16xf32> to vector<16xf32>
        %mul3A_1601 = arith.mulf %get3A_1600, %broadcast_in_dim3A_1575 : vector<16xf32>
        %add3A_1602 = arith.addf %add3A_1572, %mul3A_1601 : vector<16xf32>
        %slice3A_1603 = vector.extract_strided_slice %get3A_539 {offsets = [3], sizes = [1], strides = [1]} : vector<16xf32> to vector<1xf32>
        %squeeze3A_1604 = vector.extract %slice3A_1603[0] : f32 from vector<1xf32>
        %broadcast_in_dim3A_1605 = vector.broadcast %squeeze3A_1604 : f32 to vector<16xf32>
        %add3A_1606 = arith.addf %add3A_1576, %broadcast_in_dim3A_1605 : vector<16xf32>
        %add3A_1607 = arith.constant 35 : i32
        %add3A_1608 = arith.addi %mul3A_554, %add3A_1607 : i32
        %get3A_1609 = arith.index_cast %add3A_1608 : i32 to index
        %get3A_1610 = arith.constant 0 : index
        %get3A_1611 = tpu.vector_load %arg11[%get3A_1609, %get3A_1610] {strides = array<i32>} : memref<400x64xf32, #tpu.memory_space<vmem>>, vector<1x16xf32>,
        %get3A_1612 = vector.shape_cast %get3A_1611 : vector<1x16xf32> to vector<16xf32>
        %mul3A_1613 = arith.mulf %get3A_1612, %broadcast_in_dim3A_1605 : vector<16xf32>
        %add3A_1614 = arith.addf %add3A_1584, %mul3A_1613 : vector<16xf32>
        %get3A_1615 = arith.index_cast %add3A_1608 : i32 to index
        %get3A_1616 = arith.constant 16 : index
        %get3A_1617 = tpu.vector_load %arg11[%get3A_1615, %get3A_1616] {strides = array<i32>} : memref<400x64xf32, #tpu.memory_space<vmem>>, vector<1x16xf32>,
        %get3A_1618 = vector.shape_cast %get3A_1617 : vector<1x16xf32> to vector<16xf32>
        %mul3A_1619 = arith.mulf %get3A_1618, %broadcast_in_dim3A_1605 : vector<16xf32>
        %add3A_1620 = arith.addf %add3A_1590, %mul3A_1619 : vector<16xf32>
        %get3A_1621 = arith.index_cast %add3A_1608 : i32 to index
        %get3A_1622 = arith.constant 32 : index
        %get3A_1623 = tpu.vector_load %arg11[%get3A_1621, %get3A_1622] {strides = array<i32>} : memref<400x64xf32, #tpu.memory_space<vmem>>, vector<1x16xf32>,
        %get3A_1624 = vector.shape_cast %get3A_1623 : vector<1x16xf32> to vector<16xf32>
        %mul3A_1625 = arith.mulf %get3A_1624, %broadcast_in_dim3A_1605 : vector<16xf32>
        %add3A_1626 = arith.addf %add3A_1596, %mul3A_1625 : vector<16xf32>
        %get3A_1627 = arith.index_cast %add3A_1608 : i32 to index
        %get3A_1628 = arith.constant 48 : index
        %get3A_1629 = tpu.vector_load %arg11[%get3A_1627, %get3A_1628] {strides = array<i32>} : memref<400x64xf32, #tpu.memory_space<vmem>>, vector<1x16xf32>,
        %get3A_1630 = vector.shape_cast %get3A_1629 : vector<1x16xf32> to vector<16xf32>
        %mul3A_1631 = arith.mulf %get3A_1630, %broadcast_in_dim3A_1605 : vector<16xf32>
        %add3A_1632 = arith.addf %add3A_1602, %mul3A_1631 : vector<16xf32>
        %slice3A_1633 = vector.extract_strided_slice %get3A_539 {offsets = [4], sizes = [1], strides = [1]} : vector<16xf32> to vector<1xf32>
        %squeeze3A_1634 = vector.extract %slice3A_1633[0] : f32 from vector<1xf32>
        %broadcast_in_dim3A_1635 = vector.broadcast %squeeze3A_1634 : f32 to vector<16xf32>
        %add3A_1636 = arith.addf %add3A_1606, %broadcast_in_dim3A_1635 : vector<16xf32>
        %add3A_1637 = arith.constant 36 : i32
        %add3A_1638 = arith.addi %mul3A_554, %add3A_1637 : i32
        %get3A_1639 = arith.index_cast %add3A_1638 : i32 to index
        %get3A_1640 = arith.constant 0 : index
        %get3A_1641 = tpu.vector_load %arg11[%get3A_1639, %get3A_1640] {strides = array<i32>} : memref<400x64xf32, #tpu.memory_space<vmem>>, vector<1x16xf32>,
        %get3A_1642 = vector.shape_cast %get3A_1641 : vector<1x16xf32> to vector<16xf32>
        %mul3A_1643 = arith.mulf %get3A_1642, %broadcast_in_dim3A_1635 : vector<16xf32>
        %add3A_1644 = arith.addf %add3A_1614, %mul3A_1643 : vector<16xf32>
        %get3A_1645 = arith.index_cast %add3A_1638 : i32 to index
        %get3A_1646 = arith.constant 16 : index
        %get3A_1647 = tpu.vector_load %arg11[%get3A_1645, %get3A_1646] {strides = array<i32>} : memref<400x64xf32, #tpu.memory_space<vmem>>, vector<1x16xf32>,
        %get3A_1648 = vector.shape_cast %get3A_1647 : vector<1x16xf32> to vector<16xf32>
        %mul3A_1649 = arith.mulf %get3A_1648, %broadcast_in_dim3A_1635 : vector<16xf32>
        %add3A_1650 = arith.addf %add3A_1620, %mul3A_1649 : vector<16xf32>
        %get3A_1651 = arith.index_cast %add3A_1638 : i32 to index
        %get3A_1652 = arith.constant 32 : index
        %get3A_1653 = tpu.vector_load %arg11[%get3A_1651, %get3A_1652] {strides = array<i32>} : memref<400x64xf32, #tpu.memory_space<vmem>>, vector<1x16xf32>,
        %get3A_1654 = vector.shape_cast %get3A_1653 : vector<1x16xf32> to vector<16xf32>
        %mul3A_1655 = arith.mulf %get3A_1654, %broadcast_in_dim3A_1635 : vector<16xf32>
        %add3A_1656 = arith.addf %add3A_1626, %mul3A_1655 : vector<16xf32>
        %get3A_1657 = arith.index_cast %add3A_1638 : i32 to index
        %get3A_1658 = arith.constant 48 : index
        %get3A_1659 = tpu.vector_load %arg11[%get3A_1657, %get3A_1658] {strides = array<i32>} : memref<400x64xf32, #tpu.memory_space<vmem>>, vector<1x16xf32>,
        %get3A_1660 = vector.shape_cast %get3A_1659 : vector<1x16xf32> to vector<16xf32>
        %mul3A_1661 = arith.mulf %get3A_1660, %broadcast_in_dim3A_1635 : vector<16xf32>
        %add3A_1662 = arith.addf %add3A_1632, %mul3A_1661 : vector<16xf32>
        %slice3A_1663 = vector.extract_strided_slice %get3A_539 {offsets = [5], sizes = [1], strides = [1]} : vector<16xf32> to vector<1xf32>
        %squeeze3A_1664 = vector.extract %slice3A_1663[0] : f32 from vector<1xf32>
        %broadcast_in_dim3A_1665 = vector.broadcast %squeeze3A_1664 : f32 to vector<16xf32>
        %add3A_1666 = arith.addf %add3A_1636, %broadcast_in_dim3A_1665 : vector<16xf32>
        %add3A_1667 = arith.constant 37 : i32
        %add3A_1668 = arith.addi %mul3A_554, %add3A_1667 : i32
        %get3A_1669 = arith.index_cast %add3A_1668 : i32 to index
        %get3A_1670 = arith.constant 0 : index
        %get3A_1671 = tpu.vector_load %arg11[%get3A_1669, %get3A_1670] {strides = array<i32>} : memref<400x64xf32, #tpu.memory_space<vmem>>, vector<1x16xf32>,
        %get3A_1672 = vector.shape_cast %get3A_1671 : vector<1x16xf32> to vector<16xf32>
        %mul3A_1673 = arith.mulf %get3A_1672, %broadcast_in_dim3A_1665 : vector<16xf32>
        %add3A_1674 = arith.addf %add3A_1644, %mul3A_1673 : vector<16xf32>
        %get3A_1675 = arith.index_cast %add3A_1668 : i32 to index
        %get3A_1676 = arith.constant 16 : index
        %get3A_1677 = tpu.vector_load %arg11[%get3A_1675, %get3A_1676] {strides = array<i32>} : memref<400x64xf32, #tpu.memory_space<vmem>>, vector<1x16xf32>,
        %get3A_1678 = vector.shape_cast %get3A_1677 : vector<1x16xf32> to vector<16xf32>
        %mul3A_1679 = arith.mulf %get3A_1678, %broadcast_in_dim3A_1665 : vector<16xf32>
        %add3A_1680 = arith.addf %add3A_1650, %mul3A_1679 : vector<16xf32>
        %get3A_1681 = arith.index_cast %add3A_1668 : i32 to index
        %get3A_1682 = arith.constant 32 : index
        %get3A_1683 = tpu.vector_load %arg11[%get3A_1681, %get3A_1682] {strides = array<i32>} : memref<400x64xf32, #tpu.memory_space<vmem>>, vector<1x16xf32>,
        %get3A_1684 = vector.shape_cast %get3A_1683 : vector<1x16xf32> to vector<16xf32>
        %mul3A_1685 = arith.mulf %get3A_1684, %broadcast_in_dim3A_1665 : vector<16xf32>
        %add3A_1686 = arith.addf %add3A_1656, %mul3A_1685 : vector<16xf32>
        %get3A_1687 = arith.index_cast %add3A_1668 : i32 to index
        %get3A_1688 = arith.constant 48 : index
        %get3A_1689 = tpu.vector_load %arg11[%get3A_1687, %get3A_1688] {strides = array<i32>} : memref<400x64xf32, #tpu.memory_space<vmem>>, vector<1x16xf32>,
        %get3A_1690 = vector.shape_cast %get3A_1689 : vector<1x16xf32> to vector<16xf32>
        %mul3A_1691 = arith.mulf %get3A_1690, %broadcast_in_dim3A_1665 : vector<16xf32>
        %add3A_1692 = arith.addf %add3A_1662, %mul3A_1691 : vector<16xf32>
        %slice3A_1693 = vector.extract_strided_slice %get3A_539 {offsets = [6], sizes = [1], strides = [1]} : vector<16xf32> to vector<1xf32>
        %squeeze3A_1694 = vector.extract %slice3A_1693[0] : f32 from vector<1xf32>
        %broadcast_in_dim3A_1695 = vector.broadcast %squeeze3A_1694 : f32 to vector<16xf32>
        %add3A_1696 = arith.addf %add3A_1666, %broadcast_in_dim3A_1695 : vector<16xf32>
        %add3A_1697 = arith.constant 38 : i32
        %add3A_1698 = arith.addi %mul3A_554, %add3A_1697 : i32
        %get3A_1699 = arith.index_cast %add3A_1698 : i32 to index
        %get3A_1700 = arith.constant 0 : index
        %get3A_1701 = tpu.vector_load %arg11[%get3A_1699, %get3A_1700] {strides = array<i32>} : memref<400x64xf32, #tpu.memory_space<vmem>>, vector<1x16xf32>,
        %get3A_1702 = vector.shape_cast %get3A_1701 : vector<1x16xf32> to vector<16xf32>
        %mul3A_1703 = arith.mulf %get3A_1702, %broadcast_in_dim3A_1695 : vector<16xf32>
        %add3A_1704 = arith.addf %add3A_1674, %mul3A_1703 : vector<16xf32>
        %get3A_1705 = arith.index_cast %add3A_1698 : i32 to index
        %get3A_1706 = arith.constant 16 : index
        %get3A_1707 = tpu.vector_load %arg11[%get3A_1705, %get3A_1706] {strides = array<i32>} : memref<400x64xf32, #tpu.memory_space<vmem>>, vector<1x16xf32>,
        %get3A_1708 = vector.shape_cast %get3A_1707 : vector<1x16xf32> to vector<16xf32>
        %mul3A_1709 = arith.mulf %get3A_1708, %broadcast_in_dim3A_1695 : vector<16xf32>
        %add3A_1710 = arith.addf %add3A_1680, %mul3A_1709 : vector<16xf32>
        %get3A_1711 = arith.index_cast %add3A_1698 : i32 to index
        %get3A_1712 = arith.constant 32 : index
        %get3A_1713 = tpu.vector_load %arg11[%get3A_1711, %get3A_1712] {strides = array<i32>} : memref<400x64xf32, #tpu.memory_space<vmem>>, vector<1x16xf32>,
        %get3A_1714 = vector.shape_cast %get3A_1713 : vector<1x16xf32> to vector<16xf32>
        %mul3A_1715 = arith.mulf %get3A_1714, %broadcast_in_dim3A_1695 : vector<16xf32>
        %add3A_1716 = arith.addf %add3A_1686, %mul3A_1715 : vector<16xf32>
        %get3A_1717 = arith.index_cast %add3A_1698 : i32 to index
        %get3A_1718 = arith.constant 48 : index
        %get3A_1719 = tpu.vector_load %arg11[%get3A_1717, %get3A_1718] {strides = array<i32>} : memref<400x64xf32, #tpu.memory_space<vmem>>, vector<1x16xf32>,
        %get3A_1720 = vector.shape_cast %get3A_1719 : vector<1x16xf32> to vector<16xf32>
        %mul3A_1721 = arith.mulf %get3A_1720, %broadcast_in_dim3A_1695 : vector<16xf32>
        %add3A_1722 = arith.addf %add3A_1692, %mul3A_1721 : vector<16xf32>
        %slice3A_1723 = vector.extract_strided_slice %get3A_539 {offsets = [7], sizes = [1], strides = [1]} : vector<16xf32> to vector<1xf32>
        %squeeze3A_1724 = vector.extract %slice3A_1723[0] : f32 from vector<1xf32>
        %broadcast_in_dim3A_1725 = vector.broadcast %squeeze3A_1724 : f32 to vector<16xf32>
        %add3A_1726 = arith.addf %add3A_1696, %broadcast_in_dim3A_1725 : vector<16xf32>
        %add3A_1727 = arith.constant 39 : i32
        %add3A_1728 = arith.addi %mul3A_554, %add3A_1727 : i32
        %get3A_1729 = arith.index_cast %add3A_1728 : i32 to index
        %get3A_1730 = arith.constant 0 : index
        %get3A_1731 = tpu.vector_load %arg11[%get3A_1729, %get3A_1730] {strides = array<i32>} : memref<400x64xf32, #tpu.memory_space<vmem>>, vector<1x16xf32>,
        %get3A_1732 = vector.shape_cast %get3A_1731 : vector<1x16xf32> to vector<16xf32>
        %mul3A_1733 = arith.mulf %get3A_1732, %broadcast_in_dim3A_1725 : vector<16xf32>
        %add3A_1734 = arith.addf %add3A_1704, %mul3A_1733 : vector<16xf32>
        %get3A_1735 = arith.index_cast %add3A_1728 : i32 to index
        %get3A_1736 = arith.constant 16 : index
        %get3A_1737 = tpu.vector_load %arg11[%get3A_1735, %get3A_1736] {strides = array<i32>} : memref<400x64xf32, #tpu.memory_space<vmem>>, vector<1x16xf32>,
        %get3A_1738 = vector.shape_cast %get3A_1737 : vector<1x16xf32> to vector<16xf32>
        %mul3A_1739 = arith.mulf %get3A_1738, %broadcast_in_dim3A_1725 : vector<16xf32>
        %add3A_1740 = arith.addf %add3A_1710, %mul3A_1739 : vector<16xf32>
        %get3A_1741 = arith.index_cast %add3A_1728 : i32 to index
        %get3A_1742 = arith.constant 32 : index
        %get3A_1743 = tpu.vector_load %arg11[%get3A_1741, %get3A_1742] {strides = array<i32>} : memref<400x64xf32, #tpu.memory_space<vmem>>, vector<1x16xf32>,
        %get3A_1744 = vector.shape_cast %get3A_1743 : vector<1x16xf32> to vector<16xf32>
        %mul3A_1745 = arith.mulf %get3A_1744, %broadcast_in_dim3A_1725 : vector<16xf32>
        %add3A_1746 = arith.addf %add3A_1716, %mul3A_1745 : vector<16xf32>
        %get3A_1747 = arith.index_cast %add3A_1728 : i32 to index
        %get3A_1748 = arith.constant 48 : index
        %get3A_1749 = tpu.vector_load %arg11[%get3A_1747, %get3A_1748] {strides = array<i32>} : memref<400x64xf32, #tpu.memory_space<vmem>>, vector<1x16xf32>,
        %get3A_1750 = vector.shape_cast %get3A_1749 : vector<1x16xf32> to vector<16xf32>
        %mul3A_1751 = arith.mulf %get3A_1750, %broadcast_in_dim3A_1725 : vector<16xf32>
        %add3A_1752 = arith.addf %add3A_1722, %mul3A_1751 : vector<16xf32>
        %slice3A_1753 = vector.extract_strided_slice %get3A_539 {offsets = [8], sizes = [1], strides = [1]} : vector<16xf32> to vector<1xf32>
        %squeeze3A_1754 = vector.extract %slice3A_1753[0] : f32 from vector<1xf32>
        %broadcast_in_dim3A_1755 = vector.broadcast %squeeze3A_1754 : f32 to vector<16xf32>
        %add3A_1756 = arith.addf %add3A_1726, %broadcast_in_dim3A_1755 : vector<16xf32>
        %add3A_1757 = arith.constant 40 : i32
        %add3A_1758 = arith.addi %mul3A_554, %add3A_1757 : i32
        %get3A_1759 = arith.index_cast %add3A_1758 : i32 to index
        %get3A_1760 = arith.constant 0 : index
        %get3A_1761 = tpu.vector_load %arg11[%get3A_1759, %get3A_1760] {strides = array<i32>} : memref<400x64xf32, #tpu.memory_space<vmem>>, vector<1x16xf32>,
        %get3A_1762 = vector.shape_cast %get3A_1761 : vector<1x16xf32> to vector<16xf32>
        %mul3A_1763 = arith.mulf %get3A_1762, %broadcast_in_dim3A_1755 : vector<16xf32>
        %add3A_1764 = arith.addf %add3A_1734, %mul3A_1763 : vector<16xf32>
        %get3A_1765 = arith.index_cast %add3A_1758 : i32 to index
        %get3A_1766 = arith.constant 16 : index
        %get3A_1767 = tpu.vector_load %arg11[%get3A_1765, %get3A_1766] {strides = array<i32>} : memref<400x64xf32, #tpu.memory_space<vmem>>, vector<1x16xf32>,
        %get3A_1768 = vector.shape_cast %get3A_1767 : vector<1x16xf32> to vector<16xf32>
        %mul3A_1769 = arith.mulf %get3A_1768, %broadcast_in_dim3A_1755 : vector<16xf32>
        %add3A_1770 = arith.addf %add3A_1740, %mul3A_1769 : vector<16xf32>
        %get3A_1771 = arith.index_cast %add3A_1758 : i32 to index
        %get3A_1772 = arith.constant 32 : index
        %get3A_1773 = tpu.vector_load %arg11[%get3A_1771, %get3A_1772] {strides = array<i32>} : memref<400x64xf32, #tpu.memory_space<vmem>>, vector<1x16xf32>,
        %get3A_1774 = vector.shape_cast %get3A_1773 : vector<1x16xf32> to vector<16xf32>
        %mul3A_1775 = arith.mulf %get3A_1774, %broadcast_in_dim3A_1755 : vector<16xf32>
        %add3A_1776 = arith.addf %add3A_1746, %mul3A_1775 : vector<16xf32>
        %get3A_1777 = arith.index_cast %add3A_1758 : i32 to index
        %get3A_1778 = arith.constant 48 : index
        %get3A_1779 = tpu.vector_load %arg11[%get3A_1777, %get3A_1778] {strides = array<i32>} : memref<400x64xf32, #tpu.memory_space<vmem>>, vector<1x16xf32>,
        %get3A_1780 = vector.shape_cast %get3A_1779 : vector<1x16xf32> to vector<16xf32>
        %mul3A_1781 = arith.mulf %get3A_1780, %broadcast_in_dim3A_1755 : vector<16xf32>
        %add3A_1782 = arith.addf %add3A_1752, %mul3A_1781 : vector<16xf32>
        %slice3A_1783 = vector.extract_strided_slice %get3A_539 {offsets = [9], sizes = [1], strides = [1]} : vector<16xf32> to vector<1xf32>
        %squeeze3A_1784 = vector.extract %slice3A_1783[0] : f32 from vector<1xf32>
        %broadcast_in_dim3A_1785 = vector.broadcast %squeeze3A_1784 : f32 to vector<16xf32>
        %add3A_1786 = arith.addf %add3A_1756, %broadcast_in_dim3A_1785 : vector<16xf32>
        %add3A_1787 = arith.constant 41 : i32
        %add3A_1788 = arith.addi %mul3A_554, %add3A_1787 : i32
        %get3A_1789 = arith.index_cast %add3A_1788 : i32 to index
        %get3A_1790 = arith.constant 0 : index
        %get3A_1791 = tpu.vector_load %arg11[%get3A_1789, %get3A_1790] {strides = array<i32>} : memref<400x64xf32, #tpu.memory_space<vmem>>, vector<1x16xf32>,
        %get3A_1792 = vector.shape_cast %get3A_1791 : vector<1x16xf32> to vector<16xf32>
        %mul3A_1793 = arith.mulf %get3A_1792, %broadcast_in_dim3A_1785 : vector<16xf32>
        %add3A_1794 = arith.addf %add3A_1764, %mul3A_1793 : vector<16xf32>
        %get3A_1795 = arith.index_cast %add3A_1788 : i32 to index
        %get3A_1796 = arith.constant 16 : index
        %get3A_1797 = tpu.vector_load %arg11[%get3A_1795, %get3A_1796] {strides = array<i32>} : memref<400x64xf32, #tpu.memory_space<vmem>>, vector<1x16xf32>,
        %get3A_1798 = vector.shape_cast %get3A_1797 : vector<1x16xf32> to vector<16xf32>
        %mul3A_1799 = arith.mulf %get3A_1798, %broadcast_in_dim3A_1785 : vector<16xf32>
        %add3A_1800 = arith.addf %add3A_1770, %mul3A_1799 : vector<16xf32>
        %get3A_1801 = arith.index_cast %add3A_1788 : i32 to index
        %get3A_1802 = arith.constant 32 : index
        %get3A_1803 = tpu.vector_load %arg11[%get3A_1801, %get3A_1802] {strides = array<i32>} : memref<400x64xf32, #tpu.memory_space<vmem>>, vector<1x16xf32>,
        %get3A_1804 = vector.shape_cast %get3A_1803 : vector<1x16xf32> to vector<16xf32>
        %mul3A_1805 = arith.mulf %get3A_1804, %broadcast_in_dim3A_1785 : vector<16xf32>
        %add3A_1806 = arith.addf %add3A_1776, %mul3A_1805 : vector<16xf32>
        %get3A_1807 = arith.index_cast %add3A_1788 : i32 to index
        %get3A_1808 = arith.constant 48 : index
        %get3A_1809 = tpu.vector_load %arg11[%get3A_1807, %get3A_1808] {strides = array<i32>} : memref<400x64xf32, #tpu.memory_space<vmem>>, vector<1x16xf32>,
        %get3A_1810 = vector.shape_cast %get3A_1809 : vector<1x16xf32> to vector<16xf32>
        %mul3A_1811 = arith.mulf %get3A_1810, %broadcast_in_dim3A_1785 : vector<16xf32>
        %add3A_1812 = arith.addf %add3A_1782, %mul3A_1811 : vector<16xf32>
        %slice3A_1813 = vector.extract_strided_slice %get3A_539 {offsets = [10], sizes = [1], strides = [1]} : vector<16xf32> to vector<1xf32>
        %squeeze3A_1814 = vector.extract %slice3A_1813[0] : f32 from vector<1xf32>
        %broadcast_in_dim3A_1815 = vector.broadcast %squeeze3A_1814 : f32 to vector<16xf32>
        %add3A_1816 = arith.addf %add3A_1786, %broadcast_in_dim3A_1815 : vector<16xf32>
        %add3A_1817 = arith.constant 42 : i32
        %add3A_1818 = arith.addi %mul3A_554, %add3A_1817 : i32
        %get3A_1819 = arith.index_cast %add3A_1818 : i32 to index
        %get3A_1820 = arith.constant 0 : index
        %get3A_1821 = tpu.vector_load %arg11[%get3A_1819, %get3A_1820] {strides = array<i32>} : memref<400x64xf32, #tpu.memory_space<vmem>>, vector<1x16xf32>,
        %get3A_1822 = vector.shape_cast %get3A_1821 : vector<1x16xf32> to vector<16xf32>
        %mul3A_1823 = arith.mulf %get3A_1822, %broadcast_in_dim3A_1815 : vector<16xf32>
        %add3A_1824 = arith.addf %add3A_1794, %mul3A_1823 : vector<16xf32>
        %get3A_1825 = arith.index_cast %add3A_1818 : i32 to index
        %get3A_1826 = arith.constant 16 : index
        %get3A_1827 = tpu.vector_load %arg11[%get3A_1825, %get3A_1826] {strides = array<i32>} : memref<400x64xf32, #tpu.memory_space<vmem>>, vector<1x16xf32>,
        %get3A_1828 = vector.shape_cast %get3A_1827 : vector<1x16xf32> to vector<16xf32>
        %mul3A_1829 = arith.mulf %get3A_1828, %broadcast_in_dim3A_1815 : vector<16xf32>
        %add3A_1830 = arith.addf %add3A_1800, %mul3A_1829 : vector<16xf32>
        %get3A_1831 = arith.index_cast %add3A_1818 : i32 to index
        %get3A_1832 = arith.constant 32 : index
        %get3A_1833 = tpu.vector_load %arg11[%get3A_1831, %get3A_1832] {strides = array<i32>} : memref<400x64xf32, #tpu.memory_space<vmem>>, vector<1x16xf32>,
        %get3A_1834 = vector.shape_cast %get3A_1833 : vector<1x16xf32> to vector<16xf32>
        %mul3A_1835 = arith.mulf %get3A_1834, %broadcast_in_dim3A_1815 : vector<16xf32>
        %add3A_1836 = arith.addf %add3A_1806, %mul3A_1835 : vector<16xf32>
        %get3A_1837 = arith.index_cast %add3A_1818 : i32 to index
        %get3A_1838 = arith.constant 48 : index
        %get3A_1839 = tpu.vector_load %arg11[%get3A_1837, %get3A_1838] {strides = array<i32>} : memref<400x64xf32, #tpu.memory_space<vmem>>, vector<1x16xf32>,
        %get3A_1840 = vector.shape_cast %get3A_1839 : vector<1x16xf32> to vector<16xf32>
        %mul3A_1841 = arith.mulf %get3A_1840, %broadcast_in_dim3A_1815 : vector<16xf32>
        %add3A_1842 = arith.addf %add3A_1812, %mul3A_1841 : vector<16xf32>
        %slice3A_1843 = vector.extract_strided_slice %get3A_539 {offsets = [11], sizes = [1], strides = [1]} : vector<16xf32> to vector<1xf32>
        %squeeze3A_1844 = vector.extract %slice3A_1843[0] : f32 from vector<1xf32>
        %broadcast_in_dim3A_1845 = vector.broadcast %squeeze3A_1844 : f32 to vector<16xf32>
        %add3A_1846 = arith.addf %add3A_1816, %broadcast_in_dim3A_1845 : vector<16xf32>
        %add3A_1847 = arith.constant 43 : i32
        %add3A_1848 = arith.addi %mul3A_554, %add3A_1847 : i32
        %get3A_1849 = arith.index_cast %add3A_1848 : i32 to index
        %get3A_1850 = arith.constant 0 : index
        %get3A_1851 = tpu.vector_load %arg11[%get3A_1849, %get3A_1850] {strides = array<i32>} : memref<400x64xf32, #tpu.memory_space<vmem>>, vector<1x16xf32>,
        %get3A_1852 = vector.shape_cast %get3A_1851 : vector<1x16xf32> to vector<16xf32>
        %mul3A_1853 = arith.mulf %get3A_1852, %broadcast_in_dim3A_1845 : vector<16xf32>
        %add3A_1854 = arith.addf %add3A_1824, %mul3A_1853 : vector<16xf32>
        %get3A_1855 = arith.index_cast %add3A_1848 : i32 to index
        %get3A_1856 = arith.constant 16 : index
        %get3A_1857 = tpu.vector_load %arg11[%get3A_1855, %get3A_1856] {strides = array<i32>} : memref<400x64xf32, #tpu.memory_space<vmem>>, vector<1x16xf32>,
        %get3A_1858 = vector.shape_cast %get3A_1857 : vector<1x16xf32> to vector<16xf32>
        %mul3A_1859 = arith.mulf %get3A_1858, %broadcast_in_dim3A_1845 : vector<16xf32>
        %add3A_1860 = arith.addf %add3A_1830, %mul3A_1859 : vector<16xf32>
        %get3A_1861 = arith.index_cast %add3A_1848 : i32 to index
        %get3A_1862 = arith.constant 32 : index
        %get3A_1863 = tpu.vector_load %arg11[%get3A_1861, %get3A_1862] {strides = array<i32>} : memref<400x64xf32, #tpu.memory_space<vmem>>, vector<1x16xf32>,
        %get3A_1864 = vector.shape_cast %get3A_1863 : vector<1x16xf32> to vector<16xf32>
        %mul3A_1865 = arith.mulf %get3A_1864, %broadcast_in_dim3A_1845 : vector<16xf32>
        %add3A_1866 = arith.addf %add3A_1836, %mul3A_1865 : vector<16xf32>
        %get3A_1867 = arith.index_cast %add3A_1848 : i32 to index
        %get3A_1868 = arith.constant 48 : index
        %get3A_1869 = tpu.vector_load %arg11[%get3A_1867, %get3A_1868] {strides = array<i32>} : memref<400x64xf32, #tpu.memory_space<vmem>>, vector<1x16xf32>,
        %get3A_1870 = vector.shape_cast %get3A_1869 : vector<1x16xf32> to vector<16xf32>
        %mul3A_1871 = arith.mulf %get3A_1870, %broadcast_in_dim3A_1845 : vector<16xf32>
        %add3A_1872 = arith.addf %add3A_1842, %mul3A_1871 : vector<16xf32>
        %slice3A_1873 = vector.extract_strided_slice %get3A_539 {offsets = [12], sizes = [1], strides = [1]} : vector<16xf32> to vector<1xf32>
        %squeeze3A_1874 = vector.extract %slice3A_1873[0] : f32 from vector<1xf32>
        %broadcast_in_dim3A_1875 = vector.broadcast %squeeze3A_1874 : f32 to vector<16xf32>
        %add3A_1876 = arith.addf %add3A_1846, %broadcast_in_dim3A_1875 : vector<16xf32>
        %add3A_1877 = arith.constant 44 : i32
        %add3A_1878 = arith.addi %mul3A_554, %add3A_1877 : i32
        %get3A_1879 = arith.index_cast %add3A_1878 : i32 to index
        %get3A_1880 = arith.constant 0 : index
        %get3A_1881 = tpu.vector_load %arg11[%get3A_1879, %get3A_1880] {strides = array<i32>} : memref<400x64xf32, #tpu.memory_space<vmem>>, vector<1x16xf32>,
        %get3A_1882 = vector.shape_cast %get3A_1881 : vector<1x16xf32> to vector<16xf32>
        %mul3A_1883 = arith.mulf %get3A_1882, %broadcast_in_dim3A_1875 : vector<16xf32>
        %add3A_1884 = arith.addf %add3A_1854, %mul3A_1883 : vector<16xf32>
        %get3A_1885 = arith.index_cast %add3A_1878 : i32 to index
        %get3A_1886 = arith.constant 16 : index
        %get3A_1887 = tpu.vector_load %arg11[%get3A_1885, %get3A_1886] {strides = array<i32>} : memref<400x64xf32, #tpu.memory_space<vmem>>, vector<1x16xf32>,
        %get3A_1888 = vector.shape_cast %get3A_1887 : vector<1x16xf32> to vector<16xf32>
        %mul3A_1889 = arith.mulf %get3A_1888, %broadcast_in_dim3A_1875 : vector<16xf32>
        %add3A_1890 = arith.addf %add3A_1860, %mul3A_1889 : vector<16xf32>
        %get3A_1891 = arith.index_cast %add3A_1878 : i32 to index
        %get3A_1892 = arith.constant 32 : index
        %get3A_1893 = tpu.vector_load %arg11[%get3A_1891, %get3A_1892] {strides = array<i32>} : memref<400x64xf32, #tpu.memory_space<vmem>>, vector<1x16xf32>,
        %get3A_1894 = vector.shape_cast %get3A_1893 : vector<1x16xf32> to vector<16xf32>
        %mul3A_1895 = arith.mulf %get3A_1894, %broadcast_in_dim3A_1875 : vector<16xf32>
        %add3A_1896 = arith.addf %add3A_1866, %mul3A_1895 : vector<16xf32>
        %get3A_1897 = arith.index_cast %add3A_1878 : i32 to index
        %get3A_1898 = arith.constant 48 : index
        %get3A_1899 = tpu.vector_load %arg11[%get3A_1897, %get3A_1898] {strides = array<i32>} : memref<400x64xf32, #tpu.memory_space<vmem>>, vector<1x16xf32>,
        %get3A_1900 = vector.shape_cast %get3A_1899 : vector<1x16xf32> to vector<16xf32>
        %mul3A_1901 = arith.mulf %get3A_1900, %broadcast_in_dim3A_1875 : vector<16xf32>
        %add3A_1902 = arith.addf %add3A_1872, %mul3A_1901 : vector<16xf32>
        %slice3A_1903 = vector.extract_strided_slice %get3A_539 {offsets = [13], sizes = [1], strides = [1]} : vector<16xf32> to vector<1xf32>
        %squeeze3A_1904 = vector.extract %slice3A_1903[0] : f32 from vector<1xf32>
        %broadcast_in_dim3A_1905 = vector.broadcast %squeeze3A_1904 : f32 to vector<16xf32>
        %add3A_1906 = arith.addf %add3A_1876, %broadcast_in_dim3A_1905 : vector<16xf32>
        %add3A_1907 = arith.constant 45 : i32
        %add3A_1908 = arith.addi %mul3A_554, %add3A_1907 : i32
        %get3A_1909 = arith.index_cast %add3A_1908 : i32 to index
        %get3A_1910 = arith.constant 0 : index
        %get3A_1911 = tpu.vector_load %arg11[%get3A_1909, %get3A_1910] {strides = array<i32>} : memref<400x64xf32, #tpu.memory_space<vmem>>, vector<1x16xf32>,
        %get3A_1912 = vector.shape_cast %get3A_1911 : vector<1x16xf32> to vector<16xf32>
        %mul3A_1913 = arith.mulf %get3A_1912, %broadcast_in_dim3A_1905 : vector<16xf32>
        %add3A_1914 = arith.addf %add3A_1884, %mul3A_1913 : vector<16xf32>
        %get3A_1915 = arith.index_cast %add3A_1908 : i32 to index
        %get3A_1916 = arith.constant 16 : index
        %get3A_1917 = tpu.vector_load %arg11[%get3A_1915, %get3A_1916] {strides = array<i32>} : memref<400x64xf32, #tpu.memory_space<vmem>>, vector<1x16xf32>,
        %get3A_1918 = vector.shape_cast %get3A_1917 : vector<1x16xf32> to vector<16xf32>
        %mul3A_1919 = arith.mulf %get3A_1918, %broadcast_in_dim3A_1905 : vector<16xf32>
        %add3A_1920 = arith.addf %add3A_1890, %mul3A_1919 : vector<16xf32>
        %get3A_1921 = arith.index_cast %add3A_1908 : i32 to index
        %get3A_1922 = arith.constant 32 : index
        %get3A_1923 = tpu.vector_load %arg11[%get3A_1921, %get3A_1922] {strides = array<i32>} : memref<400x64xf32, #tpu.memory_space<vmem>>, vector<1x16xf32>,
        %get3A_1924 = vector.shape_cast %get3A_1923 : vector<1x16xf32> to vector<16xf32>
        %mul3A_1925 = arith.mulf %get3A_1924, %broadcast_in_dim3A_1905 : vector<16xf32>
        %add3A_1926 = arith.addf %add3A_1896, %mul3A_1925 : vector<16xf32>
        %get3A_1927 = arith.index_cast %add3A_1908 : i32 to index
        %get3A_1928 = arith.constant 48 : index
        %get3A_1929 = tpu.vector_load %arg11[%get3A_1927, %get3A_1928] {strides = array<i32>} : memref<400x64xf32, #tpu.memory_space<vmem>>, vector<1x16xf32>,
        %get3A_1930 = vector.shape_cast %get3A_1929 : vector<1x16xf32> to vector<16xf32>
        %mul3A_1931 = arith.mulf %get3A_1930, %broadcast_in_dim3A_1905 : vector<16xf32>
        %add3A_1932 = arith.addf %add3A_1902, %mul3A_1931 : vector<16xf32>
        %slice3A_1933 = vector.extract_strided_slice %get3A_539 {offsets = [14], sizes = [1], strides = [1]} : vector<16xf32> to vector<1xf32>
        %squeeze3A_1934 = vector.extract %slice3A_1933[0] : f32 from vector<1xf32>
        %broadcast_in_dim3A_1935 = vector.broadcast %squeeze3A_1934 : f32 to vector<16xf32>
        %add3A_1936 = arith.addf %add3A_1906, %broadcast_in_dim3A_1935 : vector<16xf32>
        %add3A_1937 = arith.constant 46 : i32
        %add3A_1938 = arith.addi %mul3A_554, %add3A_1937 : i32
        %get3A_1939 = arith.index_cast %add3A_1938 : i32 to index
        %get3A_1940 = arith.constant 0 : index
        %get3A_1941 = tpu.vector_load %arg11[%get3A_1939, %get3A_1940] {strides = array<i32>} : memref<400x64xf32, #tpu.memory_space<vmem>>, vector<1x16xf32>,
        %get3A_1942 = vector.shape_cast %get3A_1941 : vector<1x16xf32> to vector<16xf32>
        %mul3A_1943 = arith.mulf %get3A_1942, %broadcast_in_dim3A_1935 : vector<16xf32>
        %add3A_1944 = arith.addf %add3A_1914, %mul3A_1943 : vector<16xf32>
        %get3A_1945 = arith.index_cast %add3A_1938 : i32 to index
        %get3A_1946 = arith.constant 16 : index
        %get3A_1947 = tpu.vector_load %arg11[%get3A_1945, %get3A_1946] {strides = array<i32>} : memref<400x64xf32, #tpu.memory_space<vmem>>, vector<1x16xf32>,
        %get3A_1948 = vector.shape_cast %get3A_1947 : vector<1x16xf32> to vector<16xf32>
        %mul3A_1949 = arith.mulf %get3A_1948, %broadcast_in_dim3A_1935 : vector<16xf32>
        %add3A_1950 = arith.addf %add3A_1920, %mul3A_1949 : vector<16xf32>
        %get3A_1951 = arith.index_cast %add3A_1938 : i32 to index
        %get3A_1952 = arith.constant 32 : index
        %get3A_1953 = tpu.vector_load %arg11[%get3A_1951, %get3A_1952] {strides = array<i32>} : memref<400x64xf32, #tpu.memory_space<vmem>>, vector<1x16xf32>,
        %get3A_1954 = vector.shape_cast %get3A_1953 : vector<1x16xf32> to vector<16xf32>
        %mul3A_1955 = arith.mulf %get3A_1954, %broadcast_in_dim3A_1935 : vector<16xf32>
        %add3A_1956 = arith.addf %add3A_1926, %mul3A_1955 : vector<16xf32>
        %get3A_1957 = arith.index_cast %add3A_1938 : i32 to index
        %get3A_1958 = arith.constant 48 : index
        %get3A_1959 = tpu.vector_load %arg11[%get3A_1957, %get3A_1958] {strides = array<i32>} : memref<400x64xf32, #tpu.memory_space<vmem>>, vector<1x16xf32>,
        %get3A_1960 = vector.shape_cast %get3A_1959 : vector<1x16xf32> to vector<16xf32>
        %mul3A_1961 = arith.mulf %get3A_1960, %broadcast_in_dim3A_1935 : vector<16xf32>
        %add3A_1962 = arith.addf %add3A_1932, %mul3A_1961 : vector<16xf32>
        %slice3A_1963 = vector.extract_strided_slice %get3A_539 {offsets = [15], sizes = [1], strides = [1]} : vector<16xf32> to vector<1xf32>
        %squeeze3A_1964 = vector.extract %slice3A_1963[0] : f32 from vector<1xf32>
        %broadcast_in_dim3A_1965 = vector.broadcast %squeeze3A_1964 : f32 to vector<16xf32>
        %add3A_1966 = arith.addf %add3A_1936, %broadcast_in_dim3A_1965 : vector<16xf32>
        %add3A_1967 = arith.constant 47 : i32
        %add3A_1968 = arith.addi %mul3A_554, %add3A_1967 : i32
        %get3A_1969 = arith.index_cast %add3A_1968 : i32 to index
        %get3A_1970 = arith.constant 0 : index
        %get3A_1971 = tpu.vector_load %arg11[%get3A_1969, %get3A_1970] {strides = array<i32>} : memref<400x64xf32, #tpu.memory_space<vmem>>, vector<1x16xf32>,
        %get3A_1972 = vector.shape_cast %get3A_1971 : vector<1x16xf32> to vector<16xf32>
        %mul3A_1973 = arith.mulf %get3A_1972, %broadcast_in_dim3A_1965 : vector<16xf32>
        %add3A_1974 = arith.addf %add3A_1944, %mul3A_1973 : vector<16xf32>
        %get3A_1975 = arith.index_cast %add3A_1968 : i32 to index
        %get3A_1976 = arith.constant 16 : index
        %get3A_1977 = tpu.vector_load %arg11[%get3A_1975, %get3A_1976] {strides = array<i32>} : memref<400x64xf32, #tpu.memory_space<vmem>>, vector<1x16xf32>,
        %get3A_1978 = vector.shape_cast %get3A_1977 : vector<1x16xf32> to vector<16xf32>
        %mul3A_1979 = arith.mulf %get3A_1978, %broadcast_in_dim3A_1965 : vector<16xf32>
        %add3A_1980 = arith.addf %add3A_1950, %mul3A_1979 : vector<16xf32>
        %get3A_1981 = arith.index_cast %add3A_1968 : i32 to index
        %get3A_1982 = arith.constant 32 : index
        %get3A_1983 = tpu.vector_load %arg11[%get3A_1981, %get3A_1982] {strides = array<i32>} : memref<400x64xf32, #tpu.memory_space<vmem>>, vector<1x16xf32>,
        %get3A_1984 = vector.shape_cast %get3A_1983 : vector<1x16xf32> to vector<16xf32>
        %mul3A_1985 = arith.mulf %get3A_1984, %broadcast_in_dim3A_1965 : vector<16xf32>
        %add3A_1986 = arith.addf %add3A_1956, %mul3A_1985 : vector<16xf32>
        %get3A_1987 = arith.index_cast %add3A_1968 : i32 to index
        %get3A_1988 = arith.constant 48 : index
        %get3A_1989 = tpu.vector_load %arg11[%get3A_1987, %get3A_1988] {strides = array<i32>} : memref<400x64xf32, #tpu.memory_space<vmem>>, vector<1x16xf32>,
        %get3A_1990 = vector.shape_cast %get3A_1989 : vector<1x16xf32> to vector<16xf32>
        %mul3A_1991 = arith.mulf %get3A_1990, %broadcast_in_dim3A_1965 : vector<16xf32>
        %add3A_1992 = arith.addf %add3A_1962, %mul3A_1991 : vector<16xf32>
        %slice3A_1993 = vector.extract_strided_slice %get3A_543 {offsets = [14], sizes = [1], strides = [1]} : vector<16xf32> to vector<1xf32>
        %squeeze3A_1994 = vector.extract %slice3A_1993[0] : f32 from vector<1xf32>
        %broadcast_in_dim3A_1995 = vector.broadcast %squeeze3A_1994 : f32 to vector<16xf32>
        %add3A_1996 = arith.addf %add3A_1966, %broadcast_in_dim3A_1995 : vector<16xf32>
        %add3A_1997 = arith.constant 48 : i32
        %add3A_1998 = arith.addi %mul3A_554, %add3A_1997 : i32
        %get3A_1999 = arith.index_cast %add3A_1998 : i32 to index
        %get3A_2000 = arith.constant 0 : index
        %get3A_2001 = tpu.vector_load %arg11[%get3A_1999, %get3A_2000] {strides = array<i32>} : memref<400x64xf32, #tpu.memory_space<vmem>>, vector<1x16xf32>,
        %get3A_2002 = vector.shape_cast %get3A_2001 : vector<1x16xf32> to vector<16xf32>
        %mul3A_2003 = arith.mulf %get3A_2002, %broadcast_in_dim3A_1995 : vector<16xf32>
        %add3A_2004 = arith.addf %add3A_1974, %mul3A_2003 : vector<16xf32>
        %get3A_2005 = arith.index_cast %add3A_1998 : i32 to index
        %get3A_2006 = arith.constant 16 : index
        %get3A_2007 = tpu.vector_load %arg11[%get3A_2005, %get3A_2006] {strides = array<i32>} : memref<400x64xf32, #tpu.memory_space<vmem>>, vector<1x16xf32>,
        %get3A_2008 = vector.shape_cast %get3A_2007 : vector<1x16xf32> to vector<16xf32>
        %mul3A_2009 = arith.mulf %get3A_2008, %broadcast_in_dim3A_1995 : vector<16xf32>
        %add3A_2010 = arith.addf %add3A_1980, %mul3A_2009 : vector<16xf32>
        %get3A_2011 = arith.index_cast %add3A_1998 : i32 to index
        %get3A_2012 = arith.constant 32 : index
        %get3A_2013 = tpu.vector_load %arg11[%get3A_2011, %get3A_2012] {strides = array<i32>} : memref<400x64xf32, #tpu.memory_space<vmem>>, vector<1x16xf32>,
        %get3A_2014 = vector.shape_cast %get3A_2013 : vector<1x16xf32> to vector<16xf32>
        %mul3A_2015 = arith.mulf %get3A_2014, %broadcast_in_dim3A_1995 : vector<16xf32>
        %add3A_2016 = arith.addf %add3A_1986, %mul3A_2015 : vector<16xf32>
        %get3A_2017 = arith.index_cast %add3A_1998 : i32 to index
        %get3A_2018 = arith.constant 48 : index
        %get3A_2019 = tpu.vector_load %arg11[%get3A_2017, %get3A_2018] {strides = array<i32>} : memref<400x64xf32, #tpu.memory_space<vmem>>, vector<1x16xf32>,
        %get3A_2020 = vector.shape_cast %get3A_2019 : vector<1x16xf32> to vector<16xf32>
        %mul3A_2021 = arith.mulf %get3A_2020, %broadcast_in_dim3A_1995 : vector<16xf32>
        %add3A_2022 = arith.addf %add3A_1992, %mul3A_2021 : vector<16xf32>
        %slice3A_2023 = vector.extract_strided_slice %get3A_543 {offsets = [15], sizes = [1], strides = [1]} : vector<16xf32> to vector<1xf32>
        %squeeze3A_2024 = vector.extract %slice3A_2023[0] : f32 from vector<1xf32>
        %broadcast_in_dim3A_2025 = vector.broadcast %squeeze3A_2024 : f32 to vector<16xf32>
        %add3A_2026 = arith.addf %add3A_1996, %broadcast_in_dim3A_2025 : vector<16xf32>
        %add3A_2027 = arith.constant 49 : i32
        %add3A_2028 = arith.addi %mul3A_554, %add3A_2027 : i32
        %get3A_2029 = arith.index_cast %add3A_2028 : i32 to index
        %get3A_2030 = arith.constant 0 : index
        %get3A_2031 = tpu.vector_load %arg11[%get3A_2029, %get3A_2030] {strides = array<i32>} : memref<400x64xf32, #tpu.memory_space<vmem>>, vector<1x16xf32>,
        %get3A_2032 = vector.shape_cast %get3A_2031 : vector<1x16xf32> to vector<16xf32>
        %mul3A_2033 = arith.mulf %get3A_2032, %broadcast_in_dim3A_2025 : vector<16xf32>
        %add3A_2034 = arith.addf %add3A_2004, %mul3A_2033 : vector<16xf32>
        %get3A_2035 = arith.index_cast %add3A_2028 : i32 to index
        %get3A_2036 = arith.constant 16 : index
        %get3A_2037 = tpu.vector_load %arg11[%get3A_2035, %get3A_2036] {strides = array<i32>} : memref<400x64xf32, #tpu.memory_space<vmem>>, vector<1x16xf32>,
        %get3A_2038 = vector.shape_cast %get3A_2037 : vector<1x16xf32> to vector<16xf32>
        %mul3A_2039 = arith.mulf %get3A_2038, %broadcast_in_dim3A_2025 : vector<16xf32>
        %add3A_2040 = arith.addf %add3A_2010, %mul3A_2039 : vector<16xf32>
        %get3A_2041 = arith.index_cast %add3A_2028 : i32 to index
        %get3A_2042 = arith.constant 32 : index
        %get3A_2043 = tpu.vector_load %arg11[%get3A_2041, %get3A_2042] {strides = array<i32>} : memref<400x64xf32, #tpu.memory_space<vmem>>, vector<1x16xf32>,
        %get3A_2044 = vector.shape_cast %get3A_2043 : vector<1x16xf32> to vector<16xf32>
        %mul3A_2045 = arith.mulf %get3A_2044, %broadcast_in_dim3A_2025 : vector<16xf32>
        %add3A_2046 = arith.addf %add3A_2016, %mul3A_2045 : vector<16xf32>
        %get3A_2047 = arith.index_cast %add3A_2028 : i32 to index
        %get3A_2048 = arith.constant 48 : index
        %get3A_2049 = tpu.vector_load %arg11[%get3A_2047, %get3A_2048] {strides = array<i32>} : memref<400x64xf32, #tpu.memory_space<vmem>>, vector<1x16xf32>,
        %get3A_2050 = vector.shape_cast %get3A_2049 : vector<1x16xf32> to vector<16xf32>
        %mul3A_2051 = arith.mulf %get3A_2050, %broadcast_in_dim3A_2025 : vector<16xf32>
        %add3A_2052 = arith.addf %add3A_2022, %mul3A_2051 : vector<16xf32>
        %div3A = arith.constant 1.000000e+00 : f32
        %div3A_2053 = vector.broadcast %div3A : f32 to vector<16xf32>
        %div3A_2054 = arith.divf %div3A_2053, %add3A_2026 : vector<16xf32>
        %mul3A_2055 = arith.mulf %add3A_2034, %div3A_2054 : vector<16xf32>
        %swap3A = arith.index_cast %scan3A_527 : i32 to index
        %swap3A_2056 = arith.constant 0 : index
        %swap3A_2057 = tpu.vector_load %arg13[%swap3A, %swap3A_2056] {strides = array<i32>} : memref<8x64xf32, #tpu.memory_space<vmem>>, vector<1x16xf32>,
        %swap3A_2058 = vector.shape_cast %swap3A_2057 : vector<1x16xf32> to vector<16xf32>
        %swap3A_2059 = vector.shape_cast %mul3A_2055 : vector<16xf32> to vector<1x16xf32>
        tpu.vector_store %arg13[%swap3A, %swap3A_2056], %swap3A_2059 {strides = array<i32>} : memref<8x64xf32, #tpu.memory_space<vmem>>, vector<1x16xf32>,
        %mul3A_2060 = arith.mulf %add3A_2040, %div3A_2054 : vector<16xf32>
        %swap3A_2061 = arith.index_cast %scan3A_527 : i32 to index
        %swap3A_2062 = arith.constant 16 : index
        %swap3A_2063 = tpu.vector_load %arg13[%swap3A_2061, %swap3A_2062] {strides = array<i32>} : memref<8x64xf32, #tpu.memory_space<vmem>>, vector<1x16xf32>,
        %swap3A_2064 = vector.shape_cast %swap3A_2063 : vector<1x16xf32> to vector<16xf32>
        %swap3A_2065 = vector.shape_cast %mul3A_2060 : vector<16xf32> to vector<1x16xf32>
        tpu.vector_store %arg13[%swap3A_2061, %swap3A_2062], %swap3A_2065 {strides = array<i32>} : memref<8x64xf32, #tpu.memory_space<vmem>>, vector<1x16xf32>,
        %mul3A_2066 = arith.mulf %add3A_2046, %div3A_2054 : vector<16xf32>
        %swap3A_2067 = arith.index_cast %scan3A_527 : i32 to index
        %swap3A_2068 = arith.constant 32 : index
        %swap3A_2069 = tpu.vector_load %arg13[%swap3A_2067, %swap3A_2068] {strides = array<i32>} : memref<8x64xf32, #tpu.memory_space<vmem>>, vector<1x16xf32>,
        %swap3A_2070 = vector.shape_cast %swap3A_2069 : vector<1x16xf32> to vector<16xf32>
        %swap3A_2071 = vector.shape_cast %mul3A_2066 : vector<16xf32> to vector<1x16xf32>
        tpu.vector_store %arg13[%swap3A_2067, %swap3A_2068], %swap3A_2071 {strides = array<i32>} : memref<8x64xf32, #tpu.memory_space<vmem>>, vector<1x16xf32>,
        %mul3A_2072 = arith.mulf %add3A_2052, %div3A_2054 : vector<16xf32>
        %swap3A_2073 = arith.index_cast %scan3A_527 : i32 to index
        %swap3A_2074 = arith.constant 48 : index
        %swap3A_2075 = tpu.vector_load %arg13[%swap3A_2073, %swap3A_2074] {strides = array<i32>} : memref<8x64xf32, #tpu.memory_space<vmem>>, vector<1x16xf32>,
        %swap3A_2076 = vector.shape_cast %swap3A_2075 : vector<1x16xf32> to vector<16xf32>
        %swap3A_2077 = vector.shape_cast %mul3A_2072 : vector<16xf32> to vector<1x16xf32>
        tpu.vector_store %arg13[%swap3A_2073, %swap3A_2074], %swap3A_2077 {strides = array<i32>} : memref<8x64xf32, #tpu.memory_space<vmem>>, vector<1x16xf32>,
        %scan3A_2078 = arith.constant 0 : i32
        scf.yield %scan3A_2078 : i32
      }
      %scan3A_525 = arith.constant 8 : i32
      "tpu.region"() ({
        %run_scoped3A = tpu.sem_alloc : memref<!tpu.dma_semaphore, #tpu.memory_space<semaphore_mem>>
        %dma_start3A_527 = arith.constant 0 : i32
        %dma_start3A_528 = tpu.memref_slice %arg5[%add3A_518, %dma_start3A_527] : memref<16384x64xf32, #tpu.memory_space<hbm>> -> memref<8x64xf32, #tpu.memory_space<hbm>>
        %dma_start3A_529 = arith.constant 0 : i32
        %dma_start3A_530 = tpu.memref_slice %arg5[%add3A_518, %dma_start3A_529] : memref<16384x64xf32, #tpu.memory_space<hbm>> -> memref<8x64xf32, #tpu.memory_space<hbm>>
        tpu.enqueue_dma source(%arg13 : memref<8x64xf32, #tpu.memory_space<vmem>>) target(%dma_start3A_530 : memref<8x64xf32, #tpu.memory_space<hbm>>) target_semaphore(%run_scoped3A : memref<!tpu.dma_semaphore, #tpu.memory_space<semaphore_mem>>)
        %dma_wait3A_531 = arith.constant 0 : i32
        %dma_wait3A_532 = tpu.memref_slice %arg5[%add3A_518, %dma_wait3A_531] : memref<16384x64xf32, #tpu.memory_space<hbm>> -> memref<8x64xf32, #tpu.memory_space<hbm>>
        %dma_wait3A_533 = arith.constant 0 : i32
        %dma_wait3A_534 = tpu.memref_slice %arg5[%add3A_518, %dma_wait3A_533] : memref<16384x64xf32, #tpu.memory_space<hbm>> -> memref<8x64xf32, #tpu.memory_space<hbm>>
        tpu.wait_dma2 semaphore(%run_scoped3A : memref<!tpu.dma_semaphore, #tpu.memory_space<semaphore_mem>>) src(%arg13 : memref<8x64xf32, #tpu.memory_space<vmem>>) dst(%dma_wait3A_534 : memref<8x64xf32, #tpu.memory_space<hbm>>)
        tpu.yield
      }) : () -> ()
      %scan3A_526 = arith.constant 0 : i32
      scf.yield %scan3A_526 : i32
    }
    %scan3A_89 = arith.constant 32 : i32
    %dma_wait3A = arith.constant 0 : i32
    %dma_wait3A_90 = arith.constant 0 : i32
    %dma_wait3A_91 = arith.constant 0 : i32
    %dma_wait3A_92 = tpu.memref_slice %arg10[%dma_wait3A_90, %dma_wait3A_91] : memref<400x64xf32, #tpu.memory_space<vmem>> -> memref<50x64xf32, #tpu.memory_space<vmem>>
    %dma_wait3A_93 = arith.constant 0 : i32
    %dma_wait3A_94 = tpu.memref_slice %arg6[%dma_wait3A, %dma_wait3A_93] : memref<8x50xi32, #tpu.memory_space<vmem>> -> memref<1x50xi32, #tpu.memory_space<vmem>>
    %dma_wait3A_95 = tpu.memref_squeeze %dma_wait3A_94 : memref<1x50xi32, #tpu.memory_space<vmem>> -> memref<50xi32, #tpu.memory_space<vmem>>
    %dma_wait3A_96 = arith.constant 0 : i32
    %dma_wait3A_97 = arith.constant 0 : i32
    %dma_wait3A_98 = tpu.memref_slice %arg4[%dma_wait3A_96, %dma_wait3A_97] : memref<1000001x64xf32, #tpu.memory_space<hbm>> -> memref<1000001x64xf32, #tpu.memory_space<hbm>>
    tpu.wait_indirect_dma semaphore(%arg14 : memref<!tpu.dma_semaphore, #tpu.memory_space<semaphore_mem>>) src(%dma_wait3A_98 : memref<1000001x64xf32, #tpu.memory_space<hbm>>) dst(%dma_wait3A_92 : memref<50x64xf32, #tpu.memory_space<vmem>>)
    %dma_wait3A_99 = arith.constant 1 : i32
    %dma_wait3A_100 = arith.constant 50 : i32
    %dma_wait3A_101 = arith.constant 0 : i32
    %dma_wait3A_102 = tpu.memref_slice %arg10[%dma_wait3A_100, %dma_wait3A_101] : memref<400x64xf32, #tpu.memory_space<vmem>> -> memref<50x64xf32, #tpu.memory_space<vmem>>
    %dma_wait3A_103 = arith.constant 0 : i32
    %dma_wait3A_104 = tpu.memref_slice %arg6[%dma_wait3A_99, %dma_wait3A_103] : memref<8x50xi32, #tpu.memory_space<vmem>> -> memref<1x50xi32, #tpu.memory_space<vmem>>
    %dma_wait3A_105 = tpu.memref_squeeze %dma_wait3A_104 : memref<1x50xi32, #tpu.memory_space<vmem>> -> memref<50xi32, #tpu.memory_space<vmem>>
    %dma_wait3A_106 = arith.constant 0 : i32
    %dma_wait3A_107 = arith.constant 0 : i32
    %dma_wait3A_108 = tpu.memref_slice %arg4[%dma_wait3A_106, %dma_wait3A_107] : memref<1000001x64xf32, #tpu.memory_space<hbm>> -> memref<1000001x64xf32, #tpu.memory_space<hbm>>
    tpu.wait_indirect_dma semaphore(%arg14 : memref<!tpu.dma_semaphore, #tpu.memory_space<semaphore_mem>>) src(%dma_wait3A_108 : memref<1000001x64xf32, #tpu.memory_space<hbm>>) dst(%dma_wait3A_102 : memref<50x64xf32, #tpu.memory_space<vmem>>)
    %dma_wait3A_109 = arith.constant 2 : i32
    %dma_wait3A_110 = arith.constant 100 : i32
    %dma_wait3A_111 = arith.constant 0 : i32
    %dma_wait3A_112 = tpu.memref_slice %arg10[%dma_wait3A_110, %dma_wait3A_111] : memref<400x64xf32, #tpu.memory_space<vmem>> -> memref<50x64xf32, #tpu.memory_space<vmem>>
    %dma_wait3A_113 = arith.constant 0 : i32
    %dma_wait3A_114 = tpu.memref_slice %arg6[%dma_wait3A_109, %dma_wait3A_113] : memref<8x50xi32, #tpu.memory_space<vmem>> -> memref<1x50xi32, #tpu.memory_space<vmem>>
    %dma_wait3A_115 = tpu.memref_squeeze %dma_wait3A_114 : memref<1x50xi32, #tpu.memory_space<vmem>> -> memref<50xi32, #tpu.memory_space<vmem>>
    %dma_wait3A_116 = arith.constant 0 : i32
    %dma_wait3A_117 = arith.constant 0 : i32
    %dma_wait3A_118 = tpu.memref_slice %arg4[%dma_wait3A_116, %dma_wait3A_117] : memref<1000001x64xf32, #tpu.memory_space<hbm>> -> memref<1000001x64xf32, #tpu.memory_space<hbm>>
    tpu.wait_indirect_dma semaphore(%arg14 : memref<!tpu.dma_semaphore, #tpu.memory_space<semaphore_mem>>) src(%dma_wait3A_118 : memref<1000001x64xf32, #tpu.memory_space<hbm>>) dst(%dma_wait3A_112 : memref<50x64xf32, #tpu.memory_space<vmem>>)
    %dma_wait3A_119 = arith.constant 3 : i32
    %dma_wait3A_120 = arith.constant 150 : i32
    %dma_wait3A_121 = arith.constant 0 : i32
    %dma_wait3A_122 = tpu.memref_slice %arg10[%dma_wait3A_120, %dma_wait3A_121] : memref<400x64xf32, #tpu.memory_space<vmem>> -> memref<50x64xf32, #tpu.memory_space<vmem>>
    %dma_wait3A_123 = arith.constant 0 : i32
    %dma_wait3A_124 = tpu.memref_slice %arg6[%dma_wait3A_119, %dma_wait3A_123] : memref<8x50xi32, #tpu.memory_space<vmem>> -> memref<1x50xi32, #tpu.memory_space<vmem>>
    %dma_wait3A_125 = tpu.memref_squeeze %dma_wait3A_124 : memref<1x50xi32, #tpu.memory_space<vmem>> -> memref<50xi32, #tpu.memory_space<vmem>>
    %dma_wait3A_126 = arith.constant 0 : i32
    %dma_wait3A_127 = arith.constant 0 : i32
    %dma_wait3A_128 = tpu.memref_slice %arg4[%dma_wait3A_126, %dma_wait3A_127] : memref<1000001x64xf32, #tpu.memory_space<hbm>> -> memref<1000001x64xf32, #tpu.memory_space<hbm>>
    tpu.wait_indirect_dma semaphore(%arg14 : memref<!tpu.dma_semaphore, #tpu.memory_space<semaphore_mem>>) src(%dma_wait3A_128 : memref<1000001x64xf32, #tpu.memory_space<hbm>>) dst(%dma_wait3A_122 : memref<50x64xf32, #tpu.memory_space<vmem>>)
    %dma_wait3A_129 = arith.constant 4 : i32
    %dma_wait3A_130 = arith.constant 200 : i32
    %dma_wait3A_131 = arith.constant 0 : i32
    %dma_wait3A_132 = tpu.memref_slice %arg10[%dma_wait3A_130, %dma_wait3A_131] : memref<400x64xf32, #tpu.memory_space<vmem>> -> memref<50x64xf32, #tpu.memory_space<vmem>>
    %dma_wait3A_133 = arith.constant 0 : i32
    %dma_wait3A_134 = tpu.memref_slice %arg6[%dma_wait3A_129, %dma_wait3A_133] : memref<8x50xi32, #tpu.memory_space<vmem>> -> memref<1x50xi32, #tpu.memory_space<vmem>>
    %dma_wait3A_135 = tpu.memref_squeeze %dma_wait3A_134 : memref<1x50xi32, #tpu.memory_space<vmem>> -> memref<50xi32, #tpu.memory_space<vmem>>
    %dma_wait3A_136 = arith.constant 0 : i32
    %dma_wait3A_137 = arith.constant 0 : i32
    %dma_wait3A_138 = tpu.memref_slice %arg4[%dma_wait3A_136, %dma_wait3A_137] : memref<1000001x64xf32, #tpu.memory_space<hbm>> -> memref<1000001x64xf32, #tpu.memory_space<hbm>>
    tpu.wait_indirect_dma semaphore(%arg14 : memref<!tpu.dma_semaphore, #tpu.memory_space<semaphore_mem>>) src(%dma_wait3A_138 : memref<1000001x64xf32, #tpu.memory_space<hbm>>) dst(%dma_wait3A_132 : memref<50x64xf32, #tpu.memory_space<vmem>>)
    %dma_wait3A_139 = arith.constant 5 : i32
    %dma_wait3A_140 = arith.constant 250 : i32
    %dma_wait3A_141 = arith.constant 0 : i32
    %dma_wait3A_142 = tpu.memref_slice %arg10[%dma_wait3A_140, %dma_wait3A_141] : memref<400x64xf32, #tpu.memory_space<vmem>> -> memref<50x64xf32, #tpu.memory_space<vmem>>
    %dma_wait3A_143 = arith.constant 0 : i32
    %dma_wait3A_144 = tpu.memref_slice %arg6[%dma_wait3A_139, %dma_wait3A_143] : memref<8x50xi32, #tpu.memory_space<vmem>> -> memref<1x50xi32, #tpu.memory_space<vmem>>
    %dma_wait3A_145 = tpu.memref_squeeze %dma_wait3A_144 : memref<1x50xi32, #tpu.memory_space<vmem>> -> memref<50xi32, #tpu.memory_space<vmem>>
    %dma_wait3A_146 = arith.constant 0 : i32
    %dma_wait3A_147 = arith.constant 0 : i32
    %dma_wait3A_148 = tpu.memref_slice %arg4[%dma_wait3A_146, %dma_wait3A_147] : memref<1000001x64xf32, #tpu.memory_space<hbm>> -> memref<1000001x64xf32, #tpu.memory_space<hbm>>
    tpu.wait_indirect_dma semaphore(%arg14 : memref<!tpu.dma_semaphore, #tpu.memory_space<semaphore_mem>>) src(%dma_wait3A_148 : memref<1000001x64xf32, #tpu.memory_space<hbm>>) dst(%dma_wait3A_142 : memref<50x64xf32, #tpu.memory_space<vmem>>)
    %dma_wait3A_149 = arith.constant 6 : i32
    %dma_wait3A_150 = arith.constant 300 : i32
    %dma_wait3A_151 = arith.constant 0 : i32
    %dma_wait3A_152 = tpu.memref_slice %arg10[%dma_wait3A_150, %dma_wait3A_151] : memref<400x64xf32, #tpu.memory_space<vmem>> -> memref<50x64xf32, #tpu.memory_space<vmem>>
    %dma_wait3A_153 = arith.constant 0 : i32
    %dma_wait3A_154 = tpu.memref_slice %arg6[%dma_wait3A_149, %dma_wait3A_153] : memref<8x50xi32, #tpu.memory_space<vmem>> -> memref<1x50xi32, #tpu.memory_space<vmem>>
    %dma_wait3A_155 = tpu.memref_squeeze %dma_wait3A_154 : memref<1x50xi32, #tpu.memory_space<vmem>> -> memref<50xi32, #tpu.memory_space<vmem>>
    %dma_wait3A_156 = arith.constant 0 : i32
    %dma_wait3A_157 = arith.constant 0 : i32
    %dma_wait3A_158 = tpu.memref_slice %arg4[%dma_wait3A_156, %dma_wait3A_157] : memref<1000001x64xf32, #tpu.memory_space<hbm>> -> memref<1000001x64xf32, #tpu.memory_space<hbm>>
    tpu.wait_indirect_dma semaphore(%arg14 : memref<!tpu.dma_semaphore, #tpu.memory_space<semaphore_mem>>) src(%dma_wait3A_158 : memref<1000001x64xf32, #tpu.memory_space<hbm>>) dst(%dma_wait3A_152 : memref<50x64xf32, #tpu.memory_space<vmem>>)
    %dma_wait3A_159 = arith.constant 7 : i32
    %dma_wait3A_160 = arith.constant 350 : i32
    %dma_wait3A_161 = arith.constant 0 : i32
    %dma_wait3A_162 = tpu.memref_slice %arg10[%dma_wait3A_160, %dma_wait3A_161] : memref<400x64xf32, #tpu.memory_space<vmem>> -> memref<50x64xf32, #tpu.memory_space<vmem>>
    %dma_wait3A_163 = arith.constant 0 : i32
    %dma_wait3A_164 = tpu.memref_slice %arg6[%dma_wait3A_159, %dma_wait3A_163] : memref<8x50xi32, #tpu.memory_space<vmem>> -> memref<1x50xi32, #tpu.memory_space<vmem>>
    %dma_wait3A_165 = tpu.memref_squeeze %dma_wait3A_164 : memref<1x50xi32, #tpu.memory_space<vmem>> -> memref<50xi32, #tpu.memory_space<vmem>>
    %dma_wait3A_166 = arith.constant 0 : i32
    %dma_wait3A_167 = arith.constant 0 : i32
    %dma_wait3A_168 = tpu.memref_slice %arg4[%dma_wait3A_166, %dma_wait3A_167] : memref<1000001x64xf32, #tpu.memory_space<hbm>> -> memref<1000001x64xf32, #tpu.memory_space<hbm>>
    tpu.wait_indirect_dma semaphore(%arg14 : memref<!tpu.dma_semaphore, #tpu.memory_space<semaphore_mem>>) src(%dma_wait3A_168 : memref<1000001x64xf32, #tpu.memory_space<hbm>>) dst(%dma_wait3A_162 : memref<50x64xf32, #tpu.memory_space<vmem>>)
    return
  }
}

</mosaic_0001>

<sc_bundles>
// kernel: _run.3.cloned.1.call-start
scs
__scs_entry_jumppad:
0x0: {  	(pc) =	sbr.rel $0x88, $3  }
0x1: {  	(tag) =	ssettag $0x0;
	lr =	simm.s32 $0x1  }
0x2: {  	[smem:$0x3F9E] =	sst lr;
	_ =	strace $0xD0000000  }
0x3: {  	_ = 	snop  }
0x4: {  	_ = 	snop  }
0x5: {  	_ = 	snop  }
0x6: {  	_ = 	snop  }
0x7: {  	_ = 	snop  }
__scs_overlays_trampoline_lowered:
0x8: {  	[smem:$0x3FAD] =	sst s0  }
0x9: {  	[smem:$0x3FAE] =	sst s1  }
0xa: {  	[smem:$0x3FAF] =	sst s2  }
0xb: {  	[smem:$0x3FB0] =	sst s3  }
0xc: {  	[smem:$0x3FB1] =	sst s4  }
0xd: {  	[smem:$0x3FB2] =	sst s5  }
0xe: {  	[smem:$0x3FB3] =	sst s6  }
0xf: {  	[smem:$0x3FB4] =	sst s7  }
0x10: {  	[smem:$0x3FB5] =	sst s8  }
0x11: {  	[smem:$0x3FB6] =	sst s9;
	s0 =	simm.s32 @!p0 $0x0  }
0x12: {  	s1 =	sld [smem:$0x3F9C];
	s0 =	simm.s32 @p0 $0x1  }
0x13: {  	[smem:$0x3FB7] =	sst s0;
	s0 =	simm.s32 @!p1 $0x0  }
0x14: {  	s2 =	sld [smem:$0x3F9B];
	s0 =	simm.s32 @p1 $0x1  }
0x15: {  	[smem:$0x3FB8] =	sst s0;
	s0 =	simm.s32 @!p2 $0x0  }
0x16: {  	s3 =	sld [smem:$0x3FDB];
	s0 =	simm.s32 @p2 $0x1  }
0x17: {  	s4 =	simm.s32 $0x1BF5;
	[smem:$0x3FBA] =	sst s0  }
0x18: {  	s0 =	sld [smem:$0x3F9D];
	_ =	swait.ge [sflag:s4], $0x0  }
0x19: {  	s7 =	sld [smem:$0x3F9E]  }
0x1a: {  	s8 =	sadd.s32 $0xFFFFE003, lr  }
0x1b: {  	s9 =	sadd.s32 $0xFFFFFEF7, lr;
	s5 =	simm.s32 $0xFFFFFFFF;
	p2 =	slt.u32 s8, $0xFFFFF086  }
0x1c: {  	p1 =	slt.u32 s9, $0xF7A;
	s5 =	simm.s32 @!p2 $0x0  }
0x1d: {  	s5 =	simm.s32 @p1 $0x1;
	p0 =	seq.s32 s7, s2  }
0x1e: {  	s7 =	smul.u32 @!p0 $0xF7A, s2;
	p2 =	seq.s32 @!p0 s5, $0x0  }
0x1f: {  	s9 =	smul.u32 $0xF7A, s1;
	s8 =	simm.s32 @!p0 $0x1BF5;
	p2 =	por !p2, p0  }
0x20: {  	[sflag:s8] =	ssyncset.s32 @!p0 $0xFFFFF086;
	s6 =	sadd.s32 @!p0 s3, s7;
	s7 =	simm.s32 @!p0 $0x108  }
0x21: {  	s3 =	sadd.s32 s3, s9;
	s6 =	sadd.s32 @!p0 $0x88, s6;
	s7 =	simm.s32 @p2 $0x1082  }
0x22: {  	[simem:s7], [sflag:s8] =	dma.local @!p0 [hbm:s6], $0xF7A  }
0x23: {  	s9 =	sor.u32 $0xD0000000, s2;
	s6 =	simm.s32 $0x108;
	_ =	swait.ge @!p0 [sflag:s8], $0x0  }
0x24: {  	s3 =	sadd.s32 $0x88, s3;
	s6 =	simm.s32 @!p1 $0x1082;
	[sflag:s4] =	ssyncset.s32 $0xFFFFF086  }
0x25: {  	[simem:s6], [sflag:s4] =	dma.local [hbm:s3], $0xF7A  }
0x26: {  	[smem:$0x3F9E] =	sst s1;
	(tag) =	ssettag s2;
	_ =	strace s9  }
0x27: {  	s1 =	sld [smem:$0x3FAE]  }
0x28: {  	s2 =	sld [smem:$0x3FAF]  }
0x29: {  	s4 =	sld [smem:$0x3FB1]  }
0x2a: {  	p0 =	seq.s32 s5, $0x0;
	s5 =	sld [smem:$0x3FB2]  }
0x2b: {  	s6 =	sld [smem:$0x3FB3]  }
0x2c: {  	s7 =	sld [smem:$0x3FB4]  }
0x2d: {  	s3 =	simm.s32 $0x108;
	s8 =	sld [smem:$0x3FB5]  }
0x2e: {  	s3 =	simm.s32 @!p0 $0x1082;
	s9 =	sld [smem:$0x3FB6]  }
0x2f: {  	lr =	sadd.s32 s0, s3;
	s0 =	sld [smem:$0x3FAD]  }
0x30: {  	s3 =	sld [smem:$0x3FB0]  }
0x31: {  	[smem:$0x3FB9] =	sst s10  }
0x32: {  	s10 =	sld [smem:$0x3FB7];
	_ =	sdelay $0x3  }
0x33: {  	p0 =	seq.s32 s10, $0x1;
	s10 =	sld [smem:$0x3FB9];
	_ =	sdelay $0x3  }
0x34: {  	[smem:$0x3FB9] =	sst s10  }
0x35: {  	s10 =	sld [smem:$0x3FB8];
	_ =	sdelay $0x3  }
0x36: {  	p1 =	seq.s32 s10, $0x1;
	s10 =	sld [smem:$0x3FB9];
	_ =	sdelay $0x3  }
0x37: {  	[smem:$0x3FB9] =	sst s10  }
0x38: {  	s10 =	sld [smem:$0x3FBA]  }
0x39: {  	_ = 	snop;
	(pc) =	sbr.ind lr, $3  }
0x3a: {  	_ = 	snop  }
0x3b: {  	_ = 	snop  }
0x3c: {  	p2 =	seq.s32 s10, $0x1;
	s10 =	sld [smem:$0x3FB9]  }
0x3d: {  	_ =	shalt  }
0x3e: {  	_ =	shalt  }
0x3f: {  	_ =	shalt  }
0x40: {  	_ =	shalt  }
0x41: {  	_ =	shalt  }
0x42: {  	_ =	shalt  }
0x43: {  	_ =	shalt  }
0x44: {  	_ =	shalt  }
0x45: {  	_ =	shalt  }
0x46: {  	_ =	shalt  }
0x47: {  	_ =	shalt  }
0x48: {  	_ =	shalt  }
0x49: {  	_ =	shalt  }
0x4a: {  	_ =	shalt  }
0x4b: {  	_ =	shalt  }
0x4c: {  	_ =	shalt  }
0x4d: {  	_ =	shalt  }
0x4e: {  	_ =	shalt  }
0x4f: {  	_ =	shalt  }
0x50: {  	_ =	shalt  }
0x51: {  	_ =	shalt  }
0x52: {  	_ =	shalt  }
0x53: {  	_ =	shalt  }
0x54: {  	_ =	shalt  }
0x55: {  	_ =	shalt  }
0x56: {  	_ =	shalt  }
0x57: {  	_ =	shalt  }
0x58: {  	_ =	shalt  }
0x59: {  	_ =	shalt  }
0x5a: {  	_ =	shalt  }
0x5b: {  	_ =	shalt  }
0x5c: {  	_ =	shalt  }
0x5d: {  	_ =	shalt  }
0x5e: {  	_ =	shalt  }
0x5f: {  	_ =	shalt  }
0x60: {  	_ =	shalt  }
0x61: {  	_ =	shalt  }
0x62: {  	_ =	shalt  }
0x63: {  	_ =	shalt  }
0x64: {  	_ =	shalt  }
0x65: {  	_ =	shalt  }
0x66: {  	_ =	shalt  }
0x67: {  	_ =	shalt  }
0x68: {  	_ =	shalt  }
0x69: {  	_ =	shalt  }
0x6a: {  	_ =	shalt  }
0x6b: {  	_ =	shalt  }
0x6c: {  	_ =	shalt  }
0x6d: {  	_ =	shalt  }
0x6e: {  	_ =	shalt  }
0x6f: {  	_ =	shalt  }
0x70: {  	_ =	shalt  }
0x71: {  	_ =	shalt  }
0x72: {  	_ =	shalt  }
0x73: {  	_ =	shalt  }
0x74: {  	_ =	shalt  }
0x75: {  	_ =	shalt  }
0x76: {  	_ =	shalt  }
0x77: {  	_ =	shalt  }
0x78: {  	_ =	shalt  }
0x79: {  	_ =	shalt  }
0x7a: {  	_ =	shalt  }
0x7b: {  	_ =	shalt  }
0x7c: {  	_ =	shalt  }
0x7d: {  	_ =	shalt  }
0x7e: {  	_ =	shalt  }
0x7f: {  	_ =	shalt  }
0x80: {  	_ =	shalt  }
0x81: {  	_ =	shalt  }
0x82: {  	_ =	shalt  }
0x83: {  	_ =	shalt  }
0x84: {  	_ =	shalt  }
0x85: {  	_ =	shalt  }
0x86: {  	_ =	shalt  }
0x87: {  	_ =	shalt  }
.Lfunc_end0:
.L_simem_size_0:
called_computation_lowered:
.L_overlay_start_0:
0x88: {  	s2 =	sld [smem:$0x3FD9]  }
0x89: {  	s3 =	sld [smem:$0x3FFE];
	_ =	sdelay $0x1  }
0x8a: {  	s1 =	srdreg.scid  }
0x8b: {  	s0 =	sand.u32 $0x1, s1  }
0x8c: {  	s17 =	sshll.u32 s0, $0xA;
	s2 =	sadd.s32 s3, s2  }
0x8d: {  	s2 =	sadd.s32 s2, s17  }
0x8e: {  	[smem:$0x3FC5] =	sst s2  }
0x8f: {  	_ = 	snop  }
0x90: {  	s2 =	sld [smem:$0x3FD0];
	(tm) =	ssettm $0x1  }
0x91: {  	s18 =	sld [smem:$0x3FFB];
	_ =	sdelay $0x3  }
0x92: {  	_ =	strace s18  }
0x93: {  	s3 =	sld [smem:$0x3FFC];
	_ =	sdelay $0x3  }
0x94: {  	_ =	strace s3  }
0x95: {  	s3 =	sld [smem:$0x3FFD];
	_ =	sdelay $0x3  }
0x96: {  	_ =	strace s3  }
0x97: {  	_ =	strace $0x8FFFFFFF  }
0x98: {  	s19 =	sld [smem:$0x3FDB];
	_ =	sdelay $0x1  }
0x99: {  	s4 =	simm.s32 $_scs_section_size  }
0x9a: {  	s5 =	simm.s32 $_size__tile_overlayer_lowered;
	s6 =	simm.s32 $_tile_overlayer_lowered  }
0x9b: {  	s22 =	simm.s32 $0x1BFF;
	s21 =	sshll.u32 s6, $0x1;
	s3 =	sadd.s32 s4, s19  }
0x9c: {  	s7 =	simm.s32 $0x0;
	s20 =	sshll.u32 s5, $0x1;
	s5 =	sadd.s32 s21, s3  }
0x9d: {  	[timem:s7], [sflag:s22] =	dma.local [hbm:s5], s20  }
0x9e: {  	_ =	swait.ge [sflag:s22], s20  }
0x9f: {  	s4 =	ssub.s32 $0x0, s20;
	[sflag:s22] =	ssyncset.done $0x0  }
0xa0: {  	[sflag:s22] =	ssyncadd.s32 s4;
	_ =	sdelay $0x1  }
0xa1: {  	s23 =	simm.s32 $0x1B8B  }
0xa2: {  	_ =	swait.ge [sflag:s23], $0x1  }
0xa3: {  	[sflag:s23] =	ssyncset.done $0x0  }
0xa4: {  	s25 =	simm.s32 $0x1B8E;
	s24 =	sld [smem:$0x3FFE];
	[sflag:s23] =	ssyncadd.s32 $0xFFFFFFFF  }
0xa5: {  	s26 =	simm.s32 $execute0_lowered;
	[smem:$0x3FD2] =	sst s25  }
0xa6: {  	s5 =	sshll.u32 s26, $0x1;
	_ =	strace $0x80000046;
	[dreg:$0x1] =	wrdreg $0xFFFFFFFF  }
0xa7: {  	s28 =	simm.s32 $_size_execute0_lowered;
	s3 =	sadd.s32 s3, s5;
	[dreg:$0x0] =	wrdreg $0x0  }
0xa8: {  	s5 =	sshll.u32 s28, $0x1;
	[dreg:$0x2] =	wrdreg s3  }
0xa9: {  	[dreg:$0x3] =	wrdreg s5  }
0xaa: {  	[dreg:$0x4] =	wrdreg $0xC0  }
0xab: {  	_ =	task [dreg:s7], $0x5FFFF  }
0xac: {  	[dreg:$0x1] =	wrdreg $0xFFFFFFFF  }
0xad: {  	[dreg:$0x0] =	wrdreg $0x60  }
0xae: {  	[dreg:$0x2] =	wrdreg s24  }
0xaf: {  	[dreg:$0x3] =	wrdreg s2  }
0xb0: {  	[dreg:$0x4] =	wrdreg $0x9  }
0xb1: {  	_ =	task.clear_ibuf [dreg:s7], $0x5FFFF;
	_ =	strace $0x90000046  }
0xb2: {  	s29 =	simm.s32 $0x9;
	_ =	strace $0x80000048  }
0xb3: {  	_ =	swait.ge [sflag:s29], $0x1  }
0xb4: {  	[sflag:s29] =	ssyncadd.s32 $0xFFFFFFFF  }
0xb5: {  	_ =	strace $0x90000048  }
0xb6: {  	_ =	sfence  }
0xb7: {  	s30 =	sld [smem:$0x0];
	_ =	sdelay $0x2  }
0xb8: {  	s31 =	sshll.u32 s1, $0xD;
	s1 =	sshrl.u32 s1, $0x2  }
0xb9: {  	s3 =	sand.u32 $0x4000, s31;
	s1 =	sadd.s32 s1, s30  }
0xba: {  	s0 =	sor.u32 s3, s0;
	s1 =	sshll.u32 s1, $0x11  }
0xbb: {  	s0 =	sor.u32 s1, s0  }
0xbc: {  	s0 =	sadd.s32 $0x8F2B, s0  }
0xbd: {  	[sflag:s0] =	ssyncadd.remote.s32 $0x1  }
0xbe: {  	_ =	sfence.sel $0xFFFF  }
0xbf: {  	[dreg:$0x0] =	wrdreg $0xFFFFFFFF;
	(pc) =	sbr.abs _section_cstart, $3  }
0xc0: {  	[dreg:$0x1] =	wrdreg $0xFFFFFFFF  }
0xc1: {  	_ =	task.clear_ibuf [dreg:s7], $0x2FFFF;
	_ =	strace $0x9FFFFFFF  }
0xc2: {  	(tm) =	ssettm $0x7FFFFFFF  }
0xc3: {  	_ =	shalt  }
tec
execute0_lowered:
.L_overlay_start_1:
0x0: {  	(tag) =	ssettag $0x1  }
0x1: {  	s0 =	rddreg [dreg:$0x0]  }
0x2: {  	s8 =	rddreg [dreg:$0x1];
	s1 =	srdreg.scid  }
0x3: {  	s3 =	simm.s32 $0x0;
	s2 =	stileid.u32;
	s13 =	simm.s32 $0x3  }
0x4: {  	s15 =	simm.s32 $0x32;
	s18 =	simm.s32 $0x1380;
	s19 =	simm.s32 $0x70  }
0x5: {  	s20 =	simm.s32 $0x2000;
	s21 =	simm.s32 $0xA8;
	s22 =	simm.s32 $0x2C80  }
0x6: {  	s23 =	simm.s32 $0xE0;
	s28 =	simm.s32 $0x150;
	s29 =	simm.s32 $0x5200  }
0x7: {  	s30 =	simm.s32 $0x188;
	s31 =	simm.s32 $0x5E80;
	s12 =	simm.s32 $0x2  }
0x8: {  	s17 =	simm.s32 $0xCF00;
	s1 =	sand.u32 $0x1, s1;
	[smem:$0x7FF] =	sst s3  }
0x9: {  	s2 =	sshll.u32 s2, $0xA;
	s5 =	sadd.s32 $0x800, s0;
	s6 =	sadd.s32 $0xF42E00, s0  }
0xa: {  	s4 =	sshll.u32 s1, $0x9;
	_ =	strace $0x80000047;
	s1 =	ssub.s32 $0x2, s1  }
0xb: {  	s2 =	sor.u32 s4, s2;
	s4 =	sadd.s32 $0x1C800, s0;
	s24 =	sshrl.u32 s1, $0x1  }
0xc: {  	s7 =	smul.u32 $0x7, s2;
	s0 =	ssub.s32 s1, s24;
	s26 =	sshll.u32 s2, $0x3  }
0xd: {  	s9 =	sor.u32 $0x8, s2;
	s11 =	sor.u32 $0x10, s2;
	s24 =	simm.s32 $0x3900  }
0xe: {  	s2 =	simm.s32 $0x0;
	s10 =	sadd.s32 s8, s26;
	s0 =	smax.u32 s0, $0x1  }
0xf: {  	s26 =	simm.s32 $0x4580;
	s25 =	sadd.s32 s4, s7;
	[dreg:$0x5] =	wrdreg s0  }
0x10: {  	s7 =	sadd.s32 s5, s7;
	s0 =	simm.s32 $0x1C0;
	[dreg:$0x3] =	wrdreg s25  }
0x11: {  	[dreg:$0x4] =	wrdreg s7;
	s25 =	simm.s32 $0x118;
	s7 =	simm.s32 $0x1  }
.LBB2_1:
0x12: {  	[dreg:$0x6] =	wrdreg s2  }
0x13: {  	s1 =	rddreg [dreg:$0x3]  }
0x14: {  	[tilespmem:s3], [sflag:$0x3] =	stream.linear.gather [hbm4b:s1+s3], $0x1C0, $0x38;
	[tilespmem:$0xD300] =	vst v63  }
0x15: {  	_ =	swait.ge [sflag:s13], $0x1C0  }
0x16: {  	[sflag:s13] =	ssyncset.done $0x0  }
0x17: {  	s8 =	simm.s32 $0x380;
	s2 =	rddreg [dreg:$0x4];
	[sflag:s13] =	ssyncadd.s32 $0xFFFFFE40  }
0x18: {  	[tilespmem:s8], [sflag:$0x3] =	stream.linear.gather [hbm4b:s2+s3], $0x1C0, $0x38;
	[tilespmem:$0xD300] =	vst v63  }
0x19: {  	_ =	swait.ge [sflag:s13], $0x1C0  }
0x1a: {  	[sflag:s13] =	ssyncset.done $0x0  }
0x1b: {  	s14 =	simm.s32 $0x700;
	[sflag:s13] =	ssyncadd.s32 $0xFFFFFE40  }
0x1c: {  	[tilespmem:s14], [sflag:$0x1] =	stream.indirect.gather [hbm4b:s6+s15], $0x40, s3, s15, $0xb8;
	[tilespmem:$0xD300] =	vst v63  }
0x1d: {  	s16 =	simm.s32 $0x38  }
0x1e: {  	[tilespmem:s18], [sflag:$0x1] =	stream.indirect.gather [hbm4b:s6+s15], $0x40, s16, s15, $0xb8;
	[tilespmem:$0xD300] =	vst v63  }
0x1f: {  	_ = 	snop  }
0x20: {  	[tilespmem:s20], [sflag:$0x1] =	stream.indirect.gather [hbm4b:s6+s15], $0x40, s19, s15, $0xb8;
	[tilespmem:$0xD300] =	vst v63  }
0x21: {  	_ = 	snop  }
0x22: {  	[tilespmem:s22], [sflag:$0x1] =	stream.indirect.gather [hbm4b:s6+s15], $0x40, s21, s15, $0xb8;
	[tilespmem:$0xD300] =	vst v63  }
0x23: {  	_ = 	snop  }
0x24: {  	[tilespmem:s24], [sflag:$0x1] =	stream.indirect.gather [hbm4b:s6+s15], $0x40, s23, s15, $0xb8;
	[tilespmem:$0xD300] =	vst v63  }
0x25: {  	_ = 	snop  }
0x26: {  	[tilespmem:s26], [sflag:$0x1] =	stream.indirect.gather [hbm4b:s6+s15], $0x40, s25, s15, $0xb8;
	[tilespmem:$0xD300] =	vst v63  }
0x27: {  	_ = 	snop  }
0x28: {  	[tilespmem:s29], [sflag:$0x1] =	stream.indirect.gather [hbm4b:s6+s15], $0x40, s28, s15, $0xb8;
	[tilespmem:$0xD300] =	vst v63  }
0x29: {  	s1 =	simm.s32 $0x0  }
0x2a: {  	[tilespmem:s31], [sflag:$0x1] =	stream.indirect.gather [hbm4b:s6+s15], $0x40, s30, s15, $0xb8;
	[tilespmem:$0xD300] =	vst v63  }
.LBB2_2:
0x2b: {  	s2 =	sshll.u32 s1, $0x4  }
0x2c: {  	s8 =	sadd.s32 s9, s2  }
0x2d: {  	s14 =	smul.u32 $0x7, s8;
	_ =	sdelay $0x1  }
0x2e: {  	s2 =	simm.s32 $0x0;
	s16 =	sadd.s32 s4, s14  }
0x2f: {  	[tilespmem:s0], [sflag:$0x3] =	stream.linear.gather [hbm4b:s16+s2], $0x1C0, $0x38;
	[tilespmem:$0xD300] =	vst v63  }
0x30: {  	_ =	swait.ge [sflag:s13], $0x1C0  }
0x31: {  	[sflag:s13] =	ssyncset.done $0x0  }
0x32: {  	s14 =	sadd.s32 s5, s14;
	s16 =	simm.s32 $0x540;
	[sflag:s13] =	ssyncadd.s32 $0xFFFFFE40  }
0x33: {  	[tilespmem:s16], [sflag:$0x3] =	stream.linear.gather [hbm4b:s14+s2], $0x1C0, $0x38;
	[tilespmem:$0xD300] =	vst v63  }
0x34: {  	_ =	swait.ge [sflag:s13], $0x1C0  }
0x35: {  	[sflag:s13] =	ssyncset.done $0x0  }
0x36: {  	s16 =	simm.s32 $0x6B00;
	[sflag:s13] =	ssyncadd.s32 $0xFFFFFE40  }
0x37: {  	[tilespmem:s16], [sflag:$0x2] =	stream.indirect.gather [hbm4b:s6+s15], $0x40, s0, s15, $0xb8;
	[tilespmem:$0xD300] =	vst v63  }
0x38: {  	s14 =	simm.s32 $0x1F8;
	s16 =	simm.s32 $0x7780  }
0x39: {  	[tilespmem:s16], [sflag:$0x2] =	stream.indirect.gather [hbm4b:s6+s15], $0x40, s14, s15, $0xb8;
	[tilespmem:$0xD300] =	vst v63  }
0x3a: {  	s14 =	simm.s32 $0x230;
	s16 =	simm.s32 $0x8400  }
0x3b: {  	[tilespmem:s16], [sflag:$0x2] =	stream.indirect.gather [hbm4b:s6+s15], $0x40, s14, s15, $0xb8;
	[tilespmem:$0xD300] =	vst v63  }
0x3c: {  	s14 =	simm.s32 $0x268;
	s16 =	simm.s32 $0x9080  }
0x3d: {  	[tilespmem:s16], [sflag:$0x2] =	stream.indirect.gather [hbm4b:s6+s15], $0x40, s14, s15, $0xb8;
	[tilespmem:$0xD300] =	vst v63  }
0x3e: {  	s14 =	simm.s32 $0x2A0;
	s16 =	simm.s32 $0x9D00  }
0x3f: {  	[tilespmem:s16], [sflag:$0x2] =	stream.indirect.gather [hbm4b:s6+s15], $0x40, s14, s15, $0xb8;
	[tilespmem:$0xD300] =	vst v63  }
0x40: {  	s14 =	simm.s32 $0x2D8;
	s16 =	simm.s32 $0xA980  }
0x41: {  	[tilespmem:s16], [sflag:$0x2] =	stream.indirect.gather [hbm4b:s6+s15], $0x40, s14, s15, $0xb8;
	[tilespmem:$0xD300] =	vst v63  }
0x42: {  	s14 =	simm.s32 $0x310;
	s16 =	simm.s32 $0xB600  }
0x43: {  	[tilespmem:s16], [sflag:$0x2] =	stream.indirect.gather [hbm4b:s6+s15], $0x40, s14, s15, $0xb8;
	[tilespmem:$0xD300] =	vst v63  }
0x44: {  	s14 =	simm.s32 $0x348;
	s16 =	simm.s32 $0xC280  }
0x45: {  	[tilespmem:s16], [sflag:$0x2] =	stream.indirect.gather [hbm4b:s6+s15], $0x40, s14, s15, $0xb8;
	[tilespmem:$0xD300] =	vst v63  }
0x46: {  	_ =	swait.ge [sflag:s7], $0xC80  }
0x47: {  	[sflag:s7] =	ssyncset.done $0x0  }
0x48: {  	[sflag:s7] =	ssyncadd.s32 $0xFFFFF380  }
0x49: {  	_ =	swait.ge [sflag:s7], $0xC80  }
0x4a: {  	[sflag:s7] =	ssyncset.done $0x0  }
0x4b: {  	[sflag:s7] =	ssyncadd.s32 $0xFFFFF380  }
0x4c: {  	_ =	swait.ge [sflag:s7], $0xC80  }
0x4d: {  	[sflag:s7] =	ssyncset.done $0x0  }
0x4e: {  	[sflag:s7] =	ssyncadd.s32 $0xFFFFF380  }
0x4f: {  	_ =	swait.ge [sflag:s7], $0xC80  }
0x50: {  	[sflag:s7] =	ssyncset.done $0x0  }
0x51: {  	[sflag:s7] =	ssyncadd.s32 $0xFFFFF380  }
0x52: {  	_ =	swait.ge [sflag:s7], $0xC80  }
0x53: {  	[sflag:s7] =	ssyncset.done $0x0  }
0x54: {  	[sflag:s7] =	ssyncadd.s32 $0xFFFFF380  }
0x55: {  	_ =	swait.ge [sflag:s7], $0xC80  }
0x56: {  	[sflag:s7] =	ssyncset.done $0x0  }
0x57: {  	[sflag:s7] =	ssyncadd.s32 $0xFFFFF380  }
0x58: {  	_ =	swait.ge [sflag:s7], $0xC80  }
0x59: {  	[sflag:s7] =	ssyncset.done $0x0  }
0x5a: {  	[sflag:s7] =	ssyncadd.s32 $0xFFFFF380  }
0x5b: {  	_ =	swait.ge [sflag:s7], $0xC80  }
0x5c: {  	[sflag:s7] =	ssyncset.done $0x0  }
0x5d: {  	[sflag:s7] =	ssyncadd.s32 $0xFFFFF380  }
.LBB2_3:
0x5e: {  	s14 =	smul.u32 $0xE0, s2;
	_ =	sdelay $0x1  }
0x5f: {  	s14 =	sshra.s32 s14, $0x2  }
0x60: {  	v3 =	vld [tilespmem:s14+$0x380]  }
0x61: {  	s16 =	smul.u32 $0x3200, s2;
	v2 =	vld [tilespmem:s14+$0x390]  }
0x62: {  	v1 =	vld [tilespmem:s14+$0x3A0]  }
0x63: {  	s16 =	sshra.s32 s16, $0x2;
	v0 =	vld [tilespmem:s14+$0x3A2]  }
0x64: {  	v4 =	vld [tilespmem:s16+$0x700]  }
0x65: {  	v5 =	vld [tilespmem:s16+$0x710]  }
0x66: {  	v6 =	vld [tilespmem:s16+$0x720]  }
0x67: {  	v7 =	vld [tilespmem:s16+$0x730]  }
0x68: {  	v8 =	vld [tilespmem:s16+$0x740]  }
0x69: {  	v9 =	vld [tilespmem:s16+$0x750]  }
0x6a: {  	v10 =	vld [tilespmem:s16+$0x760]  }
0x6b: {  	v11 =	vld [tilespmem:s16+$0x770]  }
0x6c: {  	v12 =	vld [tilespmem:s16+$0x780]  }
0x6d: {  	v13 =	vld [tilespmem:s16+$0x790]  }
0x6e: {  	v14 =	vld [tilespmem:s16+$0x7A0]  }
0x6f: {  	v15 =	vld [tilespmem:s16+$0x7B0]  }
0x70: {  	v16 =	vld [tilespmem:s16+$0x7C0]  }
0x71: {  	v17 =	vld [tilespmem:s16+$0x7D0]  }
0x72: {  	v18 =	vld [tilespmem:s16+$0x7E0]  }
0x73: {  	v19 =	vld [tilespmem:s16+$0x7F0]  }
0x74: {  	v20 =	vld [tilespmem:s16+$0x800]  }
0x75: {  	v21 =	vld [tilespmem:s16+$0x810]  }
0x76: {  	v22 =	vld [tilespmem:s16+$0x820]  }
0x77: {  	v23 =	vld [tilespmem:s16+$0x830]  }
0x78: {  	v24 =	vld [tilespmem:s16+$0x840]  }
0x79: {  	v25 =	vld [tilespmem:s16+$0x850]  }
0x7a: {  	v26 =	vld [tilespmem:s16+$0x860]  }
0x7b: {  	v27 =	vld [tilespmem:s16+$0x870]  }
0x7c: {  	v28 =	vld [tilespmem:s16+$0x880]  }
0x7d: {  	v29 =	vld [tilespmem:s16+$0x890]  }
0x7e: {  	v30 =	vld [tilespmem:s16+$0x8A0]  }
0x7f: {  	v31 =	vld [tilespmem:s16+$0x8B0]  }
0x80: {  	v32 =	vld [tilespmem:s16+$0x8C0]  }
0x81: {  	v33 =	vld [tilespmem:s16+$0x8D0]  }
0x82: {  	v34 =	vld [tilespmem:s16+$0x8E0]  }
0x83: {  	v35 =	vld [tilespmem:s16+$0x8F0]  }
0x84: {  	v36 =	vld [tilespmem:s16+$0x900]  }
0x85: {  	v37 =	vld [tilespmem:s16+$0x910]  }
0x86: {  	v38 =	vld [tilespmem:s16+$0x920]  }
0x87: {  	v40 =	vld [tilespmem:s16+$0x930]  }
0x88: {  	v41 =	vld [tilespmem:s16+$0x940]  }
0x89: {  	v42 =	vld [tilespmem:s16+$0x950]  }
0x8a: {  	v44 =	vld [tilespmem:s16+$0x960];
	v39 =	vbroadcast v3, $0x0  }
0x8b: {  	v46 =	vld [tilespmem:s16+$0x980];
	v43 =	vbroadcast v3, $0x1;
	v58 =	vbroadcast v3, $0x2  }
0x8c: {  	v47 =	vld [tilespmem:s16+$0x990];
	v63 =	vbroadcast v3, $0x3;
	v52 =	vbroadcast v3, $0x4  }
0x8d: {  	v48 =	vld [tilespmem:s16+$0x9A0];
	v4 =	vmul.f32 v4, v39;
	v5 =	vmul.f32 v5, v39  }
0x8e: {  	v45 =	vadd.f32 $0.0e+00, v39;
	v6 =	vmul.f32 v6, v39;
	v7 =	vmul.f32 v7, v39;
	v39 =	vld [tilespmem:s16+$0x970]  }
0x8f: {  	v56 =	vbroadcast v3, $0x5;
	v59 =	vmul.f32 v11, v43;
	v11 =	vld [tilespmem:s16+$0x9B0]  }
0x90: {  	v8 =	vmul.f32 v8, v43;
	v61 =	vmul.f32 v13, v58;
	v13 =	vld [tilespmem:s16+$0x9C0]  }
0x91: {  	v57 =	vmul.f32 v10, v43;
	v10 =	vmul.f32 v15, v58;
	v15 =	vld [tilespmem:s16+$0x9E0]  }
0x92: {  	v9 =	vmul.f32 v9, v43;
	v60 =	vmul.f32 v12, v58;
	v12 =	vld [tilespmem:s16+$0x9F0]  }
0x93: {  	v62 =	vmul.f32 v14, v58;
	v51 =	vmul.f32 v17, v63;
	v17 =	vld [tilespmem:s16+$0xA00]  }
0x94: {  	v50 =	vmul.f32 v16, v63;
	v14 =	vmul.f32 v19, v63;
	v19 =	vld [tilespmem:s16+$0xA10]  }
0x95: {  	v54 =	vmul.f32 v21, v52;
	v21 =	vld [tilespmem:s16+$0xA40];
	v4 =	vadd.f32 $0.0e+00, v4;
	v5 =	vadd.f32 $0.0e+00, v5  }
0x96: {  	v18 =	vmul.f32 v18, v63;
	v16 =	vld [tilespmem:s16+$0xA50];
	v6 =	vadd.f32 $0.0e+00, v6;
	v7 =	vadd.f32 $0.0e+00, v7  }
0x97: {  	v53 =	vmul.f32 v20, v52;
	v20 =	vld [tilespmem:s16+$0xA80];
	v45 =	vadd.f32 v45, v43;
	v4 =	vadd.f32 v8, v4  }
0x98: {  	v55 =	vmul.f32 v22, v52;
	v22 =	vld [tilespmem:s16+$0xA90];
	v5 =	vadd.f32 v9, v5;
	v6 =	vadd.f32 v57, v6  }
0x99: {  	v43 =	vld [tilespmem:s16+$0x9D0];
	v7 =	vadd.f32 v59, v7;
	v49 =	vadd.f32 v45, v58;
	v57 =	vmul.f32 v23, v52  }
0x9a: {  	v58 =	vmul.f32 v24, v56;
	v23 =	vld [tilespmem:s16+$0xA60];
	v4 =	vadd.f32 v60, v4;
	v5 =	vadd.f32 v61, v5  }
0x9b: {  	v59 =	vmul.f32 v25, v56;
	v25 =	vld [tilespmem:s16+$0xA70];
	v6 =	vadd.f32 v62, v6;
	v7 =	vadd.f32 v10, v7  }
0x9c: {  	v9 =	vld [tilespmem:s16+$0xD40];
	v8 =	vadd.f32 v49, v63;
	v60 =	vmul.f32 v26, v56;
	v61 =	vbroadcast v3, $0x6  }
0x9d: {  	v10 =	vld [tilespmem:s16+$0xA20];
	v62 =	vmul.f32 v27, v56;
	v4 =	vadd.f32 v50, v4;
	v5 =	vadd.f32 v51, v5  }
0x9e: {  	v49 =	vbroadcast v3, $0x7;
	v27 =	vld [tilespmem:s16+$0xAA0];
	v6 =	vadd.f32 v18, v6;
	v7 =	vadd.f32 v14, v7  }
0x9f: {  	v26 =	vld [tilespmem:s16+$0xAF0];
	v8 =	vadd.f32 v8, v52;
	v63 =	vmul.f32 v28, v61;
	v45 =	vmul.f32 v29, v61  }
0xa0: {  	v18 =	vld [tilespmem:s16+$0xA30];
	v50 =	vmul.f32 v30, v61;
	v24 =	vmul.f32 v31, v61;
	v4 =	vadd.f32 v53, v4  }
0xa1: {  	v29 =	vld [tilespmem:s16+$0xAB0];
	v51 =	vmul.f32 v32, v49;
	v5 =	vadd.f32 v54, v5;
	v6 =	vadd.f32 v55, v6  }
0xa2: {  	v14 =	vld [tilespmem:s16+$0xAC0];
	v52 =	vmul.f32 v33, v49;
	v7 =	vadd.f32 v57, v7;
	v8 =	vadd.f32 v8, v56  }
0xa3: {  	v28 =	vld [tilespmem:s16+$0xAD0];
	v53 =	vmul.f32 v34, v49;
	v54 =	vbroadcast v3, $0x8;
	v4 =	vadd.f32 v58, v4  }
0xa4: {  	v31 =	vld [tilespmem:s16+$0xAE0];
	v55 =	vmul.f32 v35, v49;
	v5 =	vadd.f32 v59, v5;
	v6 =	vadd.f32 v60, v6  }
0xa5: {  	v33 =	vld [tilespmem:s16+$0xB00];
	v7 =	vadd.f32 v62, v7;
	v56 =	vmul.f32 v36, v54;
	v57 =	vmul.f32 v37, v54  }
0xa6: {  	v30 =	vld [tilespmem:s16+$0xB20];
	v8 =	vadd.f32 v8, v61;
	v58 =	vmul.f32 v38, v54;
	v59 =	vbroadcast v3, $0x9  }
0xa7: {  	v32 =	vld [tilespmem:s16+$0xB30];
	v60 =	vmul.f32 v40, v54;
	v4 =	vadd.f32 v63, v4;
	v5 =	vadd.f32 v45, v5  }
0xa8: {  	v35 =	vld [tilespmem:s16+$0xB10];
	v6 =	vadd.f32 v50, v6;
	v61 =	vmul.f32 v41, v59;
	v62 =	vmul.f32 v42, v59  }
0xa9: {  	v37 =	vld [tilespmem:s16+$0xB40];
	v7 =	vadd.f32 v24, v7;
	v63 =	vbroadcast v3, $0xA;
	v45 =	vmul.f32 v44, v59  }
0xaa: {  	v38 =	vld [tilespmem:s16+$0xB70];
	v8 =	vadd.f32 v8, v49;
	v34 =	vmul.f32 v39, v59;
	v49 =	vbroadcast v3, $0xB  }
0xab: {  	v36 =	vld [tilespmem:s16+$0xBA0];
	v44 =	vbroadcast v2, $0x0;
	v4 =	vadd.f32 v51, v4;
	v5 =	vadd.f32 v52, v5  }
0xac: {  	v39 =	vld [tilespmem:s16+$0xB50];
	v6 =	vadd.f32 v53, v6;
	v46 =	vmul.f32 v46, v63;
	v47 =	vmul.f32 v47, v63  }
0xad: {  	v24 =	vld [tilespmem:s16+$0xB60];
	v7 =	vadd.f32 v55, v7;
	v48 =	vmul.f32 v48, v63;
	v11 =	vmul.f32 v11, v63  }
0xae: {  	v41 =	vld [tilespmem:s16+$0xB80];
	v8 =	vadd.f32 v8, v54;
	v50 =	vmul.f32 v13, v49;
	v51 =	vmul.f32 v43, v49  }
0xaf: {  	v42 =	vld [tilespmem:s16+$0xBB0];
	v52 =	vmul.f32 v15, v49;
	v53 =	vbroadcast v3, $0xC;
	v4 =	vadd.f32 v56, v4  }
0xb0: {  	v54 =	vmul.f32 v12, v49;
	v12 =	vld [tilespmem:s16+$0xBC0];
	v5 =	vadd.f32 v57, v5;
	v6 =	vadd.f32 v58, v6  }
0xb1: {  	v13 =	vld [tilespmem:s16+$0xBD0];
	v7 =	vadd.f32 v60, v7;
	v55 =	vmul.f32 v17, v53;
	v56 =	vmul.f32 v19, v53  }
0xb2: {  	v8 =	vadd.f32 v8, v59;
	v57 =	vbroadcast v3, $0xD;
	v19 =	vld [tilespmem:s16+$0xBE0];
	v10 =	vmul.f32 v10, v53  }
0xb3: {  	v15 =	vmul.f32 v18, v53;
	v18 =	vld [tilespmem:s16+$0xBF0];
	v4 =	vadd.f32 v61, v4;
	v5 =	vadd.f32 v62, v5  }
0xb4: {  	v17 =	vld [tilespmem:s16+$0xC30];
	v6 =	vadd.f32 v45, v6;
	v58 =	vmul.f32 v21, v57;
	v59 =	vmul.f32 v16, v57  }
0xb5: {  	v7 =	vadd.f32 v34, v7;
	v34 =	vld [tilespmem:s16+$0xB90];
	v60 =	vmul.f32 v23, v57;
	v61 =	vbroadcast v3, $0xE  }
0xb6: {  	v8 =	vadd.f32 v8, v63;
	v21 =	vld [tilespmem:s16+$0xC20];
	v62 =	vmul.f32 v25, v57;
	v3 =	vbroadcast v3, $0xF  }
0xb7: {  	v23 =	vld [tilespmem:s16+$0xC50];
	v4 =	vadd.f32 v46, v4;
	v63 =	vmul.f32 v20, v61;
	v25 =	vmul.f32 v22, v61  }
0xb8: {  	v16 =	vld [tilespmem:s16+$0xC60];
	v5 =	vadd.f32 v47, v5;
	v27 =	vmul.f32 v27, v61;
	v29 =	vmul.f32 v29, v61  }
0xb9: {  	v7 =	vadd.f32 v11, v7;
	v11 =	vld [tilespmem:s16+$0xC00];
	v40 =	vmul.f32 v14, v3;
	v43 =	vmul.f32 v28, v3  }
0xba: {  	v6 =	vadd.f32 v48, v6;
	v22 =	vld [tilespmem:s16+$0xC40];
	v45 =	vmul.f32 v31, v3;
	v46 =	vmul.f32 v33, v44  }
0xbb: {  	v8 =	vadd.f32 v8, v49;
	v14 =	vld [tilespmem:s16+$0xC70];
	v47 =	vmul.f32 v35, v44;
	v48 =	vmul.f32 v30, v44  }
0xbc: {  	v49 =	vbroadcast v2, $0x1;
	v20 =	vld [tilespmem:s16+$0xCD0];
	v4 =	vadd.f32 v50, v4;
	v5 =	vadd.f32 v51, v5  }
0xbd: {  	v31 =	vld [tilespmem:s16+$0xCE0];
	v6 =	vadd.f32 v52, v6;
	v7 =	vadd.f32 v54, v7;
	v50 =	vmul.f32 v32, v44  }
0xbe: {  	v28 =	vld [tilespmem:s16+$0xD00];
	v8 =	vadd.f32 v8, v53;
	v51 =	vmul.f32 v37, v49;
	v52 =	vmul.f32 v39, v49  }
0xbf: {  	v30 =	vld [tilespmem:s16+$0xD10];
	v54 =	vbroadcast v2, $0x2;
	v4 =	vadd.f32 v55, v4;
	v5 =	vadd.f32 v56, v5  }
0xc0: {  	v53 =	vmul.f32 v24, v49;
	v32 =	vld [tilespmem:s16+$0xCF0];
	v6 =	vadd.f32 v10, v6;
	v7 =	vadd.f32 v15, v7  }
0xc1: {  	v15 =	vld [tilespmem:s16+$0xC10];
	v8 =	vadd.f32 v8, v57;
	v55 =	vmul.f32 v38, v49;
	v56 =	vmul.f32 v41, v54  }
0xc2: {  	v10 =	vld [tilespmem:s16+$0xCA0];
	v57 =	vmul.f32 v34, v54;
	v24 =	vmul.f32 v42, v54;
	v4 =	vadd.f32 v58, v4  }
0xc3: {  	v34 =	vld [tilespmem:s16+$0xD20];
	v41 =	vbroadcast v2, $0x5;
	v5 =	vadd.f32 v59, v5;
	v6 =	vadd.f32 v60, v6  }
0xc4: {  	v42 =	vld [tilespmem:s16+$0xD90];
	v7 =	vadd.f32 v62, v7;
	v8 =	vadd.f32 v8, v61;
	v58 =	vbroadcast v2, $0x3  }
0xc5: {  	v59 =	vmul.f32 v36, v54;
	v36 =	vld [tilespmem:s16+$0xD30];
	v16 =	vmul.f32 v16, v41;
	v4 =	vadd.f32 v63, v4  }
0xc6: {  	v14 =	vmul.f32 v14, v41;
	v5 =	vadd.f32 v25, v5;
	v6 =	vadd.f32 v27, v6;
	v25 =	vld [tilespmem:s16+$0xC80]  }
0xc7: {  	v8 =	vadd.f32 v8, v3;
	v3 =	vmul.f32 v26, v3;
	v26 =	vld [tilespmem:s16+$0xC90];
	v60 =	vmul.f32 v12, v58  }
0xc8: {  	v7 =	vadd.f32 v29, v7;
	v27 =	vld [tilespmem:s16+$0xCB0];
	v61 =	vmul.f32 v13, v58;
	v62 =	vmul.f32 v19, v58  }
0xc9: {  	v29 =	vld [tilespmem:s16+$0xCC0];
	v63 =	vbroadcast v2, $0x4;
	v4 =	vadd.f32 v40, v4;
	v5 =	vadd.f32 v43, v5  }
0xca: {  	v13 =	vld [tilespmem:s16+$0xD50];
	v37 =	vmul.f32 v18, v58;
	v6 =	vadd.f32 v45, v6;
	v3 =	vadd.f32 v3, v7  }
0xcb: {  	v18 =	vld [tilespmem:s16+$0xD70];
	v8 =	vadd.f32 v8, v44;
	v38 =	vmul.f32 v11, v63;
	v39 =	vmul.f32 v15, v63  }
0xcc: {  	v12 =	vld [tilespmem:s16+$0xDB0];
	v40 =	vmul.f32 v21, v63;
	v4 =	vadd.f32 v46, v4;
	v5 =	vadd.f32 v47, v5  }
0xcd: {  	v19 =	vld [tilespmem:s16+$0xE10];
	v44 =	vmul.f32 v17, v63;
	v6 =	vadd.f32 v48, v6;
	v3 =	vadd.f32 v50, v3  }
0xce: {  	v15 =	vld [tilespmem:s16+$0xD80];
	v8 =	vadd.f32 v8, v49;
	v46 =	vmul.f32 v22, v41;
	v47 =	vmul.f32 v23, v41  }
0xcf: {  	v45 =	vld [tilespmem:s16+$0xDA0];
	v48 =	vbroadcast v2, $0x6;
	v4 =	vadd.f32 v51, v4;
	v5 =	vadd.f32 v52, v5  }
0xd0: {  	v21 =	vld [tilespmem:s16+$0xDD0];
	v23 =	vbroadcast v1, $0x7;
	v6 =	vadd.f32 v53, v6;
	v3 =	vadd.f32 v55, v3  }
0xd1: {  	v11 =	vld [tilespmem:s16+$0xDE0];
	v8 =	vadd.f32 v8, v54;
	v50 =	vmul.f32 v25, v48;
	v51 =	vmul.f32 v26, v48  }
0xd2: {  	v49 =	vld [tilespmem:s16+$0xDC0];
	v52 =	vmul.f32 v10, v48;
	v53 =	vbroadcast v2, $0x7;
	v4 =	vadd.f32 v56, v4  }
0xd3: {  	v54 =	vld [tilespmem:s16+$0xE00];
	v55 =	vmul.f32 v27, v48;
	v5 =	vadd.f32 v57, v5;
	v6 =	vadd.f32 v59, v6  }
0xd4: {  	v27 =	vld [tilespmem:s16+$0xE30];
	v3 =	vadd.f32 v24, v3;
	v8 =	vadd.f32 v8, v58;
	v56 =	vmul.f32 v29, v53  }
0xd5: {  	v10 =	vld [tilespmem:s16+$0xE40];
	v20 =	vmul.f32 v20, v53;
	v59 =	vbroadcast v2, $0x8;
	v4 =	vadd.f32 v60, v4  }
0xd6: {  	v25 =	vld [tilespmem:s16+$0x1150];
	v58 =	vmul.f32 v31, v53;
	v5 =	vadd.f32 v61, v5;
	v6 =	vadd.f32 v62, v6  }
0xd7: {  	v24 =	vld [tilespmem:s16+$0xD60];
	v3 =	vadd.f32 v37, v3;
	v60 =	vmul.f32 v32, v53;
	v61 =	vmul.f32 v28, v59  }
0xd8: {  	v57 =	vld [tilespmem:s16+$0xE20];
	v43 =	vadd.f32 v8, v63;
	v62 =	vmul.f32 v30, v59;
	v63 =	vbroadcast v2, $0x9  }
0xd9: {  	v29 =	vld [tilespmem:s16+$0xE60];
	v35 =	vmul.f32 v34, v59;
	v26 =	vmul.f32 v36, v59;
	v4 =	vadd.f32 v38, v4  }
0xda: {  	v31 =	vld [tilespmem:s16+$0x1070];
	v34 =	vbroadcast v2, $0xE;
	v5 =	vadd.f32 v39, v5;
	v6 =	vadd.f32 v40, v6  }
0xdb: {  	v36 =	vld [tilespmem:s16+$0xE70];
	v3 =	vadd.f32 v44, v3;
	v37 =	vmul.f32 v9, v63;
	v13 =	vmul.f32 v13, v63  }
0xdc: {  	v32 =	vld [tilespmem:s16+$0xF60];
	v7 =	vadd.f32 v43, v41;
	v39 =	vbroadcast v2, $0xA;
	v40 =	vmul.f32 v18, v63  }
0xdd: {  	v28 =	vld [tilespmem:s16+$0x1050];
	v38 =	vmul.f32 v24, v63;
	v4 =	vadd.f32 v46, v4;
	v5 =	vadd.f32 v47, v5  }
0xde: {  	v9 =	vld [tilespmem:s16+$0xE80];
	v6 =	vadd.f32 v16, v6;
	v3 =	vadd.f32 v14, v3;
	v41 =	vmul.f32 v15, v39  }
0xdf: {  	v18 =	vld [tilespmem:s16+$0xEB0];
	v7 =	vadd.f32 v7, v48;
	v44 =	vmul.f32 v45, v39;
	v45 =	vbroadcast v2, $0xB  }
0xe0: {  	v30 =	vld [tilespmem:s16+$0x1060];
	v42 =	vmul.f32 v42, v39;
	v47 =	vmul.f32 v12, v39;
	v4 =	vadd.f32 v50, v4  }
0xe1: {  	v43 =	vld [tilespmem:s16+$0xEC0];
	v5 =	vadd.f32 v51, v5;
	v6 =	vadd.f32 v52, v6;
	v49 =	vmul.f32 v49, v45  }
0xe2: {  	v16 =	vld [tilespmem:s16+$0xDF0];
	v3 =	vadd.f32 v55, v3;
	v50 =	vmul.f32 v21, v45;
	v51 =	vbroadcast v2, $0xC  }
0xe3: {  	v14 =	vld [tilespmem:s16+$0xE90];
	v7 =	vadd.f32 v7, v53;
	v11 =	vmul.f32 v11, v45;
	v9 =	vmul.f32 v9, v34  }
0xe4: {  	v46 =	vld [tilespmem:s16+$0xED0];
	v18 =	vmul.f32 v18, v34;
	v4 =	vadd.f32 v56, v4;
	v5 =	vadd.f32 v20, v5  }
0xe5: {  	v48 =	vld [tilespmem:s16+$0xEE0];
	v6 =	vadd.f32 v58, v6;
	v3 =	vadd.f32 v60, v3;
	v54 =	vmul.f32 v54, v51  }
0xe6: {  	v15 =	vld [tilespmem:s16+$0xEF0];
	v7 =	vadd.f32 v7, v59;
	v56 =	vmul.f32 v19, v51;
	v57 =	vmul.f32 v57, v51  }
0xe7: {  	v52 =	vld [tilespmem:s16+$0xF00];
	v58 =	vbroadcast v2, $0xD;
	v60 =	vmul.f32 v27, v51;
	v4 =	vadd.f32 v61, v4  }
0xe8: {  	v53 =	vld [tilespmem:s16+$0xF10];
	v2 =	vbroadcast v2, $0xF;
	v5 =	vadd.f32 v62, v5;
	v6 =	vadd.f32 v35, v6  }
0xe9: {  	v20 =	vld [tilespmem:s16+$0xE50];
	v16 =	vmul.f32 v16, v45;
	v3 =	vadd.f32 v26, v3;
	v7 =	vadd.f32 v7, v63  }
0xea: {  	v55 =	vld [tilespmem:s16+$0xF20];
	v62 =	vmul.f32 v10, v58;
	v33 =	vmul.f32 v29, v58;
	v4 =	vadd.f32 v37, v4  }
0xeb: {  	v59 =	vld [tilespmem:s16+$0xF40];
	v36 =	vmul.f32 v36, v58;
	v5 =	vadd.f32 v13, v5;
	v6 =	vadd.f32 v38, v6  }
0xec: {  	v27 =	vld [tilespmem:s16+$0x1160];
	v43 =	vmul.f32 v43, v2;
	v3 =	vadd.f32 v40, v3;
	v7 =	vadd.f32 v7, v39  }
0xed: {  	v26 =	vld [tilespmem:s16+$0xEA0];
	v39 =	vmul.f32 v14, v34;
	v4 =	vadd.f32 v41, v4;
	v5 =	vadd.f32 v42, v5  }
0xee: {  	v61 =	vld [tilespmem:s16+$0xF50];
	v63 =	vmul.f32 v20, v58;
	v6 =	vadd.f32 v44, v6;
	v3 =	vadd.f32 v47, v3  }
0xef: {  	v35 =	vld [tilespmem:s16+$0xF70];
	v7 =	vadd.f32 v7, v45;
	v45 =	vmul.f32 v46, v2;
	v4 =	vadd.f32 v49, v4  }
0xf0: {  	v37 =	vld [tilespmem:s16+$0xF80];
	v47 =	vmul.f32 v48, v2;
	v5 =	vadd.f32 v50, v5;
	v6 =	vadd.f32 v11, v6  }
0xf1: {  	v38 =	vld [tilespmem:s16+$0xF90];
	v48 =	vbroadcast v1, $0x0;
	v3 =	vadd.f32 v16, v3;
	v7 =	vadd.f32 v7, v51  }
0xf2: {  	v40 =	vld [tilespmem:s16+$0xFA0];
	v41 =	vmul.f32 v26, v34;
	v4 =	vadd.f32 v54, v4;
	v5 =	vadd.f32 v56, v5  }
0xf3: {  	v42 =	vld [tilespmem:s16+$0xFB0];
	v51 =	vmul.f32 v52, v48;
	v6 =	vadd.f32 v57, v6;
	v3 =	vadd.f32 v60, v3  }
0xf4: {  	v16 =	vld [tilespmem:s16+$0xF30];
	v7 =	vadd.f32 v7, v58;
	v54 =	vmul.f32 v55, v48;
	v55 =	vbroadcast v1, $0x1  }
0xf5: {  	v44 =	vld [tilespmem:s16+$0xFC0];
	v52 =	vmul.f32 v53, v48;
	v4 =	vadd.f32 v62, v4;
	v5 =	vadd.f32 v63, v5  }
0xf6: {  	v46 =	vld [tilespmem:s16+$0xFD0];
	v6 =	vadd.f32 v33, v6;
	v59 =	vmul.f32 v59, v55;
	v61 =	vmul.f32 v61, v55  }
0xf7: {  	v49 =	vld [tilespmem:s16+$0xFE0];
	v7 =	vadd.f32 v7, v34;
	v62 =	vbroadcast v1, $0x2;
	v20 =	vmul.f32 v32, v55  }
0xf8: {  	v50 =	vld [tilespmem:s16+$0xFF0];
	v3 =	vadd.f32 v36, v3;
	v13 =	vmul.f32 v35, v55;
	v33 =	vbroadcast v1, $0x3  }
0xf9: {  	v53 =	vld [tilespmem:s16+$0x1000];
	v57 =	vmul.f32 v16, v48;
	v7 =	vadd.f32 v7, v2;
	v2 =	vmul.f32 v15, v2  }
0xfa: {  	v56 =	vld [tilespmem:s16+$0x1010];
	v4 =	vadd.f32 v9, v4;
	v29 =	vmul.f32 v37, v62;
	v10 =	vmul.f32 v38, v62  }
0xfb: {  	v58 =	vld [tilespmem:s16+$0x1020];
	v5 =	vadd.f32 v39, v5;
	v32 =	vmul.f32 v40, v62;
	v35 =	vmul.f32 v42, v62  }
0xfc: {  	v60 =	vld [tilespmem:s16+$0x1030];
	v6 =	vadd.f32 v41, v6;
	v37 =	vmul.f32 v44, v33;
	v38 =	vmul.f32 v46, v33  }
0xfd: {  	v63 =	vld [tilespmem:s16+$0x1040];
	v3 =	vadd.f32 v18, v3;
	v40 =	vmul.f32 v49, v33;
	v41 =	vbroadcast v1, $0x4  }
0xfe: {  	v34 =	vld [tilespmem:s16+$0x1080];
	v44 =	vmul.f32 v50, v33;
	v4 =	vadd.f32 v43, v4;
	v5 =	vadd.f32 v45, v5  }
0xff: {  	v36 =	vld [tilespmem:s16+$0x1090];
	v49 =	vbroadcast v1, $0x5;
	v6 =	vadd.f32 v47, v6;
	v2 =	vadd.f32 v2, v3  }
0x100: {  	v50 =	vld [tilespmem:s16+$0x10E0];
	v7 =	vadd.f32 v7, v48;
	v46 =	vmul.f32 v53, v41;
	v48 =	vmul.f32 v56, v41  }
0x101: {  	v39 =	vld [tilespmem:s16+$0x10A0];
	v12 =	vmul.f32 v58, v41;
	v15 =	vmul.f32 v60, v41;
	v4 =	vadd.f32 v51, v4  }
0x102: {  	v42 =	vld [tilespmem:s16+$0x10B0];
	v56 =	vmul.f32 v30, v49;
	v5 =	vadd.f32 v52, v5;
	v3 =	vadd.f32 v54, v6  }
0x103: {  	v45 =	vld [tilespmem:s16+$0x10C0];
	v2 =	vadd.f32 v57, v2;
	v7 =	vadd.f32 v7, v55;
	v52 =	vmul.f32 v63, v49  }
0x104: {  	v47 =	vld [tilespmem:s16+$0x10D0];
	v54 =	vmul.f32 v28, v49;
	v57 =	vbroadcast v1, $0x6;
	v4 =	vadd.f32 v59, v4  }
0x105: {  	v53 =	vld [tilespmem:s16+$0x1100];
	v30 =	vmul.f32 v50, v23;
	v5 =	vadd.f32 v61, v5;
	v3 =	vadd.f32 v20, v3  }
0x106: {  	v51 =	vld [tilespmem:s16+$0x10F0];
	v2 =	vadd.f32 v13, v2;
	v59 =	vmul.f32 v31, v49;
	v61 =	vmul.f32 v34, v57  }
0x107: {  	v58 =	vld [tilespmem:s16+$0x1120];
	v7 =	vadd.f32 v7, v62;
	v62 =	vmul.f32 v36, v57;
	v22 =	vmul.f32 v39, v57  }
0x108: {  	v55 =	vld [tilespmem:s16+$0x1110];
	v26 =	vmul.f32 v42, v57;
	v4 =	vadd.f32 v29, v4;
	v5 =	vadd.f32 v10, v5  }
0x109: {  	v60 =	vld [tilespmem:s16+$0x1130];
	v11 =	vmul.f32 v45, v23;
	v3 =	vadd.f32 v32, v3;
	v2 =	vadd.f32 v35, v2  }
0x10a: {  	v31 =	vld [tilespmem:s16+$0x1180];
	v43 =	vadd.f32 v7, v33;
	v29 =	vmul.f32 v47, v23;
	v33 =	vbroadcast v1, $0x8  }
0x10b: {  	v34 =	vld [tilespmem:s16+$0x1190];
	v47 =	vbroadcast v1, $0xA;
	v32 =	vmul.f32 v51, v23;
	v4 =	vadd.f32 v37, v4  }
0x10c: {  	v63 =	vld [tilespmem:s16+$0x1140];
	v5 =	vadd.f32 v38, v5;
	v3 =	vadd.f32 v40, v3;
	v9 =	vmul.f32 v53, v33  }
0x10d: {  	v28 =	vld [tilespmem:s16+$0x1170];
	v2 =	vadd.f32 v44, v2;
	v37 =	vmul.f32 v55, v33;
	v38 =	vmul.f32 v58, v33  }
0x10e: {  	v35 =	vld [tilespmem:s16+$0x11A0];
	v6 =	vadd.f32 v43, v41;
	v40 =	vmul.f32 v60, v33;
	v41 =	vbroadcast v1, $0x9  }
0x10f: {  	v51 =	vmul.f32 v31, v47;
	v4 =	vadd.f32 v46, v4;
	v5 =	vadd.f32 v48, v5  }
0x110: {  	v53 =	vmul.f32 v34, v47;
	v3 =	vadd.f32 v12, v3;
	v6 =	vadd.f32 v6, v49  }
0x111: {  	v36 =	vld [tilespmem:s16+$0x11B0];
	v2 =	vadd.f32 v15, v2;
	v44 =	vmul.f32 v63, v41;
	v45 =	vmul.f32 v25, v41  }
0x112: {  	v39 =	vld [tilespmem:s16+$0x11C0];
	v8 =	vmul.f32 v27, v41;
	v50 =	vmul.f32 v28, v41;
	v6 =	vadd.f32 v6, v57  }
0x113: {  	v42 =	vld [tilespmem:s16+$0x11D0];
	v7 =	vmul.f32 v35, v47;
	v35 =	vbroadcast v0, $0xE;
	v4 =	vadd.f32 v52, v4  }
0x114: {  	v43 =	vld [tilespmem:s16+$0x11E0];
	v0 =	vbroadcast v0, $0xF;
	v5 =	vadd.f32 v54, v5;
	v6 =	vadd.f32 v6, v23  }
0x115: {  	v55 =	vld [tilespmem:s16+$0x1230];
	v3 =	vadd.f32 v56, v3;
	v2 =	vadd.f32 v59, v2;
	v54 =	vbroadcast v1, $0xB  }
0x116: {  	v58 =	vld [tilespmem:s16+$0x1250];
	v57 =	vbroadcast v1, $0xC;
	v4 =	vadd.f32 v61, v4;
	v6 =	vadd.f32 v6, v33  }
0x117: {  	v46 =	vld [tilespmem:s16+$0x11F0];
	v59 =	vmul.f32 v36, v47;
	v5 =	vadd.f32 v62, v5;
	v3 =	vadd.f32 v22, v3  }
0x118: {  	v48 =	vld [tilespmem:s16+$0x1200];
	v60 =	vmul.f32 v39, v54;
	v18 =	vmul.f32 v42, v54;
	v6 =	vadd.f32 v6, v41  }
0x119: {  	v25 =	vld [tilespmem:s16+$0x1280];
	v2 =	vadd.f32 v26, v2;
	v62 =	vbroadcast v1, $0xD;
	v24 =	vmul.f32 v43, v54  }
0x11a: {  	v31 =	vld [tilespmem:s16+$0x12B0];
	v26 =	vbroadcast v1, $0xE;
	v1 =	vbroadcast v1, $0xF;
	v6 =	vadd.f32 v6, v47  }
0x11b: {  	v52 =	vld [tilespmem:s16+$0x1220];
	v36 =	vmul.f32 v55, v57;
	v4 =	vadd.f32 v11, v4;
	v5 =	vadd.f32 v29, v5  }
0x11c: {  	v49 =	vld [tilespmem:s16+$0x1210];
	v28 =	vmul.f32 v46, v54;
	v3 =	vadd.f32 v30, v3;
	v6 =	vadd.f32 v6, v54  }
0x11d: {  	v63 =	vld [tilespmem:s16+$0x1270];
	v2 =	vadd.f32 v32, v2;
	v29 =	vmul.f32 v48, v57;
	v14 =	vmul.f32 v58, v62  }
0x11e: {  	v61 =	vld [tilespmem:s16+$0x1260];
	v43 =	vmul.f32 v25, v26;
	v4 =	vadd.f32 v9, v4;
	v6 =	vadd.f32 v6, v57  }
0x11f: {  	v42 =	vld [tilespmem:s16+$0x1310];
	v48 =	vmul.f32 v31, v26;
	v5 =	vadd.f32 v37, v5;
	v3 =	vadd.f32 v38, v3  }
0x120: {  	v56 =	vld [tilespmem:s16+$0x1240];
	v32 =	vmul.f32 v52, v57;
	v2 =	vadd.f32 v40, v2;
	v6 =	vadd.f32 v6, v62  }
0x121: {  	v27 =	vld [tilespmem:s16+$0x1290];
	v9 =	vmul.f32 v49, v57;
	v4 =	vadd.f32 v44, v4;
	v5 =	vadd.f32 v45, v5  }
0x122: {  	v30 =	vld [tilespmem:s16+$0x12A0];
	v41 =	vmul.f32 v63, v62;
	v3 =	vadd.f32 v8, v3;
	v6 =	vadd.f32 v6, v26  }
0x123: {  	v33 =	vld [tilespmem:s16+$0x12C0];
	v39 =	vmul.f32 v61, v62;
	v2 =	vadd.f32 v50, v2;
	v4 =	vadd.f32 v51, v4  }
0x124: {  	v37 =	vld [tilespmem:s16+$0x12E0];
	v55 =	vmul.f32 v42, v35;
	v5 =	vadd.f32 v53, v5;
	v6 =	vadd.f32 v6, v1  }
0x125: {  	v8 =	vmul.f32 v56, v62;
	v3 =	vadd.f32 v7, v3;
	v2 =	vadd.f32 v59, v2  }
0x126: {  	v49 =	vld [tilespmem:s16+$0x1340];
	v44 =	vmul.f32 v27, v26;
	v4 =	vadd.f32 v60, v4;
	v6 =	vadd.f32 v6, v35  }
0x127: {  	v45 =	vld [tilespmem:s16+$0x1320];
	v46 =	vmul.f32 v30, v26;
	v5 =	vadd.f32 v18, v5;
	v3 =	vadd.f32 v24, v3  }
0x128: {  	v34 =	vld [tilespmem:s16+$0x12D0];
	v50 =	vmul.f32 v33, v1;
	v4 =	vadd.f32 v29, v4;
	v6 =	vadd.f32 v6, v0  }
0x129: {  	v40 =	vld [tilespmem:s16+$0x1300];
	v52 =	vmul.f32 v37, v1;
	v2 =	vadd.f32 v28, v2;
	v5 =	vadd.f32 v9, v5  }
0x12a: {  	v38 =	vld [tilespmem:s16+$0x12F0];
	v3 =	vadd.f32 v32, v3;
	v4 =	vadd.f32 v8, v4;
	(erf) = vrcp.f32 v6  }
0x12b: {  	v47 =	vld [tilespmem:s16+$0x1330];
	v57 =	vmul.f32 v49, v0;
	v2 =	vadd.f32 v36, v2;
	v5 =	vadd.f32 v14, v5  }
0x12c: {  	v51 =	vld [tilespmem:s16+$0x1350];
	v56 =	vmul.f32 v45, v35;
	v3 =	vadd.f32 v39, v3;
	v4 =	vadd.f32 v43, v4  }
0x12d: {  	v53 =	vld [tilespmem:s16+$0x1360];
	v9 =	vmul.f32 v34, v1;
	v2 =	vadd.f32 v41, v2;
	v5 =	vadd.f32 v44, v5  }
0x12e: {  	v54 =	vld [tilespmem:s16+$0x1370];
	v8 =	vmul.f32 v40, v35;
	v3 =	vadd.f32 v46, v3;
	v4 =	vadd.f32 v50, v4  }
0x12f: {  	v2 =	vadd.f32 v48, v2;
	v1 =	vmul.f32 v38, v1;
	v5 =	vadd.f32 v9, v5  }
0x130: {  	v58 =	vmul.f32 v47, v35;
	v3 =	vadd.f32 v52, v3;
	v4 =	vadd.f32 v8, v4  }
0x131: {  	v59 =	vmul.f32 v51, v0;
	v1 =	vadd.f32 v1, v2;
	v2 =	vadd.f32 v55, v5  }
0x132: {  	v60 =	vmul.f32 v53, v0;
	v3 =	vadd.f32 v56, v3;
	v4 =	vadd.f32 v57, v4  }
0x133: {  	v1 =	vadd.f32 v58, v1;
	v0 =	vmul.f32 v54, v0;
	v2 =	vadd.f32 v59, v2;
	v61 =	vpop (erf)  }
0x134: {  	p0 =	sne.s32 s2, $0x7;
	s16 =	sshll.u32 s2, $0x6;
	v3 =	vadd.f32 v60, v3;
	v4 =	vmul.f32 v4, v61  }
.Ltmp0:
0x135: {  	s14 =	sand.u32 $0x3FFFFFC0, s16;
	v0 =	vadd.f32 v0, v1;
	v62 =	vmul.f32 v2, v61;
	(pc) =	sbr.rel @p0 .LBB2_3-.Ltmp0, $4  }
0x136: {  	v63 =	vmul.f32 v3, v61;
	[tilespmem:s14+$0xCF00] =	vst v4  }
0x137: {  	v0 =	vmul.f32 v0, v61;
	[tilespmem:s14+$0xCF10] =	vst v62  }
0x138: {  	[tilespmem:s14+$0xCF20] =	vst v63  }
0x139: {  	s2 =	sadd.s32 $0x1, s2;
	[tilespmem:s14+$0xCF30] =	vst v0  }
0x13a: {  	s2 =	sshll.u32 s1, $0x7;
	s14 =	sshll.u32 s1, $0x1  }
0x13b: {  	s16 =	sadd.s32 s2, s10;
	s2 =	simm.s32 $0x0;
	s14 =	smin.u32 s14, $0x3D  }
0x13c: {  	[hbm4b:s16+s2] =	stream.linear.scatter [tilespmem:s17], [sflag:$0x3], $0x200, $0x38;
	[tilespmem:$0xD300] =	vst v63  }
0x13d: {  	s14 =	sshll.u32 s14, $0x3  }
0x13e: {  	s14 =	sadd.s32 s14, s11  }
0x13f: {  	_ =	swait.ge [sflag:s13], $0x200;
	s14 =	smul.u32 $0x7, s14  }
0x140: {  	[sflag:s13] =	ssyncset.done $0x0  }
0x141: {  	[sflag:s13] =	ssyncadd.s32 $0xFFFFFE00;
	s16 =	sadd.s32 s4, s14  }
0x142: {  	[tilespmem:s2], [sflag:$0x3] =	stream.linear.gather [hbm4b:s16+s2], $0x1C0, $0x38;
	[tilespmem:$0xD300] =	vst v63  }
0x143: {  	_ =	swait.ge [sflag:s13], $0x1C0  }
0x144: {  	[sflag:s13] =	ssyncset.done $0x0  }
0x145: {  	s14 =	sadd.s32 s5, s14;
	s16 =	simm.s32 $0x380;
	[sflag:s13] =	ssyncadd.s32 $0xFFFFFE40  }
0x146: {  	[tilespmem:s16], [sflag:$0x3] =	stream.linear.gather [hbm4b:s14+s2], $0x1C0, $0x38;
	[tilespmem:$0xD300] =	vst v63  }
0x147: {  	_ =	swait.ge [sflag:s13], $0x1C0  }
0x148: {  	[sflag:s13] =	ssyncset.done $0x0  }
0x149: {  	s16 =	simm.s32 $0x700;
	[sflag:s13] =	ssyncadd.s32 $0xFFFFFE40  }
0x14a: {  	[tilespmem:s16], [sflag:$0x1] =	stream.indirect.gather [hbm4b:s6+s15], $0x40, s2, s15, $0xb8;
	[tilespmem:$0xD300] =	vst v63  }
0x14b: {  	s16 =	simm.s32 $0x38  }
0x14c: {  	[tilespmem:s18], [sflag:$0x1] =	stream.indirect.gather [hbm4b:s6+s15], $0x40, s16, s15, $0xb8;
	[tilespmem:$0xD300] =	vst v63  }
0x14d: {  	_ = 	snop  }
0x14e: {  	[tilespmem:s20], [sflag:$0x1] =	stream.indirect.gather [hbm4b:s6+s15], $0x40, s19, s15, $0xb8;
	[tilespmem:$0xD300] =	vst v63  }
0x14f: {  	_ = 	snop  }
0x150: {  	[tilespmem:s22], [sflag:$0x1] =	stream.indirect.gather [hbm4b:s6+s15], $0x40, s21, s15, $0xb8;
	[tilespmem:$0xD300] =	vst v63  }
0x151: {  	_ = 	snop  }
0x152: {  	[tilespmem:s24], [sflag:$0x1] =	stream.indirect.gather [hbm4b:s6+s15], $0x40, s23, s15, $0xb8;
	[tilespmem:$0xD300] =	vst v63  }
0x153: {  	_ = 	snop  }
0x154: {  	[tilespmem:s26], [sflag:$0x1] =	stream.indirect.gather [hbm4b:s6+s15], $0x40, s25, s15, $0xb8;
	[tilespmem:$0xD300] =	vst v63  }
0x155: {  	_ = 	snop  }
0x156: {  	[tilespmem:s29], [sflag:$0x1] =	stream.indirect.gather [hbm4b:s6+s15], $0x40, s28, s15, $0xb8;
	[tilespmem:$0xD300] =	vst v63  }
0x157: {  	_ = 	snop  }
0x158: {  	[tilespmem:s31], [sflag:$0x1] =	stream.indirect.gather [hbm4b:s6+s15], $0x40, s30, s15, $0xb8;
	[tilespmem:$0xD300] =	vst v63  }
0x159: {  	_ =	swait.ge [sflag:s12], $0xC80  }
0x15a: {  	[sflag:s12] =	ssyncset.done $0x0  }
0x15b: {  	[sflag:s12] =	ssyncadd.s32 $0xFFFFF380  }
0x15c: {  	_ =	swait.ge [sflag:s12], $0xC80  }
0x15d: {  	[sflag:s12] =	ssyncset.done $0x0  }
0x15e: {  	[sflag:s12] =	ssyncadd.s32 $0xFFFFF380  }
0x15f: {  	_ =	swait.ge [sflag:s12], $0xC80  }
0x160: {  	[sflag:s12] =	ssyncset.done $0x0  }
0x161: {  	[sflag:s12] =	ssyncadd.s32 $0xFFFFF380  }
0x162: {  	_ =	swait.ge [sflag:s12], $0xC80  }
0x163: {  	[sflag:s12] =	ssyncset.done $0x0  }
0x164: {  	[sflag:s12] =	ssyncadd.s32 $0xFFFFF380  }
0x165: {  	_ =	swait.ge [sflag:s12], $0xC80  }
0x166: {  	[sflag:s12] =	ssyncset.done $0x0  }
0x167: {  	[sflag:s12] =	ssyncadd.s32 $0xFFFFF380  }
0x168: {  	_ =	swait.ge [sflag:s12], $0xC80  }
0x169: {  	[sflag:s12] =	ssyncset.done $0x0  }
0x16a: {  	[sflag:s12] =	ssyncadd.s32 $0xFFFFF380  }
0x16b: {  	_ =	swait.ge [sflag:s12], $0xC80  }
0x16c: {  	[sflag:s12] =	ssyncset.done $0x0  }
0x16d: {  	[sflag:s12] =	ssyncadd.s32 $0xFFFFF380  }
0x16e: {  	_ =	swait.ge [sflag:s12], $0xC80  }
0x16f: {  	[sflag:s12] =	ssyncset.done $0x0  }
0x170: {  	[sflag:s12] =	ssyncadd.s32 $0xFFFFF380  }
.LBB2_5:
0x171: {  	s14 =	smul.u32 $0xE0, s2;
	_ =	sdelay $0x1  }
0x172: {  	s14 =	sshra.s32 s14, $0x2  }
0x173: {  	v3 =	vld [tilespmem:s14+$0x540]  }
0x174: {  	s16 =	smul.u32 $0x3200, s2;
	v2 =	vld [tilespmem:s14+$0x550]  }
0x175: {  	v1 =	vld [tilespmem:s14+$0x560]  }
0x176: {  	s16 =	sshra.s32 s16, $0x2;
	v0 =	vld [tilespmem:s14+$0x562]  }
0x177: {  	v4 =	vld [tilespmem:s16+$0x6B00]  }
0x178: {  	v5 =	vld [tilespmem:s16+$0x6B10]  }
0x179: {  	v6 =	vld [tilespmem:s16+$0x6B20]  }
0x17a: {  	v7 =	vld [tilespmem:s16+$0x6B30]  }
0x17b: {  	v8 =	vld [tilespmem:s16+$0x6B40]  }
0x17c: {  	v9 =	vld [tilespmem:s16+$0x6B50]  }
0x17d: {  	v10 =	vld [tilespmem:s16+$0x6B60]  }
0x17e: {  	v11 =	vld [tilespmem:s16+$0x6B70]  }
0x17f: {  	v12 =	vld [tilespmem:s16+$0x6B80]  }
0x180: {  	v13 =	vld [tilespmem:s16+$0x6B90]  }
0x181: {  	v14 =	vld [tilespmem:s16+$0x6BA0]  }
0x182: {  	v15 =	vld [tilespmem:s16+$0x6BB0]  }
0x183: {  	v16 =	vld [tilespmem:s16+$0x6BC0]  }
0x184: {  	v17 =	vld [tilespmem:s16+$0x6BD0]  }
0x185: {  	v18 =	vld [tilespmem:s16+$0x6BE0]  }
0x186: {  	v19 =	vld [tilespmem:s16+$0x6BF0]  }
0x187: {  	v20 =	vld [tilespmem:s16+$0x6C00]  }
0x188: {  	v21 =	vld [tilespmem:s16+$0x6C10]  }
0x189: {  	v22 =	vld [tilespmem:s16+$0x6C20]  }
0x18a: {  	v23 =	vld [tilespmem:s16+$0x6C30]  }
0x18b: {  	v24 =	vld [tilespmem:s16+$0x6C40]  }
0x18c: {  	v25 =	vld [tilespmem:s16+$0x6C50]  }
0x18d: {  	v26 =	vld [tilespmem:s16+$0x6C60]  }
0x18e: {  	v27 =	vld [tilespmem:s16+$0x6C70]  }
0x18f: {  	v28 =	vld [tilespmem:s16+$0x6C80]  }
0x190: {  	v29 =	vld [tilespmem:s16+$0x6C90]  }
0x191: {  	v30 =	vld [tilespmem:s16+$0x6CA0]  }
0x192: {  	v31 =	vld [tilespmem:s16+$0x6CB0]  }
0x193: {  	v32 =	vld [tilespmem:s16+$0x6CC0]  }
0x194: {  	v33 =	vld [tilespmem:s16+$0x6CD0]  }
0x195: {  	v34 =	vld [tilespmem:s16+$0x6CE0]  }
0x196: {  	v35 =	vld [tilespmem:s16+$0x6CF0]  }
0x197: {  	v36 =	vld [tilespmem:s16+$0x6D00]  }
0x198: {  	v37 =	vld [tilespmem:s16+$0x6D10]  }
0x199: {  	v38 =	vld [tilespmem:s16+$0x6D20]  }
0x19a: {  	v40 =	vld [tilespmem:s16+$0x6D30]  }
0x19b: {  	v41 =	vld [tilespmem:s16+$0x6D40]  }
0x19c: {  	v42 =	vld [tilespmem:s16+$0x6D50]  }
0x19d: {  	v44 =	vld [tilespmem:s16+$0x6D60];
	v39 =	vbroadcast v3, $0x0  }
0x19e: {  	v46 =	vld [tilespmem:s16+$0x6D80];
	v43 =	vbroadcast v3, $0x1;
	v58 =	vbroadcast v3, $0x2  }
0x19f: {  	v47 =	vld [tilespmem:s16+$0x6D90];
	v63 =	vbroadcast v3, $0x3;
	v52 =	vbroadcast v3, $0x4  }
0x1a0: {  	v48 =	vld [tilespmem:s16+$0x6DA0];
	v4 =	vmul.f32 v4, v39;
	v5 =	vmul.f32 v5, v39  }
0x1a1: {  	v45 =	vadd.f32 $0.0e+00, v39;
	v6 =	vmul.f32 v6, v39;
	v7 =	vmul.f32 v7, v39;
	v39 =	vld [tilespmem:s16+$0x6D70]  }
0x1a2: {  	v56 =	vbroadcast v3, $0x5;
	v59 =	vmul.f32 v11, v43;
	v11 =	vld [tilespmem:s16+$0x6DB0]  }
0x1a3: {  	v8 =	vmul.f32 v8, v43;
	v61 =	vmul.f32 v13, v58;
	v13 =	vld [tilespmem:s16+$0x6DC0]  }
0x1a4: {  	v57 =	vmul.f32 v10, v43;
	v10 =	vmul.f32 v15, v58;
	v15 =	vld [tilespmem:s16+$0x6DE0]  }
0x1a5: {  	v9 =	vmul.f32 v9, v43;
	v60 =	vmul.f32 v12, v58;
	v12 =	vld [tilespmem:s16+$0x6DF0]  }
0x1a6: {  	v62 =	vmul.f32 v14, v58;
	v51 =	vmul.f32 v17, v63;
	v17 =	vld [tilespmem:s16+$0x6E00]  }
0x1a7: {  	v50 =	vmul.f32 v16, v63;
	v14 =	vmul.f32 v19, v63;
	v19 =	vld [tilespmem:s16+$0x6E10]  }
0x1a8: {  	v54 =	vmul.f32 v21, v52;
	v21 =	vld [tilespmem:s16+$0x6E40];
	v4 =	vadd.f32 $0.0e+00, v4;
	v5 =	vadd.f32 $0.0e+00, v5  }
0x1a9: {  	v18 =	vmul.f32 v18, v63;
	v16 =	vld [tilespmem:s16+$0x6E50];
	v6 =	vadd.f32 $0.0e+00, v6;
	v7 =	vadd.f32 $0.0e+00, v7  }
0x1aa: {  	v53 =	vmul.f32 v20, v52;
	v20 =	vld [tilespmem:s16+$0x6E80];
	v45 =	vadd.f32 v45, v43;
	v4 =	vadd.f32 v8, v4  }
0x1ab: {  	v55 =	vmul.f32 v22, v52;
	v22 =	vld [tilespmem:s16+$0x6E90];
	v5 =	vadd.f32 v9, v5;
	v6 =	vadd.f32 v57, v6  }
0x1ac: {  	v43 =	vld [tilespmem:s16+$0x6DD0];
	v7 =	vadd.f32 v59, v7;
	v49 =	vadd.f32 v45, v58;
	v57 =	vmul.f32 v23, v52  }
0x1ad: {  	v58 =	vmul.f32 v24, v56;
	v23 =	vld [tilespmem:s16+$0x6E60];
	v4 =	vadd.f32 v60, v4;
	v5 =	vadd.f32 v61, v5  }
0x1ae: {  	v59 =	vmul.f32 v25, v56;
	v25 =	vld [tilespmem:s16+$0x6E70];
	v6 =	vadd.f32 v62, v6;
	v7 =	vadd.f32 v10, v7  }
0x1af: {  	v9 =	vld [tilespmem:s16+$0x7140];
	v8 =	vadd.f32 v49, v63;
	v60 =	vmul.f32 v26, v56;
	v61 =	vbroadcast v3, $0x6  }
0x1b0: {  	v10 =	vld [tilespmem:s16+$0x6E20];
	v62 =	vmul.f32 v27, v56;
	v4 =	vadd.f32 v50, v4;
	v5 =	vadd.f32 v51, v5  }
0x1b1: {  	v49 =	vbroadcast v3, $0x7;
	v27 =	vld [tilespmem:s16+$0x6EA0];
	v6 =	vadd.f32 v18, v6;
	v7 =	vadd.f32 v14, v7  }
0x1b2: {  	v26 =	vld [tilespmem:s16+$0x6EF0];
	v8 =	vadd.f32 v8, v52;
	v63 =	vmul.f32 v28, v61;
	v45 =	vmul.f32 v29, v61  }
0x1b3: {  	v18 =	vld [tilespmem:s16+$0x6E30];
	v50 =	vmul.f32 v30, v61;
	v24 =	vmul.f32 v31, v61;
	v4 =	vadd.f32 v53, v4  }
0x1b4: {  	v29 =	vld [tilespmem:s16+$0x6EB0];
	v51 =	vmul.f32 v32, v49;
	v5 =	vadd.f32 v54, v5;
	v6 =	vadd.f32 v55, v6  }
0x1b5: {  	v14 =	vld [tilespmem:s16+$0x6EC0];
	v52 =	vmul.f32 v33, v49;
	v7 =	vadd.f32 v57, v7;
	v8 =	vadd.f32 v8, v56  }
0x1b6: {  	v28 =	vld [tilespmem:s16+$0x6ED0];
	v53 =	vmul.f32 v34, v49;
	v54 =	vbroadcast v3, $0x8;
	v4 =	vadd.f32 v58, v4  }
0x1b7: {  	v31 =	vld [tilespmem:s16+$0x6EE0];
	v55 =	vmul.f32 v35, v49;
	v5 =	vadd.f32 v59, v5;
	v6 =	vadd.f32 v60, v6  }
0x1b8: {  	v33 =	vld [tilespmem:s16+$0x6F00];
	v7 =	vadd.f32 v62, v7;
	v56 =	vmul.f32 v36, v54;
	v57 =	vmul.f32 v37, v54  }
0x1b9: {  	v30 =	vld [tilespmem:s16+$0x6F20];
	v8 =	vadd.f32 v8, v61;
	v58 =	vmul.f32 v38, v54;
	v59 =	vbroadcast v3, $0x9  }
0x1ba: {  	v32 =	vld [tilespmem:s16+$0x6F30];
	v60 =	vmul.f32 v40, v54;
	v4 =	vadd.f32 v63, v4;
	v5 =	vadd.f32 v45, v5  }
0x1bb: {  	v35 =	vld [tilespmem:s16+$0x6F10];
	v6 =	vadd.f32 v50, v6;
	v61 =	vmul.f32 v41, v59;
	v62 =	vmul.f32 v42, v59  }
0x1bc: {  	v37 =	vld [tilespmem:s16+$0x6F40];
	v7 =	vadd.f32 v24, v7;
	v63 =	vbroadcast v3, $0xA;
	v45 =	vmul.f32 v44, v59  }
0x1bd: {  	v38 =	vld [tilespmem:s16+$0x6F70];
	v8 =	vadd.f32 v8, v49;
	v34 =	vmul.f32 v39, v59;
	v49 =	vbroadcast v3, $0xB  }
0x1be: {  	v36 =	vld [tilespmem:s16+$0x6FA0];
	v44 =	vbroadcast v2, $0x0;
	v4 =	vadd.f32 v51, v4;
	v5 =	vadd.f32 v52, v5  }
0x1bf: {  	v39 =	vld [tilespmem:s16+$0x6F50];
	v6 =	vadd.f32 v53, v6;
	v46 =	vmul.f32 v46, v63;
	v47 =	vmul.f32 v47, v63  }
0x1c0: {  	v24 =	vld [tilespmem:s16+$0x6F60];
	v7 =	vadd.f32 v55, v7;
	v48 =	vmul.f32 v48, v63;
	v11 =	vmul.f32 v11, v63  }
0x1c1: {  	v41 =	vld [tilespmem:s16+$0x6F80];
	v8 =	vadd.f32 v8, v54;
	v50 =	vmul.f32 v13, v49;
	v51 =	vmul.f32 v43, v49  }
0x1c2: {  	v42 =	vld [tilespmem:s16+$0x6FB0];
	v52 =	vmul.f32 v15, v49;
	v53 =	vbroadcast v3, $0xC;
	v4 =	vadd.f32 v56, v4  }
0x1c3: {  	v54 =	vmul.f32 v12, v49;
	v12 =	vld [tilespmem:s16+$0x6FC0];
	v5 =	vadd.f32 v57, v5;
	v6 =	vadd.f32 v58, v6  }
0x1c4: {  	v13 =	vld [tilespmem:s16+$0x6FD0];
	v7 =	vadd.f32 v60, v7;
	v55 =	vmul.f32 v17, v53;
	v56 =	vmul.f32 v19, v53  }
0x1c5: {  	v8 =	vadd.f32 v8, v59;
	v57 =	vbroadcast v3, $0xD;
	v19 =	vld [tilespmem:s16+$0x6FE0];
	v10 =	vmul.f32 v10, v53  }
0x1c6: {  	v15 =	vmul.f32 v18, v53;
	v18 =	vld [tilespmem:s16+$0x6FF0];
	v4 =	vadd.f32 v61, v4;
	v5 =	vadd.f32 v62, v5  }
0x1c7: {  	v17 =	vld [tilespmem:s16+$0x7030];
	v6 =	vadd.f32 v45, v6;
	v58 =	vmul.f32 v21, v57;
	v59 =	vmul.f32 v16, v57  }
0x1c8: {  	v7 =	vadd.f32 v34, v7;
	v34 =	vld [tilespmem:s16+$0x6F90];
	v60 =	vmul.f32 v23, v57;
	v61 =	vbroadcast v3, $0xE  }
0x1c9: {  	v8 =	vadd.f32 v8, v63;
	v21 =	vld [tilespmem:s16+$0x7020];
	v62 =	vmul.f32 v25, v57;
	v3 =	vbroadcast v3, $0xF  }
0x1ca: {  	v23 =	vld [tilespmem:s16+$0x7050];
	v4 =	vadd.f32 v46, v4;
	v63 =	vmul.f32 v20, v61;
	v25 =	vmul.f32 v22, v61  }
0x1cb: {  	v16 =	vld [tilespmem:s16+$0x7060];
	v5 =	vadd.f32 v47, v5;
	v27 =	vmul.f32 v27, v61;
	v29 =	vmul.f32 v29, v61  }
0x1cc: {  	v7 =	vadd.f32 v11, v7;
	v11 =	vld [tilespmem:s16+$0x7000];
	v40 =	vmul.f32 v14, v3;
	v43 =	vmul.f32 v28, v3  }
0x1cd: {  	v6 =	vadd.f32 v48, v6;
	v22 =	vld [tilespmem:s16+$0x7040];
	v45 =	vmul.f32 v31, v3;
	v46 =	vmul.f32 v33, v44  }
0x1ce: {  	v8 =	vadd.f32 v8, v49;
	v14 =	vld [tilespmem:s16+$0x7070];
	v47 =	vmul.f32 v35, v44;
	v48 =	vmul.f32 v30, v44  }
0x1cf: {  	v49 =	vbroadcast v2, $0x1;
	v20 =	vld [tilespmem:s16+$0x70D0];
	v4 =	vadd.f32 v50, v4;
	v5 =	vadd.f32 v51, v5  }
0x1d0: {  	v31 =	vld [tilespmem:s16+$0x70E0];
	v6 =	vadd.f32 v52, v6;
	v7 =	vadd.f32 v54, v7;
	v50 =	vmul.f32 v32, v44  }
0x1d1: {  	v28 =	vld [tilespmem:s16+$0x7100];
	v8 =	vadd.f32 v8, v53;
	v51 =	vmul.f32 v37, v49;
	v52 =	vmul.f32 v39, v49  }
0x1d2: {  	v30 =	vld [tilespmem:s16+$0x7110];
	v54 =	vbroadcast v2, $0x2;
	v4 =	vadd.f32 v55, v4;
	v5 =	vadd.f32 v56, v5  }
0x1d3: {  	v53 =	vmul.f32 v24, v49;
	v32 =	vld [tilespmem:s16+$0x70F0];
	v6 =	vadd.f32 v10, v6;
	v7 =	vadd.f32 v15, v7  }
0x1d4: {  	v15 =	vld [tilespmem:s16+$0x7010];
	v8 =	vadd.f32 v8, v57;
	v55 =	vmul.f32 v38, v49;
	v56 =	vmul.f32 v41, v54  }
0x1d5: {  	v10 =	vld [tilespmem:s16+$0x70A0];
	v57 =	vmul.f32 v34, v54;
	v24 =	vmul.f32 v42, v54;
	v4 =	vadd.f32 v58, v4  }
0x1d6: {  	v34 =	vld [tilespmem:s16+$0x7120];
	v41 =	vbroadcast v2, $0x5;
	v5 =	vadd.f32 v59, v5;
	v6 =	vadd.f32 v60, v6  }
0x1d7: {  	v42 =	vld [tilespmem:s16+$0x7190];
	v7 =	vadd.f32 v62, v7;
	v8 =	vadd.f32 v8, v61;
	v58 =	vbroadcast v2, $0x3  }
0x1d8: {  	v59 =	vmul.f32 v36, v54;
	v36 =	vld [tilespmem:s16+$0x7130];
	v16 =	vmul.f32 v16, v41;
	v4 =	vadd.f32 v63, v4  }
0x1d9: {  	v14 =	vmul.f32 v14, v41;
	v5 =	vadd.f32 v25, v5;
	v6 =	vadd.f32 v27, v6;
	v25 =	vld [tilespmem:s16+$0x7080]  }
0x1da: {  	v8 =	vadd.f32 v8, v3;
	v3 =	vmul.f32 v26, v3;
	v26 =	vld [tilespmem:s16+$0x7090];
	v60 =	vmul.f32 v12, v58  }
0x1db: {  	v7 =	vadd.f32 v29, v7;
	v27 =	vld [tilespmem:s16+$0x70B0];
	v61 =	vmul.f32 v13, v58;
	v62 =	vmul.f32 v19, v58  }
0x1dc: {  	v29 =	vld [tilespmem:s16+$0x70C0];
	v63 =	vbroadcast v2, $0x4;
	v4 =	vadd.f32 v40, v4;
	v5 =	vadd.f32 v43, v5  }
0x1dd: {  	v13 =	vld [tilespmem:s16+$0x7150];
	v37 =	vmul.f32 v18, v58;
	v6 =	vadd.f32 v45, v6;
	v3 =	vadd.f32 v3, v7  }
0x1de: {  	v18 =	vld [tilespmem:s16+$0x7170];
	v8 =	vadd.f32 v8, v44;
	v38 =	vmul.f32 v11, v63;
	v39 =	vmul.f32 v15, v63  }
0x1df: {  	v12 =	vld [tilespmem:s16+$0x71B0];
	v40 =	vmul.f32 v21, v63;
	v4 =	vadd.f32 v46, v4;
	v5 =	vadd.f32 v47, v5  }
0x1e0: {  	v19 =	vld [tilespmem:s16+$0x7210];
	v44 =	vmul.f32 v17, v63;
	v6 =	vadd.f32 v48, v6;
	v3 =	vadd.f32 v50, v3  }
0x1e1: {  	v15 =	vld [tilespmem:s16+$0x7180];
	v8 =	vadd.f32 v8, v49;
	v46 =	vmul.f32 v22, v41;
	v47 =	vmul.f32 v23, v41  }
0x1e2: {  	v45 =	vld [tilespmem:s16+$0x71A0];
	v48 =	vbroadcast v2, $0x6;
	v4 =	vadd.f32 v51, v4;
	v5 =	vadd.f32 v52, v5  }
0x1e3: {  	v21 =	vld [tilespmem:s16+$0x71D0];
	v23 =	vbroadcast v1, $0x7;
	v6 =	vadd.f32 v53, v6;
	v3 =	vadd.f32 v55, v3  }
0x1e4: {  	v11 =	vld [tilespmem:s16+$0x71E0];
	v8 =	vadd.f32 v8, v54;
	v50 =	vmul.f32 v25, v48;
	v51 =	vmul.f32 v26, v48  }
0x1e5: {  	v49 =	vld [tilespmem:s16+$0x71C0];
	v52 =	vmul.f32 v10, v48;
	v53 =	vbroadcast v2, $0x7;
	v4 =	vadd.f32 v56, v4  }
0x1e6: {  	v54 =	vld [tilespmem:s16+$0x7200];
	v55 =	vmul.f32 v27, v48;
	v5 =	vadd.f32 v57, v5;
	v6 =	vadd.f32 v59, v6  }
0x1e7: {  	v27 =	vld [tilespmem:s16+$0x7230];
	v3 =	vadd.f32 v24, v3;
	v8 =	vadd.f32 v8, v58;
	v56 =	vmul.f32 v29, v53  }
0x1e8: {  	v10 =	vld [tilespmem:s16+$0x7240];
	v20 =	vmul.f32 v20, v53;
	v59 =	vbroadcast v2, $0x8;
	v4 =	vadd.f32 v60, v4  }
0x1e9: {  	v25 =	vld [tilespmem:s16+$0x7550];
	v58 =	vmul.f32 v31, v53;
	v5 =	vadd.f32 v61, v5;
	v6 =	vadd.f32 v62, v6  }
0x1ea: {  	v24 =	vld [tilespmem:s16+$0x7160];
	v3 =	vadd.f32 v37, v3;
	v60 =	vmul.f32 v32, v53;
	v61 =	vmul.f32 v28, v59  }
0x1eb: {  	v57 =	vld [tilespmem:s16+$0x7220];
	v43 =	vadd.f32 v8, v63;
	v62 =	vmul.f32 v30, v59;
	v63 =	vbroadcast v2, $0x9  }
0x1ec: {  	v29 =	vld [tilespmem:s16+$0x7260];
	v35 =	vmul.f32 v34, v59;
	v26 =	vmul.f32 v36, v59;
	v4 =	vadd.f32 v38, v4  }
0x1ed: {  	v31 =	vld [tilespmem:s16+$0x7470];
	v34 =	vbroadcast v2, $0xE;
	v5 =	vadd.f32 v39, v5;
	v6 =	vadd.f32 v40, v6  }
0x1ee: {  	v36 =	vld [tilespmem:s16+$0x7270];
	v3 =	vadd.f32 v44, v3;
	v37 =	vmul.f32 v9, v63;
	v13 =	vmul.f32 v13, v63  }
0x1ef: {  	v32 =	vld [tilespmem:s16+$0x7360];
	v7 =	vadd.f32 v43, v41;
	v39 =	vbroadcast v2, $0xA;
	v40 =	vmul.f32 v18, v63  }
0x1f0: {  	v28 =	vld [tilespmem:s16+$0x7450];
	v38 =	vmul.f32 v24, v63;
	v4 =	vadd.f32 v46, v4;
	v5 =	vadd.f32 v47, v5  }
0x1f1: {  	v9 =	vld [tilespmem:s16+$0x7280];
	v6 =	vadd.f32 v16, v6;
	v3 =	vadd.f32 v14, v3;
	v41 =	vmul.f32 v15, v39  }
0x1f2: {  	v18 =	vld [tilespmem:s16+$0x72B0];
	v7 =	vadd.f32 v7, v48;
	v44 =	vmul.f32 v45, v39;
	v45 =	vbroadcast v2, $0xB  }
0x1f3: {  	v30 =	vld [tilespmem:s16+$0x7460];
	v42 =	vmul.f32 v42, v39;
	v47 =	vmul.f32 v12, v39;
	v4 =	vadd.f32 v50, v4  }
0x1f4: {  	v43 =	vld [tilespmem:s16+$0x72C0];
	v5 =	vadd.f32 v51, v5;
	v6 =	vadd.f32 v52, v6;
	v49 =	vmul.f32 v49, v45  }
0x1f5: {  	v16 =	vld [tilespmem:s16+$0x71F0];
	v3 =	vadd.f32 v55, v3;
	v50 =	vmul.f32 v21, v45;
	v51 =	vbroadcast v2, $0xC  }
0x1f6: {  	v14 =	vld [tilespmem:s16+$0x7290];
	v7 =	vadd.f32 v7, v53;
	v11 =	vmul.f32 v11, v45;
	v9 =	vmul.f32 v9, v34  }
0x1f7: {  	v46 =	vld [tilespmem:s16+$0x72D0];
	v18 =	vmul.f32 v18, v34;
	v4 =	vadd.f32 v56, v4;
	v5 =	vadd.f32 v20, v5  }
0x1f8: {  	v48 =	vld [tilespmem:s16+$0x72E0];
	v6 =	vadd.f32 v58, v6;
	v3 =	vadd.f32 v60, v3;
	v54 =	vmul.f32 v54, v51  }
0x1f9: {  	v15 =	vld [tilespmem:s16+$0x72F0];
	v7 =	vadd.f32 v7, v59;
	v56 =	vmul.f32 v19, v51;
	v57 =	vmul.f32 v57, v51  }
0x1fa: {  	v52 =	vld [tilespmem:s16+$0x7300];
	v58 =	vbroadcast v2, $0xD;
	v60 =	vmul.f32 v27, v51;
	v4 =	vadd.f32 v61, v4  }
0x1fb: {  	v53 =	vld [tilespmem:s16+$0x7310];
	v2 =	vbroadcast v2, $0xF;
	v5 =	vadd.f32 v62, v5;
	v6 =	vadd.f32 v35, v6  }
0x1fc: {  	v20 =	vld [tilespmem:s16+$0x7250];
	v16 =	vmul.f32 v16, v45;
	v3 =	vadd.f32 v26, v3;
	v7 =	vadd.f32 v7, v63  }
0x1fd: {  	v55 =	vld [tilespmem:s16+$0x7320];
	v62 =	vmul.f32 v10, v58;
	v33 =	vmul.f32 v29, v58;
	v4 =	vadd.f32 v37, v4  }
0x1fe: {  	v59 =	vld [tilespmem:s16+$0x7340];
	v36 =	vmul.f32 v36, v58;
	v5 =	vadd.f32 v13, v5;
	v6 =	vadd.f32 v38, v6  }
0x1ff: {  	v27 =	vld [tilespmem:s16+$0x7560];
	v43 =	vmul.f32 v43, v2;
	v3 =	vadd.f32 v40, v3;
	v7 =	vadd.f32 v7, v39  }
0x200: {  	v26 =	vld [tilespmem:s16+$0x72A0];
	v39 =	vmul.f32 v14, v34;
	v4 =	vadd.f32 v41, v4;
	v5 =	vadd.f32 v42, v5  }
0x201: {  	v61 =	vld [tilespmem:s16+$0x7350];
	v63 =	vmul.f32 v20, v58;
	v6 =	vadd.f32 v44, v6;
	v3 =	vadd.f32 v47, v3  }
0x202: {  	v35 =	vld [tilespmem:s16+$0x7370];
	v7 =	vadd.f32 v7, v45;
	v45 =	vmul.f32 v46, v2;
	v4 =	vadd.f32 v49, v4  }
0x203: {  	v37 =	vld [tilespmem:s16+$0x7380];
	v47 =	vmul.f32 v48, v2;
	v5 =	vadd.f32 v50, v5;
	v6 =	vadd.f32 v11, v6  }
0x204: {  	v38 =	vld [tilespmem:s16+$0x7390];
	v48 =	vbroadcast v1, $0x0;
	v3 =	vadd.f32 v16, v3;
	v7 =	vadd.f32 v7, v51  }
0x205: {  	v40 =	vld [tilespmem:s16+$0x73A0];
	v41 =	vmul.f32 v26, v34;
	v4 =	vadd.f32 v54, v4;
	v5 =	vadd.f32 v56, v5  }
0x206: {  	v42 =	vld [tilespmem:s16+$0x73B0];
	v51 =	vmul.f32 v52, v48;
	v6 =	vadd.f32 v57, v6;
	v3 =	vadd.f32 v60, v3  }
0x207: {  	v16 =	vld [tilespmem:s16+$0x7330];
	v7 =	vadd.f32 v7, v58;
	v54 =	vmul.f32 v55, v48;
	v55 =	vbroadcast v1, $0x1  }
0x208: {  	v44 =	vld [tilespmem:s16+$0x73C0];
	v52 =	vmul.f32 v53, v48;
	v4 =	vadd.f32 v62, v4;
	v5 =	vadd.f32 v63, v5  }
0x209: {  	v46 =	vld [tilespmem:s16+$0x73D0];
	v6 =	vadd.f32 v33, v6;
	v59 =	vmul.f32 v59, v55;
	v61 =	vmul.f32 v61, v55  }
0x20a: {  	v49 =	vld [tilespmem:s16+$0x73E0];
	v7 =	vadd.f32 v7, v34;
	v62 =	vbroadcast v1, $0x2;
	v20 =	vmul.f32 v32, v55  }
0x20b: {  	v50 =	vld [tilespmem:s16+$0x73F0];
	v3 =	vadd.f32 v36, v3;
	v13 =	vmul.f32 v35, v55;
	v33 =	vbroadcast v1, $0x3  }
0x20c: {  	v53 =	vld [tilespmem:s16+$0x7400];
	v57 =	vmul.f32 v16, v48;
	v7 =	vadd.f32 v7, v2;
	v2 =	vmul.f32 v15, v2  }
0x20d: {  	v56 =	vld [tilespmem:s16+$0x7410];
	v4 =	vadd.f32 v9, v4;
	v29 =	vmul.f32 v37, v62;
	v10 =	vmul.f32 v38, v62  }
0x20e: {  	v58 =	vld [tilespmem:s16+$0x7420];
	v5 =	vadd.f32 v39, v5;
	v32 =	vmul.f32 v40, v62;
	v35 =	vmul.f32 v42, v62  }
0x20f: {  	v60 =	vld [tilespmem:s16+$0x7430];
	v6 =	vadd.f32 v41, v6;
	v37 =	vmul.f32 v44, v33;
	v38 =	vmul.f32 v46, v33  }
0x210: {  	v63 =	vld [tilespmem:s16+$0x7440];
	v3 =	vadd.f32 v18, v3;
	v40 =	vmul.f32 v49, v33;
	v41 =	vbroadcast v1, $0x4  }
0x211: {  	v34 =	vld [tilespmem:s16+$0x7480];
	v44 =	vmul.f32 v50, v33;
	v4 =	vadd.f32 v43, v4;
	v5 =	vadd.f32 v45, v5  }
0x212: {  	v36 =	vld [tilespmem:s16+$0x7490];
	v49 =	vbroadcast v1, $0x5;
	v6 =	vadd.f32 v47, v6;
	v2 =	vadd.f32 v2, v3  }
0x213: {  	v50 =	vld [tilespmem:s16+$0x74E0];
	v7 =	vadd.f32 v7, v48;
	v46 =	vmul.f32 v53, v41;
	v48 =	vmul.f32 v56, v41  }
0x214: {  	v39 =	vld [tilespmem:s16+$0x74A0];
	v12 =	vmul.f32 v58, v41;
	v15 =	vmul.f32 v60, v41;
	v4 =	vadd.f32 v51, v4  }
0x215: {  	v42 =	vld [tilespmem:s16+$0x74B0];
	v56 =	vmul.f32 v30, v49;
	v5 =	vadd.f32 v52, v5;
	v3 =	vadd.f32 v54, v6  }
0x216: {  	v45 =	vld [tilespmem:s16+$0x74C0];
	v2 =	vadd.f32 v57, v2;
	v7 =	vadd.f32 v7, v55;
	v52 =	vmul.f32 v63, v49  }
0x217: {  	v47 =	vld [tilespmem:s16+$0x74D0];
	v54 =	vmul.f32 v28, v49;
	v57 =	vbroadcast v1, $0x6;
	v4 =	vadd.f32 v59, v4  }
0x218: {  	v53 =	vld [tilespmem:s16+$0x7500];
	v30 =	vmul.f32 v50, v23;
	v5 =	vadd.f32 v61, v5;
	v3 =	vadd.f32 v20, v3  }
0x219: {  	v51 =	vld [tilespmem:s16+$0x74F0];
	v2 =	vadd.f32 v13, v2;
	v59 =	vmul.f32 v31, v49;
	v61 =	vmul.f32 v34, v57  }
0x21a: {  	v58 =	vld [tilespmem:s16+$0x7520];
	v7 =	vadd.f32 v7, v62;
	v62 =	vmul.f32 v36, v57;
	v22 =	vmul.f32 v39, v57  }
0x21b: {  	v55 =	vld [tilespmem:s16+$0x7510];
	v26 =	vmul.f32 v42, v57;
	v4 =	vadd.f32 v29, v4;
	v5 =	vadd.f32 v10, v5  }
0x21c: {  	v60 =	vld [tilespmem:s16+$0x7530];
	v11 =	vmul.f32 v45, v23;
	v3 =	vadd.f32 v32, v3;
	v2 =	vadd.f32 v35, v2  }
0x21d: {  	v31 =	vld [tilespmem:s16+$0x7580];
	v43 =	vadd.f32 v7, v33;
	v29 =	vmul.f32 v47, v23;
	v33 =	vbroadcast v1, $0x8  }
0x21e: {  	v34 =	vld [tilespmem:s16+$0x7590];
	v47 =	vbroadcast v1, $0xA;
	v32 =	vmul.f32 v51, v23;
	v4 =	vadd.f32 v37, v4  }
0x21f: {  	v63 =	vld [tilespmem:s16+$0x7540];
	v5 =	vadd.f32 v38, v5;
	v3 =	vadd.f32 v40, v3;
	v9 =	vmul.f32 v53, v33  }
0x220: {  	v28 =	vld [tilespmem:s16+$0x7570];
	v2 =	vadd.f32 v44, v2;
	v37 =	vmul.f32 v55, v33;
	v38 =	vmul.f32 v58, v33  }
0x221: {  	v35 =	vld [tilespmem:s16+$0x75A0];
	v6 =	vadd.f32 v43, v41;
	v40 =	vmul.f32 v60, v33;
	v41 =	vbroadcast v1, $0x9  }
0x222: {  	v51 =	vmul.f32 v31, v47;
	v4 =	vadd.f32 v46, v4;
	v5 =	vadd.f32 v48, v5  }
0x223: {  	v53 =	vmul.f32 v34, v47;
	v3 =	vadd.f32 v12, v3;
	v6 =	vadd.f32 v6, v49  }
0x224: {  	v36 =	vld [tilespmem:s16+$0x75B0];
	v2 =	vadd.f32 v15, v2;
	v44 =	vmul.f32 v63, v41;
	v45 =	vmul.f32 v25, v41  }
0x225: {  	v39 =	vld [tilespmem:s16+$0x75C0];
	v8 =	vmul.f32 v27, v41;
	v50 =	vmul.f32 v28, v41;
	v6 =	vadd.f32 v6, v57  }
0x226: {  	v42 =	vld [tilespmem:s16+$0x75D0];
	v7 =	vmul.f32 v35, v47;
	v35 =	vbroadcast v0, $0xE;
	v4 =	vadd.f32 v52, v4  }
0x227: {  	v43 =	vld [tilespmem:s16+$0x75E0];
	v0 =	vbroadcast v0, $0xF;
	v5 =	vadd.f32 v54, v5;
	v6 =	vadd.f32 v6, v23  }
0x228: {  	v55 =	vld [tilespmem:s16+$0x7630];
	v3 =	vadd.f32 v56, v3;
	v2 =	vadd.f32 v59, v2;
	v54 =	vbroadcast v1, $0xB  }
0x229: {  	v58 =	vld [tilespmem:s16+$0x7650];
	v57 =	vbroadcast v1, $0xC;
	v4 =	vadd.f32 v61, v4;
	v6 =	vadd.f32 v6, v33  }
0x22a: {  	v46 =	vld [tilespmem:s16+$0x75F0];
	v59 =	vmul.f32 v36, v47;
	v5 =	vadd.f32 v62, v5;
	v3 =	vadd.f32 v22, v3  }
0x22b: {  	v48 =	vld [tilespmem:s16+$0x7600];
	v60 =	vmul.f32 v39, v54;
	v18 =	vmul.f32 v42, v54;
	v6 =	vadd.f32 v6, v41  }
0x22c: {  	v25 =	vld [tilespmem:s16+$0x7680];
	v2 =	vadd.f32 v26, v2;
	v62 =	vbroadcast v1, $0xD;
	v24 =	vmul.f32 v43, v54  }
0x22d: {  	v31 =	vld [tilespmem:s16+$0x76B0];
	v26 =	vbroadcast v1, $0xE;
	v1 =	vbroadcast v1, $0xF;
	v6 =	vadd.f32 v6, v47  }
0x22e: {  	v52 =	vld [tilespmem:s16+$0x7620];
	v36 =	vmul.f32 v55, v57;
	v4 =	vadd.f32 v11, v4;
	v5 =	vadd.f32 v29, v5  }
0x22f: {  	v49 =	vld [tilespmem:s16+$0x7610];
	v28 =	vmul.f32 v46, v54;
	v3 =	vadd.f32 v30, v3;
	v6 =	vadd.f32 v6, v54  }
0x230: {  	v63 =	vld [tilespmem:s16+$0x7670];
	v2 =	vadd.f32 v32, v2;
	v29 =	vmul.f32 v48, v57;
	v14 =	vmul.f32 v58, v62  }
0x231: {  	v61 =	vld [tilespmem:s16+$0x7660];
	v43 =	vmul.f32 v25, v26;
	v4 =	vadd.f32 v9, v4;
	v6 =	vadd.f32 v6, v57  }
0x232: {  	v42 =	vld [tilespmem:s16+$0x7710];
	v48 =	vmul.f32 v31, v26;
	v5 =	vadd.f32 v37, v5;
	v3 =	vadd.f32 v38, v3  }
0x233: {  	v56 =	vld [tilespmem:s16+$0x7640];
	v32 =	vmul.f32 v52, v57;
	v2 =	vadd.f32 v40, v2;
	v6 =	vadd.f32 v6, v62  }
0x234: {  	v27 =	vld [tilespmem:s16+$0x7690];
	v9 =	vmul.f32 v49, v57;
	v4 =	vadd.f32 v44, v4;
	v5 =	vadd.f32 v45, v5  }
0x235: {  	v30 =	vld [tilespmem:s16+$0x76A0];
	v41 =	vmul.f32 v63, v62;
	v3 =	vadd.f32 v8, v3;
	v6 =	vadd.f32 v6, v26  }
0x236: {  	v33 =	vld [tilespmem:s16+$0x76C0];
	v39 =	vmul.f32 v61, v62;
	v2 =	vadd.f32 v50, v2;
	v4 =	vadd.f32 v51, v4  }
0x237: {  	v37 =	vld [tilespmem:s16+$0x76E0];
	v55 =	vmul.f32 v42, v35;
	v5 =	vadd.f32 v53, v5;
	v6 =	vadd.f32 v6, v1  }
0x238: {  	v8 =	vmul.f32 v56, v62;
	v3 =	vadd.f32 v7, v3;
	v2 =	vadd.f32 v59, v2  }
0x239: {  	v49 =	vld [tilespmem:s16+$0x7740];
	v44 =	vmul.f32 v27, v26;
	v4 =	vadd.f32 v60, v4;
	v6 =	vadd.f32 v6, v35  }
0x23a: {  	v45 =	vld [tilespmem:s16+$0x7720];
	v46 =	vmul.f32 v30, v26;
	v5 =	vadd.f32 v18, v5;
	v3 =	vadd.f32 v24, v3  }
0x23b: {  	v34 =	vld [tilespmem:s16+$0x76D0];
	v50 =	vmul.f32 v33, v1;
	v4 =	vadd.f32 v29, v4;
	v6 =	vadd.f32 v6, v0  }
0x23c: {  	v40 =	vld [tilespmem:s16+$0x7700];
	v52 =	vmul.f32 v37, v1;
	v2 =	vadd.f32 v28, v2;
	v5 =	vadd.f32 v9, v5  }
0x23d: {  	v38 =	vld [tilespmem:s16+$0x76F0];
	v3 =	vadd.f32 v32, v3;
	v4 =	vadd.f32 v8, v4;
	(erf) = vrcp.f32 v6  }
0x23e: {  	v47 =	vld [tilespmem:s16+$0x7730];
	v57 =	vmul.f32 v49, v0;
	v2 =	vadd.f32 v36, v2;
	v5 =	vadd.f32 v14, v5  }
0x23f: {  	v51 =	vld [tilespmem:s16+$0x7750];
	v56 =	vmul.f32 v45, v35;
	v3 =	vadd.f32 v39, v3;
	v4 =	vadd.f32 v43, v4  }
0x240: {  	v53 =	vld [tilespmem:s16+$0x7760];
	v9 =	vmul.f32 v34, v1;
	v2 =	vadd.f32 v41, v2;
	v5 =	vadd.f32 v44, v5  }
0x241: {  	v54 =	vld [tilespmem:s16+$0x7770];
	v8 =	vmul.f32 v40, v35;
	v3 =	vadd.f32 v46, v3;
	v4 =	vadd.f32 v50, v4  }
0x242: {  	v2 =	vadd.f32 v48, v2;
	v1 =	vmul.f32 v38, v1;
	v5 =	vadd.f32 v9, v5  }
0x243: {  	v58 =	vmul.f32 v47, v35;
	v3 =	vadd.f32 v52, v3;
	v4 =	vadd.f32 v8, v4  }
0x244: {  	v59 =	vmul.f32 v51, v0;
	v1 =	vadd.f32 v1, v2;
	v2 =	vadd.f32 v55, v5  }
0x245: {  	v60 =	vmul.f32 v53, v0;
	v3 =	vadd.f32 v56, v3;
	v4 =	vadd.f32 v57, v4  }
0x246: {  	v1 =	vadd.f32 v58, v1;
	v0 =	vmul.f32 v54, v0;
	v2 =	vadd.f32 v59, v2;
	v61 =	vpop (erf)  }
0x247: {  	p0 =	sne.s32 s2, $0x7;
	s16 =	sshll.u32 s2, $0x6;
	v3 =	vadd.f32 v60, v3;
	v4 =	vmul.f32 v4, v61  }
.Ltmp1:
0x248: {  	s14 =	sand.u32 $0x3FFFFFC0, s16;
	v0 =	vadd.f32 v0, v1;
	v62 =	vmul.f32 v2, v61;
	(pc) =	sbr.rel @p0 .LBB2_5-.Ltmp1, $4  }
0x249: {  	v63 =	vmul.f32 v3, v61;
	[tilespmem:s14+$0xD100] =	vst v4  }
0x24a: {  	v0 =	vmul.f32 v0, v61;
	[tilespmem:s14+$0xD110] =	vst v62  }
0x24b: {  	[tilespmem:s14+$0xD120] =	vst v63  }
0x24c: {  	s2 =	sadd.s32 $0x1, s2;
	[tilespmem:s14+$0xD130] =	vst v0  }
0x24d: {  	s1 =	sadd.s32 $0x1, s1  }
0x24e: {  	s2 =	sshll.u32 s8, $0x3;
	s14 =	rddreg [dreg:$0x1];
	p0 =	sne.s32 s1, $0x20  }
.Ltmp2:
0x24f: {  	s16 =	simm.s32 $0xD100;
	s2 =	sadd.s32 s14, s2;
	(pc) =	sbr.rel @p0 .LBB2_2-.Ltmp2, $4  }
0x250: {  	[hbm4b:s2+s3] =	stream.linear.scatter [tilespmem:s16], [sflag:$0x3], $0x200, $0x38;
	[tilespmem:$0xD300] =	vst v63  }
0x251: {  	_ =	swait.ge [sflag:s13], $0x200  }
0x252: {  	[sflag:s13] =	ssyncset.done $0x0  }
0x253: {  	[sflag:s13] =	ssyncadd.s32 $0xFFFFFE00  }
0x254: {  	_ =	swait.ge [sflag:s7], $0xC80  }
0x255: {  	[sflag:s7] =	ssyncset.done $0x0  }
0x256: {  	[sflag:s7] =	ssyncadd.s32 $0xFFFFF380  }
0x257: {  	_ =	swait.ge [sflag:s7], $0xC80  }
0x258: {  	[sflag:s7] =	ssyncset.done $0x0  }
0x259: {  	[sflag:s7] =	ssyncadd.s32 $0xFFFFF380  }
0x25a: {  	_ =	swait.ge [sflag:s7], $0xC80  }
0x25b: {  	[sflag:s7] =	ssyncset.done $0x0  }
0x25c: {  	[sflag:s7] =	ssyncadd.s32 $0xFFFFF380  }
0x25d: {  	_ =	swait.ge [sflag:s7], $0xC80  }
0x25e: {  	[sflag:s7] =	ssyncset.done $0x0  }
0x25f: {  	[sflag:s7] =	ssyncadd.s32 $0xFFFFF380  }
0x260: {  	_ =	swait.ge [sflag:s7], $0xC80  }
0x261: {  	[sflag:s7] =	ssyncset.done $0x0  }
0x262: {  	[sflag:s7] =	ssyncadd.s32 $0xFFFFF380  }
0x263: {  	_ =	swait.ge [sflag:s7], $0xC80  }
0x264: {  	[sflag:s7] =	ssyncset.done $0x0  }
0x265: {  	[sflag:s7] =	ssyncadd.s32 $0xFFFFF380  }
0x266: {  	_ =	swait.ge [sflag:s7], $0xC80  }
0x267: {  	[sflag:s7] =	ssyncset.done $0x0  }
0x268: {  	[sflag:s7] =	ssyncadd.s32 $0xFFFFF380  }
0x269: {  	_ =	swait.ge [sflag:s7], $0xC80  }
0x26a: {  	s2 =	rddreg [dreg:$0x6]  }
0x26b: {  	s1 =	rddreg [dreg:$0x5];
	s2 =	sadd.s32 $0x1, s2  }
0x26c: {  	p0 =	sne.s32 s2, s1  }
.Ltmp3:
0x26d: {  	_ = 	snop;
	(pc) =	sbr.rel @p0 .LBB2_1-.Ltmp3, $3  }
0x26e: {  	_ =	sdelay $0x1  }
0x26f: {  	[sflag:s7] =	ssyncset.done $0x0  }
0x270: {  	[sflag:s7] =	ssyncadd.s32 $0xFFFFF380  }
0x271: {  	_ =	sfence.sel $0x180000  }
0x272: {  	[bflag:$0x0] =	sbarrier.arrive $0xFFFF  }
0x273: {  	_ =	strace $0x90000047  }
0x274: {  	s0 =	stileid.u32;
	[bflag:$0x2] =	sbarrier.arrive $0xFFFF  }
0x275: {  	p0 =	sne.s32 s0, $0x0;
	s0 =	rddreg [dreg:$0x2]  }
0x276: {  	s0 =	sadd.s32 @!p0 $0x100000, s0  }
0x277: {  	[sflag:s0] =	ssyncadd.tile.s32 @!p0 $0x1;
	_ =	shalt  }
.Lfunc_end2:
_tile_overlayer_lowered:
.L_overlay_start_2:
0x278: {  	(tag) =	ssettag $0x2  }
0x279: {  	s0 =	rddreg [dreg:$0x0];
	s2 =	stileid.u32  }
0x27a: {  	s1 =	rddreg [dreg:$0x1];
	p0 =	sne.s32 s2, $0x0  }
0x27b: {  	s3 =	rddreg [dreg:$0x2];
	[bflag:$0x3] =	sbarrier.arrive $0xFFFF;
	s2 =	simm.s32 @!p0 $0x1C03  }
0x27c: {  	[timem:s3], [sflag:s2] =	dma.local @!p0 [hbm:s0], s1  }
0x27d: {  	s0 =	simm.s32 @!p0 $0x3  }
0x27e: {  	_ =	swait.ge @!p0 [sflag:s0], s1  }
0x27f: {  	s1 =	ssub.s32 @!p0 $0x0, s1;
	[sflag:s0] =	ssyncset.done @!p0 $0x0  }
0x280: {  	[sflag:s0] =	ssyncadd.s32 @!p0 s1  }
0x281: {  	[bflag:$0x3] =	sbarrier.arrive $0xFFFF  }
0x282: {  	_ =	shalt  }

</sc_bundles>
